<compile_context>
chip_gen: v7x
topology: tpu7x:2x2x1
jax: 0.10.2.dev20260603
libtpu: 0.0.44.dev20260713+nightly
codegen_flags: <defaults>
</compile_context>

<pallas_src>
import functools

import jax
import jax.numpy as jnp
from jax import lax
from jax.experimental import pallas as pl
from jax.experimental.pallas import tpu as pltpu
from jax.experimental.pallas import tpu_sc as plsc

NC = 2
NS = 16
NW = NC * NS
D = 32
CH = 128


def _make_sc_lookup(B, L):
    b_per_w = B // NW
    n_h = b_per_w // CH
    n_chunks = L * n_h
    mesh = plsc.VectorSubcoreMesh(core_axis_name="c", subcore_axis_name="s")

    idx_t = pltpu.VMEM((CH,), jnp.int32)
    gbuf_t = pltpu.VMEM((CH, 128), jnp.float32)
    vals_t = pltpu.VMEM((D, CH), jnp.float32)

    @functools.partial(
        pl.kernel,
        mesh=mesh,
        out_type=jax.ShapeDtypeStruct((L, 2 * D, B), jnp.float32),
        compiler_params=pltpu.CompilerParams(needs_layout_passes=False),
        scratch_types=[
            [idx_t] * 4, [idx_t] * 4,
            [idx_t] * 2, [idx_t] * 2,
            [gbuf_t] * 2, [gbuf_t] * 2,
            [vals_t] * 2, [vals_t] * 2,
            [pltpu.SemaphoreType.DMA] * 2,
            [pltpu.SemaphoreType.DMA] * 2,
            [pltpu.SemaphoreType.DMA] * 2,
            [pltpu.SemaphoreType.DMA] * 2,
            [pltpu.SemaphoreType.DMA] * 4,
            [pltpu.SemaphoreType.DMA] * 4,
        ],
    )
    def lookup(ev_idx, wo_idx, ev_tab, wo_tab, out,
               ie_s, iw_s, re_s, rw_s, ge_s, gw_s, ve_s, vw_s,
               sem_e, sem_w, sem_oe, sem_ow, sem_ie, sem_iw):
        wid = lax.axis_index("s") * NC + lax.axis_index("c")
        b0 = wid * b_per_w

        def stage_idx(t, si):
            l = t // n_h
            h = t % n_h
            off = l * B + b0 + h * CH
            pltpu.async_copy(ev_idx.at[pl.ds(off, CH)], ie_s[si], sem_ie[si])
            pltpu.async_copy(wo_idx.at[pl.ds(off, CH)], iw_s[si], sem_iw[si])

        def issue(t, si, s):
            l = t // n_h
            h = t % n_h
            off = l * B + b0 + h * CH
            pltpu.make_async_copy(ev_idx.at[pl.ds(off, CH)], ie_s[si],
                                  sem_ie[si]).wait()
            pltpu.make_async_copy(wo_idx.at[pl.ds(off, CH)], iw_s[si],
                                  sem_iw[si]).wait()

            for j in range(CH // 16):
                ie = ie_s[si][pl.ds(j * 16, 16)]
                iw = iw_s[si][pl.ds(j * 16, 16)]
                re_s[s][pl.ds(j * 16, 16)] = lax.shift_right_logical(ie, 2)
                rw_s[s][pl.ds(j * 16, 16)] = lax.shift_right_logical(iw, 2)
            pltpu.async_copy(ev_tab.at[re_s[s]], ge_s[s], sem_e[s])
            pltpu.async_copy(wo_tab.at[rw_s[s]], gw_s[s], sem_w[s])

        def drain(t, si, s):
            l = t // n_h
            h = t % n_h
            pltpu.make_async_copy(ev_tab.at[re_s[s]], ge_s[s], sem_e[s]).wait()
            pltpu.make_async_copy(wo_tab.at[rw_s[s]], gw_s[s], sem_w[s]).wait()

            @pl.when(t >= 2)
            def _():
                lp = (t - 2) // n_h
                hp = (t - 2) % n_h
                bp = b0 + hp * CH
                pltpu.make_async_copy(
                    ve_s[s], out.at[lp, pl.ds(0, D), pl.ds(bp, CH)],
                    sem_oe[s]).wait()
                pltpu.make_async_copy(
                    vw_s[s], out.at[lp, pl.ds(D, D), pl.ds(bp, CH)],
                    sem_ow[s]).wait()

            def select(j, carry):
                rows = lax.iota(jnp.int32, 16) + j * 16
                ce16 = (ie_s[si][pl.ds(j * 16, 16)] & 3) * D
                cw16 = (iw_s[si][pl.ds(j * 16, 16)] & 3) * D
                ev_g = [plsc.load_gather(ge_s[s], [rows, ce16 + d])
                        for d in range(D)]
                wo_g = [plsc.load_gather(gw_s[s], [rows, cw16 + d])
                        for d in range(D)]
                for d in range(D):
                    ve_s[s][d, pl.ds(j * 16, 16)] = ev_g[d]
                    vw_s[s][d, pl.ds(j * 16, 16)] = wo_g[d]
                return carry

            lax.fori_loop(0, CH // 16, select, 0)
            bc = b0 + h * CH
            pltpu.async_copy(ve_s[s], out.at[l, pl.ds(0, D), pl.ds(bc, CH)],
                             sem_oe[s])
            pltpu.async_copy(vw_s[s], out.at[l, pl.ds(D, D), pl.ds(bc, CH)],
                             sem_ow[s])

        stage_idx(0, 0)
        stage_idx(1, 1)
        issue(0, 0, 0)

        def pipe(tt, carry):
            for s in range(4):
                t = tt * 4 + s

                @pl.when(t + 2 < n_chunks)
                def _():
                    stage_idx(t + 2, (s + 2) % 4)

                @pl.when(t + 1 < n_chunks)
                def _():
                    issue(t + 1, (s + 1) % 4, (s + 1) % 2)

                drain(t, s, s % 2)
            return carry

        lax.fori_loop(0, n_chunks // 4, pipe, 0)

        for t in (n_chunks - 2, n_chunks - 1):
            s = t % 2
            l = t // n_h
            h = t % n_h
            bc = b0 + h * CH
            pltpu.make_async_copy(
                ve_s[s], out.at[l, pl.ds(0, D), pl.ds(bc, CH)],
                sem_oe[s]).wait()
            pltpu.make_async_copy(
                vw_s[s], out.at[l, pl.ds(D, D), pl.ds(bc, CH)],
                sem_ow[s]).wait()

    return lookup


def kernel(event_ids, word_ids, event_table, word_table):
    B, L = event_ids.shape
    EV, _ = event_table.shape
    WV, _ = word_table.shape
    ev_idx = event_ids.T.reshape(B * L).astype(jnp.int32)
    wo_idx = word_ids.T.reshape(B * L).astype(jnp.int32)
    ev4 = event_table.reshape(EV // 4, 4 * D)
    wo4 = word_table.reshape(WV // 4, 4 * D)
    out = _make_sc_lookup(B, L)(ev_idx, wo_idx, ev4, wo4)
    return out.transpose(2, 0, 1)

# --- scband reference (transcript-rebuilt; emitter-appended) ---
"""Pipeline reference for scband-arg-compatible-model-45372034515156 (READ-ONLY COPY).

The authoritative reference and input builder live on the scoring server;
editing this copy changes nothing except your own understanding.
"""

import jax, jax.numpy as jnp
import numpy as np

EVENT_VOCAB = 100000
EVENT_DIM = 32
WORD_VOCAB = 1000000
WORD_DIM = 32
B = 16384
L = 50


def setup_inputs(seed: int = 0) -> dict:
    key = jax.random.key(seed)
    k1, k2, k3, k4 = jax.random.split(key, 4)
    event_ids = jax.random.randint(k1, (B, L), 0, EVENT_VOCAB, dtype=jnp.int64 if jax.config.jax_enable_x64 else jnp.int32)
    word_ids = jax.random.randint(k2, (B, L), 0, WORD_VOCAB, dtype=jnp.int64 if jax.config.jax_enable_x64 else jnp.int32)
    event_table = jax.random.normal(k3, (EVENT_VOCAB, EVENT_DIM), dtype=jnp.float32) * 0.02
    word_table = jax.random.normal(k4, (WORD_VOCAB, WORD_DIM), dtype=jnp.float32) * 0.02
    return {"event_ids": event_ids, "word_ids": word_ids, "event_table": event_table, "word_table": word_table}


def reference(event_ids, word_ids, event_table, word_table):
    # Faithful embedding lookups: nn.Embedding(event_arg_vocab_size, event_embedding_dim)
    # and nn.Embedding(word_vocab_size, word_embedding_dim).
    event_emb = jnp.take(event_table, event_ids, axis=0)  # [B, L, EVENT_DIM]
    word_emb = jnp.take(word_table, word_ids, axis=0)     # [B, L, WORD_DIM]
    return jnp.concatenate([event_emb, word_emb], axis=-1)  # [B, L, EVENT_DIM+WORD_DIM]

if __name__ == "__main__":
    import jax
    _d = setup_inputs()
    print(jax.jit(kernel)(*tuple(_d.values())))

</pallas_src>

<mosaic_0001>
#map = affine_map<(d0, d1) -> (0)>
#map1 = affine_map<(d0, d1) -> (0, 0)>
#map2 = affine_map<(d0, d1) -> (0, 0, 0)>
module attributes {stable_mosaic.version = 14 : i64} {
  func.func @lookup(%arg0: i32, %arg1: i32, %arg2: memref<819200xi32, #tpu.memory_space<hbm>>, %arg3: memref<819200xi32, #tpu.memory_space<hbm>>, %arg4: memref<25000x128xf32, #tpu.memory_space<hbm>>, %arg5: memref<250000x128xf32, #tpu.memory_space<hbm>>, %arg6: memref<50x64x16384xf32, #tpu.memory_space<hbm>>, %arg7: memref<128xi32, #tpu.memory_space<vmem>>, %arg8: memref<128xi32, #tpu.memory_space<vmem>>, %arg9: memref<128xi32, #tpu.memory_space<vmem>>, %arg10: memref<128xi32, #tpu.memory_space<vmem>>, %arg11: memref<128xi32, #tpu.memory_space<vmem>>, %arg12: memref<128xi32, #tpu.memory_space<vmem>>, %arg13: memref<128xi32, #tpu.memory_space<vmem>>, %arg14: memref<128xi32, #tpu.memory_space<vmem>>, %arg15: memref<128xi32, #tpu.memory_space<vmem>>, %arg16: memref<128xi32, #tpu.memory_space<vmem>>, %arg17: memref<128xi32, #tpu.memory_space<vmem>>, %arg18: memref<128xi32, #tpu.memory_space<vmem>>, %arg19: memref<128x128xf32, #tpu.memory_space<vmem>>, %arg20: memref<128x128xf32, #tpu.memory_space<vmem>>, %arg21: memref<128x128xf32, #tpu.memory_space<vmem>>, %arg22: memref<128x128xf32, #tpu.memory_space<vmem>>, %arg23: memref<32x128xf32, #tpu.memory_space<vmem>>, %arg24: memref<32x128xf32, #tpu.memory_space<vmem>>, %arg25: memref<32x128xf32, #tpu.memory_space<vmem>>, %arg26: memref<32x128xf32, #tpu.memory_space<vmem>>, %arg27: memref<!tpu.dma_semaphore, #tpu.memory_space<semaphore_mem>>, %arg28: memref<!tpu.dma_semaphore, #tpu.memory_space<semaphore_mem>>, %arg29: memref<!tpu.dma_semaphore, #tpu.memory_space<semaphore_mem>>, %arg30: memref<!tpu.dma_semaphore, #tpu.memory_space<semaphore_mem>>, %arg31: memref<!tpu.dma_semaphore, #tpu.memory_space<semaphore_mem>>, %arg32: memref<!tpu.dma_semaphore, #tpu.memory_space<semaphore_mem>>, %arg33: memref<!tpu.dma_semaphore, #tpu.memory_space<semaphore_mem>>, %arg34: memref<!tpu.dma_semaphore, #tpu.memory_space<semaphore_mem>>, %arg35: memref<!tpu.dma_semaphore, #tpu.memory_space<semaphore_mem>>, %arg36: memref<!tpu.dma_semaphore, #tpu.memory_space<semaphore_mem>>, %arg37: memref<!tpu.dma_semaphore, #tpu.memory_space<semaphore_mem>>, %arg38: memref<!tpu.dma_semaphore, #tpu.memory_space<semaphore_mem>>, %arg39: memref<!tpu.dma_semaphore, #tpu.memory_space<semaphore_mem>>, %arg40: memref<!tpu.dma_semaphore, #tpu.memory_space<semaphore_mem>>, %arg41: memref<!tpu.dma_semaphore, #tpu.memory_space<semaphore_mem>>, %arg42: memref<!tpu.dma_semaphore, #tpu.memory_space<semaphore_mem>>) attributes {dimension_semantics = [#tpu.dimension_semantics<core_parallel>, #tpu.dimension_semantics<subcore_parallel>], iteration_bounds = array<i64: 2, 16>, scalar_prefetch = 0 : i64, scratch_operands = 36 : i64, tpu.core_type = #tpu.core_type<sc_vector_subcore>, window_params = [{transform_indices = #map}, {transform_indices = #map}, {transform_indices = #map1}, {transform_indices = #map1}, {transform_indices = #map2}]} {
    %mul3A = arith.constant 2 : i32
    %mul3A_0 = arith.muli %arg1, %mul3A : i32
    %add3A = arith.addi %mul3A_0, %arg0 : i32
    %mul3A_1 = arith.constant 512 : i32
    %mul3A_2 = arith.muli %add3A, %mul3A_1 : i32
    %add3A_3 = arith.constant 0 : i32
    %add3A_4 = arith.addi %add3A_3, %mul3A_2 : i32
    %add3A_5 = arith.constant 0 : i32
    %add3A_6 = arith.addi %add3A_4, %add3A_5 : i32
    %dma_start3A = tpu.memref_slice %arg2[%add3A_6] : memref<819200xi32, #tpu.memory_space<hbm>> -> memref<128xi32, #tpu.memory_space<hbm>>
    %dma_start3A_7 = tpu.memref_slice %arg2[%add3A_6] : memref<819200xi32, #tpu.memory_space<hbm>> -> memref<128xi32, #tpu.memory_space<hbm>>
    tpu.enqueue_dma source(%dma_start3A_7 : memref<128xi32, #tpu.memory_space<hbm>>) target(%arg7 : memref<128xi32, #tpu.memory_space<vmem>>) target_semaphore(%arg35 : memref<!tpu.dma_semaphore, #tpu.memory_space<semaphore_mem>>)
    %dma_start3A_8 = tpu.memref_slice %arg3[%add3A_6] : memref<819200xi32, #tpu.memory_space<hbm>> -> memref<128xi32, #tpu.memory_space<hbm>>
    %dma_start3A_9 = tpu.memref_slice %arg3[%add3A_6] : memref<819200xi32, #tpu.memory_space<hbm>> -> memref<128xi32, #tpu.memory_space<hbm>>
    tpu.enqueue_dma source(%dma_start3A_9 : memref<128xi32, #tpu.memory_space<hbm>>) target(%arg11 : memref<128xi32, #tpu.memory_space<vmem>>) target_semaphore(%arg39 : memref<!tpu.dma_semaphore, #tpu.memory_space<semaphore_mem>>)
    %add3A_10 = arith.constant 0 : i32
    %add3A_11 = arith.addi %add3A_10, %mul3A_2 : i32
    %add3A_12 = arith.constant 128 : i32
    %add3A_13 = arith.addi %add3A_11, %add3A_12 : i32
    %dma_start3A_14 = tpu.memref_slice %arg2[%add3A_13] : memref<819200xi32, #tpu.memory_space<hbm>> -> memref<128xi32, #tpu.memory_space<hbm>>
    %dma_start3A_15 = tpu.memref_slice %arg2[%add3A_13] : memref<819200xi32, #tpu.memory_space<hbm>> -> memref<128xi32, #tpu.memory_space<hbm>>
    tpu.enqueue_dma source(%dma_start3A_15 : memref<128xi32, #tpu.memory_space<hbm>>) target(%arg8 : memref<128xi32, #tpu.memory_space<vmem>>) target_semaphore(%arg36 : memref<!tpu.dma_semaphore, #tpu.memory_space<semaphore_mem>>)
    %dma_start3A_16 = tpu.memref_slice %arg3[%add3A_13] : memref<819200xi32, #tpu.memory_space<hbm>> -> memref<128xi32, #tpu.memory_space<hbm>>
    %dma_start3A_17 = tpu.memref_slice %arg3[%add3A_13] : memref<819200xi32, #tpu.memory_space<hbm>> -> memref<128xi32, #tpu.memory_space<hbm>>
    tpu.enqueue_dma source(%dma_start3A_17 : memref<128xi32, #tpu.memory_space<hbm>>) target(%arg12 : memref<128xi32, #tpu.memory_space<vmem>>) target_semaphore(%arg40 : memref<!tpu.dma_semaphore, #tpu.memory_space<semaphore_mem>>)
    %add3A_18 = arith.constant 0 : i32
    %add3A_19 = arith.addi %add3A_18, %mul3A_2 : i32
    %add3A_20 = arith.constant 0 : i32
    %add3A_21 = arith.addi %add3A_19, %add3A_20 : i32
    %dma_wait3A = tpu.memref_slice %arg2[%add3A_21] : memref<819200xi32, #tpu.memory_space<hbm>> -> memref<128xi32, #tpu.memory_space<hbm>>
    %dma_wait3A_22 = tpu.memref_slice %arg2[%add3A_21] : memref<819200xi32, #tpu.memory_space<hbm>> -> memref<128xi32, #tpu.memory_space<hbm>>
    tpu.wait_dma2 semaphore(%arg35 : memref<!tpu.dma_semaphore, #tpu.memory_space<semaphore_mem>>) src(%dma_wait3A_22 : memref<128xi32, #tpu.memory_space<hbm>>) dst(%arg7 : memref<128xi32, #tpu.memory_space<vmem>>)
    %dma_wait3A_23 = tpu.memref_slice %arg3[%add3A_21] : memref<819200xi32, #tpu.memory_space<hbm>> -> memref<128xi32, #tpu.memory_space<hbm>>
    %dma_wait3A_24 = tpu.memref_slice %arg3[%add3A_21] : memref<819200xi32, #tpu.memory_space<hbm>> -> memref<128xi32, #tpu.memory_space<hbm>>
    tpu.wait_dma2 semaphore(%arg39 : memref<!tpu.dma_semaphore, #tpu.memory_space<semaphore_mem>>) src(%dma_wait3A_24 : memref<128xi32, #tpu.memory_space<hbm>>) dst(%arg11 : memref<128xi32, #tpu.memory_space<vmem>>)
    %get3A = arith.constant 0 : index
    %get3A_25 = tpu.vector_load %arg7[%get3A] {strides = array<i32>} : memref<128xi32, #tpu.memory_space<vmem>>, vector<16xi32>,
    %get3A_26 = arith.constant 0 : index
    %get3A_27 = tpu.vector_load %arg11[%get3A_26] {strides = array<i32>} : memref<128xi32, #tpu.memory_space<vmem>>, vector<16xi32>,
    %shift_right_logical3A = arith.constant 2 : i32
    %shift_right_logical3A_28 = vector.broadcast %shift_right_logical3A : i32 to vector<16xi32>
    %shift_right_logical3A_29 = arith.shrui %get3A_25, %shift_right_logical3A_28 : vector<16xi32>
    %swap3A = arith.constant 0 : index
    %swap3A_30 = tpu.vector_load %arg15[%swap3A] {strides = array<i32>} : memref<128xi32, #tpu.memory_space<vmem>>, vector<16xi32>,
    tpu.vector_store %arg15[%swap3A], %shift_right_logical3A_29 {strides = array<i32>} : memref<128xi32, #tpu.memory_space<vmem>>, vector<16xi32>,
    %shift_right_logical3A_31 = arith.constant 2 : i32
    %shift_right_logical3A_32 = vector.broadcast %shift_right_logical3A_31 : i32 to vector<16xi32>
    %shift_right_logical3A_33 = arith.shrui %get3A_27, %shift_right_logical3A_32 : vector<16xi32>
    %swap3A_34 = arith.constant 0 : index
    %swap3A_35 = tpu.vector_load %arg17[%swap3A_34] {strides = array<i32>} : memref<128xi32, #tpu.memory_space<vmem>>, vector<16xi32>,
    tpu.vector_store %arg17[%swap3A_34], %shift_right_logical3A_33 {strides = array<i32>} : memref<128xi32, #tpu.memory_space<vmem>>, vector<16xi32>,
    %get3A_36 = arith.constant 16 : index
    %get3A_37 = tpu.vector_load %arg7[%get3A_36] {strides = array<i32>} : memref<128xi32, #tpu.memory_space<vmem>>, vector<16xi32>,
    %get3A_38 = arith.constant 16 : index
    %get3A_39 = tpu.vector_load %arg11[%get3A_38] {strides = array<i32>} : memref<128xi32, #tpu.memory_space<vmem>>, vector<16xi32>,
    %shift_right_logical3A_40 = arith.constant 2 : i32
    %shift_right_logical3A_41 = vector.broadcast %shift_right_logical3A_40 : i32 to vector<16xi32>
    %shift_right_logical3A_42 = arith.shrui %get3A_37, %shift_right_logical3A_41 : vector<16xi32>
    %swap3A_43 = arith.constant 16 : index
    %swap3A_44 = tpu.vector_load %arg15[%swap3A_43] {strides = array<i32>} : memref<128xi32, #tpu.memory_space<vmem>>, vector<16xi32>,
    tpu.vector_store %arg15[%swap3A_43], %shift_right_logical3A_42 {strides = array<i32>} : memref<128xi32, #tpu.memory_space<vmem>>, vector<16xi32>,
    %shift_right_logical3A_45 = arith.constant 2 : i32
    %shift_right_logical3A_46 = vector.broadcast %shift_right_logical3A_45 : i32 to vector<16xi32>
    %shift_right_logical3A_47 = arith.shrui %get3A_39, %shift_right_logical3A_46 : vector<16xi32>
    %swap3A_48 = arith.constant 16 : index
    %swap3A_49 = tpu.vector_load %arg17[%swap3A_48] {strides = array<i32>} : memref<128xi32, #tpu.memory_space<vmem>>, vector<16xi32>,
    tpu.vector_store %arg17[%swap3A_48], %shift_right_logical3A_47 {strides = array<i32>} : memref<128xi32, #tpu.memory_space<vmem>>, vector<16xi32>,
    %get3A_50 = arith.constant 32 : index
    %get3A_51 = tpu.vector_load %arg7[%get3A_50] {strides = array<i32>} : memref<128xi32, #tpu.memory_space<vmem>>, vector<16xi32>,
    %get3A_52 = arith.constant 32 : index
    %get3A_53 = tpu.vector_load %arg11[%get3A_52] {strides = array<i32>} : memref<128xi32, #tpu.memory_space<vmem>>, vector<16xi32>,
    %shift_right_logical3A_54 = arith.constant 2 : i32
    %shift_right_logical3A_55 = vector.broadcast %shift_right_logical3A_54 : i32 to vector<16xi32>
    %shift_right_logical3A_56 = arith.shrui %get3A_51, %shift_right_logical3A_55 : vector<16xi32>
    %swap3A_57 = arith.constant 32 : index
    %swap3A_58 = tpu.vector_load %arg15[%swap3A_57] {strides = array<i32>} : memref<128xi32, #tpu.memory_space<vmem>>, vector<16xi32>,
    tpu.vector_store %arg15[%swap3A_57], %shift_right_logical3A_56 {strides = array<i32>} : memref<128xi32, #tpu.memory_space<vmem>>, vector<16xi32>,
    %shift_right_logical3A_59 = arith.constant 2 : i32
    %shift_right_logical3A_60 = vector.broadcast %shift_right_logical3A_59 : i32 to vector<16xi32>
    %shift_right_logical3A_61 = arith.shrui %get3A_53, %shift_right_logical3A_60 : vector<16xi32>
    %swap3A_62 = arith.constant 32 : index
    %swap3A_63 = tpu.vector_load %arg17[%swap3A_62] {strides = array<i32>} : memref<128xi32, #tpu.memory_space<vmem>>, vector<16xi32>,
    tpu.vector_store %arg17[%swap3A_62], %shift_right_logical3A_61 {strides = array<i32>} : memref<128xi32, #tpu.memory_space<vmem>>, vector<16xi32>,
    %get3A_64 = arith.constant 48 : index
    %get3A_65 = tpu.vector_load %arg7[%get3A_64] {strides = array<i32>} : memref<128xi32, #tpu.memory_space<vmem>>, vector<16xi32>,
    %get3A_66 = arith.constant 48 : index
    %get3A_67 = tpu.vector_load %arg11[%get3A_66] {strides = array<i32>} : memref<128xi32, #tpu.memory_space<vmem>>, vector<16xi32>,
    %shift_right_logical3A_68 = arith.constant 2 : i32
    %shift_right_logical3A_69 = vector.broadcast %shift_right_logical3A_68 : i32 to vector<16xi32>
    %shift_right_logical3A_70 = arith.shrui %get3A_65, %shift_right_logical3A_69 : vector<16xi32>
    %swap3A_71 = arith.constant 48 : index
    %swap3A_72 = tpu.vector_load %arg15[%swap3A_71] {strides = array<i32>} : memref<128xi32, #tpu.memory_space<vmem>>, vector<16xi32>,
    tpu.vector_store %arg15[%swap3A_71], %shift_right_logical3A_70 {strides = array<i32>} : memref<128xi32, #tpu.memory_space<vmem>>, vector<16xi32>,
    %shift_right_logical3A_73 = arith.constant 2 : i32
    %shift_right_logical3A_74 = vector.broadcast %shift_right_logical3A_73 : i32 to vector<16xi32>
    %shift_right_logical3A_75 = arith.shrui %get3A_67, %shift_right_logical3A_74 : vector<16xi32>
    %swap3A_76 = arith.constant 48 : index
    %swap3A_77 = tpu.vector_load %arg17[%swap3A_76] {strides = array<i32>} : memref<128xi32, #tpu.memory_space<vmem>>, vector<16xi32>,
    tpu.vector_store %arg17[%swap3A_76], %shift_right_logical3A_75 {strides = array<i32>} : memref<128xi32, #tpu.memory_space<vmem>>, vector<16xi32>,
    %get3A_78 = arith.constant 64 : index
    %get3A_79 = tpu.vector_load %arg7[%get3A_78] {strides = array<i32>} : memref<128xi32, #tpu.memory_space<vmem>>, vector<16xi32>,
    %get3A_80 = arith.constant 64 : index
    %get3A_81 = tpu.vector_load %arg11[%get3A_80] {strides = array<i32>} : memref<128xi32, #tpu.memory_space<vmem>>, vector<16xi32>,
    %shift_right_logical3A_82 = arith.constant 2 : i32
    %shift_right_logical3A_83 = vector.broadcast %shift_right_logical3A_82 : i32 to vector<16xi32>
    %shift_right_logical3A_84 = arith.shrui %get3A_79, %shift_right_logical3A_83 : vector<16xi32>
    %swap3A_85 = arith.constant 64 : index
    %swap3A_86 = tpu.vector_load %arg15[%swap3A_85] {strides = array<i32>} : memref<128xi32, #tpu.memory_space<vmem>>, vector<16xi32>,
    tpu.vector_store %arg15[%swap3A_85], %shift_right_logical3A_84 {strides = array<i32>} : memref<128xi32, #tpu.memory_space<vmem>>, vector<16xi32>,
    %shift_right_logical3A_87 = arith.constant 2 : i32
    %shift_right_logical3A_88 = vector.broadcast %shift_right_logical3A_87 : i32 to vector<16xi32>
    %shift_right_logical3A_89 = arith.shrui %get3A_81, %shift_right_logical3A_88 : vector<16xi32>
    %swap3A_90 = arith.constant 64 : index
    %swap3A_91 = tpu.vector_load %arg17[%swap3A_90] {strides = array<i32>} : memref<128xi32, #tpu.memory_space<vmem>>, vector<16xi32>,
    tpu.vector_store %arg17[%swap3A_90], %shift_right_logical3A_89 {strides = array<i32>} : memref<128xi32, #tpu.memory_space<vmem>>, vector<16xi32>,
    %get3A_92 = arith.constant 80 : index
    %get3A_93 = tpu.vector_load %arg7[%get3A_92] {strides = array<i32>} : memref<128xi32, #tpu.memory_space<vmem>>, vector<16xi32>,
    %get3A_94 = arith.constant 80 : index
    %get3A_95 = tpu.vector_load %arg11[%get3A_94] {strides = array<i32>} : memref<128xi32, #tpu.memory_space<vmem>>, vector<16xi32>,
    %shift_right_logical3A_96 = arith.constant 2 : i32
    %shift_right_logical3A_97 = vector.broadcast %shift_right_logical3A_96 : i32 to vector<16xi32>
    %shift_right_logical3A_98 = arith.shrui %get3A_93, %shift_right_logical3A_97 : vector<16xi32>
    %swap3A_99 = arith.constant 80 : index
    %swap3A_100 = tpu.vector_load %arg15[%swap3A_99] {strides = array<i32>} : memref<128xi32, #tpu.memory_space<vmem>>, vector<16xi32>,
    tpu.vector_store %arg15[%swap3A_99], %shift_right_logical3A_98 {strides = array<i32>} : memref<128xi32, #tpu.memory_space<vmem>>, vector<16xi32>,
    %shift_right_logical3A_101 = arith.constant 2 : i32
    %shift_right_logical3A_102 = vector.broadcast %shift_right_logical3A_101 : i32 to vector<16xi32>
    %shift_right_logical3A_103 = arith.shrui %get3A_95, %shift_right_logical3A_102 : vector<16xi32>
    %swap3A_104 = arith.constant 80 : index
    %swap3A_105 = tpu.vector_load %arg17[%swap3A_104] {strides = array<i32>} : memref<128xi32, #tpu.memory_space<vmem>>, vector<16xi32>,
    tpu.vector_store %arg17[%swap3A_104], %shift_right_logical3A_103 {strides = array<i32>} : memref<128xi32, #tpu.memory_space<vmem>>, vector<16xi32>,
    %get3A_106 = arith.constant 96 : index
    %get3A_107 = tpu.vector_load %arg7[%get3A_106] {strides = array<i32>} : memref<128xi32, #tpu.memory_space<vmem>>, vector<16xi32>,
    %get3A_108 = arith.constant 96 : index
    %get3A_109 = tpu.vector_load %arg11[%get3A_108] {strides = array<i32>} : memref<128xi32, #tpu.memory_space<vmem>>, vector<16xi32>,
    %shift_right_logical3A_110 = arith.constant 2 : i32
    %shift_right_logical3A_111 = vector.broadcast %shift_right_logical3A_110 : i32 to vector<16xi32>
    %shift_right_logical3A_112 = arith.shrui %get3A_107, %shift_right_logical3A_111 : vector<16xi32>
    %swap3A_113 = arith.constant 96 : index
    %swap3A_114 = tpu.vector_load %arg15[%swap3A_113] {strides = array<i32>} : memref<128xi32, #tpu.memory_space<vmem>>, vector<16xi32>,
    tpu.vector_store %arg15[%swap3A_113], %shift_right_logical3A_112 {strides = array<i32>} : memref<128xi32, #tpu.memory_space<vmem>>, vector<16xi32>,
    %shift_right_logical3A_115 = arith.constant 2 : i32
    %shift_right_logical3A_116 = vector.broadcast %shift_right_logical3A_115 : i32 to vector<16xi32>
    %shift_right_logical3A_117 = arith.shrui %get3A_109, %shift_right_logical3A_116 : vector<16xi32>
    %swap3A_118 = arith.constant 96 : index
    %swap3A_119 = tpu.vector_load %arg17[%swap3A_118] {strides = array<i32>} : memref<128xi32, #tpu.memory_space<vmem>>, vector<16xi32>,
    tpu.vector_store %arg17[%swap3A_118], %shift_right_logical3A_117 {strides = array<i32>} : memref<128xi32, #tpu.memory_space<vmem>>, vector<16xi32>,
    %get3A_120 = arith.constant 112 : index
    %get3A_121 = tpu.vector_load %arg7[%get3A_120] {strides = array<i32>} : memref<128xi32, #tpu.memory_space<vmem>>, vector<16xi32>,
    %get3A_122 = arith.constant 112 : index
    %get3A_123 = tpu.vector_load %arg11[%get3A_122] {strides = array<i32>} : memref<128xi32, #tpu.memory_space<vmem>>, vector<16xi32>,
    %shift_right_logical3A_124 = arith.constant 2 : i32
    %shift_right_logical3A_125 = vector.broadcast %shift_right_logical3A_124 : i32 to vector<16xi32>
    %shift_right_logical3A_126 = arith.shrui %get3A_121, %shift_right_logical3A_125 : vector<16xi32>
    %swap3A_127 = arith.constant 112 : index
    %swap3A_128 = tpu.vector_load %arg15[%swap3A_127] {strides = array<i32>} : memref<128xi32, #tpu.memory_space<vmem>>, vector<16xi32>,
    tpu.vector_store %arg15[%swap3A_127], %shift_right_logical3A_126 {strides = array<i32>} : memref<128xi32, #tpu.memory_space<vmem>>, vector<16xi32>,
    %shift_right_logical3A_129 = arith.constant 2 : i32
    %shift_right_logical3A_130 = vector.broadcast %shift_right_logical3A_129 : i32 to vector<16xi32>
    %shift_right_logical3A_131 = arith.shrui %get3A_123, %shift_right_logical3A_130 : vector<16xi32>
    %swap3A_132 = arith.constant 112 : index
    %swap3A_133 = tpu.vector_load %arg17[%swap3A_132] {strides = array<i32>} : memref<128xi32, #tpu.memory_space<vmem>>, vector<16xi32>,
    tpu.vector_store %arg17[%swap3A_132], %shift_right_logical3A_131 {strides = array<i32>} : memref<128xi32, #tpu.memory_space<vmem>>, vector<16xi32>,
    %dma_start3A_134 = arith.constant 0 : i32
    %dma_start3A_135 = arith.constant 0 : i32
    %dma_start3A_136 = tpu.memref_slice %arg4[%dma_start3A_134, %dma_start3A_135] : memref<25000x128xf32, #tpu.memory_space<hbm>> -> memref<25000x128xf32, #tpu.memory_space<hbm>>
    tpu.enqueue_indirect_dma source(%dma_start3A_136 : memref<25000x128xf32, #tpu.memory_space<hbm>>) target(%arg19 : memref<128x128xf32, #tpu.memory_space<vmem>>) offsets(%arg15 : memref<128xi32, #tpu.memory_space<vmem>>) semaphore(%arg27 : memref<!tpu.dma_semaphore, #tpu.memory_space<semaphore_mem>>)
    %dma_start3A_137 = arith.constant 0 : i32
    %dma_start3A_138 = arith.constant 0 : i32
    %dma_start3A_139 = tpu.memref_slice %arg5[%dma_start3A_137, %dma_start3A_138] : memref<250000x128xf32, #tpu.memory_space<hbm>> -> memref<250000x128xf32, #tpu.memory_space<hbm>>
    tpu.enqueue_indirect_dma source(%dma_start3A_139 : memref<250000x128xf32, #tpu.memory_space<hbm>>) target(%arg21 : memref<128x128xf32, #tpu.memory_space<vmem>>) offsets(%arg17 : memref<128xi32, #tpu.memory_space<vmem>>) semaphore(%arg29 : memref<!tpu.dma_semaphore, #tpu.memory_space<semaphore_mem>>)
    %scan3A = arith.constant 0 : i32
    %scan3A_140 = arith.constant 0 : i32
    %scan3A_141 = arith.constant 50 : i32
    %scan3A_142 = arith.addi %scan3A_140, %scan3A_141 : i32
    %scan3A_143 = arith.constant 1 : i32
    scf.for %scan3A_177 = %scan3A_140 to %scan3A_142 step %scan3A_143  : i32 {
      %mul3A_178 = arith.constant 4 : i32
      %mul3A_179 = arith.muli %scan3A_177, %mul3A_178 : i32
      %add3A_180 = arith.constant 0 : i32
      %add3A_181 = arith.addi %mul3A_179, %add3A_180 : i32
      %add3A_182 = arith.constant 2 : i32
      %add3A_183 = arith.addi %add3A_181, %add3A_182 : i32
      %lt3A = arith.constant 200 : i32
      %lt3A_184 = arith.cmpi slt, %add3A_183, %lt3A : i32
      %convert_element_type3A = arith.extui %lt3A_184 : i1 to i32
      %cond3A = arith.constant 0 : i32
      %cond3A_185 = arith.cmpi ne, %convert_element_type3A, %cond3A : i32
      scf.if %cond3A_185 {
        %add3A_525 = arith.constant 2 : i32
        %add3A_526 = arith.addi %add3A_181, %add3A_525 : i32
        %jit3A_527 = arith.constant 4 : i32
        %div3A_528 = arith.divsi %add3A_526, %jit3A_527 : i32
        %sign3A_529 = arith.constant 0 : i32
        %sign3A_530 = arith.cmpi sgt, %add3A_526, %sign3A_529 : i32
        %sign3A_531 = arith.extui %sign3A_530 : i1 to i32
        %sign3A_532 = arith.constant 0 : i32
        %sign3A_533 = arith.cmpi slt, %add3A_526, %sign3A_532 : i32
        %sign3A_534 = arith.extui %sign3A_533 : i1 to i32
        %sign3A_535 = arith.subi %sign3A_531, %sign3A_534 : i32
        %sign3A_536 = arith.constant 0 : i32
        %sign3A_537 = arith.cmpi sgt, %jit3A_527, %sign3A_536 : i32
        %sign3A_538 = arith.extui %sign3A_537 : i1 to i32
        %sign3A_539 = arith.constant 0 : i32
        %sign3A_540 = arith.cmpi slt, %jit3A_527, %sign3A_539 : i32
        %sign3A_541 = arith.extui %sign3A_540 : i1 to i32
        %sign3A_542 = arith.subi %sign3A_538, %sign3A_541 : i32
        %ne3A_543 = arith.cmpi ne, %sign3A_535, %sign3A_542 : i32
        %rem3A_544 = arith.remsi %add3A_526, %jit3A_527 : i32
        %ne3A_545 = arith.constant 0 : i32
        %ne3A_546 = arith.cmpi ne, %rem3A_544, %ne3A_545 : i32
        %and3A_547 = arith.andi %ne3A_543, %ne3A_546 : i1
        %sub3A_548 = arith.constant 1 : i32
        %sub3A_549 = arith.subi %div3A_528, %sub3A_548 : i32
        %select_n3A_550 = arith.select %and3A_547, %sub3A_549, %div3A_528 : i32
        %jit3A_551 = arith.constant 4 : i32
        %eq3A_552 = arith.constant 0 : i32
        %eq3A_553 = arith.cmpi eq, %jit3A_551, %eq3A_552 : i32
        %jit3A_554 = arith.constant 1 : i32
        %select_n3A_555 = arith.select %eq3A_553, %jit3A_554, %jit3A_551 : i32
        %rem3A_556 = arith.remsi %add3A_526, %select_n3A_555 : i32
        %ne3A_557 = arith.constant 0 : i32
        %ne3A_558 = arith.cmpi ne, %rem3A_556, %ne3A_557 : i32
        %lt3A_559 = arith.constant 0 : i32
        %lt3A_560 = arith.cmpi slt, %rem3A_556, %lt3A_559 : i32
        %lt3A_561 = arith.constant 0 : i32
        %lt3A_562 = arith.cmpi slt, %select_n3A_555, %lt3A_561 : i32
        %ne3A_563 = arith.xori %lt3A_560, %lt3A_562 : i1
        %and3A_564 = arith.andi %ne3A_563, %ne3A_558 : i1
        %add3A_565 = arith.addi %rem3A_556, %select_n3A_555 : i32
        %select_n3A_566 = arith.select %and3A_564, %add3A_565, %rem3A_556 : i32
        %mul3A_567 = arith.constant 16384 : i32
        %mul3A_568 = arith.muli %select_n3A_550, %mul3A_567 : i32
        %add3A_569 = arith.addi %mul3A_568, %mul3A_2 : i32
        %mul3A_570 = arith.constant 128 : i32
        %mul3A_571 = arith.muli %select_n3A_566, %mul3A_570 : i32
        %add3A_572 = arith.addi %add3A_569, %mul3A_571 : i32
        %dma_start3A_573 = tpu.memref_slice %arg2[%add3A_572] : memref<819200xi32, #tpu.memory_space<hbm>> -> memref<128xi32, #tpu.memory_space<hbm>>
        %dma_start3A_574 = tpu.memref_slice %arg2[%add3A_572] : memref<819200xi32, #tpu.memory_space<hbm>> -> memref<128xi32, #tpu.memory_space<hbm>>
        tpu.enqueue_dma source(%dma_start3A_574 : memref<128xi32, #tpu.memory_space<hbm>>) target(%arg9 : memref<128xi32, #tpu.memory_space<vmem>>) target_semaphore(%arg37 : memref<!tpu.dma_semaphore, #tpu.memory_space<semaphore_mem>>)
        %dma_start3A_575 = tpu.memref_slice %arg3[%add3A_572] : memref<819200xi32, #tpu.memory_space<hbm>> -> memref<128xi32, #tpu.memory_space<hbm>>
        %dma_start3A_576 = tpu.memref_slice %arg3[%add3A_572] : memref<819200xi32, #tpu.memory_space<hbm>> -> memref<128xi32, #tpu.memory_space<hbm>>
        tpu.enqueue_dma source(%dma_start3A_576 : memref<128xi32, #tpu.memory_space<hbm>>) target(%arg13 : memref<128xi32, #tpu.memory_space<vmem>>) target_semaphore(%arg41 : memref<!tpu.dma_semaphore, #tpu.memory_space<semaphore_mem>>)
      } else {
      }
      %add3A_186 = arith.constant 1 : i32
      %add3A_187 = arith.addi %add3A_181, %add3A_186 : i32
      %lt3A_188 = arith.constant 200 : i32
      %lt3A_189 = arith.cmpi slt, %add3A_187, %lt3A_188 : i32
      %convert_element_type3A_190 = arith.extui %lt3A_189 : i1 to i32
      %cond3A_191 = arith.constant 0 : i32
      %cond3A_192 = arith.cmpi ne, %convert_element_type3A_190, %cond3A_191 : i32
      scf.if %cond3A_192 {
        %add3A_525 = arith.constant 1 : i32
        %add3A_526 = arith.addi %add3A_181, %add3A_525 : i32
        %jit3A_527 = arith.constant 4 : i32
        %div3A_528 = arith.divsi %add3A_526, %jit3A_527 : i32
        %sign3A_529 = arith.constant 0 : i32
        %sign3A_530 = arith.cmpi sgt, %add3A_526, %sign3A_529 : i32
        %sign3A_531 = arith.extui %sign3A_530 : i1 to i32
        %sign3A_532 = arith.constant 0 : i32
        %sign3A_533 = arith.cmpi slt, %add3A_526, %sign3A_532 : i32
        %sign3A_534 = arith.extui %sign3A_533 : i1 to i32
        %sign3A_535 = arith.subi %sign3A_531, %sign3A_534 : i32
        %sign3A_536 = arith.constant 0 : i32
        %sign3A_537 = arith.cmpi sgt, %jit3A_527, %sign3A_536 : i32
        %sign3A_538 = arith.extui %sign3A_537 : i1 to i32
        %sign3A_539 = arith.constant 0 : i32
        %sign3A_540 = arith.cmpi slt, %jit3A_527, %sign3A_539 : i32
        %sign3A_541 = arith.extui %sign3A_540 : i1 to i32
        %sign3A_542 = arith.subi %sign3A_538, %sign3A_541 : i32
        %ne3A_543 = arith.cmpi ne, %sign3A_535, %sign3A_542 : i32
        %rem3A_544 = arith.remsi %add3A_526, %jit3A_527 : i32
        %ne3A_545 = arith.constant 0 : i32
        %ne3A_546 = arith.cmpi ne, %rem3A_544, %ne3A_545 : i32
        %and3A_547 = arith.andi %ne3A_543, %ne3A_546 : i1
        %sub3A_548 = arith.constant 1 : i32
        %sub3A_549 = arith.subi %div3A_528, %sub3A_548 : i32
        %select_n3A_550 = arith.select %and3A_547, %sub3A_549, %div3A_528 : i32
        %jit3A_551 = arith.constant 4 : i32
        %eq3A_552 = arith.constant 0 : i32
        %eq3A_553 = arith.cmpi eq, %jit3A_551, %eq3A_552 : i32
        %jit3A_554 = arith.constant 1 : i32
        %select_n3A_555 = arith.select %eq3A_553, %jit3A_554, %jit3A_551 : i32
        %rem3A_556 = arith.remsi %add3A_526, %select_n3A_555 : i32
        %ne3A_557 = arith.constant 0 : i32
        %ne3A_558 = arith.cmpi ne, %rem3A_556, %ne3A_557 : i32
        %lt3A_559 = arith.constant 0 : i32
        %lt3A_560 = arith.cmpi slt, %rem3A_556, %lt3A_559 : i32
        %lt3A_561 = arith.constant 0 : i32
        %lt3A_562 = arith.cmpi slt, %select_n3A_555, %lt3A_561 : i32
        %ne3A_563 = arith.xori %lt3A_560, %lt3A_562 : i1
        %and3A_564 = arith.andi %ne3A_563, %ne3A_558 : i1
        %add3A_565 = arith.addi %rem3A_556, %select_n3A_555 : i32
        %select_n3A_566 = arith.select %and3A_564, %add3A_565, %rem3A_556 : i32
        %mul3A_567 = arith.constant 16384 : i32
        %mul3A_568 = arith.muli %select_n3A_550, %mul3A_567 : i32
        %add3A_569 = arith.addi %mul3A_568, %mul3A_2 : i32
        %mul3A_570 = arith.constant 128 : i32
        %mul3A_571 = arith.muli %select_n3A_566, %mul3A_570 : i32
        %add3A_572 = arith.addi %add3A_569, %mul3A_571 : i32
        %dma_wait3A_573 = tpu.memref_slice %arg2[%add3A_572] : memref<819200xi32, #tpu.memory_space<hbm>> -> memref<128xi32, #tpu.memory_space<hbm>>
        %dma_wait3A_574 = tpu.memref_slice %arg2[%add3A_572] : memref<819200xi32, #tpu.memory_space<hbm>> -> memref<128xi32, #tpu.memory_space<hbm>>
        tpu.wait_dma2 semaphore(%arg36 : memref<!tpu.dma_semaphore, #tpu.memory_space<semaphore_mem>>) src(%dma_wait3A_574 : memref<128xi32, #tpu.memory_space<hbm>>) dst(%arg8 : memref<128xi32, #tpu.memory_space<vmem>>)
        %dma_wait3A_575 = tpu.memref_slice %arg3[%add3A_572] : memref<819200xi32, #tpu.memory_space<hbm>> -> memref<128xi32, #tpu.memory_space<hbm>>
        %dma_wait3A_576 = tpu.memref_slice %arg3[%add3A_572] : memref<819200xi32, #tpu.memory_space<hbm>> -> memref<128xi32, #tpu.memory_space<hbm>>
        tpu.wait_dma2 semaphore(%arg40 : memref<!tpu.dma_semaphore, #tpu.memory_space<semaphore_mem>>) src(%dma_wait3A_576 : memref<128xi32, #tpu.memory_space<hbm>>) dst(%arg12 : memref<128xi32, #tpu.memory_space<vmem>>)
        %get3A_577 = arith.constant 0 : index
        %get3A_578 = tpu.vector_load %arg8[%get3A_577] {strides = array<i32>} : memref<128xi32, #tpu.memory_space<vmem>>, vector<16xi32>,
        %get3A_579 = arith.constant 0 : index
        %get3A_580 = tpu.vector_load %arg12[%get3A_579] {strides = array<i32>} : memref<128xi32, #tpu.memory_space<vmem>>, vector<16xi32>,
        %shift_right_logical3A_581 = arith.constant 2 : i32
        %shift_right_logical3A_582 = vector.broadcast %shift_right_logical3A_581 : i32 to vector<16xi32>
        %shift_right_logical3A_583 = arith.shrui %get3A_578, %shift_right_logical3A_582 : vector<16xi32>
        %swap3A_584 = arith.constant 0 : index
        %swap3A_585 = tpu.vector_load %arg16[%swap3A_584] {strides = array<i32>} : memref<128xi32, #tpu.memory_space<vmem>>, vector<16xi32>,
        tpu.vector_store %arg16[%swap3A_584], %shift_right_logical3A_583 {strides = array<i32>} : memref<128xi32, #tpu.memory_space<vmem>>, vector<16xi32>,
        %shift_right_logical3A_586 = arith.constant 2 : i32
        %shift_right_logical3A_587 = vector.broadcast %shift_right_logical3A_586 : i32 to vector<16xi32>
        %shift_right_logical3A_588 = arith.shrui %get3A_580, %shift_right_logical3A_587 : vector<16xi32>
        %swap3A_589 = arith.constant 0 : index
        %swap3A_590 = tpu.vector_load %arg18[%swap3A_589] {strides = array<i32>} : memref<128xi32, #tpu.memory_space<vmem>>, vector<16xi32>,
        tpu.vector_store %arg18[%swap3A_589], %shift_right_logical3A_588 {strides = array<i32>} : memref<128xi32, #tpu.memory_space<vmem>>, vector<16xi32>,
        %get3A_591 = arith.constant 16 : index
        %get3A_592 = tpu.vector_load %arg8[%get3A_591] {strides = array<i32>} : memref<128xi32, #tpu.memory_space<vmem>>, vector<16xi32>,
        %get3A_593 = arith.constant 16 : index
        %get3A_594 = tpu.vector_load %arg12[%get3A_593] {strides = array<i32>} : memref<128xi32, #tpu.memory_space<vmem>>, vector<16xi32>,
        %shift_right_logical3A_595 = arith.constant 2 : i32
        %shift_right_logical3A_596 = vector.broadcast %shift_right_logical3A_595 : i32 to vector<16xi32>
        %shift_right_logical3A_597 = arith.shrui %get3A_592, %shift_right_logical3A_596 : vector<16xi32>
        %swap3A_598 = arith.constant 16 : index
        %swap3A_599 = tpu.vector_load %arg16[%swap3A_598] {strides = array<i32>} : memref<128xi32, #tpu.memory_space<vmem>>, vector<16xi32>,
        tpu.vector_store %arg16[%swap3A_598], %shift_right_logical3A_597 {strides = array<i32>} : memref<128xi32, #tpu.memory_space<vmem>>, vector<16xi32>,
        %shift_right_logical3A_600 = arith.constant 2 : i32
        %shift_right_logical3A_601 = vector.broadcast %shift_right_logical3A_600 : i32 to vector<16xi32>
        %shift_right_logical3A_602 = arith.shrui %get3A_594, %shift_right_logical3A_601 : vector<16xi32>
        %swap3A_603 = arith.constant 16 : index
        %swap3A_604 = tpu.vector_load %arg18[%swap3A_603] {strides = array<i32>} : memref<128xi32, #tpu.memory_space<vmem>>, vector<16xi32>,
        tpu.vector_store %arg18[%swap3A_603], %shift_right_logical3A_602 {strides = array<i32>} : memref<128xi32, #tpu.memory_space<vmem>>, vector<16xi32>,
        %get3A_605 = arith.constant 32 : index
        %get3A_606 = tpu.vector_load %arg8[%get3A_605] {strides = array<i32>} : memref<128xi32, #tpu.memory_space<vmem>>, vector<16xi32>,
        %get3A_607 = arith.constant 32 : index
        %get3A_608 = tpu.vector_load %arg12[%get3A_607] {strides = array<i32>} : memref<128xi32, #tpu.memory_space<vmem>>, vector<16xi32>,
        %shift_right_logical3A_609 = arith.constant 2 : i32
        %shift_right_logical3A_610 = vector.broadcast %shift_right_logical3A_609 : i32 to vector<16xi32>
        %shift_right_logical3A_611 = arith.shrui %get3A_606, %shift_right_logical3A_610 : vector<16xi32>
        %swap3A_612 = arith.constant 32 : index
        %swap3A_613 = tpu.vector_load %arg16[%swap3A_612] {strides = array<i32>} : memref<128xi32, #tpu.memory_space<vmem>>, vector<16xi32>,
        tpu.vector_store %arg16[%swap3A_612], %shift_right_logical3A_611 {strides = array<i32>} : memref<128xi32, #tpu.memory_space<vmem>>, vector<16xi32>,
        %shift_right_logical3A_614 = arith.constant 2 : i32
        %shift_right_logical3A_615 = vector.broadcast %shift_right_logical3A_614 : i32 to vector<16xi32>
        %shift_right_logical3A_616 = arith.shrui %get3A_608, %shift_right_logical3A_615 : vector<16xi32>
        %swap3A_617 = arith.constant 32 : index
        %swap3A_618 = tpu.vector_load %arg18[%swap3A_617] {strides = array<i32>} : memref<128xi32, #tpu.memory_space<vmem>>, vector<16xi32>,
        tpu.vector_store %arg18[%swap3A_617], %shift_right_logical3A_616 {strides = array<i32>} : memref<128xi32, #tpu.memory_space<vmem>>, vector<16xi32>,
        %get3A_619 = arith.constant 48 : index
        %get3A_620 = tpu.vector_load %arg8[%get3A_619] {strides = array<i32>} : memref<128xi32, #tpu.memory_space<vmem>>, vector<16xi32>,
        %get3A_621 = arith.constant 48 : index
        %get3A_622 = tpu.vector_load %arg12[%get3A_621] {strides = array<i32>} : memref<128xi32, #tpu.memory_space<vmem>>, vector<16xi32>,
        %shift_right_logical3A_623 = arith.constant 2 : i32
        %shift_right_logical3A_624 = vector.broadcast %shift_right_logical3A_623 : i32 to vector<16xi32>
        %shift_right_logical3A_625 = arith.shrui %get3A_620, %shift_right_logical3A_624 : vector<16xi32>
        %swap3A_626 = arith.constant 48 : index
        %swap3A_627 = tpu.vector_load %arg16[%swap3A_626] {strides = array<i32>} : memref<128xi32, #tpu.memory_space<vmem>>, vector<16xi32>,
        tpu.vector_store %arg16[%swap3A_626], %shift_right_logical3A_625 {strides = array<i32>} : memref<128xi32, #tpu.memory_space<vmem>>, vector<16xi32>,
        %shift_right_logical3A_628 = arith.constant 2 : i32
        %shift_right_logical3A_629 = vector.broadcast %shift_right_logical3A_628 : i32 to vector<16xi32>
        %shift_right_logical3A_630 = arith.shrui %get3A_622, %shift_right_logical3A_629 : vector<16xi32>
        %swap3A_631 = arith.constant 48 : index
        %swap3A_632 = tpu.vector_load %arg18[%swap3A_631] {strides = array<i32>} : memref<128xi32, #tpu.memory_space<vmem>>, vector<16xi32>,
        tpu.vector_store %arg18[%swap3A_631], %shift_right_logical3A_630 {strides = array<i32>} : memref<128xi32, #tpu.memory_space<vmem>>, vector<16xi32>,
        %get3A_633 = arith.constant 64 : index
        %get3A_634 = tpu.vector_load %arg8[%get3A_633] {strides = array<i32>} : memref<128xi32, #tpu.memory_space<vmem>>, vector<16xi32>,
        %get3A_635 = arith.constant 64 : index
        %get3A_636 = tpu.vector_load %arg12[%get3A_635] {strides = array<i32>} : memref<128xi32, #tpu.memory_space<vmem>>, vector<16xi32>,
        %shift_right_logical3A_637 = arith.constant 2 : i32
        %shift_right_logical3A_638 = vector.broadcast %shift_right_logical3A_637 : i32 to vector<16xi32>
        %shift_right_logical3A_639 = arith.shrui %get3A_634, %shift_right_logical3A_638 : vector<16xi32>
        %swap3A_640 = arith.constant 64 : index
        %swap3A_641 = tpu.vector_load %arg16[%swap3A_640] {strides = array<i32>} : memref<128xi32, #tpu.memory_space<vmem>>, vector<16xi32>,
        tpu.vector_store %arg16[%swap3A_640], %shift_right_logical3A_639 {strides = array<i32>} : memref<128xi32, #tpu.memory_space<vmem>>, vector<16xi32>,
        %shift_right_logical3A_642 = arith.constant 2 : i32
        %shift_right_logical3A_643 = vector.broadcast %shift_right_logical3A_642 : i32 to vector<16xi32>
        %shift_right_logical3A_644 = arith.shrui %get3A_636, %shift_right_logical3A_643 : vector<16xi32>
        %swap3A_645 = arith.constant 64 : index
        %swap3A_646 = tpu.vector_load %arg18[%swap3A_645] {strides = array<i32>} : memref<128xi32, #tpu.memory_space<vmem>>, vector<16xi32>,
        tpu.vector_store %arg18[%swap3A_645], %shift_right_logical3A_644 {strides = array<i32>} : memref<128xi32, #tpu.memory_space<vmem>>, vector<16xi32>,
        %get3A_647 = arith.constant 80 : index
        %get3A_648 = tpu.vector_load %arg8[%get3A_647] {strides = array<i32>} : memref<128xi32, #tpu.memory_space<vmem>>, vector<16xi32>,
        %get3A_649 = arith.constant 80 : index
        %get3A_650 = tpu.vector_load %arg12[%get3A_649] {strides = array<i32>} : memref<128xi32, #tpu.memory_space<vmem>>, vector<16xi32>,
        %shift_right_logical3A_651 = arith.constant 2 : i32
        %shift_right_logical3A_652 = vector.broadcast %shift_right_logical3A_651 : i32 to vector<16xi32>
        %shift_right_logical3A_653 = arith.shrui %get3A_648, %shift_right_logical3A_652 : vector<16xi32>
        %swap3A_654 = arith.constant 80 : index
        %swap3A_655 = tpu.vector_load %arg16[%swap3A_654] {strides = array<i32>} : memref<128xi32, #tpu.memory_space<vmem>>, vector<16xi32>,
        tpu.vector_store %arg16[%swap3A_654], %shift_right_logical3A_653 {strides = array<i32>} : memref<128xi32, #tpu.memory_space<vmem>>, vector<16xi32>,
        %shift_right_logical3A_656 = arith.constant 2 : i32
        %shift_right_logical3A_657 = vector.broadcast %shift_right_logical3A_656 : i32 to vector<16xi32>
        %shift_right_logical3A_658 = arith.shrui %get3A_650, %shift_right_logical3A_657 : vector<16xi32>
        %swap3A_659 = arith.constant 80 : index
        %swap3A_660 = tpu.vector_load %arg18[%swap3A_659] {strides = array<i32>} : memref<128xi32, #tpu.memory_space<vmem>>, vector<16xi32>,
        tpu.vector_store %arg18[%swap3A_659], %shift_right_logical3A_658 {strides = array<i32>} : memref<128xi32, #tpu.memory_space<vmem>>, vector<16xi32>,
        %get3A_661 = arith.constant 96 : index
        %get3A_662 = tpu.vector_load %arg8[%get3A_661] {strides = array<i32>} : memref<128xi32, #tpu.memory_space<vmem>>, vector<16xi32>,
        %get3A_663 = arith.constant 96 : index
        %get3A_664 = tpu.vector_load %arg12[%get3A_663] {strides = array<i32>} : memref<128xi32, #tpu.memory_space<vmem>>, vector<16xi32>,
        %shift_right_logical3A_665 = arith.constant 2 : i32
        %shift_right_logical3A_666 = vector.broadcast %shift_right_logical3A_665 : i32 to vector<16xi32>
        %shift_right_logical3A_667 = arith.shrui %get3A_662, %shift_right_logical3A_666 : vector<16xi32>
        %swap3A_668 = arith.constant 96 : index
        %swap3A_669 = tpu.vector_load %arg16[%swap3A_668] {strides = array<i32>} : memref<128xi32, #tpu.memory_space<vmem>>, vector<16xi32>,
        tpu.vector_store %arg16[%swap3A_668], %shift_right_logical3A_667 {strides = array<i32>} : memref<128xi32, #tpu.memory_space<vmem>>, vector<16xi32>,
        %shift_right_logical3A_670 = arith.constant 2 : i32
        %shift_right_logical3A_671 = vector.broadcast %shift_right_logical3A_670 : i32 to vector<16xi32>
        %shift_right_logical3A_672 = arith.shrui %get3A_664, %shift_right_logical3A_671 : vector<16xi32>
        %swap3A_673 = arith.constant 96 : index
        %swap3A_674 = tpu.vector_load %arg18[%swap3A_673] {strides = array<i32>} : memref<128xi32, #tpu.memory_space<vmem>>, vector<16xi32>,
        tpu.vector_store %arg18[%swap3A_673], %shift_right_logical3A_672 {strides = array<i32>} : memref<128xi32, #tpu.memory_space<vmem>>, vector<16xi32>,
        %get3A_675 = arith.constant 112 : index
        %get3A_676 = tpu.vector_load %arg8[%get3A_675] {strides = array<i32>} : memref<128xi32, #tpu.memory_space<vmem>>, vector<16xi32>,
        %get3A_677 = arith.constant 112 : index
        %get3A_678 = tpu.vector_load %arg12[%get3A_677] {strides = array<i32>} : memref<128xi32, #tpu.memory_space<vmem>>, vector<16xi32>,
        %shift_right_logical3A_679 = arith.constant 2 : i32
        %shift_right_logical3A_680 = vector.broadcast %shift_right_logical3A_679 : i32 to vector<16xi32>
        %shift_right_logical3A_681 = arith.shrui %get3A_676, %shift_right_logical3A_680 : vector<16xi32>
        %swap3A_682 = arith.constant 112 : index
        %swap3A_683 = tpu.vector_load %arg16[%swap3A_682] {strides = array<i32>} : memref<128xi32, #tpu.memory_space<vmem>>, vector<16xi32>,
        tpu.vector_store %arg16[%swap3A_682], %shift_right_logical3A_681 {strides = array<i32>} : memref<128xi32, #tpu.memory_space<vmem>>, vector<16xi32>,
        %shift_right_logical3A_684 = arith.constant 2 : i32
        %shift_right_logical3A_685 = vector.broadcast %shift_right_logical3A_684 : i32 to vector<16xi32>
        %shift_right_logical3A_686 = arith.shrui %get3A_678, %shift_right_logical3A_685 : vector<16xi32>
        %swap3A_687 = arith.constant 112 : index
        %swap3A_688 = tpu.vector_load %arg18[%swap3A_687] {strides = array<i32>} : memref<128xi32, #tpu.memory_space<vmem>>, vector<16xi32>,
        tpu.vector_store %arg18[%swap3A_687], %shift_right_logical3A_686 {strides = array<i32>} : memref<128xi32, #tpu.memory_space<vmem>>, vector<16xi32>,
        %dma_start3A_689 = arith.constant 0 : i32
        %dma_start3A_690 = arith.constant 0 : i32
        %dma_start3A_691 = tpu.memref_slice %arg4[%dma_start3A_689, %dma_start3A_690] : memref<25000x128xf32, #tpu.memory_space<hbm>> -> memref<25000x128xf32, #tpu.memory_space<hbm>>
        tpu.enqueue_indirect_dma source(%dma_start3A_691 : memref<25000x128xf32, #tpu.memory_space<hbm>>) target(%arg20 : memref<128x128xf32, #tpu.memory_space<vmem>>) offsets(%arg16 : memref<128xi32, #tpu.memory_space<vmem>>) semaphore(%arg28 : memref<!tpu.dma_semaphore, #tpu.memory_space<semaphore_mem>>)
        %dma_start3A_692 = arith.constant 0 : i32
        %dma_start3A_693 = arith.constant 0 : i32
        %dma_start3A_694 = tpu.memref_slice %arg5[%dma_start3A_692, %dma_start3A_693] : memref<250000x128xf32, #tpu.memory_space<hbm>> -> memref<250000x128xf32, #tpu.memory_space<hbm>>
        tpu.enqueue_indirect_dma source(%dma_start3A_694 : memref<250000x128xf32, #tpu.memory_space<hbm>>) target(%arg22 : memref<128x128xf32, #tpu.memory_space<vmem>>) offsets(%arg18 : memref<128xi32, #tpu.memory_space<vmem>>) semaphore(%arg30 : memref<!tpu.dma_semaphore, #tpu.memory_space<semaphore_mem>>)
      } else {
      }
      %jit3A = arith.constant 4 : i32
      %div3A = arith.divsi %add3A_181, %jit3A : i32
      %sign3A = arith.constant 0 : i32
      %sign3A_193 = arith.cmpi sgt, %add3A_181, %sign3A : i32
      %sign3A_194 = arith.extui %sign3A_193 : i1 to i32
      %sign3A_195 = arith.constant 0 : i32
      %sign3A_196 = arith.cmpi slt, %add3A_181, %sign3A_195 : i32
      %sign3A_197 = arith.extui %sign3A_196 : i1 to i32
      %sign3A_198 = arith.subi %sign3A_194, %sign3A_197 : i32
      %sign3A_199 = arith.constant 0 : i32
      %sign3A_200 = arith.cmpi sgt, %jit3A, %sign3A_199 : i32
      %sign3A_201 = arith.extui %sign3A_200 : i1 to i32
      %sign3A_202 = arith.constant 0 : i32
      %sign3A_203 = arith.cmpi slt, %jit3A, %sign3A_202 : i32
      %sign3A_204 = arith.extui %sign3A_203 : i1 to i32
      %sign3A_205 = arith.subi %sign3A_201, %sign3A_204 : i32
      %ne3A = arith.cmpi ne, %sign3A_198, %sign3A_205 : i32
      %rem3A = arith.remsi %add3A_181, %jit3A : i32
      %ne3A_206 = arith.constant 0 : i32
      %ne3A_207 = arith.cmpi ne, %rem3A, %ne3A_206 : i32
      %and3A = arith.andi %ne3A, %ne3A_207 : i1
      %sub3A = arith.constant 1 : i32
      %sub3A_208 = arith.subi %div3A, %sub3A : i32
      %select_n3A = arith.select %and3A, %sub3A_208, %div3A : i32
      %jit3A_209 = arith.constant 4 : i32
      %eq3A = arith.constant 0 : i32
      %eq3A_210 = arith.cmpi eq, %jit3A_209, %eq3A : i32
      %jit3A_211 = arith.constant 1 : i32
      %select_n3A_212 = arith.select %eq3A_210, %jit3A_211, %jit3A_209 : i32
      %rem3A_213 = arith.remsi %add3A_181, %select_n3A_212 : i32
      %ne3A_214 = arith.constant 0 : i32
      %ne3A_215 = arith.cmpi ne, %rem3A_213, %ne3A_214 : i32
      %lt3A_216 = arith.constant 0 : i32
      %lt3A_217 = arith.cmpi slt, %rem3A_213, %lt3A_216 : i32
      %lt3A_218 = arith.constant 0 : i32
      %lt3A_219 = arith.cmpi slt, %select_n3A_212, %lt3A_218 : i32
      %ne3A_220 = arith.xori %lt3A_217, %lt3A_219 : i1
      %and3A_221 = arith.andi %ne3A_220, %ne3A_215 : i1
      %add3A_222 = arith.addi %rem3A_213, %select_n3A_212 : i32
      %select_n3A_223 = arith.select %and3A_221, %add3A_222, %rem3A_213 : i32
      %dma_wait3A_224 = arith.constant 0 : i32
      %dma_wait3A_225 = arith.constant 0 : i32
      %dma_wait3A_226 = tpu.memref_slice %arg4[%dma_wait3A_224, %dma_wait3A_225] : memref<25000x128xf32, #tpu.memory_space<hbm>> -> memref<25000x128xf32, #tpu.memory_space<hbm>>
      tpu.wait_indirect_dma semaphore(%arg27 : memref<!tpu.dma_semaphore, #tpu.memory_space<semaphore_mem>>) src(%dma_wait3A_226 : memref<25000x128xf32, #tpu.memory_space<hbm>>) dst(%arg19 : memref<128x128xf32, #tpu.memory_space<vmem>>)
      %dma_wait3A_227 = arith.constant 0 : i32
      %dma_wait3A_228 = arith.constant 0 : i32
      %dma_wait3A_229 = tpu.memref_slice %arg5[%dma_wait3A_227, %dma_wait3A_228] : memref<250000x128xf32, #tpu.memory_space<hbm>> -> memref<250000x128xf32, #tpu.memory_space<hbm>>
      tpu.wait_indirect_dma semaphore(%arg29 : memref<!tpu.dma_semaphore, #tpu.memory_space<semaphore_mem>>) src(%dma_wait3A_229 : memref<250000x128xf32, #tpu.memory_space<hbm>>) dst(%arg21 : memref<128x128xf32, #tpu.memory_space<vmem>>)
      %ge3A = arith.constant 2 : i32
      %ge3A_230 = arith.cmpi sge, %add3A_181, %ge3A : i32
      %convert_element_type3A_231 = arith.extui %ge3A_230 : i1 to i32
      %cond3A_232 = arith.constant 0 : i32
      %cond3A_233 = arith.cmpi ne, %convert_element_type3A_231, %cond3A_232 : i32
      scf.if %cond3A_233 {
        %sub3A_525 = arith.constant 2 : i32
        %sub3A_526 = arith.subi %add3A_181, %sub3A_525 : i32
        %jit3A_527 = arith.constant 4 : i32
        %div3A_528 = arith.divsi %sub3A_526, %jit3A_527 : i32
        %sign3A_529 = arith.constant 0 : i32
        %sign3A_530 = arith.cmpi sgt, %sub3A_526, %sign3A_529 : i32
        %sign3A_531 = arith.extui %sign3A_530 : i1 to i32
        %sign3A_532 = arith.constant 0 : i32
        %sign3A_533 = arith.cmpi slt, %sub3A_526, %sign3A_532 : i32
        %sign3A_534 = arith.extui %sign3A_533 : i1 to i32
        %sign3A_535 = arith.subi %sign3A_531, %sign3A_534 : i32
        %sign3A_536 = arith.constant 0 : i32
        %sign3A_537 = arith.cmpi sgt, %jit3A_527, %sign3A_536 : i32
        %sign3A_538 = arith.extui %sign3A_537 : i1 to i32
        %sign3A_539 = arith.constant 0 : i32
        %sign3A_540 = arith.cmpi slt, %jit3A_527, %sign3A_539 : i32
        %sign3A_541 = arith.extui %sign3A_540 : i1 to i32
        %sign3A_542 = arith.subi %sign3A_538, %sign3A_541 : i32
        %ne3A_543 = arith.cmpi ne, %sign3A_535, %sign3A_542 : i32
        %rem3A_544 = arith.remsi %sub3A_526, %jit3A_527 : i32
        %ne3A_545 = arith.constant 0 : i32
        %ne3A_546 = arith.cmpi ne, %rem3A_544, %ne3A_545 : i32
        %and3A_547 = arith.andi %ne3A_543, %ne3A_546 : i1
        %sub3A_548 = arith.constant 1 : i32
        %sub3A_549 = arith.subi %div3A_528, %sub3A_548 : i32
        %select_n3A_550 = arith.select %and3A_547, %sub3A_549, %div3A_528 : i32
        %sub3A_551 = arith.constant 2 : i32
        %sub3A_552 = arith.subi %add3A_181, %sub3A_551 : i32
        %jit3A_553 = arith.constant 4 : i32
        %eq3A_554 = arith.constant 0 : i32
        %eq3A_555 = arith.cmpi eq, %jit3A_553, %eq3A_554 : i32
        %jit3A_556 = arith.constant 1 : i32
        %select_n3A_557 = arith.select %eq3A_555, %jit3A_556, %jit3A_553 : i32
        %rem3A_558 = arith.remsi %sub3A_552, %select_n3A_557 : i32
        %ne3A_559 = arith.constant 0 : i32
        %ne3A_560 = arith.cmpi ne, %rem3A_558, %ne3A_559 : i32
        %lt3A_561 = arith.constant 0 : i32
        %lt3A_562 = arith.cmpi slt, %rem3A_558, %lt3A_561 : i32
        %lt3A_563 = arith.constant 0 : i32
        %lt3A_564 = arith.cmpi slt, %select_n3A_557, %lt3A_563 : i32
        %ne3A_565 = arith.xori %lt3A_562, %lt3A_564 : i1
        %and3A_566 = arith.andi %ne3A_565, %ne3A_560 : i1
        %add3A_567 = arith.addi %rem3A_558, %select_n3A_557 : i32
        %select_n3A_568 = arith.select %and3A_566, %add3A_567, %rem3A_558 : i32
        %mul3A_569 = arith.constant 128 : i32
        %mul3A_570 = arith.muli %select_n3A_568, %mul3A_569 : i32
        %add3A_571 = arith.addi %mul3A_2, %mul3A_570 : i32
        %dma_wait3A_572 = arith.constant 0 : i32
        %dma_wait3A_573 = tpu.memref_slice %arg6[%select_n3A_550, %dma_wait3A_572, %add3A_571] : memref<50x64x16384xf32, #tpu.memory_space<hbm>> -> memref<1x32x128xf32, #tpu.memory_space<hbm>>
        %dma_wait3A_574 = tpu.memref_squeeze %dma_wait3A_573 : memref<1x32x128xf32, #tpu.memory_space<hbm>> -> memref<32x128xf32, #tpu.memory_space<hbm>>
        %dma_wait3A_575 = arith.constant 0 : i32
        %dma_wait3A_576 = tpu.memref_slice %arg6[%select_n3A_550, %dma_wait3A_575, %add3A_571] : memref<50x64x16384xf32, #tpu.memory_space<hbm>> -> memref<1x32x128xf32, #tpu.memory_space<hbm>>
        %dma_wait3A_577 = tpu.memref_squeeze %dma_wait3A_576 : memref<1x32x128xf32, #tpu.memory_space<hbm>> -> memref<32x128xf32, #tpu.memory_space<hbm>>
        tpu.wait_dma2 semaphore(%arg31 : memref<!tpu.dma_semaphore, #tpu.memory_space<semaphore_mem>>) src(%arg23 : memref<32x128xf32, #tpu.memory_space<vmem>>) dst(%dma_wait3A_577 : memref<32x128xf32, #tpu.memory_space<hbm>>)
        %dma_wait3A_578 = arith.constant 32 : i32
        %dma_wait3A_579 = tpu.memref_slice %arg6[%select_n3A_550, %dma_wait3A_578, %add3A_571] : memref<50x64x16384xf32, #tpu.memory_space<hbm>> -> memref<1x32x128xf32, #tpu.memory_space<hbm>>
        %dma_wait3A_580 = tpu.memref_squeeze %dma_wait3A_579 : memref<1x32x128xf32, #tpu.memory_space<hbm>> -> memref<32x128xf32, #tpu.memory_space<hbm>>
        %dma_wait3A_581 = arith.constant 32 : i32
        %dma_wait3A_582 = tpu.memref_slice %arg6[%select_n3A_550, %dma_wait3A_581, %add3A_571] : memref<50x64x16384xf32, #tpu.memory_space<hbm>> -> memref<1x32x128xf32, #tpu.memory_space<hbm>>
        %dma_wait3A_583 = tpu.memref_squeeze %dma_wait3A_582 : memref<1x32x128xf32, #tpu.memory_space<hbm>> -> memref<32x128xf32, #tpu.memory_space<hbm>>
        tpu.wait_dma2 semaphore(%arg33 : memref<!tpu.dma_semaphore, #tpu.memory_space<semaphore_mem>>) src(%arg25 : memref<32x128xf32, #tpu.memory_space<vmem>>) dst(%dma_wait3A_583 : memref<32x128xf32, #tpu.memory_space<hbm>>)
      } else {
      }
      %scan3A_234 = arith.constant 0 : i32
      %scan3A_235 = arith.constant 0 : i32
      %scan3A_236 = arith.constant 8 : i32
      %scan3A_237 = arith.addi %scan3A_235, %scan3A_236 : i32
      %scan3A_238 = arith.constant 1 : i32
      scf.for %scan3A_525 = %scan3A_235 to %scan3A_237 step %scan3A_238  : i32 {
        %iota3A = tpu.iota {dimensions = array<i32: 0>} : vector<16xi32>
        %mul3A_526 = arith.constant 16 : i32
        %mul3A_527 = arith.muli %scan3A_525, %mul3A_526 : i32
        %add3A_528 = vector.broadcast %mul3A_527 : i32 to vector<16xi32>
        %add3A_529 = arith.addi %iota3A, %add3A_528 : vector<16xi32>
        %mul3A_530 = arith.constant 16 : i32
        %mul3A_531 = arith.muli %scan3A_525, %mul3A_530 : i32
        %get3A_532 = arith.index_cast %mul3A_531 : i32 to index
        %get3A_533 = tpu.vector_load %arg7[%get3A_532] {strides = array<i32>} : memref<128xi32, #tpu.memory_space<vmem>>, vector<16xi32>,
        %and3A_534 = arith.constant 3 : i32
        %and3A_535 = vector.broadcast %and3A_534 : i32 to vector<16xi32>
        %and3A_536 = arith.andi %get3A_533, %and3A_535 : vector<16xi32>
        %mul3A_537 = arith.constant 32 : i32
        %mul3A_538 = vector.broadcast %mul3A_537 : i32 to vector<16xi32>
        %mul3A_539 = arith.muli %and3A_536, %mul3A_538 : vector<16xi32>
        %mul3A_540 = arith.constant 16 : i32
        %mul3A_541 = arith.muli %scan3A_525, %mul3A_540 : i32
        %get3A_542 = arith.index_cast %mul3A_541 : i32 to index
        %get3A_543 = tpu.vector_load %arg11[%get3A_542] {strides = array<i32>} : memref<128xi32, #tpu.memory_space<vmem>>, vector<16xi32>,
        %and3A_544 = arith.constant 3 : i32
        %and3A_545 = vector.broadcast %and3A_544 : i32 to vector<16xi32>
        %and3A_546 = arith.andi %get3A_543, %and3A_545 : vector<16xi32>
        %mul3A_547 = arith.constant 32 : i32
        %mul3A_548 = vector.broadcast %mul3A_547 : i32 to vector<16xi32>
        %mul3A_549 = arith.muli %and3A_546, %mul3A_548 : vector<16xi32>
        %add3A_550 = arith.constant 0 : i32
        %add3A_551 = vector.broadcast %add3A_550 : i32 to vector<16xi32>
        %add3A_552 = arith.addi %mul3A_539, %add3A_551 : vector<16xi32>
        %gather3A = tpu.vector_load_idx %arg19[%add3A_529, %add3A_552] : memref<128x128xf32, #tpu.memory_space<vmem>>[vector<16xi32>, vector<16xi32>], vector<16xf32>,
        %add3A_553 = arith.constant 1 : i32
        %add3A_554 = vector.broadcast %add3A_553 : i32 to vector<16xi32>
        %add3A_555 = arith.addi %mul3A_539, %add3A_554 : vector<16xi32>
        %gather3A_556 = tpu.vector_load_idx %arg19[%add3A_529, %add3A_555] : memref<128x128xf32, #tpu.memory_space<vmem>>[vector<16xi32>, vector<16xi32>], vector<16xf32>,
        %add3A_557 = arith.constant 2 : i32
        %add3A_558 = vector.broadcast %add3A_557 : i32 to vector<16xi32>
        %add3A_559 = arith.addi %mul3A_539, %add3A_558 : vector<16xi32>
        %gather3A_560 = tpu.vector_load_idx %arg19[%add3A_529, %add3A_559] : memref<128x128xf32, #tpu.memory_space<vmem>>[vector<16xi32>, vector<16xi32>], vector<16xf32>,
        %add3A_561 = arith.constant 3 : i32
        %add3A_562 = vector.broadcast %add3A_561 : i32 to vector<16xi32>
        %add3A_563 = arith.addi %mul3A_539, %add3A_562 : vector<16xi32>
        %gather3A_564 = tpu.vector_load_idx %arg19[%add3A_529, %add3A_563] : memref<128x128xf32, #tpu.memory_space<vmem>>[vector<16xi32>, vector<16xi32>], vector<16xf32>,
        %add3A_565 = arith.constant 4 : i32
        %add3A_566 = vector.broadcast %add3A_565 : i32 to vector<16xi32>
        %add3A_567 = arith.addi %mul3A_539, %add3A_566 : vector<16xi32>
        %gather3A_568 = tpu.vector_load_idx %arg19[%add3A_529, %add3A_567] : memref<128x128xf32, #tpu.memory_space<vmem>>[vector<16xi32>, vector<16xi32>], vector<16xf32>,
        %add3A_569 = arith.constant 5 : i32
        %add3A_570 = vector.broadcast %add3A_569 : i32 to vector<16xi32>
        %add3A_571 = arith.addi %mul3A_539, %add3A_570 : vector<16xi32>
        %gather3A_572 = tpu.vector_load_idx %arg19[%add3A_529, %add3A_571] : memref<128x128xf32, #tpu.memory_space<vmem>>[vector<16xi32>, vector<16xi32>], vector<16xf32>,
        %add3A_573 = arith.constant 6 : i32
        %add3A_574 = vector.broadcast %add3A_573 : i32 to vector<16xi32>
        %add3A_575 = arith.addi %mul3A_539, %add3A_574 : vector<16xi32>
        %gather3A_576 = tpu.vector_load_idx %arg19[%add3A_529, %add3A_575] : memref<128x128xf32, #tpu.memory_space<vmem>>[vector<16xi32>, vector<16xi32>], vector<16xf32>,
        %add3A_577 = arith.constant 7 : i32
        %add3A_578 = vector.broadcast %add3A_577 : i32 to vector<16xi32>
        %add3A_579 = arith.addi %mul3A_539, %add3A_578 : vector<16xi32>
        %gather3A_580 = tpu.vector_load_idx %arg19[%add3A_529, %add3A_579] : memref<128x128xf32, #tpu.memory_space<vmem>>[vector<16xi32>, vector<16xi32>], vector<16xf32>,
        %add3A_581 = arith.constant 8 : i32
        %add3A_582 = vector.broadcast %add3A_581 : i32 to vector<16xi32>
        %add3A_583 = arith.addi %mul3A_539, %add3A_582 : vector<16xi32>
        %gather3A_584 = tpu.vector_load_idx %arg19[%add3A_529, %add3A_583] : memref<128x128xf32, #tpu.memory_space<vmem>>[vector<16xi32>, vector<16xi32>], vector<16xf32>,
        %add3A_585 = arith.constant 9 : i32
        %add3A_586 = vector.broadcast %add3A_585 : i32 to vector<16xi32>
        %add3A_587 = arith.addi %mul3A_539, %add3A_586 : vector<16xi32>
        %gather3A_588 = tpu.vector_load_idx %arg19[%add3A_529, %add3A_587] : memref<128x128xf32, #tpu.memory_space<vmem>>[vector<16xi32>, vector<16xi32>], vector<16xf32>,
        %add3A_589 = arith.constant 10 : i32
        %add3A_590 = vector.broadcast %add3A_589 : i32 to vector<16xi32>
        %add3A_591 = arith.addi %mul3A_539, %add3A_590 : vector<16xi32>
        %gather3A_592 = tpu.vector_load_idx %arg19[%add3A_529, %add3A_591] : memref<128x128xf32, #tpu.memory_space<vmem>>[vector<16xi32>, vector<16xi32>], vector<16xf32>,
        %add3A_593 = arith.constant 11 : i32
        %add3A_594 = vector.broadcast %add3A_593 : i32 to vector<16xi32>
        %add3A_595 = arith.addi %mul3A_539, %add3A_594 : vector<16xi32>
        %gather3A_596 = tpu.vector_load_idx %arg19[%add3A_529, %add3A_595] : memref<128x128xf32, #tpu.memory_space<vmem>>[vector<16xi32>, vector<16xi32>], vector<16xf32>,
        %add3A_597 = arith.constant 12 : i32
        %add3A_598 = vector.broadcast %add3A_597 : i32 to vector<16xi32>
        %add3A_599 = arith.addi %mul3A_539, %add3A_598 : vector<16xi32>
        %gather3A_600 = tpu.vector_load_idx %arg19[%add3A_529, %add3A_599] : memref<128x128xf32, #tpu.memory_space<vmem>>[vector<16xi32>, vector<16xi32>], vector<16xf32>,
        %add3A_601 = arith.constant 13 : i32
        %add3A_602 = vector.broadcast %add3A_601 : i32 to vector<16xi32>
        %add3A_603 = arith.addi %mul3A_539, %add3A_602 : vector<16xi32>
        %gather3A_604 = tpu.vector_load_idx %arg19[%add3A_529, %add3A_603] : memref<128x128xf32, #tpu.memory_space<vmem>>[vector<16xi32>, vector<16xi32>], vector<16xf32>,
        %add3A_605 = arith.constant 14 : i32
        %add3A_606 = vector.broadcast %add3A_605 : i32 to vector<16xi32>
        %add3A_607 = arith.addi %mul3A_539, %add3A_606 : vector<16xi32>
        %gather3A_608 = tpu.vector_load_idx %arg19[%add3A_529, %add3A_607] : memref<128x128xf32, #tpu.memory_space<vmem>>[vector<16xi32>, vector<16xi32>], vector<16xf32>,
        %add3A_609 = arith.constant 15 : i32
        %add3A_610 = vector.broadcast %add3A_609 : i32 to vector<16xi32>
        %add3A_611 = arith.addi %mul3A_539, %add3A_610 : vector<16xi32>
        %gather3A_612 = tpu.vector_load_idx %arg19[%add3A_529, %add3A_611] : memref<128x128xf32, #tpu.memory_space<vmem>>[vector<16xi32>, vector<16xi32>], vector<16xf32>,
        %add3A_613 = arith.constant 16 : i32
        %add3A_614 = vector.broadcast %add3A_613 : i32 to vector<16xi32>
        %add3A_615 = arith.addi %mul3A_539, %add3A_614 : vector<16xi32>
        %gather3A_616 = tpu.vector_load_idx %arg19[%add3A_529, %add3A_615] : memref<128x128xf32, #tpu.memory_space<vmem>>[vector<16xi32>, vector<16xi32>], vector<16xf32>,
        %add3A_617 = arith.constant 17 : i32
        %add3A_618 = vector.broadcast %add3A_617 : i32 to vector<16xi32>
        %add3A_619 = arith.addi %mul3A_539, %add3A_618 : vector<16xi32>
        %gather3A_620 = tpu.vector_load_idx %arg19[%add3A_529, %add3A_619] : memref<128x128xf32, #tpu.memory_space<vmem>>[vector<16xi32>, vector<16xi32>], vector<16xf32>,
        %add3A_621 = arith.constant 18 : i32
        %add3A_622 = vector.broadcast %add3A_621 : i32 to vector<16xi32>
        %add3A_623 = arith.addi %mul3A_539, %add3A_622 : vector<16xi32>
        %gather3A_624 = tpu.vector_load_idx %arg19[%add3A_529, %add3A_623] : memref<128x128xf32, #tpu.memory_space<vmem>>[vector<16xi32>, vector<16xi32>], vector<16xf32>,
        %add3A_625 = arith.constant 19 : i32
        %add3A_626 = vector.broadcast %add3A_625 : i32 to vector<16xi32>
        %add3A_627 = arith.addi %mul3A_539, %add3A_626 : vector<16xi32>
        %gather3A_628 = tpu.vector_load_idx %arg19[%add3A_529, %add3A_627] : memref<128x128xf32, #tpu.memory_space<vmem>>[vector<16xi32>, vector<16xi32>], vector<16xf32>,
        %add3A_629 = arith.constant 20 : i32
        %add3A_630 = vector.broadcast %add3A_629 : i32 to vector<16xi32>
        %add3A_631 = arith.addi %mul3A_539, %add3A_630 : vector<16xi32>
        %gather3A_632 = tpu.vector_load_idx %arg19[%add3A_529, %add3A_631] : memref<128x128xf32, #tpu.memory_space<vmem>>[vector<16xi32>, vector<16xi32>], vector<16xf32>,
        %add3A_633 = arith.constant 21 : i32
        %add3A_634 = vector.broadcast %add3A_633 : i32 to vector<16xi32>
        %add3A_635 = arith.addi %mul3A_539, %add3A_634 : vector<16xi32>
        %gather3A_636 = tpu.vector_load_idx %arg19[%add3A_529, %add3A_635] : memref<128x128xf32, #tpu.memory_space<vmem>>[vector<16xi32>, vector<16xi32>], vector<16xf32>,
        %add3A_637 = arith.constant 22 : i32
        %add3A_638 = vector.broadcast %add3A_637 : i32 to vector<16xi32>
        %add3A_639 = arith.addi %mul3A_539, %add3A_638 : vector<16xi32>
        %gather3A_640 = tpu.vector_load_idx %arg19[%add3A_529, %add3A_639] : memref<128x128xf32, #tpu.memory_space<vmem>>[vector<16xi32>, vector<16xi32>], vector<16xf32>,
        %add3A_641 = arith.constant 23 : i32
        %add3A_642 = vector.broadcast %add3A_641 : i32 to vector<16xi32>
        %add3A_643 = arith.addi %mul3A_539, %add3A_642 : vector<16xi32>
        %gather3A_644 = tpu.vector_load_idx %arg19[%add3A_529, %add3A_643] : memref<128x128xf32, #tpu.memory_space<vmem>>[vector<16xi32>, vector<16xi32>], vector<16xf32>,
        %add3A_645 = arith.constant 24 : i32
        %add3A_646 = vector.broadcast %add3A_645 : i32 to vector<16xi32>
        %add3A_647 = arith.addi %mul3A_539, %add3A_646 : vector<16xi32>
        %gather3A_648 = tpu.vector_load_idx %arg19[%add3A_529, %add3A_647] : memref<128x128xf32, #tpu.memory_space<vmem>>[vector<16xi32>, vector<16xi32>], vector<16xf32>,
        %add3A_649 = arith.constant 25 : i32
        %add3A_650 = vector.broadcast %add3A_649 : i32 to vector<16xi32>
        %add3A_651 = arith.addi %mul3A_539, %add3A_650 : vector<16xi32>
        %gather3A_652 = tpu.vector_load_idx %arg19[%add3A_529, %add3A_651] : memref<128x128xf32, #tpu.memory_space<vmem>>[vector<16xi32>, vector<16xi32>], vector<16xf32>,
        %add3A_653 = arith.constant 26 : i32
        %add3A_654 = vector.broadcast %add3A_653 : i32 to vector<16xi32>
        %add3A_655 = arith.addi %mul3A_539, %add3A_654 : vector<16xi32>
        %gather3A_656 = tpu.vector_load_idx %arg19[%add3A_529, %add3A_655] : memref<128x128xf32, #tpu.memory_space<vmem>>[vector<16xi32>, vector<16xi32>], vector<16xf32>,
        %add3A_657 = arith.constant 27 : i32
        %add3A_658 = vector.broadcast %add3A_657 : i32 to vector<16xi32>
        %add3A_659 = arith.addi %mul3A_539, %add3A_658 : vector<16xi32>
        %gather3A_660 = tpu.vector_load_idx %arg19[%add3A_529, %add3A_659] : memref<128x128xf32, #tpu.memory_space<vmem>>[vector<16xi32>, vector<16xi32>], vector<16xf32>,
        %add3A_661 = arith.constant 28 : i32
        %add3A_662 = vector.broadcast %add3A_661 : i32 to vector<16xi32>
        %add3A_663 = arith.addi %mul3A_539, %add3A_662 : vector<16xi32>
        %gather3A_664 = tpu.vector_load_idx %arg19[%add3A_529, %add3A_663] : memref<128x128xf32, #tpu.memory_space<vmem>>[vector<16xi32>, vector<16xi32>], vector<16xf32>,
        %add3A_665 = arith.constant 29 : i32
        %add3A_666 = vector.broadcast %add3A_665 : i32 to vector<16xi32>
        %add3A_667 = arith.addi %mul3A_539, %add3A_666 : vector<16xi32>
        %gather3A_668 = tpu.vector_load_idx %arg19[%add3A_529, %add3A_667] : memref<128x128xf32, #tpu.memory_space<vmem>>[vector<16xi32>, vector<16xi32>], vector<16xf32>,
        %add3A_669 = arith.constant 30 : i32
        %add3A_670 = vector.broadcast %add3A_669 : i32 to vector<16xi32>
        %add3A_671 = arith.addi %mul3A_539, %add3A_670 : vector<16xi32>
        %gather3A_672 = tpu.vector_load_idx %arg19[%add3A_529, %add3A_671] : memref<128x128xf32, #tpu.memory_space<vmem>>[vector<16xi32>, vector<16xi32>], vector<16xf32>,
        %add3A_673 = arith.constant 31 : i32
        %add3A_674 = vector.broadcast %add3A_673 : i32 to vector<16xi32>
        %add3A_675 = arith.addi %mul3A_539, %add3A_674 : vector<16xi32>
        %gather3A_676 = tpu.vector_load_idx %arg19[%add3A_529, %add3A_675] : memref<128x128xf32, #tpu.memory_space<vmem>>[vector<16xi32>, vector<16xi32>], vector<16xf32>,
        %add3A_677 = arith.constant 0 : i32
        %add3A_678 = vector.broadcast %add3A_677 : i32 to vector<16xi32>
        %add3A_679 = arith.addi %mul3A_549, %add3A_678 : vector<16xi32>
        %gather3A_680 = tpu.vector_load_idx %arg21[%add3A_529, %add3A_679] : memref<128x128xf32, #tpu.memory_space<vmem>>[vector<16xi32>, vector<16xi32>], vector<16xf32>,
        %add3A_681 = arith.constant 1 : i32
        %add3A_682 = vector.broadcast %add3A_681 : i32 to vector<16xi32>
        %add3A_683 = arith.addi %mul3A_549, %add3A_682 : vector<16xi32>
        %gather3A_684 = tpu.vector_load_idx %arg21[%add3A_529, %add3A_683] : memref<128x128xf32, #tpu.memory_space<vmem>>[vector<16xi32>, vector<16xi32>], vector<16xf32>,
        %add3A_685 = arith.constant 2 : i32
        %add3A_686 = vector.broadcast %add3A_685 : i32 to vector<16xi32>
        %add3A_687 = arith.addi %mul3A_549, %add3A_686 : vector<16xi32>
        %gather3A_688 = tpu.vector_load_idx %arg21[%add3A_529, %add3A_687] : memref<128x128xf32, #tpu.memory_space<vmem>>[vector<16xi32>, vector<16xi32>], vector<16xf32>,
        %add3A_689 = arith.constant 3 : i32
        %add3A_690 = vector.broadcast %add3A_689 : i32 to vector<16xi32>
        %add3A_691 = arith.addi %mul3A_549, %add3A_690 : vector<16xi32>
        %gather3A_692 = tpu.vector_load_idx %arg21[%add3A_529, %add3A_691] : memref<128x128xf32, #tpu.memory_space<vmem>>[vector<16xi32>, vector<16xi32>], vector<16xf32>,
        %add3A_693 = arith.constant 4 : i32
        %add3A_694 = vector.broadcast %add3A_693 : i32 to vector<16xi32>
        %add3A_695 = arith.addi %mul3A_549, %add3A_694 : vector<16xi32>
        %gather3A_696 = tpu.vector_load_idx %arg21[%add3A_529, %add3A_695] : memref<128x128xf32, #tpu.memory_space<vmem>>[vector<16xi32>, vector<16xi32>], vector<16xf32>,
        %add3A_697 = arith.constant 5 : i32
        %add3A_698 = vector.broadcast %add3A_697 : i32 to vector<16xi32>
        %add3A_699 = arith.addi %mul3A_549, %add3A_698 : vector<16xi32>
        %gather3A_700 = tpu.vector_load_idx %arg21[%add3A_529, %add3A_699] : memref<128x128xf32, #tpu.memory_space<vmem>>[vector<16xi32>, vector<16xi32>], vector<16xf32>,
        %add3A_701 = arith.constant 6 : i32
        %add3A_702 = vector.broadcast %add3A_701 : i32 to vector<16xi32>
        %add3A_703 = arith.addi %mul3A_549, %add3A_702 : vector<16xi32>
        %gather3A_704 = tpu.vector_load_idx %arg21[%add3A_529, %add3A_703] : memref<128x128xf32, #tpu.memory_space<vmem>>[vector<16xi32>, vector<16xi32>], vector<16xf32>,
        %add3A_705 = arith.constant 7 : i32
        %add3A_706 = vector.broadcast %add3A_705 : i32 to vector<16xi32>
        %add3A_707 = arith.addi %mul3A_549, %add3A_706 : vector<16xi32>
        %gather3A_708 = tpu.vector_load_idx %arg21[%add3A_529, %add3A_707] : memref<128x128xf32, #tpu.memory_space<vmem>>[vector<16xi32>, vector<16xi32>], vector<16xf32>,
        %add3A_709 = arith.constant 8 : i32
        %add3A_710 = vector.broadcast %add3A_709 : i32 to vector<16xi32>
        %add3A_711 = arith.addi %mul3A_549, %add3A_710 : vector<16xi32>
        %gather3A_712 = tpu.vector_load_idx %arg21[%add3A_529, %add3A_711] : memref<128x128xf32, #tpu.memory_space<vmem>>[vector<16xi32>, vector<16xi32>], vector<16xf32>,
        %add3A_713 = arith.constant 9 : i32
        %add3A_714 = vector.broadcast %add3A_713 : i32 to vector<16xi32>
        %add3A_715 = arith.addi %mul3A_549, %add3A_714 : vector<16xi32>
        %gather3A_716 = tpu.vector_load_idx %arg21[%add3A_529, %add3A_715] : memref<128x128xf32, #tpu.memory_space<vmem>>[vector<16xi32>, vector<16xi32>], vector<16xf32>,
        %add3A_717 = arith.constant 10 : i32
        %add3A_718 = vector.broadcast %add3A_717 : i32 to vector<16xi32>
        %add3A_719 = arith.addi %mul3A_549, %add3A_718 : vector<16xi32>
        %gather3A_720 = tpu.vector_load_idx %arg21[%add3A_529, %add3A_719] : memref<128x128xf32, #tpu.memory_space<vmem>>[vector<16xi32>, vector<16xi32>], vector<16xf32>,
        %add3A_721 = arith.constant 11 : i32
        %add3A_722 = vector.broadcast %add3A_721 : i32 to vector<16xi32>
        %add3A_723 = arith.addi %mul3A_549, %add3A_722 : vector<16xi32>
        %gather3A_724 = tpu.vector_load_idx %arg21[%add3A_529, %add3A_723] : memref<128x128xf32, #tpu.memory_space<vmem>>[vector<16xi32>, vector<16xi32>], vector<16xf32>,
        %add3A_725 = arith.constant 12 : i32
        %add3A_726 = vector.broadcast %add3A_725 : i32 to vector<16xi32>
        %add3A_727 = arith.addi %mul3A_549, %add3A_726 : vector<16xi32>
        %gather3A_728 = tpu.vector_load_idx %arg21[%add3A_529, %add3A_727] : memref<128x128xf32, #tpu.memory_space<vmem>>[vector<16xi32>, vector<16xi32>], vector<16xf32>,
        %add3A_729 = arith.constant 13 : i32
        %add3A_730 = vector.broadcast %add3A_729 : i32 to vector<16xi32>
        %add3A_731 = arith.addi %mul3A_549, %add3A_730 : vector<16xi32>
        %gather3A_732 = tpu.vector_load_idx %arg21[%add3A_529, %add3A_731] : memref<128x128xf32, #tpu.memory_space<vmem>>[vector<16xi32>, vector<16xi32>], vector<16xf32>,
        %add3A_733 = arith.constant 14 : i32
        %add3A_734 = vector.broadcast %add3A_733 : i32 to vector<16xi32>
        %add3A_735 = arith.addi %mul3A_549, %add3A_734 : vector<16xi32>
        %gather3A_736 = tpu.vector_load_idx %arg21[%add3A_529, %add3A_735] : memref<128x128xf32, #tpu.memory_space<vmem>>[vector<16xi32>, vector<16xi32>], vector<16xf32>,
        %add3A_737 = arith.constant 15 : i32
        %add3A_738 = vector.broadcast %add3A_737 : i32 to vector<16xi32>
        %add3A_739 = arith.addi %mul3A_549, %add3A_738 : vector<16xi32>
        %gather3A_740 = tpu.vector_load_idx %arg21[%add3A_529, %add3A_739] : memref<128x128xf32, #tpu.memory_space<vmem>>[vector<16xi32>, vector<16xi32>], vector<16xf32>,
        %add3A_741 = arith.constant 16 : i32
        %add3A_742 = vector.broadcast %add3A_741 : i32 to vector<16xi32>
        %add3A_743 = arith.addi %mul3A_549, %add3A_742 : vector<16xi32>
        %gather3A_744 = tpu.vector_load_idx %arg21[%add3A_529, %add3A_743] : memref<128x128xf32, #tpu.memory_space<vmem>>[vector<16xi32>, vector<16xi32>], vector<16xf32>,
        %add3A_745 = arith.constant 17 : i32
        %add3A_746 = vector.broadcast %add3A_745 : i32 to vector<16xi32>
        %add3A_747 = arith.addi %mul3A_549, %add3A_746 : vector<16xi32>
        %gather3A_748 = tpu.vector_load_idx %arg21[%add3A_529, %add3A_747] : memref<128x128xf32, #tpu.memory_space<vmem>>[vector<16xi32>, vector<16xi32>], vector<16xf32>,
        %add3A_749 = arith.constant 18 : i32
        %add3A_750 = vector.broadcast %add3A_749 : i32 to vector<16xi32>
        %add3A_751 = arith.addi %mul3A_549, %add3A_750 : vector<16xi32>
        %gather3A_752 = tpu.vector_load_idx %arg21[%add3A_529, %add3A_751] : memref<128x128xf32, #tpu.memory_space<vmem>>[vector<16xi32>, vector<16xi32>], vector<16xf32>,
        %add3A_753 = arith.constant 19 : i32
        %add3A_754 = vector.broadcast %add3A_753 : i32 to vector<16xi32>
        %add3A_755 = arith.addi %mul3A_549, %add3A_754 : vector<16xi32>
        %gather3A_756 = tpu.vector_load_idx %arg21[%add3A_529, %add3A_755] : memref<128x128xf32, #tpu.memory_space<vmem>>[vector<16xi32>, vector<16xi32>], vector<16xf32>,
        %add3A_757 = arith.constant 20 : i32
        %add3A_758 = vector.broadcast %add3A_757 : i32 to vector<16xi32>
        %add3A_759 = arith.addi %mul3A_549, %add3A_758 : vector<16xi32>
        %gather3A_760 = tpu.vector_load_idx %arg21[%add3A_529, %add3A_759] : memref<128x128xf32, #tpu.memory_space<vmem>>[vector<16xi32>, vector<16xi32>], vector<16xf32>,
        %add3A_761 = arith.constant 21 : i32
        %add3A_762 = vector.broadcast %add3A_761 : i32 to vector<16xi32>
        %add3A_763 = arith.addi %mul3A_549, %add3A_762 : vector<16xi32>
        %gather3A_764 = tpu.vector_load_idx %arg21[%add3A_529, %add3A_763] : memref<128x128xf32, #tpu.memory_space<vmem>>[vector<16xi32>, vector<16xi32>], vector<16xf32>,
        %add3A_765 = arith.constant 22 : i32
        %add3A_766 = vector.broadcast %add3A_765 : i32 to vector<16xi32>
        %add3A_767 = arith.addi %mul3A_549, %add3A_766 : vector<16xi32>
        %gather3A_768 = tpu.vector_load_idx %arg21[%add3A_529, %add3A_767] : memref<128x128xf32, #tpu.memory_space<vmem>>[vector<16xi32>, vector<16xi32>], vector<16xf32>,
        %add3A_769 = arith.constant 23 : i32
        %add3A_770 = vector.broadcast %add3A_769 : i32 to vector<16xi32>
        %add3A_771 = arith.addi %mul3A_549, %add3A_770 : vector<16xi32>
        %gather3A_772 = tpu.vector_load_idx %arg21[%add3A_529, %add3A_771] : memref<128x128xf32, #tpu.memory_space<vmem>>[vector<16xi32>, vector<16xi32>], vector<16xf32>,
        %add3A_773 = arith.constant 24 : i32
        %add3A_774 = vector.broadcast %add3A_773 : i32 to vector<16xi32>
        %add3A_775 = arith.addi %mul3A_549, %add3A_774 : vector<16xi32>
        %gather3A_776 = tpu.vector_load_idx %arg21[%add3A_529, %add3A_775] : memref<128x128xf32, #tpu.memory_space<vmem>>[vector<16xi32>, vector<16xi32>], vector<16xf32>,
        %add3A_777 = arith.constant 25 : i32
        %add3A_778 = vector.broadcast %add3A_777 : i32 to vector<16xi32>
        %add3A_779 = arith.addi %mul3A_549, %add3A_778 : vector<16xi32>
        %gather3A_780 = tpu.vector_load_idx %arg21[%add3A_529, %add3A_779] : memref<128x128xf32, #tpu.memory_space<vmem>>[vector<16xi32>, vector<16xi32>], vector<16xf32>,
        %add3A_781 = arith.constant 26 : i32
        %add3A_782 = vector.broadcast %add3A_781 : i32 to vector<16xi32>
        %add3A_783 = arith.addi %mul3A_549, %add3A_782 : vector<16xi32>
        %gather3A_784 = tpu.vector_load_idx %arg21[%add3A_529, %add3A_783] : memref<128x128xf32, #tpu.memory_space<vmem>>[vector<16xi32>, vector<16xi32>], vector<16xf32>,
        %add3A_785 = arith.constant 27 : i32
        %add3A_786 = vector.broadcast %add3A_785 : i32 to vector<16xi32>
        %add3A_787 = arith.addi %mul3A_549, %add3A_786 : vector<16xi32>
        %gather3A_788 = tpu.vector_load_idx %arg21[%add3A_529, %add3A_787] : memref<128x128xf32, #tpu.memory_space<vmem>>[vector<16xi32>, vector<16xi32>], vector<16xf32>,
        %add3A_789 = arith.constant 28 : i32
        %add3A_790 = vector.broadcast %add3A_789 : i32 to vector<16xi32>
        %add3A_791 = arith.addi %mul3A_549, %add3A_790 : vector<16xi32>
        %gather3A_792 = tpu.vector_load_idx %arg21[%add3A_529, %add3A_791] : memref<128x128xf32, #tpu.memory_space<vmem>>[vector<16xi32>, vector<16xi32>], vector<16xf32>,
        %add3A_793 = arith.constant 29 : i32
        %add3A_794 = vector.broadcast %add3A_793 : i32 to vector<16xi32>
        %add3A_795 = arith.addi %mul3A_549, %add3A_794 : vector<16xi32>
        %gather3A_796 = tpu.vector_load_idx %arg21[%add3A_529, %add3A_795] : memref<128x128xf32, #tpu.memory_space<vmem>>[vector<16xi32>, vector<16xi32>], vector<16xf32>,
        %add3A_797 = arith.constant 30 : i32
        %add3A_798 = vector.broadcast %add3A_797 : i32 to vector<16xi32>
        %add3A_799 = arith.addi %mul3A_549, %add3A_798 : vector<16xi32>
        %gather3A_800 = tpu.vector_load_idx %arg21[%add3A_529, %add3A_799] : memref<128x128xf32, #tpu.memory_space<vmem>>[vector<16xi32>, vector<16xi32>], vector<16xf32>,
        %add3A_801 = arith.constant 31 : i32
        %add3A_802 = vector.broadcast %add3A_801 : i32 to vector<16xi32>
        %add3A_803 = arith.addi %mul3A_549, %add3A_802 : vector<16xi32>
        %gather3A_804 = tpu.vector_load_idx %arg21[%add3A_529, %add3A_803] : memref<128x128xf32, #tpu.memory_space<vmem>>[vector<16xi32>, vector<16xi32>], vector<16xf32>,
        %mul3A_805 = arith.constant 16 : i32
        %mul3A_806 = arith.muli %scan3A_525, %mul3A_805 : i32
        %swap3A_807 = arith.constant 0 : i32
        %swap3A_808 = arith.index_cast %swap3A_807 : i32 to index
        %swap3A_809 = arith.index_cast %mul3A_806 : i32 to index
        %swap3A_810 = tpu.vector_load %arg23[%swap3A_808, %swap3A_809] {strides = array<i32>} : memref<32x128xf32, #tpu.memory_space<vmem>>, vector<16xf32>,
        tpu.vector_store %arg23[%swap3A_808, %swap3A_809], %gather3A {strides = array<i32>} : memref<32x128xf32, #tpu.memory_space<vmem>>, vector<16xf32>,
        %mul3A_811 = arith.constant 16 : i32
        %mul3A_812 = arith.muli %scan3A_525, %mul3A_811 : i32
        %swap3A_813 = arith.constant 0 : i32
        %swap3A_814 = arith.index_cast %swap3A_813 : i32 to index
        %swap3A_815 = arith.index_cast %mul3A_812 : i32 to index
        %swap3A_816 = tpu.vector_load %arg25[%swap3A_814, %swap3A_815] {strides = array<i32>} : memref<32x128xf32, #tpu.memory_space<vmem>>, vector<16xf32>,
        tpu.vector_store %arg25[%swap3A_814, %swap3A_815], %gather3A_680 {strides = array<i32>} : memref<32x128xf32, #tpu.memory_space<vmem>>, vector<16xf32>,
        %mul3A_817 = arith.constant 16 : i32
        %mul3A_818 = arith.muli %scan3A_525, %mul3A_817 : i32
        %swap3A_819 = arith.constant 1 : i32
        %swap3A_820 = arith.index_cast %swap3A_819 : i32 to index
        %swap3A_821 = arith.index_cast %mul3A_818 : i32 to index
        %swap3A_822 = tpu.vector_load %arg23[%swap3A_820, %swap3A_821] {strides = array<i32>} : memref<32x128xf32, #tpu.memory_space<vmem>>, vector<16xf32>,
        tpu.vector_store %arg23[%swap3A_820, %swap3A_821], %gather3A_556 {strides = array<i32>} : memref<32x128xf32, #tpu.memory_space<vmem>>, vector<16xf32>,
        %mul3A_823 = arith.constant 16 : i32
        %mul3A_824 = arith.muli %scan3A_525, %mul3A_823 : i32
        %swap3A_825 = arith.constant 1 : i32
        %swap3A_826 = arith.index_cast %swap3A_825 : i32 to index
        %swap3A_827 = arith.index_cast %mul3A_824 : i32 to index
        %swap3A_828 = tpu.vector_load %arg25[%swap3A_826, %swap3A_827] {strides = array<i32>} : memref<32x128xf32, #tpu.memory_space<vmem>>, vector<16xf32>,
        tpu.vector_store %arg25[%swap3A_826, %swap3A_827], %gather3A_684 {strides = array<i32>} : memref<32x128xf32, #tpu.memory_space<vmem>>, vector<16xf32>,
        %mul3A_829 = arith.constant 16 : i32
        %mul3A_830 = arith.muli %scan3A_525, %mul3A_829 : i32
        %swap3A_831 = arith.constant 2 : i32
        %swap3A_832 = arith.index_cast %swap3A_831 : i32 to index
        %swap3A_833 = arith.index_cast %mul3A_830 : i32 to index
        %swap3A_834 = tpu.vector_load %arg23[%swap3A_832, %swap3A_833] {strides = array<i32>} : memref<32x128xf32, #tpu.memory_space<vmem>>, vector<16xf32>,
        tpu.vector_store %arg23[%swap3A_832, %swap3A_833], %gather3A_560 {strides = array<i32>} : memref<32x128xf32, #tpu.memory_space<vmem>>, vector<16xf32>,
        %mul3A_835 = arith.constant 16 : i32
        %mul3A_836 = arith.muli %scan3A_525, %mul3A_835 : i32
        %swap3A_837 = arith.constant 2 : i32
        %swap3A_838 = arith.index_cast %swap3A_837 : i32 to index
        %swap3A_839 = arith.index_cast %mul3A_836 : i32 to index
        %swap3A_840 = tpu.vector_load %arg25[%swap3A_838, %swap3A_839] {strides = array<i32>} : memref<32x128xf32, #tpu.memory_space<vmem>>, vector<16xf32>,
        tpu.vector_store %arg25[%swap3A_838, %swap3A_839], %gather3A_688 {strides = array<i32>} : memref<32x128xf32, #tpu.memory_space<vmem>>, vector<16xf32>,
        %mul3A_841 = arith.constant 16 : i32
        %mul3A_842 = arith.muli %scan3A_525, %mul3A_841 : i32
        %swap3A_843 = arith.constant 3 : i32
        %swap3A_844 = arith.index_cast %swap3A_843 : i32 to index
        %swap3A_845 = arith.index_cast %mul3A_842 : i32 to index
        %swap3A_846 = tpu.vector_load %arg23[%swap3A_844, %swap3A_845] {strides = array<i32>} : memref<32x128xf32, #tpu.memory_space<vmem>>, vector<16xf32>,
        tpu.vector_store %arg23[%swap3A_844, %swap3A_845], %gather3A_564 {strides = array<i32>} : memref<32x128xf32, #tpu.memory_space<vmem>>, vector<16xf32>,
        %mul3A_847 = arith.constant 16 : i32
        %mul3A_848 = arith.muli %scan3A_525, %mul3A_847 : i32
        %swap3A_849 = arith.constant 3 : i32
        %swap3A_850 = arith.index_cast %swap3A_849 : i32 to index
        %swap3A_851 = arith.index_cast %mul3A_848 : i32 to index
        %swap3A_852 = tpu.vector_load %arg25[%swap3A_850, %swap3A_851] {strides = array<i32>} : memref<32x128xf32, #tpu.memory_space<vmem>>, vector<16xf32>,
        tpu.vector_store %arg25[%swap3A_850, %swap3A_851], %gather3A_692 {strides = array<i32>} : memref<32x128xf32, #tpu.memory_space<vmem>>, vector<16xf32>,
        %mul3A_853 = arith.constant 16 : i32
        %mul3A_854 = arith.muli %scan3A_525, %mul3A_853 : i32
        %swap3A_855 = arith.constant 4 : i32
        %swap3A_856 = arith.index_cast %swap3A_855 : i32 to index
        %swap3A_857 = arith.index_cast %mul3A_854 : i32 to index
        %swap3A_858 = tpu.vector_load %arg23[%swap3A_856, %swap3A_857] {strides = array<i32>} : memref<32x128xf32, #tpu.memory_space<vmem>>, vector<16xf32>,
        tpu.vector_store %arg23[%swap3A_856, %swap3A_857], %gather3A_568 {strides = array<i32>} : memref<32x128xf32, #tpu.memory_space<vmem>>, vector<16xf32>,
        %mul3A_859 = arith.constant 16 : i32
        %mul3A_860 = arith.muli %scan3A_525, %mul3A_859 : i32
        %swap3A_861 = arith.constant 4 : i32
        %swap3A_862 = arith.index_cast %swap3A_861 : i32 to index
        %swap3A_863 = arith.index_cast %mul3A_860 : i32 to index
        %swap3A_864 = tpu.vector_load %arg25[%swap3A_862, %swap3A_863] {strides = array<i32>} : memref<32x128xf32, #tpu.memory_space<vmem>>, vector<16xf32>,
        tpu.vector_store %arg25[%swap3A_862, %swap3A_863], %gather3A_696 {strides = array<i32>} : memref<32x128xf32, #tpu.memory_space<vmem>>, vector<16xf32>,
        %mul3A_865 = arith.constant 16 : i32
        %mul3A_866 = arith.muli %scan3A_525, %mul3A_865 : i32
        %swap3A_867 = arith.constant 5 : i32
        %swap3A_868 = arith.index_cast %swap3A_867 : i32 to index
        %swap3A_869 = arith.index_cast %mul3A_866 : i32 to index
        %swap3A_870 = tpu.vector_load %arg23[%swap3A_868, %swap3A_869] {strides = array<i32>} : memref<32x128xf32, #tpu.memory_space<vmem>>, vector<16xf32>,
        tpu.vector_store %arg23[%swap3A_868, %swap3A_869], %gather3A_572 {strides = array<i32>} : memref<32x128xf32, #tpu.memory_space<vmem>>, vector<16xf32>,
        %mul3A_871 = arith.constant 16 : i32
        %mul3A_872 = arith.muli %scan3A_525, %mul3A_871 : i32
        %swap3A_873 = arith.constant 5 : i32
        %swap3A_874 = arith.index_cast %swap3A_873 : i32 to index
        %swap3A_875 = arith.index_cast %mul3A_872 : i32 to index
        %swap3A_876 = tpu.vector_load %arg25[%swap3A_874, %swap3A_875] {strides = array<i32>} : memref<32x128xf32, #tpu.memory_space<vmem>>, vector<16xf32>,
        tpu.vector_store %arg25[%swap3A_874, %swap3A_875], %gather3A_700 {strides = array<i32>} : memref<32x128xf32, #tpu.memory_space<vmem>>, vector<16xf32>,
        %mul3A_877 = arith.constant 16 : i32
        %mul3A_878 = arith.muli %scan3A_525, %mul3A_877 : i32
        %swap3A_879 = arith.constant 6 : i32
        %swap3A_880 = arith.index_cast %swap3A_879 : i32 to index
        %swap3A_881 = arith.index_cast %mul3A_878 : i32 to index
        %swap3A_882 = tpu.vector_load %arg23[%swap3A_880, %swap3A_881] {strides = array<i32>} : memref<32x128xf32, #tpu.memory_space<vmem>>, vector<16xf32>,
        tpu.vector_store %arg23[%swap3A_880, %swap3A_881], %gather3A_576 {strides = array<i32>} : memref<32x128xf32, #tpu.memory_space<vmem>>, vector<16xf32>,
        %mul3A_883 = arith.constant 16 : i32
        %mul3A_884 = arith.muli %scan3A_525, %mul3A_883 : i32
        %swap3A_885 = arith.constant 6 : i32
        %swap3A_886 = arith.index_cast %swap3A_885 : i32 to index
        %swap3A_887 = arith.index_cast %mul3A_884 : i32 to index
        %swap3A_888 = tpu.vector_load %arg25[%swap3A_886, %swap3A_887] {strides = array<i32>} : memref<32x128xf32, #tpu.memory_space<vmem>>, vector<16xf32>,
        tpu.vector_store %arg25[%swap3A_886, %swap3A_887], %gather3A_704 {strides = array<i32>} : memref<32x128xf32, #tpu.memory_space<vmem>>, vector<16xf32>,
        %mul3A_889 = arith.constant 16 : i32
        %mul3A_890 = arith.muli %scan3A_525, %mul3A_889 : i32
        %swap3A_891 = arith.constant 7 : i32
        %swap3A_892 = arith.index_cast %swap3A_891 : i32 to index
        %swap3A_893 = arith.index_cast %mul3A_890 : i32 to index
        %swap3A_894 = tpu.vector_load %arg23[%swap3A_892, %swap3A_893] {strides = array<i32>} : memref<32x128xf32, #tpu.memory_space<vmem>>, vector<16xf32>,
        tpu.vector_store %arg23[%swap3A_892, %swap3A_893], %gather3A_580 {strides = array<i32>} : memref<32x128xf32, #tpu.memory_space<vmem>>, vector<16xf32>,
        %mul3A_895 = arith.constant 16 : i32
        %mul3A_896 = arith.muli %scan3A_525, %mul3A_895 : i32
        %swap3A_897 = arith.constant 7 : i32
        %swap3A_898 = arith.index_cast %swap3A_897 : i32 to index
        %swap3A_899 = arith.index_cast %mul3A_896 : i32 to index
        %swap3A_900 = tpu.vector_load %arg25[%swap3A_898, %swap3A_899] {strides = array<i32>} : memref<32x128xf32, #tpu.memory_space<vmem>>, vector<16xf32>,
        tpu.vector_store %arg25[%swap3A_898, %swap3A_899], %gather3A_708 {strides = array<i32>} : memref<32x128xf32, #tpu.memory_space<vmem>>, vector<16xf32>,
        %mul3A_901 = arith.constant 16 : i32
        %mul3A_902 = arith.muli %scan3A_525, %mul3A_901 : i32
        %swap3A_903 = arith.constant 8 : i32
        %swap3A_904 = arith.index_cast %swap3A_903 : i32 to index
        %swap3A_905 = arith.index_cast %mul3A_902 : i32 to index
        %swap3A_906 = tpu.vector_load %arg23[%swap3A_904, %swap3A_905] {strides = array<i32>} : memref<32x128xf32, #tpu.memory_space<vmem>>, vector<16xf32>,
        tpu.vector_store %arg23[%swap3A_904, %swap3A_905], %gather3A_584 {strides = array<i32>} : memref<32x128xf32, #tpu.memory_space<vmem>>, vector<16xf32>,
        %mul3A_907 = arith.constant 16 : i32
        %mul3A_908 = arith.muli %scan3A_525, %mul3A_907 : i32
        %swap3A_909 = arith.constant 8 : i32
        %swap3A_910 = arith.index_cast %swap3A_909 : i32 to index
        %swap3A_911 = arith.index_cast %mul3A_908 : i32 to index
        %swap3A_912 = tpu.vector_load %arg25[%swap3A_910, %swap3A_911] {strides = array<i32>} : memref<32x128xf32, #tpu.memory_space<vmem>>, vector<16xf32>,
        tpu.vector_store %arg25[%swap3A_910, %swap3A_911], %gather3A_712 {strides = array<i32>} : memref<32x128xf32, #tpu.memory_space<vmem>>, vector<16xf32>,
        %mul3A_913 = arith.constant 16 : i32
        %mul3A_914 = arith.muli %scan3A_525, %mul3A_913 : i32
        %swap3A_915 = arith.constant 9 : i32
        %swap3A_916 = arith.index_cast %swap3A_915 : i32 to index
        %swap3A_917 = arith.index_cast %mul3A_914 : i32 to index
        %swap3A_918 = tpu.vector_load %arg23[%swap3A_916, %swap3A_917] {strides = array<i32>} : memref<32x128xf32, #tpu.memory_space<vmem>>, vector<16xf32>,
        tpu.vector_store %arg23[%swap3A_916, %swap3A_917], %gather3A_588 {strides = array<i32>} : memref<32x128xf32, #tpu.memory_space<vmem>>, vector<16xf32>,
        %mul3A_919 = arith.constant 16 : i32
        %mul3A_920 = arith.muli %scan3A_525, %mul3A_919 : i32
        %swap3A_921 = arith.constant 9 : i32
        %swap3A_922 = arith.index_cast %swap3A_921 : i32 to index
        %swap3A_923 = arith.index_cast %mul3A_920 : i32 to index
        %swap3A_924 = tpu.vector_load %arg25[%swap3A_922, %swap3A_923] {strides = array<i32>} : memref<32x128xf32, #tpu.memory_space<vmem>>, vector<16xf32>,
        tpu.vector_store %arg25[%swap3A_922, %swap3A_923], %gather3A_716 {strides = array<i32>} : memref<32x128xf32, #tpu.memory_space<vmem>>, vector<16xf32>,
        %mul3A_925 = arith.constant 16 : i32
        %mul3A_926 = arith.muli %scan3A_525, %mul3A_925 : i32
        %swap3A_927 = arith.constant 10 : i32
        %swap3A_928 = arith.index_cast %swap3A_927 : i32 to index
        %swap3A_929 = arith.index_cast %mul3A_926 : i32 to index
        %swap3A_930 = tpu.vector_load %arg23[%swap3A_928, %swap3A_929] {strides = array<i32>} : memref<32x128xf32, #tpu.memory_space<vmem>>, vector<16xf32>,
        tpu.vector_store %arg23[%swap3A_928, %swap3A_929], %gather3A_592 {strides = array<i32>} : memref<32x128xf32, #tpu.memory_space<vmem>>, vector<16xf32>,
        %mul3A_931 = arith.constant 16 : i32
        %mul3A_932 = arith.muli %scan3A_525, %mul3A_931 : i32
        %swap3A_933 = arith.constant 10 : i32
        %swap3A_934 = arith.index_cast %swap3A_933 : i32 to index
        %swap3A_935 = arith.index_cast %mul3A_932 : i32 to index
        %swap3A_936 = tpu.vector_load %arg25[%swap3A_934, %swap3A_935] {strides = array<i32>} : memref<32x128xf32, #tpu.memory_space<vmem>>, vector<16xf32>,
        tpu.vector_store %arg25[%swap3A_934, %swap3A_935], %gather3A_720 {strides = array<i32>} : memref<32x128xf32, #tpu.memory_space<vmem>>, vector<16xf32>,
        %mul3A_937 = arith.constant 16 : i32
        %mul3A_938 = arith.muli %scan3A_525, %mul3A_937 : i32
        %swap3A_939 = arith.constant 11 : i32
        %swap3A_940 = arith.index_cast %swap3A_939 : i32 to index
        %swap3A_941 = arith.index_cast %mul3A_938 : i32 to index
        %swap3A_942 = tpu.vector_load %arg23[%swap3A_940, %swap3A_941] {strides = array<i32>} : memref<32x128xf32, #tpu.memory_space<vmem>>, vector<16xf32>,
        tpu.vector_store %arg23[%swap3A_940, %swap3A_941], %gather3A_596 {strides = array<i32>} : memref<32x128xf32, #tpu.memory_space<vmem>>, vector<16xf32>,
        %mul3A_943 = arith.constant 16 : i32
        %mul3A_944 = arith.muli %scan3A_525, %mul3A_943 : i32
        %swap3A_945 = arith.constant 11 : i32
        %swap3A_946 = arith.index_cast %swap3A_945 : i32 to index
        %swap3A_947 = arith.index_cast %mul3A_944 : i32 to index
        %swap3A_948 = tpu.vector_load %arg25[%swap3A_946, %swap3A_947] {strides = array<i32>} : memref<32x128xf32, #tpu.memory_space<vmem>>, vector<16xf32>,
        tpu.vector_store %arg25[%swap3A_946, %swap3A_947], %gather3A_724 {strides = array<i32>} : memref<32x128xf32, #tpu.memory_space<vmem>>, vector<16xf32>,
        %mul3A_949 = arith.constant 16 : i32
        %mul3A_950 = arith.muli %scan3A_525, %mul3A_949 : i32
        %swap3A_951 = arith.constant 12 : i32
        %swap3A_952 = arith.index_cast %swap3A_951 : i32 to index
        %swap3A_953 = arith.index_cast %mul3A_950 : i32 to index
        %swap3A_954 = tpu.vector_load %arg23[%swap3A_952, %swap3A_953] {strides = array<i32>} : memref<32x128xf32, #tpu.memory_space<vmem>>, vector<16xf32>,
        tpu.vector_store %arg23[%swap3A_952, %swap3A_953], %gather3A_600 {strides = array<i32>} : memref<32x128xf32, #tpu.memory_space<vmem>>, vector<16xf32>,
        %mul3A_955 = arith.constant 16 : i32
        %mul3A_956 = arith.muli %scan3A_525, %mul3A_955 : i32
        %swap3A_957 = arith.constant 12 : i32
        %swap3A_958 = arith.index_cast %swap3A_957 : i32 to index
        %swap3A_959 = arith.index_cast %mul3A_956 : i32 to index
        %swap3A_960 = tpu.vector_load %arg25[%swap3A_958, %swap3A_959] {strides = array<i32>} : memref<32x128xf32, #tpu.memory_space<vmem>>, vector<16xf32>,
        tpu.vector_store %arg25[%swap3A_958, %swap3A_959], %gather3A_728 {strides = array<i32>} : memref<32x128xf32, #tpu.memory_space<vmem>>, vector<16xf32>,
        %mul3A_961 = arith.constant 16 : i32
        %mul3A_962 = arith.muli %scan3A_525, %mul3A_961 : i32
        %swap3A_963 = arith.constant 13 : i32
        %swap3A_964 = arith.index_cast %swap3A_963 : i32 to index
        %swap3A_965 = arith.index_cast %mul3A_962 : i32 to index
        %swap3A_966 = tpu.vector_load %arg23[%swap3A_964, %swap3A_965] {strides = array<i32>} : memref<32x128xf32, #tpu.memory_space<vmem>>, vector<16xf32>,
        tpu.vector_store %arg23[%swap3A_964, %swap3A_965], %gather3A_604 {strides = array<i32>} : memref<32x128xf32, #tpu.memory_space<vmem>>, vector<16xf32>,
        %mul3A_967 = arith.constant 16 : i32
        %mul3A_968 = arith.muli %scan3A_525, %mul3A_967 : i32
        %swap3A_969 = arith.constant 13 : i32
        %swap3A_970 = arith.index_cast %swap3A_969 : i32 to index
        %swap3A_971 = arith.index_cast %mul3A_968 : i32 to index
        %swap3A_972 = tpu.vector_load %arg25[%swap3A_970, %swap3A_971] {strides = array<i32>} : memref<32x128xf32, #tpu.memory_space<vmem>>, vector<16xf32>,
        tpu.vector_store %arg25[%swap3A_970, %swap3A_971], %gather3A_732 {strides = array<i32>} : memref<32x128xf32, #tpu.memory_space<vmem>>, vector<16xf32>,
        %mul3A_973 = arith.constant 16 : i32
        %mul3A_974 = arith.muli %scan3A_525, %mul3A_973 : i32
        %swap3A_975 = arith.constant 14 : i32
        %swap3A_976 = arith.index_cast %swap3A_975 : i32 to index
        %swap3A_977 = arith.index_cast %mul3A_974 : i32 to index
        %swap3A_978 = tpu.vector_load %arg23[%swap3A_976, %swap3A_977] {strides = array<i32>} : memref<32x128xf32, #tpu.memory_space<vmem>>, vector<16xf32>,
        tpu.vector_store %arg23[%swap3A_976, %swap3A_977], %gather3A_608 {strides = array<i32>} : memref<32x128xf32, #tpu.memory_space<vmem>>, vector<16xf32>,
        %mul3A_979 = arith.constant 16 : i32
        %mul3A_980 = arith.muli %scan3A_525, %mul3A_979 : i32
        %swap3A_981 = arith.constant 14 : i32
        %swap3A_982 = arith.index_cast %swap3A_981 : i32 to index
        %swap3A_983 = arith.index_cast %mul3A_980 : i32 to index
        %swap3A_984 = tpu.vector_load %arg25[%swap3A_982, %swap3A_983] {strides = array<i32>} : memref<32x128xf32, #tpu.memory_space<vmem>>, vector<16xf32>,
        tpu.vector_store %arg25[%swap3A_982, %swap3A_983], %gather3A_736 {strides = array<i32>} : memref<32x128xf32, #tpu.memory_space<vmem>>, vector<16xf32>,
        %mul3A_985 = arith.constant 16 : i32
        %mul3A_986 = arith.muli %scan3A_525, %mul3A_985 : i32
        %swap3A_987 = arith.constant 15 : i32
        %swap3A_988 = arith.index_cast %swap3A_987 : i32 to index
        %swap3A_989 = arith.index_cast %mul3A_986 : i32 to index
        %swap3A_990 = tpu.vector_load %arg23[%swap3A_988, %swap3A_989] {strides = array<i32>} : memref<32x128xf32, #tpu.memory_space<vmem>>, vector<16xf32>,
        tpu.vector_store %arg23[%swap3A_988, %swap3A_989], %gather3A_612 {strides = array<i32>} : memref<32x128xf32, #tpu.memory_space<vmem>>, vector<16xf32>,
        %mul3A_991 = arith.constant 16 : i32
        %mul3A_992 = arith.muli %scan3A_525, %mul3A_991 : i32
        %swap3A_993 = arith.constant 15 : i32
        %swap3A_994 = arith.index_cast %swap3A_993 : i32 to index
        %swap3A_995 = arith.index_cast %mul3A_992 : i32 to index
        %swap3A_996 = tpu.vector_load %arg25[%swap3A_994, %swap3A_995] {strides = array<i32>} : memref<32x128xf32, #tpu.memory_space<vmem>>, vector<16xf32>,
        tpu.vector_store %arg25[%swap3A_994, %swap3A_995], %gather3A_740 {strides = array<i32>} : memref<32x128xf32, #tpu.memory_space<vmem>>, vector<16xf32>,
        %mul3A_997 = arith.constant 16 : i32
        %mul3A_998 = arith.muli %scan3A_525, %mul3A_997 : i32
        %swap3A_999 = arith.constant 16 : i32
        %swap3A_1000 = arith.index_cast %swap3A_999 : i32 to index
        %swap3A_1001 = arith.index_cast %mul3A_998 : i32 to index
        %swap3A_1002 = tpu.vector_load %arg23[%swap3A_1000, %swap3A_1001] {strides = array<i32>} : memref<32x128xf32, #tpu.memory_space<vmem>>, vector<16xf32>,
        tpu.vector_store %arg23[%swap3A_1000, %swap3A_1001], %gather3A_616 {strides = array<i32>} : memref<32x128xf32, #tpu.memory_space<vmem>>, vector<16xf32>,
        %mul3A_1003 = arith.constant 16 : i32
        %mul3A_1004 = arith.muli %scan3A_525, %mul3A_1003 : i32
        %swap3A_1005 = arith.constant 16 : i32
        %swap3A_1006 = arith.index_cast %swap3A_1005 : i32 to index
        %swap3A_1007 = arith.index_cast %mul3A_1004 : i32 to index
        %swap3A_1008 = tpu.vector_load %arg25[%swap3A_1006, %swap3A_1007] {strides = array<i32>} : memref<32x128xf32, #tpu.memory_space<vmem>>, vector<16xf32>,
        tpu.vector_store %arg25[%swap3A_1006, %swap3A_1007], %gather3A_744 {strides = array<i32>} : memref<32x128xf32, #tpu.memory_space<vmem>>, vector<16xf32>,
        %mul3A_1009 = arith.constant 16 : i32
        %mul3A_1010 = arith.muli %scan3A_525, %mul3A_1009 : i32
        %swap3A_1011 = arith.constant 17 : i32
        %swap3A_1012 = arith.index_cast %swap3A_1011 : i32 to index
        %swap3A_1013 = arith.index_cast %mul3A_1010 : i32 to index
        %swap3A_1014 = tpu.vector_load %arg23[%swap3A_1012, %swap3A_1013] {strides = array<i32>} : memref<32x128xf32, #tpu.memory_space<vmem>>, vector<16xf32>,
        tpu.vector_store %arg23[%swap3A_1012, %swap3A_1013], %gather3A_620 {strides = array<i32>} : memref<32x128xf32, #tpu.memory_space<vmem>>, vector<16xf32>,
        %mul3A_1015 = arith.constant 16 : i32
        %mul3A_1016 = arith.muli %scan3A_525, %mul3A_1015 : i32
        %swap3A_1017 = arith.constant 17 : i32
        %swap3A_1018 = arith.index_cast %swap3A_1017 : i32 to index
        %swap3A_1019 = arith.index_cast %mul3A_1016 : i32 to index
        %swap3A_1020 = tpu.vector_load %arg25[%swap3A_1018, %swap3A_1019] {strides = array<i32>} : memref<32x128xf32, #tpu.memory_space<vmem>>, vector<16xf32>,
        tpu.vector_store %arg25[%swap3A_1018, %swap3A_1019], %gather3A_748 {strides = array<i32>} : memref<32x128xf32, #tpu.memory_space<vmem>>, vector<16xf32>,
        %mul3A_1021 = arith.constant 16 : i32
        %mul3A_1022 = arith.muli %scan3A_525, %mul3A_1021 : i32
        %swap3A_1023 = arith.constant 18 : i32
        %swap3A_1024 = arith.index_cast %swap3A_1023 : i32 to index
        %swap3A_1025 = arith.index_cast %mul3A_1022 : i32 to index
        %swap3A_1026 = tpu.vector_load %arg23[%swap3A_1024, %swap3A_1025] {strides = array<i32>} : memref<32x128xf32, #tpu.memory_space<vmem>>, vector<16xf32>,
        tpu.vector_store %arg23[%swap3A_1024, %swap3A_1025], %gather3A_624 {strides = array<i32>} : memref<32x128xf32, #tpu.memory_space<vmem>>, vector<16xf32>,
        %mul3A_1027 = arith.constant 16 : i32
        %mul3A_1028 = arith.muli %scan3A_525, %mul3A_1027 : i32
        %swap3A_1029 = arith.constant 18 : i32
        %swap3A_1030 = arith.index_cast %swap3A_1029 : i32 to index
        %swap3A_1031 = arith.index_cast %mul3A_1028 : i32 to index
        %swap3A_1032 = tpu.vector_load %arg25[%swap3A_1030, %swap3A_1031] {strides = array<i32>} : memref<32x128xf32, #tpu.memory_space<vmem>>, vector<16xf32>,
        tpu.vector_store %arg25[%swap3A_1030, %swap3A_1031], %gather3A_752 {strides = array<i32>} : memref<32x128xf32, #tpu.memory_space<vmem>>, vector<16xf32>,
        %mul3A_1033 = arith.constant 16 : i32
        %mul3A_1034 = arith.muli %scan3A_525, %mul3A_1033 : i32
        %swap3A_1035 = arith.constant 19 : i32
        %swap3A_1036 = arith.index_cast %swap3A_1035 : i32 to index
        %swap3A_1037 = arith.index_cast %mul3A_1034 : i32 to index
        %swap3A_1038 = tpu.vector_load %arg23[%swap3A_1036, %swap3A_1037] {strides = array<i32>} : memref<32x128xf32, #tpu.memory_space<vmem>>, vector<16xf32>,
        tpu.vector_store %arg23[%swap3A_1036, %swap3A_1037], %gather3A_628 {strides = array<i32>} : memref<32x128xf32, #tpu.memory_space<vmem>>, vector<16xf32>,
        %mul3A_1039 = arith.constant 16 : i32
        %mul3A_1040 = arith.muli %scan3A_525, %mul3A_1039 : i32
        %swap3A_1041 = arith.constant 19 : i32
        %swap3A_1042 = arith.index_cast %swap3A_1041 : i32 to index
        %swap3A_1043 = arith.index_cast %mul3A_1040 : i32 to index
        %swap3A_1044 = tpu.vector_load %arg25[%swap3A_1042, %swap3A_1043] {strides = array<i32>} : memref<32x128xf32, #tpu.memory_space<vmem>>, vector<16xf32>,
        tpu.vector_store %arg25[%swap3A_1042, %swap3A_1043], %gather3A_756 {strides = array<i32>} : memref<32x128xf32, #tpu.memory_space<vmem>>, vector<16xf32>,
        %mul3A_1045 = arith.constant 16 : i32
        %mul3A_1046 = arith.muli %scan3A_525, %mul3A_1045 : i32
        %swap3A_1047 = arith.constant 20 : i32
        %swap3A_1048 = arith.index_cast %swap3A_1047 : i32 to index
        %swap3A_1049 = arith.index_cast %mul3A_1046 : i32 to index
        %swap3A_1050 = tpu.vector_load %arg23[%swap3A_1048, %swap3A_1049] {strides = array<i32>} : memref<32x128xf32, #tpu.memory_space<vmem>>, vector<16xf32>,
        tpu.vector_store %arg23[%swap3A_1048, %swap3A_1049], %gather3A_632 {strides = array<i32>} : memref<32x128xf32, #tpu.memory_space<vmem>>, vector<16xf32>,
        %mul3A_1051 = arith.constant 16 : i32
        %mul3A_1052 = arith.muli %scan3A_525, %mul3A_1051 : i32
        %swap3A_1053 = arith.constant 20 : i32
        %swap3A_1054 = arith.index_cast %swap3A_1053 : i32 to index
        %swap3A_1055 = arith.index_cast %mul3A_1052 : i32 to index
        %swap3A_1056 = tpu.vector_load %arg25[%swap3A_1054, %swap3A_1055] {strides = array<i32>} : memref<32x128xf32, #tpu.memory_space<vmem>>, vector<16xf32>,
        tpu.vector_store %arg25[%swap3A_1054, %swap3A_1055], %gather3A_760 {strides = array<i32>} : memref<32x128xf32, #tpu.memory_space<vmem>>, vector<16xf32>,
        %mul3A_1057 = arith.constant 16 : i32
        %mul3A_1058 = arith.muli %scan3A_525, %mul3A_1057 : i32
        %swap3A_1059 = arith.constant 21 : i32
        %swap3A_1060 = arith.index_cast %swap3A_1059 : i32 to index
        %swap3A_1061 = arith.index_cast %mul3A_1058 : i32 to index
        %swap3A_1062 = tpu.vector_load %arg23[%swap3A_1060, %swap3A_1061] {strides = array<i32>} : memref<32x128xf32, #tpu.memory_space<vmem>>, vector<16xf32>,
        tpu.vector_store %arg23[%swap3A_1060, %swap3A_1061], %gather3A_636 {strides = array<i32>} : memref<32x128xf32, #tpu.memory_space<vmem>>, vector<16xf32>,
        %mul3A_1063 = arith.constant 16 : i32
        %mul3A_1064 = arith.muli %scan3A_525, %mul3A_1063 : i32
        %swap3A_1065 = arith.constant 21 : i32
        %swap3A_1066 = arith.index_cast %swap3A_1065 : i32 to index
        %swap3A_1067 = arith.index_cast %mul3A_1064 : i32 to index
        %swap3A_1068 = tpu.vector_load %arg25[%swap3A_1066, %swap3A_1067] {strides = array<i32>} : memref<32x128xf32, #tpu.memory_space<vmem>>, vector<16xf32>,
        tpu.vector_store %arg25[%swap3A_1066, %swap3A_1067], %gather3A_764 {strides = array<i32>} : memref<32x128xf32, #tpu.memory_space<vmem>>, vector<16xf32>,
        %mul3A_1069 = arith.constant 16 : i32
        %mul3A_1070 = arith.muli %scan3A_525, %mul3A_1069 : i32
        %swap3A_1071 = arith.constant 22 : i32
        %swap3A_1072 = arith.index_cast %swap3A_1071 : i32 to index
        %swap3A_1073 = arith.index_cast %mul3A_1070 : i32 to index
        %swap3A_1074 = tpu.vector_load %arg23[%swap3A_1072, %swap3A_1073] {strides = array<i32>} : memref<32x128xf32, #tpu.memory_space<vmem>>, vector<16xf32>,
        tpu.vector_store %arg23[%swap3A_1072, %swap3A_1073], %gather3A_640 {strides = array<i32>} : memref<32x128xf32, #tpu.memory_space<vmem>>, vector<16xf32>,
        %mul3A_1075 = arith.constant 16 : i32
        %mul3A_1076 = arith.muli %scan3A_525, %mul3A_1075 : i32
        %swap3A_1077 = arith.constant 22 : i32
        %swap3A_1078 = arith.index_cast %swap3A_1077 : i32 to index
        %swap3A_1079 = arith.index_cast %mul3A_1076 : i32 to index
        %swap3A_1080 = tpu.vector_load %arg25[%swap3A_1078, %swap3A_1079] {strides = array<i32>} : memref<32x128xf32, #tpu.memory_space<vmem>>, vector<16xf32>,
        tpu.vector_store %arg25[%swap3A_1078, %swap3A_1079], %gather3A_768 {strides = array<i32>} : memref<32x128xf32, #tpu.memory_space<vmem>>, vector<16xf32>,
        %mul3A_1081 = arith.constant 16 : i32
        %mul3A_1082 = arith.muli %scan3A_525, %mul3A_1081 : i32
        %swap3A_1083 = arith.constant 23 : i32
        %swap3A_1084 = arith.index_cast %swap3A_1083 : i32 to index
        %swap3A_1085 = arith.index_cast %mul3A_1082 : i32 to index
        %swap3A_1086 = tpu.vector_load %arg23[%swap3A_1084, %swap3A_1085] {strides = array<i32>} : memref<32x128xf32, #tpu.memory_space<vmem>>, vector<16xf32>,
        tpu.vector_store %arg23[%swap3A_1084, %swap3A_1085], %gather3A_644 {strides = array<i32>} : memref<32x128xf32, #tpu.memory_space<vmem>>, vector<16xf32>,
        %mul3A_1087 = arith.constant 16 : i32
        %mul3A_1088 = arith.muli %scan3A_525, %mul3A_1087 : i32
        %swap3A_1089 = arith.constant 23 : i32
        %swap3A_1090 = arith.index_cast %swap3A_1089 : i32 to index
        %swap3A_1091 = arith.index_cast %mul3A_1088 : i32 to index
        %swap3A_1092 = tpu.vector_load %arg25[%swap3A_1090, %swap3A_1091] {strides = array<i32>} : memref<32x128xf32, #tpu.memory_space<vmem>>, vector<16xf32>,
        tpu.vector_store %arg25[%swap3A_1090, %swap3A_1091], %gather3A_772 {strides = array<i32>} : memref<32x128xf32, #tpu.memory_space<vmem>>, vector<16xf32>,
        %mul3A_1093 = arith.constant 16 : i32
        %mul3A_1094 = arith.muli %scan3A_525, %mul3A_1093 : i32
        %swap3A_1095 = arith.constant 24 : i32
        %swap3A_1096 = arith.index_cast %swap3A_1095 : i32 to index
        %swap3A_1097 = arith.index_cast %mul3A_1094 : i32 to index
        %swap3A_1098 = tpu.vector_load %arg23[%swap3A_1096, %swap3A_1097] {strides = array<i32>} : memref<32x128xf32, #tpu.memory_space<vmem>>, vector<16xf32>,
        tpu.vector_store %arg23[%swap3A_1096, %swap3A_1097], %gather3A_648 {strides = array<i32>} : memref<32x128xf32, #tpu.memory_space<vmem>>, vector<16xf32>,
        %mul3A_1099 = arith.constant 16 : i32
        %mul3A_1100 = arith.muli %scan3A_525, %mul3A_1099 : i32
        %swap3A_1101 = arith.constant 24 : i32
        %swap3A_1102 = arith.index_cast %swap3A_1101 : i32 to index
        %swap3A_1103 = arith.index_cast %mul3A_1100 : i32 to index
        %swap3A_1104 = tpu.vector_load %arg25[%swap3A_1102, %swap3A_1103] {strides = array<i32>} : memref<32x128xf32, #tpu.memory_space<vmem>>, vector<16xf32>,
        tpu.vector_store %arg25[%swap3A_1102, %swap3A_1103], %gather3A_776 {strides = array<i32>} : memref<32x128xf32, #tpu.memory_space<vmem>>, vector<16xf32>,
        %mul3A_1105 = arith.constant 16 : i32
        %mul3A_1106 = arith.muli %scan3A_525, %mul3A_1105 : i32
        %swap3A_1107 = arith.constant 25 : i32
        %swap3A_1108 = arith.index_cast %swap3A_1107 : i32 to index
        %swap3A_1109 = arith.index_cast %mul3A_1106 : i32 to index
        %swap3A_1110 = tpu.vector_load %arg23[%swap3A_1108, %swap3A_1109] {strides = array<i32>} : memref<32x128xf32, #tpu.memory_space<vmem>>, vector<16xf32>,
        tpu.vector_store %arg23[%swap3A_1108, %swap3A_1109], %gather3A_652 {strides = array<i32>} : memref<32x128xf32, #tpu.memory_space<vmem>>, vector<16xf32>,
        %mul3A_1111 = arith.constant 16 : i32
        %mul3A_1112 = arith.muli %scan3A_525, %mul3A_1111 : i32
        %swap3A_1113 = arith.constant 25 : i32
        %swap3A_1114 = arith.index_cast %swap3A_1113 : i32 to index
        %swap3A_1115 = arith.index_cast %mul3A_1112 : i32 to index
        %swap3A_1116 = tpu.vector_load %arg25[%swap3A_1114, %swap3A_1115] {strides = array<i32>} : memref<32x128xf32, #tpu.memory_space<vmem>>, vector<16xf32>,
        tpu.vector_store %arg25[%swap3A_1114, %swap3A_1115], %gather3A_780 {strides = array<i32>} : memref<32x128xf32, #tpu.memory_space<vmem>>, vector<16xf32>,
        %mul3A_1117 = arith.constant 16 : i32
        %mul3A_1118 = arith.muli %scan3A_525, %mul3A_1117 : i32
        %swap3A_1119 = arith.constant 26 : i32
        %swap3A_1120 = arith.index_cast %swap3A_1119 : i32 to index
        %swap3A_1121 = arith.index_cast %mul3A_1118 : i32 to index
        %swap3A_1122 = tpu.vector_load %arg23[%swap3A_1120, %swap3A_1121] {strides = array<i32>} : memref<32x128xf32, #tpu.memory_space<vmem>>, vector<16xf32>,
        tpu.vector_store %arg23[%swap3A_1120, %swap3A_1121], %gather3A_656 {strides = array<i32>} : memref<32x128xf32, #tpu.memory_space<vmem>>, vector<16xf32>,
        %mul3A_1123 = arith.constant 16 : i32
        %mul3A_1124 = arith.muli %scan3A_525, %mul3A_1123 : i32
        %swap3A_1125 = arith.constant 26 : i32
        %swap3A_1126 = arith.index_cast %swap3A_1125 : i32 to index
        %swap3A_1127 = arith.index_cast %mul3A_1124 : i32 to index
        %swap3A_1128 = tpu.vector_load %arg25[%swap3A_1126, %swap3A_1127] {strides = array<i32>} : memref<32x128xf32, #tpu.memory_space<vmem>>, vector<16xf32>,
        tpu.vector_store %arg25[%swap3A_1126, %swap3A_1127], %gather3A_784 {strides = array<i32>} : memref<32x128xf32, #tpu.memory_space<vmem>>, vector<16xf32>,
        %mul3A_1129 = arith.constant 16 : i32
        %mul3A_1130 = arith.muli %scan3A_525, %mul3A_1129 : i32
        %swap3A_1131 = arith.constant 27 : i32
        %swap3A_1132 = arith.index_cast %swap3A_1131 : i32 to index
        %swap3A_1133 = arith.index_cast %mul3A_1130 : i32 to index
        %swap3A_1134 = tpu.vector_load %arg23[%swap3A_1132, %swap3A_1133] {strides = array<i32>} : memref<32x128xf32, #tpu.memory_space<vmem>>, vector<16xf32>,
        tpu.vector_store %arg23[%swap3A_1132, %swap3A_1133], %gather3A_660 {strides = array<i32>} : memref<32x128xf32, #tpu.memory_space<vmem>>, vector<16xf32>,
        %mul3A_1135 = arith.constant 16 : i32
        %mul3A_1136 = arith.muli %scan3A_525, %mul3A_1135 : i32
        %swap3A_1137 = arith.constant 27 : i32
        %swap3A_1138 = arith.index_cast %swap3A_1137 : i32 to index
        %swap3A_1139 = arith.index_cast %mul3A_1136 : i32 to index
        %swap3A_1140 = tpu.vector_load %arg25[%swap3A_1138, %swap3A_1139] {strides = array<i32>} : memref<32x128xf32, #tpu.memory_space<vmem>>, vector<16xf32>,
        tpu.vector_store %arg25[%swap3A_1138, %swap3A_1139], %gather3A_788 {strides = array<i32>} : memref<32x128xf32, #tpu.memory_space<vmem>>, vector<16xf32>,
        %mul3A_1141 = arith.constant 16 : i32
        %mul3A_1142 = arith.muli %scan3A_525, %mul3A_1141 : i32
        %swap3A_1143 = arith.constant 28 : i32
        %swap3A_1144 = arith.index_cast %swap3A_1143 : i32 to index
        %swap3A_1145 = arith.index_cast %mul3A_1142 : i32 to index
        %swap3A_1146 = tpu.vector_load %arg23[%swap3A_1144, %swap3A_1145] {strides = array<i32>} : memref<32x128xf32, #tpu.memory_space<vmem>>, vector<16xf32>,
        tpu.vector_store %arg23[%swap3A_1144, %swap3A_1145], %gather3A_664 {strides = array<i32>} : memref<32x128xf32, #tpu.memory_space<vmem>>, vector<16xf32>,
        %mul3A_1147 = arith.constant 16 : i32
        %mul3A_1148 = arith.muli %scan3A_525, %mul3A_1147 : i32
        %swap3A_1149 = arith.constant 28 : i32
        %swap3A_1150 = arith.index_cast %swap3A_1149 : i32 to index
        %swap3A_1151 = arith.index_cast %mul3A_1148 : i32 to index
        %swap3A_1152 = tpu.vector_load %arg25[%swap3A_1150, %swap3A_1151] {strides = array<i32>} : memref<32x128xf32, #tpu.memory_space<vmem>>, vector<16xf32>,
        tpu.vector_store %arg25[%swap3A_1150, %swap3A_1151], %gather3A_792 {strides = array<i32>} : memref<32x128xf32, #tpu.memory_space<vmem>>, vector<16xf32>,
        %mul3A_1153 = arith.constant 16 : i32
        %mul3A_1154 = arith.muli %scan3A_525, %mul3A_1153 : i32
        %swap3A_1155 = arith.constant 29 : i32
        %swap3A_1156 = arith.index_cast %swap3A_1155 : i32 to index
        %swap3A_1157 = arith.index_cast %mul3A_1154 : i32 to index
        %swap3A_1158 = tpu.vector_load %arg23[%swap3A_1156, %swap3A_1157] {strides = array<i32>} : memref<32x128xf32, #tpu.memory_space<vmem>>, vector<16xf32>,
        tpu.vector_store %arg23[%swap3A_1156, %swap3A_1157], %gather3A_668 {strides = array<i32>} : memref<32x128xf32, #tpu.memory_space<vmem>>, vector<16xf32>,
        %mul3A_1159 = arith.constant 16 : i32
        %mul3A_1160 = arith.muli %scan3A_525, %mul3A_1159 : i32
        %swap3A_1161 = arith.constant 29 : i32
        %swap3A_1162 = arith.index_cast %swap3A_1161 : i32 to index
        %swap3A_1163 = arith.index_cast %mul3A_1160 : i32 to index
        %swap3A_1164 = tpu.vector_load %arg25[%swap3A_1162, %swap3A_1163] {strides = array<i32>} : memref<32x128xf32, #tpu.memory_space<vmem>>, vector<16xf32>,
        tpu.vector_store %arg25[%swap3A_1162, %swap3A_1163], %gather3A_796 {strides = array<i32>} : memref<32x128xf32, #tpu.memory_space<vmem>>, vector<16xf32>,
        %mul3A_1165 = arith.constant 16 : i32
        %mul3A_1166 = arith.muli %scan3A_525, %mul3A_1165 : i32
        %swap3A_1167 = arith.constant 30 : i32
        %swap3A_1168 = arith.index_cast %swap3A_1167 : i32 to index
        %swap3A_1169 = arith.index_cast %mul3A_1166 : i32 to index
        %swap3A_1170 = tpu.vector_load %arg23[%swap3A_1168, %swap3A_1169] {strides = array<i32>} : memref<32x128xf32, #tpu.memory_space<vmem>>, vector<16xf32>,
        tpu.vector_store %arg23[%swap3A_1168, %swap3A_1169], %gather3A_672 {strides = array<i32>} : memref<32x128xf32, #tpu.memory_space<vmem>>, vector<16xf32>,
        %mul3A_1171 = arith.constant 16 : i32
        %mul3A_1172 = arith.muli %scan3A_525, %mul3A_1171 : i32
        %swap3A_1173 = arith.constant 30 : i32
        %swap3A_1174 = arith.index_cast %swap3A_1173 : i32 to index
        %swap3A_1175 = arith.index_cast %mul3A_1172 : i32 to index
        %swap3A_1176 = tpu.vector_load %arg25[%swap3A_1174, %swap3A_1175] {strides = array<i32>} : memref<32x128xf32, #tpu.memory_space<vmem>>, vector<16xf32>,
        tpu.vector_store %arg25[%swap3A_1174, %swap3A_1175], %gather3A_800 {strides = array<i32>} : memref<32x128xf32, #tpu.memory_space<vmem>>, vector<16xf32>,
        %mul3A_1177 = arith.constant 16 : i32
        %mul3A_1178 = arith.muli %scan3A_525, %mul3A_1177 : i32
        %swap3A_1179 = arith.constant 31 : i32
        %swap3A_1180 = arith.index_cast %swap3A_1179 : i32 to index
        %swap3A_1181 = arith.index_cast %mul3A_1178 : i32 to index
        %swap3A_1182 = tpu.vector_load %arg23[%swap3A_1180, %swap3A_1181] {strides = array<i32>} : memref<32x128xf32, #tpu.memory_space<vmem>>, vector<16xf32>,
        tpu.vector_store %arg23[%swap3A_1180, %swap3A_1181], %gather3A_676 {strides = array<i32>} : memref<32x128xf32, #tpu.memory_space<vmem>>, vector<16xf32>,
        %mul3A_1183 = arith.constant 16 : i32
        %mul3A_1184 = arith.muli %scan3A_525, %mul3A_1183 : i32
        %swap3A_1185 = arith.constant 31 : i32
        %swap3A_1186 = arith.index_cast %swap3A_1185 : i32 to index
        %swap3A_1187 = arith.index_cast %mul3A_1184 : i32 to index
        %swap3A_1188 = tpu.vector_load %arg25[%swap3A_1186, %swap3A_1187] {strides = array<i32>} : memref<32x128xf32, #tpu.memory_space<vmem>>, vector<16xf32>,
        tpu.vector_store %arg25[%swap3A_1186, %swap3A_1187], %gather3A_804 {strides = array<i32>} : memref<32x128xf32, #tpu.memory_space<vmem>>, vector<16xf32>,
      }
      %scan3A_239 = arith.constant 8 : i32
      %mul3A_240 = arith.constant 128 : i32
      %mul3A_241 = arith.muli %select_n3A_223, %mul3A_240 : i32
      %add3A_242 = arith.addi %mul3A_2, %mul3A_241 : i32
      %dma_start3A_243 = arith.constant 0 : i32
      %dma_start3A_244 = tpu.memref_slice %arg6[%select_n3A, %dma_start3A_243, %add3A_242] : memref<50x64x16384xf32, #tpu.memory_space<hbm>> -> memref<1x32x128xf32, #tpu.memory_space<hbm>>
      %dma_start3A_245 = tpu.memref_squeeze %dma_start3A_244 : memref<1x32x128xf32, #tpu.memory_space<hbm>> -> memref<32x128xf32, #tpu.memory_space<hbm>>
      %dma_start3A_246 = arith.constant 0 : i32
      %dma_start3A_247 = tpu.memref_slice %arg6[%select_n3A, %dma_start3A_246, %add3A_242] : memref<50x64x16384xf32, #tpu.memory_space<hbm>> -> memref<1x32x128xf32, #tpu.memory_space<hbm>>
      %dma_start3A_248 = tpu.memref_squeeze %dma_start3A_247 : memref<1x32x128xf32, #tpu.memory_space<hbm>> -> memref<32x128xf32, #tpu.memory_space<hbm>>
      tpu.enqueue_dma source(%arg23 : memref<32x128xf32, #tpu.memory_space<vmem>>) target(%dma_start3A_248 : memref<32x128xf32, #tpu.memory_space<hbm>>) target_semaphore(%arg31 : memref<!tpu.dma_semaphore, #tpu.memory_space<semaphore_mem>>)
      %dma_start3A_249 = arith.constant 32 : i32
      %dma_start3A_250 = tpu.memref_slice %arg6[%select_n3A, %dma_start3A_249, %add3A_242] : memref<50x64x16384xf32, #tpu.memory_space<hbm>> -> memref<1x32x128xf32, #tpu.memory_space<hbm>>
      %dma_start3A_251 = tpu.memref_squeeze %dma_start3A_250 : memref<1x32x128xf32, #tpu.memory_space<hbm>> -> memref<32x128xf32, #tpu.memory_space<hbm>>
      %dma_start3A_252 = arith.constant 32 : i32
      %dma_start3A_253 = tpu.memref_slice %arg6[%select_n3A, %dma_start3A_252, %add3A_242] : memref<50x64x16384xf32, #tpu.memory_space<hbm>> -> memref<1x32x128xf32, #tpu.memory_space<hbm>>
      %dma_start3A_254 = tpu.memref_squeeze %dma_start3A_253 : memref<1x32x128xf32, #tpu.memory_space<hbm>> -> memref<32x128xf32, #tpu.memory_space<hbm>>
      tpu.enqueue_dma source(%arg25 : memref<32x128xf32, #tpu.memory_space<vmem>>) target(%dma_start3A_254 : memref<32x128xf32, #tpu.memory_space<hbm>>) target_semaphore(%arg33 : memref<!tpu.dma_semaphore, #tpu.memory_space<semaphore_mem>>)
      %mul3A_255 = arith.constant 4 : i32
      %mul3A_256 = arith.muli %scan3A_177, %mul3A_255 : i32
      %add3A_257 = arith.constant 1 : i32
      %add3A_258 = arith.addi %mul3A_256, %add3A_257 : i32
      %add3A_259 = arith.constant 2 : i32
      %add3A_260 = arith.addi %add3A_258, %add3A_259 : i32
      %lt3A_261 = arith.constant 200 : i32
      %lt3A_262 = arith.cmpi slt, %add3A_260, %lt3A_261 : i32
      %convert_element_type3A_263 = arith.extui %lt3A_262 : i1 to i32
      %cond3A_264 = arith.constant 0 : i32
      %cond3A_265 = arith.cmpi ne, %convert_element_type3A_263, %cond3A_264 : i32
      scf.if %cond3A_265 {
        %add3A_525 = arith.constant 2 : i32
        %add3A_526 = arith.addi %add3A_258, %add3A_525 : i32
        %jit3A_527 = arith.constant 4 : i32
        %div3A_528 = arith.divsi %add3A_526, %jit3A_527 : i32
        %sign3A_529 = arith.constant 0 : i32
        %sign3A_530 = arith.cmpi sgt, %add3A_526, %sign3A_529 : i32
        %sign3A_531 = arith.extui %sign3A_530 : i1 to i32
        %sign3A_532 = arith.constant 0 : i32
        %sign3A_533 = arith.cmpi slt, %add3A_526, %sign3A_532 : i32
        %sign3A_534 = arith.extui %sign3A_533 : i1 to i32
        %sign3A_535 = arith.subi %sign3A_531, %sign3A_534 : i32
        %sign3A_536 = arith.constant 0 : i32
        %sign3A_537 = arith.cmpi sgt, %jit3A_527, %sign3A_536 : i32
        %sign3A_538 = arith.extui %sign3A_537 : i1 to i32
        %sign3A_539 = arith.constant 0 : i32
        %sign3A_540 = arith.cmpi slt, %jit3A_527, %sign3A_539 : i32
        %sign3A_541 = arith.extui %sign3A_540 : i1 to i32
        %sign3A_542 = arith.subi %sign3A_538, %sign3A_541 : i32
        %ne3A_543 = arith.cmpi ne, %sign3A_535, %sign3A_542 : i32
        %rem3A_544 = arith.remsi %add3A_526, %jit3A_527 : i32
        %ne3A_545 = arith.constant 0 : i32
        %ne3A_546 = arith.cmpi ne, %rem3A_544, %ne3A_545 : i32
        %and3A_547 = arith.andi %ne3A_543, %ne3A_546 : i1
        %sub3A_548 = arith.constant 1 : i32
        %sub3A_549 = arith.subi %div3A_528, %sub3A_548 : i32
        %select_n3A_550 = arith.select %and3A_547, %sub3A_549, %div3A_528 : i32
        %jit3A_551 = arith.constant 4 : i32
        %eq3A_552 = arith.constant 0 : i32
        %eq3A_553 = arith.cmpi eq, %jit3A_551, %eq3A_552 : i32
        %jit3A_554 = arith.constant 1 : i32
        %select_n3A_555 = arith.select %eq3A_553, %jit3A_554, %jit3A_551 : i32
        %rem3A_556 = arith.remsi %add3A_526, %select_n3A_555 : i32
        %ne3A_557 = arith.constant 0 : i32
        %ne3A_558 = arith.cmpi ne, %rem3A_556, %ne3A_557 : i32
        %lt3A_559 = arith.constant 0 : i32
        %lt3A_560 = arith.cmpi slt, %rem3A_556, %lt3A_559 : i32
        %lt3A_561 = arith.constant 0 : i32
        %lt3A_562 = arith.cmpi slt, %select_n3A_555, %lt3A_561 : i32
        %ne3A_563 = arith.xori %lt3A_560, %lt3A_562 : i1
        %and3A_564 = arith.andi %ne3A_563, %ne3A_558 : i1
        %add3A_565 = arith.addi %rem3A_556, %select_n3A_555 : i32
        %select_n3A_566 = arith.select %and3A_564, %add3A_565, %rem3A_556 : i32
        %mul3A_567 = arith.constant 16384 : i32
        %mul3A_568 = arith.muli %select_n3A_550, %mul3A_567 : i32
        %add3A_569 = arith.addi %mul3A_568, %mul3A_2 : i32
        %mul3A_570 = arith.constant 128 : i32
        %mul3A_571 = arith.muli %select_n3A_566, %mul3A_570 : i32
        %add3A_572 = arith.addi %add3A_569, %mul3A_571 : i32
        %dma_start3A_573 = tpu.memref_slice %arg2[%add3A_572] : memref<819200xi32, #tpu.memory_space<hbm>> -> memref<128xi32, #tpu.memory_space<hbm>>
        %dma_start3A_574 = tpu.memref_slice %arg2[%add3A_572] : memref<819200xi32, #tpu.memory_space<hbm>> -> memref<128xi32, #tpu.memory_space<hbm>>
        tpu.enqueue_dma source(%dma_start3A_574 : memref<128xi32, #tpu.memory_space<hbm>>) target(%arg10 : memref<128xi32, #tpu.memory_space<vmem>>) target_semaphore(%arg38 : memref<!tpu.dma_semaphore, #tpu.memory_space<semaphore_mem>>)
        %dma_start3A_575 = tpu.memref_slice %arg3[%add3A_572] : memref<819200xi32, #tpu.memory_space<hbm>> -> memref<128xi32, #tpu.memory_space<hbm>>
        %dma_start3A_576 = tpu.memref_slice %arg3[%add3A_572] : memref<819200xi32, #tpu.memory_space<hbm>> -> memref<128xi32, #tpu.memory_space<hbm>>
        tpu.enqueue_dma source(%dma_start3A_576 : memref<128xi32, #tpu.memory_space<hbm>>) target(%arg14 : memref<128xi32, #tpu.memory_space<vmem>>) target_semaphore(%arg42 : memref<!tpu.dma_semaphore, #tpu.memory_space<semaphore_mem>>)
      } else {
      }
      %add3A_266 = arith.constant 1 : i32
      %add3A_267 = arith.addi %add3A_258, %add3A_266 : i32
      %lt3A_268 = arith.constant 200 : i32
      %lt3A_269 = arith.cmpi slt, %add3A_267, %lt3A_268 : i32
      %convert_element_type3A_270 = arith.extui %lt3A_269 : i1 to i32
      %cond3A_271 = arith.constant 0 : i32
      %cond3A_272 = arith.cmpi ne, %convert_element_type3A_270, %cond3A_271 : i32
      scf.if %cond3A_272 {
        %add3A_525 = arith.constant 1 : i32
        %add3A_526 = arith.addi %add3A_258, %add3A_525 : i32
        %jit3A_527 = arith.constant 4 : i32
        %div3A_528 = arith.divsi %add3A_526, %jit3A_527 : i32
        %sign3A_529 = arith.constant 0 : i32
        %sign3A_530 = arith.cmpi sgt, %add3A_526, %sign3A_529 : i32
        %sign3A_531 = arith.extui %sign3A_530 : i1 to i32
        %sign3A_532 = arith.constant 0 : i32
        %sign3A_533 = arith.cmpi slt, %add3A_526, %sign3A_532 : i32
        %sign3A_534 = arith.extui %sign3A_533 : i1 to i32
        %sign3A_535 = arith.subi %sign3A_531, %sign3A_534 : i32
        %sign3A_536 = arith.constant 0 : i32
        %sign3A_537 = arith.cmpi sgt, %jit3A_527, %sign3A_536 : i32
        %sign3A_538 = arith.extui %sign3A_537 : i1 to i32
        %sign3A_539 = arith.constant 0 : i32
        %sign3A_540 = arith.cmpi slt, %jit3A_527, %sign3A_539 : i32
        %sign3A_541 = arith.extui %sign3A_540 : i1 to i32
        %sign3A_542 = arith.subi %sign3A_538, %sign3A_541 : i32
        %ne3A_543 = arith.cmpi ne, %sign3A_535, %sign3A_542 : i32
        %rem3A_544 = arith.remsi %add3A_526, %jit3A_527 : i32
        %ne3A_545 = arith.constant 0 : i32
        %ne3A_546 = arith.cmpi ne, %rem3A_544, %ne3A_545 : i32
        %and3A_547 = arith.andi %ne3A_543, %ne3A_546 : i1
        %sub3A_548 = arith.constant 1 : i32
        %sub3A_549 = arith.subi %div3A_528, %sub3A_548 : i32
        %select_n3A_550 = arith.select %and3A_547, %sub3A_549, %div3A_528 : i32
        %jit3A_551 = arith.constant 4 : i32
        %eq3A_552 = arith.constant 0 : i32
        %eq3A_553 = arith.cmpi eq, %jit3A_551, %eq3A_552 : i32
        %jit3A_554 = arith.constant 1 : i32
        %select_n3A_555 = arith.select %eq3A_553, %jit3A_554, %jit3A_551 : i32
        %rem3A_556 = arith.remsi %add3A_526, %select_n3A_555 : i32
        %ne3A_557 = arith.constant 0 : i32
        %ne3A_558 = arith.cmpi ne, %rem3A_556, %ne3A_557 : i32
        %lt3A_559 = arith.constant 0 : i32
        %lt3A_560 = arith.cmpi slt, %rem3A_556, %lt3A_559 : i32
        %lt3A_561 = arith.constant 0 : i32
        %lt3A_562 = arith.cmpi slt, %select_n3A_555, %lt3A_561 : i32
        %ne3A_563 = arith.xori %lt3A_560, %lt3A_562 : i1
        %and3A_564 = arith.andi %ne3A_563, %ne3A_558 : i1
        %add3A_565 = arith.addi %rem3A_556, %select_n3A_555 : i32
        %select_n3A_566 = arith.select %and3A_564, %add3A_565, %rem3A_556 : i32
        %mul3A_567 = arith.constant 16384 : i32
        %mul3A_568 = arith.muli %select_n3A_550, %mul3A_567 : i32
        %add3A_569 = arith.addi %mul3A_568, %mul3A_2 : i32
        %mul3A_570 = arith.constant 128 : i32
        %mul3A_571 = arith.muli %select_n3A_566, %mul3A_570 : i32
        %add3A_572 = arith.addi %add3A_569, %mul3A_571 : i32
        %dma_wait3A_573 = tpu.memref_slice %arg2[%add3A_572] : memref<819200xi32, #tpu.memory_space<hbm>> -> memref<128xi32, #tpu.memory_space<hbm>>
        %dma_wait3A_574 = tpu.memref_slice %arg2[%add3A_572] : memref<819200xi32, #tpu.memory_space<hbm>> -> memref<128xi32, #tpu.memory_space<hbm>>
        tpu.wait_dma2 semaphore(%arg37 : memref<!tpu.dma_semaphore, #tpu.memory_space<semaphore_mem>>) src(%dma_wait3A_574 : memref<128xi32, #tpu.memory_space<hbm>>) dst(%arg9 : memref<128xi32, #tpu.memory_space<vmem>>)
        %dma_wait3A_575 = tpu.memref_slice %arg3[%add3A_572] : memref<819200xi32, #tpu.memory_space<hbm>> -> memref<128xi32, #tpu.memory_space<hbm>>
        %dma_wait3A_576 = tpu.memref_slice %arg3[%add3A_572] : memref<819200xi32, #tpu.memory_space<hbm>> -> memref<128xi32, #tpu.memory_space<hbm>>
        tpu.wait_dma2 semaphore(%arg41 : memref<!tpu.dma_semaphore, #tpu.memory_space<semaphore_mem>>) src(%dma_wait3A_576 : memref<128xi32, #tpu.memory_space<hbm>>) dst(%arg13 : memref<128xi32, #tpu.memory_space<vmem>>)
        %get3A_577 = arith.constant 0 : index
        %get3A_578 = tpu.vector_load %arg9[%get3A_577] {strides = array<i32>} : memref<128xi32, #tpu.memory_space<vmem>>, vector<16xi32>,
        %get3A_579 = arith.constant 0 : index
        %get3A_580 = tpu.vector_load %arg13[%get3A_579] {strides = array<i32>} : memref<128xi32, #tpu.memory_space<vmem>>, vector<16xi32>,
        %shift_right_logical3A_581 = arith.constant 2 : i32
        %shift_right_logical3A_582 = vector.broadcast %shift_right_logical3A_581 : i32 to vector<16xi32>
        %shift_right_logical3A_583 = arith.shrui %get3A_578, %shift_right_logical3A_582 : vector<16xi32>
        %swap3A_584 = arith.constant 0 : index
        %swap3A_585 = tpu.vector_load %arg15[%swap3A_584] {strides = array<i32>} : memref<128xi32, #tpu.memory_space<vmem>>, vector<16xi32>,
        tpu.vector_store %arg15[%swap3A_584], %shift_right_logical3A_583 {strides = array<i32>} : memref<128xi32, #tpu.memory_space<vmem>>, vector<16xi32>,
        %shift_right_logical3A_586 = arith.constant 2 : i32
        %shift_right_logical3A_587 = vector.broadcast %shift_right_logical3A_586 : i32 to vector<16xi32>
        %shift_right_logical3A_588 = arith.shrui %get3A_580, %shift_right_logical3A_587 : vector<16xi32>
        %swap3A_589 = arith.constant 0 : index
        %swap3A_590 = tpu.vector_load %arg17[%swap3A_589] {strides = array<i32>} : memref<128xi32, #tpu.memory_space<vmem>>, vector<16xi32>,
        tpu.vector_store %arg17[%swap3A_589], %shift_right_logical3A_588 {strides = array<i32>} : memref<128xi32, #tpu.memory_space<vmem>>, vector<16xi32>,
        %get3A_591 = arith.constant 16 : index
        %get3A_592 = tpu.vector_load %arg9[%get3A_591] {strides = array<i32>} : memref<128xi32, #tpu.memory_space<vmem>>, vector<16xi32>,
        %get3A_593 = arith.constant 16 : index
        %get3A_594 = tpu.vector_load %arg13[%get3A_593] {strides = array<i32>} : memref<128xi32, #tpu.memory_space<vmem>>, vector<16xi32>,
        %shift_right_logical3A_595 = arith.constant 2 : i32
        %shift_right_logical3A_596 = vector.broadcast %shift_right_logical3A_595 : i32 to vector<16xi32>
        %shift_right_logical3A_597 = arith.shrui %get3A_592, %shift_right_logical3A_596 : vector<16xi32>
        %swap3A_598 = arith.constant 16 : index
        %swap3A_599 = tpu.vector_load %arg15[%swap3A_598] {strides = array<i32>} : memref<128xi32, #tpu.memory_space<vmem>>, vector<16xi32>,
        tpu.vector_store %arg15[%swap3A_598], %shift_right_logical3A_597 {strides = array<i32>} : memref<128xi32, #tpu.memory_space<vmem>>, vector<16xi32>,
        %shift_right_logical3A_600 = arith.constant 2 : i32
        %shift_right_logical3A_601 = vector.broadcast %shift_right_logical3A_600 : i32 to vector<16xi32>
        %shift_right_logical3A_602 = arith.shrui %get3A_594, %shift_right_logical3A_601 : vector<16xi32>
        %swap3A_603 = arith.constant 16 : index
        %swap3A_604 = tpu.vector_load %arg17[%swap3A_603] {strides = array<i32>} : memref<128xi32, #tpu.memory_space<vmem>>, vector<16xi32>,
        tpu.vector_store %arg17[%swap3A_603], %shift_right_logical3A_602 {strides = array<i32>} : memref<128xi32, #tpu.memory_space<vmem>>, vector<16xi32>,
        %get3A_605 = arith.constant 32 : index
        %get3A_606 = tpu.vector_load %arg9[%get3A_605] {strides = array<i32>} : memref<128xi32, #tpu.memory_space<vmem>>, vector<16xi32>,
        %get3A_607 = arith.constant 32 : index
        %get3A_608 = tpu.vector_load %arg13[%get3A_607] {strides = array<i32>} : memref<128xi32, #tpu.memory_space<vmem>>, vector<16xi32>,
        %shift_right_logical3A_609 = arith.constant 2 : i32
        %shift_right_logical3A_610 = vector.broadcast %shift_right_logical3A_609 : i32 to vector<16xi32>
        %shift_right_logical3A_611 = arith.shrui %get3A_606, %shift_right_logical3A_610 : vector<16xi32>
        %swap3A_612 = arith.constant 32 : index
        %swap3A_613 = tpu.vector_load %arg15[%swap3A_612] {strides = array<i32>} : memref<128xi32, #tpu.memory_space<vmem>>, vector<16xi32>,
        tpu.vector_store %arg15[%swap3A_612], %shift_right_logical3A_611 {strides = array<i32>} : memref<128xi32, #tpu.memory_space<vmem>>, vector<16xi32>,
        %shift_right_logical3A_614 = arith.constant 2 : i32
        %shift_right_logical3A_615 = vector.broadcast %shift_right_logical3A_614 : i32 to vector<16xi32>
        %shift_right_logical3A_616 = arith.shrui %get3A_608, %shift_right_logical3A_615 : vector<16xi32>
        %swap3A_617 = arith.constant 32 : index
        %swap3A_618 = tpu.vector_load %arg17[%swap3A_617] {strides = array<i32>} : memref<128xi32, #tpu.memory_space<vmem>>, vector<16xi32>,
        tpu.vector_store %arg17[%swap3A_617], %shift_right_logical3A_616 {strides = array<i32>} : memref<128xi32, #tpu.memory_space<vmem>>, vector<16xi32>,
        %get3A_619 = arith.constant 48 : index
        %get3A_620 = tpu.vector_load %arg9[%get3A_619] {strides = array<i32>} : memref<128xi32, #tpu.memory_space<vmem>>, vector<16xi32>,
        %get3A_621 = arith.constant 48 : index
        %get3A_622 = tpu.vector_load %arg13[%get3A_621] {strides = array<i32>} : memref<128xi32, #tpu.memory_space<vmem>>, vector<16xi32>,
        %shift_right_logical3A_623 = arith.constant 2 : i32
        %shift_right_logical3A_624 = vector.broadcast %shift_right_logical3A_623 : i32 to vector<16xi32>
        %shift_right_logical3A_625 = arith.shrui %get3A_620, %shift_right_logical3A_624 : vector<16xi32>
        %swap3A_626 = arith.constant 48 : index
        %swap3A_627 = tpu.vector_load %arg15[%swap3A_626] {strides = array<i32>} : memref<128xi32, #tpu.memory_space<vmem>>, vector<16xi32>,
        tpu.vector_store %arg15[%swap3A_626], %shift_right_logical3A_625 {strides = array<i32>} : memref<128xi32, #tpu.memory_space<vmem>>, vector<16xi32>,
        %shift_right_logical3A_628 = arith.constant 2 : i32
        %shift_right_logical3A_629 = vector.broadcast %shift_right_logical3A_628 : i32 to vector<16xi32>
        %shift_right_logical3A_630 = arith.shrui %get3A_622, %shift_right_logical3A_629 : vector<16xi32>
        %swap3A_631 = arith.constant 48 : index
        %swap3A_632 = tpu.vector_load %arg17[%swap3A_631] {strides = array<i32>} : memref<128xi32, #tpu.memory_space<vmem>>, vector<16xi32>,
        tpu.vector_store %arg17[%swap3A_631], %shift_right_logical3A_630 {strides = array<i32>} : memref<128xi32, #tpu.memory_space<vmem>>, vector<16xi32>,
        %get3A_633 = arith.constant 64 : index
        %get3A_634 = tpu.vector_load %arg9[%get3A_633] {strides = array<i32>} : memref<128xi32, #tpu.memory_space<vmem>>, vector<16xi32>,
        %get3A_635 = arith.constant 64 : index
        %get3A_636 = tpu.vector_load %arg13[%get3A_635] {strides = array<i32>} : memref<128xi32, #tpu.memory_space<vmem>>, vector<16xi32>,
        %shift_right_logical3A_637 = arith.constant 2 : i32
        %shift_right_logical3A_638 = vector.broadcast %shift_right_logical3A_637 : i32 to vector<16xi32>
        %shift_right_logical3A_639 = arith.shrui %get3A_634, %shift_right_logical3A_638 : vector<16xi32>
        %swap3A_640 = arith.constant 64 : index
        %swap3A_641 = tpu.vector_load %arg15[%swap3A_640] {strides = array<i32>} : memref<128xi32, #tpu.memory_space<vmem>>, vector<16xi32>,
        tpu.vector_store %arg15[%swap3A_640], %shift_right_logical3A_639 {strides = array<i32>} : memref<128xi32, #tpu.memory_space<vmem>>, vector<16xi32>,
        %shift_right_logical3A_642 = arith.constant 2 : i32
        %shift_right_logical3A_643 = vector.broadcast %shift_right_logical3A_642 : i32 to vector<16xi32>
        %shift_right_logical3A_644 = arith.shrui %get3A_636, %shift_right_logical3A_643 : vector<16xi32>
        %swap3A_645 = arith.constant 64 : index
        %swap3A_646 = tpu.vector_load %arg17[%swap3A_645] {strides = array<i32>} : memref<128xi32, #tpu.memory_space<vmem>>, vector<16xi32>,
        tpu.vector_store %arg17[%swap3A_645], %shift_right_logical3A_644 {strides = array<i32>} : memref<128xi32, #tpu.memory_space<vmem>>, vector<16xi32>,
        %get3A_647 = arith.constant 80 : index
        %get3A_648 = tpu.vector_load %arg9[%get3A_647] {strides = array<i32>} : memref<128xi32, #tpu.memory_space<vmem>>, vector<16xi32>,
        %get3A_649 = arith.constant 80 : index
        %get3A_650 = tpu.vector_load %arg13[%get3A_649] {strides = array<i32>} : memref<128xi32, #tpu.memory_space<vmem>>, vector<16xi32>,
        %shift_right_logical3A_651 = arith.constant 2 : i32
        %shift_right_logical3A_652 = vector.broadcast %shift_right_logical3A_651 : i32 to vector<16xi32>
        %shift_right_logical3A_653 = arith.shrui %get3A_648, %shift_right_logical3A_652 : vector<16xi32>
        %swap3A_654 = arith.constant 80 : index
        %swap3A_655 = tpu.vector_load %arg15[%swap3A_654] {strides = array<i32>} : memref<128xi32, #tpu.memory_space<vmem>>, vector<16xi32>,
        tpu.vector_store %arg15[%swap3A_654], %shift_right_logical3A_653 {strides = array<i32>} : memref<128xi32, #tpu.memory_space<vmem>>, vector<16xi32>,
        %shift_right_logical3A_656 = arith.constant 2 : i32
        %shift_right_logical3A_657 = vector.broadcast %shift_right_logical3A_656 : i32 to vector<16xi32>
        %shift_right_logical3A_658 = arith.shrui %get3A_650, %shift_right_logical3A_657 : vector<16xi32>
        %swap3A_659 = arith.constant 80 : index
        %swap3A_660 = tpu.vector_load %arg17[%swap3A_659] {strides = array<i32>} : memref<128xi32, #tpu.memory_space<vmem>>, vector<16xi32>,
        tpu.vector_store %arg17[%swap3A_659], %shift_right_logical3A_658 {strides = array<i32>} : memref<128xi32, #tpu.memory_space<vmem>>, vector<16xi32>,
        %get3A_661 = arith.constant 96 : index
        %get3A_662 = tpu.vector_load %arg9[%get3A_661] {strides = array<i32>} : memref<128xi32, #tpu.memory_space<vmem>>, vector<16xi32>,
        %get3A_663 = arith.constant 96 : index
        %get3A_664 = tpu.vector_load %arg13[%get3A_663] {strides = array<i32>} : memref<128xi32, #tpu.memory_space<vmem>>, vector<16xi32>,
        %shift_right_logical3A_665 = arith.constant 2 : i32
        %shift_right_logical3A_666 = vector.broadcast %shift_right_logical3A_665 : i32 to vector<16xi32>
        %shift_right_logical3A_667 = arith.shrui %get3A_662, %shift_right_logical3A_666 : vector<16xi32>
        %swap3A_668 = arith.constant 96 : index
        %swap3A_669 = tpu.vector_load %arg15[%swap3A_668] {strides = array<i32>} : memref<128xi32, #tpu.memory_space<vmem>>, vector<16xi32>,
        tpu.vector_store %arg15[%swap3A_668], %shift_right_logical3A_667 {strides = array<i32>} : memref<128xi32, #tpu.memory_space<vmem>>, vector<16xi32>,
        %shift_right_logical3A_670 = arith.constant 2 : i32
        %shift_right_logical3A_671 = vector.broadcast %shift_right_logical3A_670 : i32 to vector<16xi32>
        %shift_right_logical3A_672 = arith.shrui %get3A_664, %shift_right_logical3A_671 : vector<16xi32>
        %swap3A_673 = arith.constant 96 : index
        %swap3A_674 = tpu.vector_load %arg17[%swap3A_673] {strides = array<i32>} : memref<128xi32, #tpu.memory_space<vmem>>, vector<16xi32>,
        tpu.vector_store %arg17[%swap3A_673], %shift_right_logical3A_672 {strides = array<i32>} : memref<128xi32, #tpu.memory_space<vmem>>, vector<16xi32>,
        %get3A_675 = arith.constant 112 : index
        %get3A_676 = tpu.vector_load %arg9[%get3A_675] {strides = array<i32>} : memref<128xi32, #tpu.memory_space<vmem>>, vector<16xi32>,
        %get3A_677 = arith.constant 112 : index
        %get3A_678 = tpu.vector_load %arg13[%get3A_677] {strides = array<i32>} : memref<128xi32, #tpu.memory_space<vmem>>, vector<16xi32>,
        %shift_right_logical3A_679 = arith.constant 2 : i32
        %shift_right_logical3A_680 = vector.broadcast %shift_right_logical3A_679 : i32 to vector<16xi32>
        %shift_right_logical3A_681 = arith.shrui %get3A_676, %shift_right_logical3A_680 : vector<16xi32>
        %swap3A_682 = arith.constant 112 : index
        %swap3A_683 = tpu.vector_load %arg15[%swap3A_682] {strides = array<i32>} : memref<128xi32, #tpu.memory_space<vmem>>, vector<16xi32>,
        tpu.vector_store %arg15[%swap3A_682], %shift_right_logical3A_681 {strides = array<i32>} : memref<128xi32, #tpu.memory_space<vmem>>, vector<16xi32>,
        %shift_right_logical3A_684 = arith.constant 2 : i32
        %shift_right_logical3A_685 = vector.broadcast %shift_right_logical3A_684 : i32 to vector<16xi32>
        %shift_right_logical3A_686 = arith.shrui %get3A_678, %shift_right_logical3A_685 : vector<16xi32>
        %swap3A_687 = arith.constant 112 : index
        %swap3A_688 = tpu.vector_load %arg17[%swap3A_687] {strides = array<i32>} : memref<128xi32, #tpu.memory_space<vmem>>, vector<16xi32>,
        tpu.vector_store %arg17[%swap3A_687], %shift_right_logical3A_686 {strides = array<i32>} : memref<128xi32, #tpu.memory_space<vmem>>, vector<16xi32>,
        %dma_start3A_689 = arith.constant 0 : i32
        %dma_start3A_690 = arith.constant 0 : i32
        %dma_start3A_691 = tpu.memref_slice %arg4[%dma_start3A_689, %dma_start3A_690] : memref<25000x128xf32, #tpu.memory_space<hbm>> -> memref<25000x128xf32, #tpu.memory_space<hbm>>
        tpu.enqueue_indirect_dma source(%dma_start3A_691 : memref<25000x128xf32, #tpu.memory_space<hbm>>) target(%arg19 : memref<128x128xf32, #tpu.memory_space<vmem>>) offsets(%arg15 : memref<128xi32, #tpu.memory_space<vmem>>) semaphore(%arg27 : memref<!tpu.dma_semaphore, #tpu.memory_space<semaphore_mem>>)
        %dma_start3A_692 = arith.constant 0 : i32
        %dma_start3A_693 = arith.constant 0 : i32
        %dma_start3A_694 = tpu.memref_slice %arg5[%dma_start3A_692, %dma_start3A_693] : memref<250000x128xf32, #tpu.memory_space<hbm>> -> memref<250000x128xf32, #tpu.memory_space<hbm>>
        tpu.enqueue_indirect_dma source(%dma_start3A_694 : memref<250000x128xf32, #tpu.memory_space<hbm>>) target(%arg21 : memref<128x128xf32, #tpu.memory_space<vmem>>) offsets(%arg17 : memref<128xi32, #tpu.memory_space<vmem>>) semaphore(%arg29 : memref<!tpu.dma_semaphore, #tpu.memory_space<semaphore_mem>>)
      } else {
      }
      %jit3A_273 = arith.constant 4 : i32
      %div3A_274 = arith.divsi %add3A_258, %jit3A_273 : i32
      %sign3A_275 = arith.constant 0 : i32
      %sign3A_276 = arith.cmpi sgt, %add3A_258, %sign3A_275 : i32
      %sign3A_277 = arith.extui %sign3A_276 : i1 to i32
      %sign3A_278 = arith.constant 0 : i32
      %sign3A_279 = arith.cmpi slt, %add3A_258, %sign3A_278 : i32
      %sign3A_280 = arith.extui %sign3A_279 : i1 to i32
      %sign3A_281 = arith.subi %sign3A_277, %sign3A_280 : i32
      %sign3A_282 = arith.constant 0 : i32
      %sign3A_283 = arith.cmpi sgt, %jit3A_273, %sign3A_282 : i32
      %sign3A_284 = arith.extui %sign3A_283 : i1 to i32
      %sign3A_285 = arith.constant 0 : i32
      %sign3A_286 = arith.cmpi slt, %jit3A_273, %sign3A_285 : i32
      %sign3A_287 = arith.extui %sign3A_286 : i1 to i32
      %sign3A_288 = arith.subi %sign3A_284, %sign3A_287 : i32
      %ne3A_289 = arith.cmpi ne, %sign3A_281, %sign3A_288 : i32
      %rem3A_290 = arith.remsi %add3A_258, %jit3A_273 : i32
      %ne3A_291 = arith.constant 0 : i32
      %ne3A_292 = arith.cmpi ne, %rem3A_290, %ne3A_291 : i32
      %and3A_293 = arith.andi %ne3A_289, %ne3A_292 : i1
      %sub3A_294 = arith.constant 1 : i32
      %sub3A_295 = arith.subi %div3A_274, %sub3A_294 : i32
      %select_n3A_296 = arith.select %and3A_293, %sub3A_295, %div3A_274 : i32
      %jit3A_297 = arith.constant 4 : i32
      %eq3A_298 = arith.constant 0 : i32
      %eq3A_299 = arith.cmpi eq, %jit3A_297, %eq3A_298 : i32
      %jit3A_300 = arith.constant 1 : i32
      %select_n3A_301 = arith.select %eq3A_299, %jit3A_300, %jit3A_297 : i32
      %rem3A_302 = arith.remsi %add3A_258, %select_n3A_301 : i32
      %ne3A_303 = arith.constant 0 : i32
      %ne3A_304 = arith.cmpi ne, %rem3A_302, %ne3A_303 : i32
      %lt3A_305 = arith.constant 0 : i32
      %lt3A_306 = arith.cmpi slt, %rem3A_302, %lt3A_305 : i32
      %lt3A_307 = arith.constant 0 : i32
      %lt3A_308 = arith.cmpi slt, %select_n3A_301, %lt3A_307 : i32
      %ne3A_309 = arith.xori %lt3A_306, %lt3A_308 : i1
      %and3A_310 = arith.andi %ne3A_309, %ne3A_304 : i1
      %add3A_311 = arith.addi %rem3A_302, %select_n3A_301 : i32
      %select_n3A_312 = arith.select %and3A_310, %add3A_311, %rem3A_302 : i32
      %dma_wait3A_313 = arith.constant 0 : i32
      %dma_wait3A_314 = arith.constant 0 : i32
      %dma_wait3A_315 = tpu.memref_slice %arg4[%dma_wait3A_313, %dma_wait3A_314] : memref<25000x128xf32, #tpu.memory_space<hbm>> -> memref<25000x128xf32, #tpu.memory_space<hbm>>
      tpu.wait_indirect_dma semaphore(%arg28 : memref<!tpu.dma_semaphore, #tpu.memory_space<semaphore_mem>>) src(%dma_wait3A_315 : memref<25000x128xf32, #tpu.memory_space<hbm>>) dst(%arg20 : memref<128x128xf32, #tpu.memory_space<vmem>>)
      %dma_wait3A_316 = arith.constant 0 : i32
      %dma_wait3A_317 = arith.constant 0 : i32
      %dma_wait3A_318 = tpu.memref_slice %arg5[%dma_wait3A_316, %dma_wait3A_317] : memref<250000x128xf32, #tpu.memory_space<hbm>> -> memref<250000x128xf32, #tpu.memory_space<hbm>>
      tpu.wait_indirect_dma semaphore(%arg30 : memref<!tpu.dma_semaphore, #tpu.memory_space<semaphore_mem>>) src(%dma_wait3A_318 : memref<250000x128xf32, #tpu.memory_space<hbm>>) dst(%arg22 : memref<128x128xf32, #tpu.memory_space<vmem>>)
      %ge3A_319 = arith.constant 2 : i32
      %ge3A_320 = arith.cmpi sge, %add3A_258, %ge3A_319 : i32
      %convert_element_type3A_321 = arith.extui %ge3A_320 : i1 to i32
      %cond3A_322 = arith.constant 0 : i32
      %cond3A_323 = arith.cmpi ne, %convert_element_type3A_321, %cond3A_322 : i32
      scf.if %cond3A_323 {
        %sub3A_525 = arith.constant 2 : i32
        %sub3A_526 = arith.subi %add3A_258, %sub3A_525 : i32
        %jit3A_527 = arith.constant 4 : i32
        %div3A_528 = arith.divsi %sub3A_526, %jit3A_527 : i32
        %sign3A_529 = arith.constant 0 : i32
        %sign3A_530 = arith.cmpi sgt, %sub3A_526, %sign3A_529 : i32
        %sign3A_531 = arith.extui %sign3A_530 : i1 to i32
        %sign3A_532 = arith.constant 0 : i32
        %sign3A_533 = arith.cmpi slt, %sub3A_526, %sign3A_532 : i32
        %sign3A_534 = arith.extui %sign3A_533 : i1 to i32
        %sign3A_535 = arith.subi %sign3A_531, %sign3A_534 : i32
        %sign3A_536 = arith.constant 0 : i32
        %sign3A_537 = arith.cmpi sgt, %jit3A_527, %sign3A_536 : i32
        %sign3A_538 = arith.extui %sign3A_537 : i1 to i32
        %sign3A_539 = arith.constant 0 : i32
        %sign3A_540 = arith.cmpi slt, %jit3A_527, %sign3A_539 : i32
        %sign3A_541 = arith.extui %sign3A_540 : i1 to i32
        %sign3A_542 = arith.subi %sign3A_538, %sign3A_541 : i32
        %ne3A_543 = arith.cmpi ne, %sign3A_535, %sign3A_542 : i32
        %rem3A_544 = arith.remsi %sub3A_526, %jit3A_527 : i32
        %ne3A_545 = arith.constant 0 : i32
        %ne3A_546 = arith.cmpi ne, %rem3A_544, %ne3A_545 : i32
        %and3A_547 = arith.andi %ne3A_543, %ne3A_546 : i1
        %sub3A_548 = arith.constant 1 : i32
        %sub3A_549 = arith.subi %div3A_528, %sub3A_548 : i32
        %select_n3A_550 = arith.select %and3A_547, %sub3A_549, %div3A_528 : i32
        %sub3A_551 = arith.constant 2 : i32
        %sub3A_552 = arith.subi %add3A_258, %sub3A_551 : i32
        %jit3A_553 = arith.constant 4 : i32
        %eq3A_554 = arith.constant 0 : i32
        %eq3A_555 = arith.cmpi eq, %jit3A_553, %eq3A_554 : i32
        %jit3A_556 = arith.constant 1 : i32
        %select_n3A_557 = arith.select %eq3A_555, %jit3A_556, %jit3A_553 : i32
        %rem3A_558 = arith.remsi %sub3A_552, %select_n3A_557 : i32
        %ne3A_559 = arith.constant 0 : i32
        %ne3A_560 = arith.cmpi ne, %rem3A_558, %ne3A_559 : i32
        %lt3A_561 = arith.constant 0 : i32
        %lt3A_562 = arith.cmpi slt, %rem3A_558, %lt3A_561 : i32
        %lt3A_563 = arith.constant 0 : i32
        %lt3A_564 = arith.cmpi slt, %select_n3A_557, %lt3A_563 : i32
        %ne3A_565 = arith.xori %lt3A_562, %lt3A_564 : i1
        %and3A_566 = arith.andi %ne3A_565, %ne3A_560 : i1
        %add3A_567 = arith.addi %rem3A_558, %select_n3A_557 : i32
        %select_n3A_568 = arith.select %and3A_566, %add3A_567, %rem3A_558 : i32
        %mul3A_569 = arith.constant 128 : i32
        %mul3A_570 = arith.muli %select_n3A_568, %mul3A_569 : i32
        %add3A_571 = arith.addi %mul3A_2, %mul3A_570 : i32
        %dma_wait3A_572 = arith.constant 0 : i32
        %dma_wait3A_573 = tpu.memref_slice %arg6[%select_n3A_550, %dma_wait3A_572, %add3A_571] : memref<50x64x16384xf32, #tpu.memory_space<hbm>> -> memref<1x32x128xf32, #tpu.memory_space<hbm>>
        %dma_wait3A_574 = tpu.memref_squeeze %dma_wait3A_573 : memref<1x32x128xf32, #tpu.memory_space<hbm>> -> memref<32x128xf32, #tpu.memory_space<hbm>>
        %dma_wait3A_575 = arith.constant 0 : i32
        %dma_wait3A_576 = tpu.memref_slice %arg6[%select_n3A_550, %dma_wait3A_575, %add3A_571] : memref<50x64x16384xf32, #tpu.memory_space<hbm>> -> memref<1x32x128xf32, #tpu.memory_space<hbm>>
        %dma_wait3A_577 = tpu.memref_squeeze %dma_wait3A_576 : memref<1x32x128xf32, #tpu.memory_space<hbm>> -> memref<32x128xf32, #tpu.memory_space<hbm>>
        tpu.wait_dma2 semaphore(%arg32 : memref<!tpu.dma_semaphore, #tpu.memory_space<semaphore_mem>>) src(%arg24 : memref<32x128xf32, #tpu.memory_space<vmem>>) dst(%dma_wait3A_577 : memref<32x128xf32, #tpu.memory_space<hbm>>)
        %dma_wait3A_578 = arith.constant 32 : i32
        %dma_wait3A_579 = tpu.memref_slice %arg6[%select_n3A_550, %dma_wait3A_578, %add3A_571] : memref<50x64x16384xf32, #tpu.memory_space<hbm>> -> memref<1x32x128xf32, #tpu.memory_space<hbm>>
        %dma_wait3A_580 = tpu.memref_squeeze %dma_wait3A_579 : memref<1x32x128xf32, #tpu.memory_space<hbm>> -> memref<32x128xf32, #tpu.memory_space<hbm>>
        %dma_wait3A_581 = arith.constant 32 : i32
        %dma_wait3A_582 = tpu.memref_slice %arg6[%select_n3A_550, %dma_wait3A_581, %add3A_571] : memref<50x64x16384xf32, #tpu.memory_space<hbm>> -> memref<1x32x128xf32, #tpu.memory_space<hbm>>
        %dma_wait3A_583 = tpu.memref_squeeze %dma_wait3A_582 : memref<1x32x128xf32, #tpu.memory_space<hbm>> -> memref<32x128xf32, #tpu.memory_space<hbm>>
        tpu.wait_dma2 semaphore(%arg34 : memref<!tpu.dma_semaphore, #tpu.memory_space<semaphore_mem>>) src(%arg26 : memref<32x128xf32, #tpu.memory_space<vmem>>) dst(%dma_wait3A_583 : memref<32x128xf32, #tpu.memory_space<hbm>>)
      } else {
      }
      %scan3A_324 = arith.constant 0 : i32
      %scan3A_325 = arith.constant 0 : i32
      %scan3A_326 = arith.constant 8 : i32
      %scan3A_327 = arith.addi %scan3A_325, %scan3A_326 : i32
      %scan3A_328 = arith.constant 1 : i32
      scf.for %scan3A_525 = %scan3A_325 to %scan3A_327 step %scan3A_328  : i32 {
        %iota3A = tpu.iota {dimensions = array<i32: 0>} : vector<16xi32>
        %mul3A_526 = arith.constant 16 : i32
        %mul3A_527 = arith.muli %scan3A_525, %mul3A_526 : i32
        %add3A_528 = vector.broadcast %mul3A_527 : i32 to vector<16xi32>
        %add3A_529 = arith.addi %iota3A, %add3A_528 : vector<16xi32>
        %mul3A_530 = arith.constant 16 : i32
        %mul3A_531 = arith.muli %scan3A_525, %mul3A_530 : i32
        %get3A_532 = arith.index_cast %mul3A_531 : i32 to index
        %get3A_533 = tpu.vector_load %arg8[%get3A_532] {strides = array<i32>} : memref<128xi32, #tpu.memory_space<vmem>>, vector<16xi32>,
        %and3A_534 = arith.constant 3 : i32
        %and3A_535 = vector.broadcast %and3A_534 : i32 to vector<16xi32>
        %and3A_536 = arith.andi %get3A_533, %and3A_535 : vector<16xi32>
        %mul3A_537 = arith.constant 32 : i32
        %mul3A_538 = vector.broadcast %mul3A_537 : i32 to vector<16xi32>
        %mul3A_539 = arith.muli %and3A_536, %mul3A_538 : vector<16xi32>
        %mul3A_540 = arith.constant 16 : i32
        %mul3A_541 = arith.muli %scan3A_525, %mul3A_540 : i32
        %get3A_542 = arith.index_cast %mul3A_541 : i32 to index
        %get3A_543 = tpu.vector_load %arg12[%get3A_542] {strides = array<i32>} : memref<128xi32, #tpu.memory_space<vmem>>, vector<16xi32>,
        %and3A_544 = arith.constant 3 : i32
        %and3A_545 = vector.broadcast %and3A_544 : i32 to vector<16xi32>
        %and3A_546 = arith.andi %get3A_543, %and3A_545 : vector<16xi32>
        %mul3A_547 = arith.constant 32 : i32
        %mul3A_548 = vector.broadcast %mul3A_547 : i32 to vector<16xi32>
        %mul3A_549 = arith.muli %and3A_546, %mul3A_548 : vector<16xi32>
        %add3A_550 = arith.constant 0 : i32
        %add3A_551 = vector.broadcast %add3A_550 : i32 to vector<16xi32>
        %add3A_552 = arith.addi %mul3A_539, %add3A_551 : vector<16xi32>
        %gather3A = tpu.vector_load_idx %arg20[%add3A_529, %add3A_552] : memref<128x128xf32, #tpu.memory_space<vmem>>[vector<16xi32>, vector<16xi32>], vector<16xf32>,
        %add3A_553 = arith.constant 1 : i32
        %add3A_554 = vector.broadcast %add3A_553 : i32 to vector<16xi32>
        %add3A_555 = arith.addi %mul3A_539, %add3A_554 : vector<16xi32>
        %gather3A_556 = tpu.vector_load_idx %arg20[%add3A_529, %add3A_555] : memref<128x128xf32, #tpu.memory_space<vmem>>[vector<16xi32>, vector<16xi32>], vector<16xf32>,
        %add3A_557 = arith.constant 2 : i32
        %add3A_558 = vector.broadcast %add3A_557 : i32 to vector<16xi32>
        %add3A_559 = arith.addi %mul3A_539, %add3A_558 : vector<16xi32>
        %gather3A_560 = tpu.vector_load_idx %arg20[%add3A_529, %add3A_559] : memref<128x128xf32, #tpu.memory_space<vmem>>[vector<16xi32>, vector<16xi32>], vector<16xf32>,
        %add3A_561 = arith.constant 3 : i32
        %add3A_562 = vector.broadcast %add3A_561 : i32 to vector<16xi32>
        %add3A_563 = arith.addi %mul3A_539, %add3A_562 : vector<16xi32>
        %gather3A_564 = tpu.vector_load_idx %arg20[%add3A_529, %add3A_563] : memref<128x128xf32, #tpu.memory_space<vmem>>[vector<16xi32>, vector<16xi32>], vector<16xf32>,
        %add3A_565 = arith.constant 4 : i32
        %add3A_566 = vector.broadcast %add3A_565 : i32 to vector<16xi32>
        %add3A_567 = arith.addi %mul3A_539, %add3A_566 : vector<16xi32>
        %gather3A_568 = tpu.vector_load_idx %arg20[%add3A_529, %add3A_567] : memref<128x128xf32, #tpu.memory_space<vmem>>[vector<16xi32>, vector<16xi32>], vector<16xf32>,
        %add3A_569 = arith.constant 5 : i32
        %add3A_570 = vector.broadcast %add3A_569 : i32 to vector<16xi32>
        %add3A_571 = arith.addi %mul3A_539, %add3A_570 : vector<16xi32>
        %gather3A_572 = tpu.vector_load_idx %arg20[%add3A_529, %add3A_571] : memref<128x128xf32, #tpu.memory_space<vmem>>[vector<16xi32>, vector<16xi32>], vector<16xf32>,
        %add3A_573 = arith.constant 6 : i32
        %add3A_574 = vector.broadcast %add3A_573 : i32 to vector<16xi32>
        %add3A_575 = arith.addi %mul3A_539, %add3A_574 : vector<16xi32>
        %gather3A_576 = tpu.vector_load_idx %arg20[%add3A_529, %add3A_575] : memref<128x128xf32, #tpu.memory_space<vmem>>[vector<16xi32>, vector<16xi32>], vector<16xf32>,
        %add3A_577 = arith.constant 7 : i32
        %add3A_578 = vector.broadcast %add3A_577 : i32 to vector<16xi32>
        %add3A_579 = arith.addi %mul3A_539, %add3A_578 : vector<16xi32>
        %gather3A_580 = tpu.vector_load_idx %arg20[%add3A_529, %add3A_579] : memref<128x128xf32, #tpu.memory_space<vmem>>[vector<16xi32>, vector<16xi32>], vector<16xf32>,
        %add3A_581 = arith.constant 8 : i32
        %add3A_582 = vector.broadcast %add3A_581 : i32 to vector<16xi32>
        %add3A_583 = arith.addi %mul3A_539, %add3A_582 : vector<16xi32>
        %gather3A_584 = tpu.vector_load_idx %arg20[%add3A_529, %add3A_583] : memref<128x128xf32, #tpu.memory_space<vmem>>[vector<16xi32>, vector<16xi32>], vector<16xf32>,
        %add3A_585 = arith.constant 9 : i32
        %add3A_586 = vector.broadcast %add3A_585 : i32 to vector<16xi32>
        %add3A_587 = arith.addi %mul3A_539, %add3A_586 : vector<16xi32>
        %gather3A_588 = tpu.vector_load_idx %arg20[%add3A_529, %add3A_587] : memref<128x128xf32, #tpu.memory_space<vmem>>[vector<16xi32>, vector<16xi32>], vector<16xf32>,
        %add3A_589 = arith.constant 10 : i32
        %add3A_590 = vector.broadcast %add3A_589 : i32 to vector<16xi32>
        %add3A_591 = arith.addi %mul3A_539, %add3A_590 : vector<16xi32>
        %gather3A_592 = tpu.vector_load_idx %arg20[%add3A_529, %add3A_591] : memref<128x128xf32, #tpu.memory_space<vmem>>[vector<16xi32>, vector<16xi32>], vector<16xf32>,
        %add3A_593 = arith.constant 11 : i32
        %add3A_594 = vector.broadcast %add3A_593 : i32 to vector<16xi32>
        %add3A_595 = arith.addi %mul3A_539, %add3A_594 : vector<16xi32>
        %gather3A_596 = tpu.vector_load_idx %arg20[%add3A_529, %add3A_595] : memref<128x128xf32, #tpu.memory_space<vmem>>[vector<16xi32>, vector<16xi32>], vector<16xf32>,
        %add3A_597 = arith.constant 12 : i32
        %add3A_598 = vector.broadcast %add3A_597 : i32 to vector<16xi32>
        %add3A_599 = arith.addi %mul3A_539, %add3A_598 : vector<16xi32>
        %gather3A_600 = tpu.vector_load_idx %arg20[%add3A_529, %add3A_599] : memref<128x128xf32, #tpu.memory_space<vmem>>[vector<16xi32>, vector<16xi32>], vector<16xf32>,
        %add3A_601 = arith.constant 13 : i32
        %add3A_602 = vector.broadcast %add3A_601 : i32 to vector<16xi32>
        %add3A_603 = arith.addi %mul3A_539, %add3A_602 : vector<16xi32>
        %gather3A_604 = tpu.vector_load_idx %arg20[%add3A_529, %add3A_603] : memref<128x128xf32, #tpu.memory_space<vmem>>[vector<16xi32>, vector<16xi32>], vector<16xf32>,
        %add3A_605 = arith.constant 14 : i32
        %add3A_606 = vector.broadcast %add3A_605 : i32 to vector<16xi32>
        %add3A_607 = arith.addi %mul3A_539, %add3A_606 : vector<16xi32>
        %gather3A_608 = tpu.vector_load_idx %arg20[%add3A_529, %add3A_607] : memref<128x128xf32, #tpu.memory_space<vmem>>[vector<16xi32>, vector<16xi32>], vector<16xf32>,
        %add3A_609 = arith.constant 15 : i32
        %add3A_610 = vector.broadcast %add3A_609 : i32 to vector<16xi32>
        %add3A_611 = arith.addi %mul3A_539, %add3A_610 : vector<16xi32>
        %gather3A_612 = tpu.vector_load_idx %arg20[%add3A_529, %add3A_611] : memref<128x128xf32, #tpu.memory_space<vmem>>[vector<16xi32>, vector<16xi32>], vector<16xf32>,
        %add3A_613 = arith.constant 16 : i32
        %add3A_614 = vector.broadcast %add3A_613 : i32 to vector<16xi32>
        %add3A_615 = arith.addi %mul3A_539, %add3A_614 : vector<16xi32>
        %gather3A_616 = tpu.vector_load_idx %arg20[%add3A_529, %add3A_615] : memref<128x128xf32, #tpu.memory_space<vmem>>[vector<16xi32>, vector<16xi32>], vector<16xf32>,
        %add3A_617 = arith.constant 17 : i32
        %add3A_618 = vector.broadcast %add3A_617 : i32 to vector<16xi32>
        %add3A_619 = arith.addi %mul3A_539, %add3A_618 : vector<16xi32>
        %gather3A_620 = tpu.vector_load_idx %arg20[%add3A_529, %add3A_619] : memref<128x128xf32, #tpu.memory_space<vmem>>[vector<16xi32>, vector<16xi32>], vector<16xf32>,
        %add3A_621 = arith.constant 18 : i32
        %add3A_622 = vector.broadcast %add3A_621 : i32 to vector<16xi32>
        %add3A_623 = arith.addi %mul3A_539, %add3A_622 : vector<16xi32>
        %gather3A_624 = tpu.vector_load_idx %arg20[%add3A_529, %add3A_623] : memref<128x128xf32, #tpu.memory_space<vmem>>[vector<16xi32>, vector<16xi32>], vector<16xf32>,
        %add3A_625 = arith.constant 19 : i32
        %add3A_626 = vector.broadcast %add3A_625 : i32 to vector<16xi32>
        %add3A_627 = arith.addi %mul3A_539, %add3A_626 : vector<16xi32>
        %gather3A_628 = tpu.vector_load_idx %arg20[%add3A_529, %add3A_627] : memref<128x128xf32, #tpu.memory_space<vmem>>[vector<16xi32>, vector<16xi32>], vector<16xf32>,
        %add3A_629 = arith.constant 20 : i32
        %add3A_630 = vector.broadcast %add3A_629 : i32 to vector<16xi32>
        %add3A_631 = arith.addi %mul3A_539, %add3A_630 : vector<16xi32>
        %gather3A_632 = tpu.vector_load_idx %arg20[%add3A_529, %add3A_631] : memref<128x128xf32, #tpu.memory_space<vmem>>[vector<16xi32>, vector<16xi32>], vector<16xf32>,
        %add3A_633 = arith.constant 21 : i32
        %add3A_634 = vector.broadcast %add3A_633 : i32 to vector<16xi32>
        %add3A_635 = arith.addi %mul3A_539, %add3A_634 : vector<16xi32>
        %gather3A_636 = tpu.vector_load_idx %arg20[%add3A_529, %add3A_635] : memref<128x128xf32, #tpu.memory_space<vmem>>[vector<16xi32>, vector<16xi32>], vector<16xf32>,
        %add3A_637 = arith.constant 22 : i32
        %add3A_638 = vector.broadcast %add3A_637 : i32 to vector<16xi32>
        %add3A_639 = arith.addi %mul3A_539, %add3A_638 : vector<16xi32>
        %gather3A_640 = tpu.vector_load_idx %arg20[%add3A_529, %add3A_639] : memref<128x128xf32, #tpu.memory_space<vmem>>[vector<16xi32>, vector<16xi32>], vector<16xf32>,
        %add3A_641 = arith.constant 23 : i32
        %add3A_642 = vector.broadcast %add3A_641 : i32 to vector<16xi32>
        %add3A_643 = arith.addi %mul3A_539, %add3A_642 : vector<16xi32>
        %gather3A_644 = tpu.vector_load_idx %arg20[%add3A_529, %add3A_643] : memref<128x128xf32, #tpu.memory_space<vmem>>[vector<16xi32>, vector<16xi32>], vector<16xf32>,
        %add3A_645 = arith.constant 24 : i32
        %add3A_646 = vector.broadcast %add3A_645 : i32 to vector<16xi32>
        %add3A_647 = arith.addi %mul3A_539, %add3A_646 : vector<16xi32>
        %gather3A_648 = tpu.vector_load_idx %arg20[%add3A_529, %add3A_647] : memref<128x128xf32, #tpu.memory_space<vmem>>[vector<16xi32>, vector<16xi32>], vector<16xf32>,
        %add3A_649 = arith.constant 25 : i32
        %add3A_650 = vector.broadcast %add3A_649 : i32 to vector<16xi32>
        %add3A_651 = arith.addi %mul3A_539, %add3A_650 : vector<16xi32>
        %gather3A_652 = tpu.vector_load_idx %arg20[%add3A_529, %add3A_651] : memref<128x128xf32, #tpu.memory_space<vmem>>[vector<16xi32>, vector<16xi32>], vector<16xf32>,
        %add3A_653 = arith.constant 26 : i32
        %add3A_654 = vector.broadcast %add3A_653 : i32 to vector<16xi32>
        %add3A_655 = arith.addi %mul3A_539, %add3A_654 : vector<16xi32>
        %gather3A_656 = tpu.vector_load_idx %arg20[%add3A_529, %add3A_655] : memref<128x128xf32, #tpu.memory_space<vmem>>[vector<16xi32>, vector<16xi32>], vector<16xf32>,
        %add3A_657 = arith.constant 27 : i32
        %add3A_658 = vector.broadcast %add3A_657 : i32 to vector<16xi32>
        %add3A_659 = arith.addi %mul3A_539, %add3A_658 : vector<16xi32>
        %gather3A_660 = tpu.vector_load_idx %arg20[%add3A_529, %add3A_659] : memref<128x128xf32, #tpu.memory_space<vmem>>[vector<16xi32>, vector<16xi32>], vector<16xf32>,
        %add3A_661 = arith.constant 28 : i32
        %add3A_662 = vector.broadcast %add3A_661 : i32 to vector<16xi32>
        %add3A_663 = arith.addi %mul3A_539, %add3A_662 : vector<16xi32>
        %gather3A_664 = tpu.vector_load_idx %arg20[%add3A_529, %add3A_663] : memref<128x128xf32, #tpu.memory_space<vmem>>[vector<16xi32>, vector<16xi32>], vector<16xf32>,
        %add3A_665 = arith.constant 29 : i32
        %add3A_666 = vector.broadcast %add3A_665 : i32 to vector<16xi32>
        %add3A_667 = arith.addi %mul3A_539, %add3A_666 : vector<16xi32>
        %gather3A_668 = tpu.vector_load_idx %arg20[%add3A_529, %add3A_667] : memref<128x128xf32, #tpu.memory_space<vmem>>[vector<16xi32>, vector<16xi32>], vector<16xf32>,
        %add3A_669 = arith.constant 30 : i32
        %add3A_670 = vector.broadcast %add3A_669 : i32 to vector<16xi32>
        %add3A_671 = arith.addi %mul3A_539, %add3A_670 : vector<16xi32>
        %gather3A_672 = tpu.vector_load_idx %arg20[%add3A_529, %add3A_671] : memref<128x128xf32, #tpu.memory_space<vmem>>[vector<16xi32>, vector<16xi32>], vector<16xf32>,
        %add3A_673 = arith.constant 31 : i32
        %add3A_674 = vector.broadcast %add3A_673 : i32 to vector<16xi32>
        %add3A_675 = arith.addi %mul3A_539, %add3A_674 : vector<16xi32>
        %gather3A_676 = tpu.vector_load_idx %arg20[%add3A_529, %add3A_675] : memref<128x128xf32, #tpu.memory_space<vmem>>[vector<16xi32>, vector<16xi32>], vector<16xf32>,
        %add3A_677 = arith.constant 0 : i32
        %add3A_678 = vector.broadcast %add3A_677 : i32 to vector<16xi32>
        %add3A_679 = arith.addi %mul3A_549, %add3A_678 : vector<16xi32>
        %gather3A_680 = tpu.vector_load_idx %arg22[%add3A_529, %add3A_679] : memref<128x128xf32, #tpu.memory_space<vmem>>[vector<16xi32>, vector<16xi32>], vector<16xf32>,
        %add3A_681 = arith.constant 1 : i32
        %add3A_682 = vector.broadcast %add3A_681 : i32 to vector<16xi32>
        %add3A_683 = arith.addi %mul3A_549, %add3A_682 : vector<16xi32>
        %gather3A_684 = tpu.vector_load_idx %arg22[%add3A_529, %add3A_683] : memref<128x128xf32, #tpu.memory_space<vmem>>[vector<16xi32>, vector<16xi32>], vector<16xf32>,
        %add3A_685 = arith.constant 2 : i32
        %add3A_686 = vector.broadcast %add3A_685 : i32 to vector<16xi32>
        %add3A_687 = arith.addi %mul3A_549, %add3A_686 : vector<16xi32>
        %gather3A_688 = tpu.vector_load_idx %arg22[%add3A_529, %add3A_687] : memref<128x128xf32, #tpu.memory_space<vmem>>[vector<16xi32>, vector<16xi32>], vector<16xf32>,
        %add3A_689 = arith.constant 3 : i32
        %add3A_690 = vector.broadcast %add3A_689 : i32 to vector<16xi32>
        %add3A_691 = arith.addi %mul3A_549, %add3A_690 : vector<16xi32>
        %gather3A_692 = tpu.vector_load_idx %arg22[%add3A_529, %add3A_691] : memref<128x128xf32, #tpu.memory_space<vmem>>[vector<16xi32>, vector<16xi32>], vector<16xf32>,
        %add3A_693 = arith.constant 4 : i32
        %add3A_694 = vector.broadcast %add3A_693 : i32 to vector<16xi32>
        %add3A_695 = arith.addi %mul3A_549, %add3A_694 : vector<16xi32>
        %gather3A_696 = tpu.vector_load_idx %arg22[%add3A_529, %add3A_695] : memref<128x128xf32, #tpu.memory_space<vmem>>[vector<16xi32>, vector<16xi32>], vector<16xf32>,
        %add3A_697 = arith.constant 5 : i32
        %add3A_698 = vector.broadcast %add3A_697 : i32 to vector<16xi32>
        %add3A_699 = arith.addi %mul3A_549, %add3A_698 : vector<16xi32>
        %gather3A_700 = tpu.vector_load_idx %arg22[%add3A_529, %add3A_699] : memref<128x128xf32, #tpu.memory_space<vmem>>[vector<16xi32>, vector<16xi32>], vector<16xf32>,
        %add3A_701 = arith.constant 6 : i32
        %add3A_702 = vector.broadcast %add3A_701 : i32 to vector<16xi32>
        %add3A_703 = arith.addi %mul3A_549, %add3A_702 : vector<16xi32>
        %gather3A_704 = tpu.vector_load_idx %arg22[%add3A_529, %add3A_703] : memref<128x128xf32, #tpu.memory_space<vmem>>[vector<16xi32>, vector<16xi32>], vector<16xf32>,
        %add3A_705 = arith.constant 7 : i32
        %add3A_706 = vector.broadcast %add3A_705 : i32 to vector<16xi32>
        %add3A_707 = arith.addi %mul3A_549, %add3A_706 : vector<16xi32>
        %gather3A_708 = tpu.vector_load_idx %arg22[%add3A_529, %add3A_707] : memref<128x128xf32, #tpu.memory_space<vmem>>[vector<16xi32>, vector<16xi32>], vector<16xf32>,
        %add3A_709 = arith.constant 8 : i32
        %add3A_710 = vector.broadcast %add3A_709 : i32 to vector<16xi32>
        %add3A_711 = arith.addi %mul3A_549, %add3A_710 : vector<16xi32>
        %gather3A_712 = tpu.vector_load_idx %arg22[%add3A_529, %add3A_711] : memref<128x128xf32, #tpu.memory_space<vmem>>[vector<16xi32>, vector<16xi32>], vector<16xf32>,
        %add3A_713 = arith.constant 9 : i32
        %add3A_714 = vector.broadcast %add3A_713 : i32 to vector<16xi32>
        %add3A_715 = arith.addi %mul3A_549, %add3A_714 : vector<16xi32>
        %gather3A_716 = tpu.vector_load_idx %arg22[%add3A_529, %add3A_715] : memref<128x128xf32, #tpu.memory_space<vmem>>[vector<16xi32>, vector<16xi32>], vector<16xf32>,
        %add3A_717 = arith.constant 10 : i32
        %add3A_718 = vector.broadcast %add3A_717 : i32 to vector<16xi32>
        %add3A_719 = arith.addi %mul3A_549, %add3A_718 : vector<16xi32>
        %gather3A_720 = tpu.vector_load_idx %arg22[%add3A_529, %add3A_719] : memref<128x128xf32, #tpu.memory_space<vmem>>[vector<16xi32>, vector<16xi32>], vector<16xf32>,
        %add3A_721 = arith.constant 11 : i32
        %add3A_722 = vector.broadcast %add3A_721 : i32 to vector<16xi32>
        %add3A_723 = arith.addi %mul3A_549, %add3A_722 : vector<16xi32>
        %gather3A_724 = tpu.vector_load_idx %arg22[%add3A_529, %add3A_723] : memref<128x128xf32, #tpu.memory_space<vmem>>[vector<16xi32>, vector<16xi32>], vector<16xf32>,
        %add3A_725 = arith.constant 12 : i32
        %add3A_726 = vector.broadcast %add3A_725 : i32 to vector<16xi32>
        %add3A_727 = arith.addi %mul3A_549, %add3A_726 : vector<16xi32>
        %gather3A_728 = tpu.vector_load_idx %arg22[%add3A_529, %add3A_727] : memref<128x128xf32, #tpu.memory_space<vmem>>[vector<16xi32>, vector<16xi32>], vector<16xf32>,
        %add3A_729 = arith.constant 13 : i32
        %add3A_730 = vector.broadcast %add3A_729 : i32 to vector<16xi32>
        %add3A_731 = arith.addi %mul3A_549, %add3A_730 : vector<16xi32>
        %gather3A_732 = tpu.vector_load_idx %arg22[%add3A_529, %add3A_731] : memref<128x128xf32, #tpu.memory_space<vmem>>[vector<16xi32>, vector<16xi32>], vector<16xf32>,
        %add3A_733 = arith.constant 14 : i32
        %add3A_734 = vector.broadcast %add3A_733 : i32 to vector<16xi32>
        %add3A_735 = arith.addi %mul3A_549, %add3A_734 : vector<16xi32>
        %gather3A_736 = tpu.vector_load_idx %arg22[%add3A_529, %add3A_735] : memref<128x128xf32, #tpu.memory_space<vmem>>[vector<16xi32>, vector<16xi32>], vector<16xf32>,
        %add3A_737 = arith.constant 15 : i32
        %add3A_738 = vector.broadcast %add3A_737 : i32 to vector<16xi32>
        %add3A_739 = arith.addi %mul3A_549, %add3A_738 : vector<16xi32>
        %gather3A_740 = tpu.vector_load_idx %arg22[%add3A_529, %add3A_739] : memref<128x128xf32, #tpu.memory_space<vmem>>[vector<16xi32>, vector<16xi32>], vector<16xf32>,
        %add3A_741 = arith.constant 16 : i32
        %add3A_742 = vector.broadcast %add3A_741 : i32 to vector<16xi32>
        %add3A_743 = arith.addi %mul3A_549, %add3A_742 : vector<16xi32>
        %gather3A_744 = tpu.vector_load_idx %arg22[%add3A_529, %add3A_743] : memref<128x128xf32, #tpu.memory_space<vmem>>[vector<16xi32>, vector<16xi32>], vector<16xf32>,
        %add3A_745 = arith.constant 17 : i32
        %add3A_746 = vector.broadcast %add3A_745 : i32 to vector<16xi32>
        %add3A_747 = arith.addi %mul3A_549, %add3A_746 : vector<16xi32>
        %gather3A_748 = tpu.vector_load_idx %arg22[%add3A_529, %add3A_747] : memref<128x128xf32, #tpu.memory_space<vmem>>[vector<16xi32>, vector<16xi32>], vector<16xf32>,
        %add3A_749 = arith.constant 18 : i32
        %add3A_750 = vector.broadcast %add3A_749 : i32 to vector<16xi32>
        %add3A_751 = arith.addi %mul3A_549, %add3A_750 : vector<16xi32>
        %gather3A_752 = tpu.vector_load_idx %arg22[%add3A_529, %add3A_751] : memref<128x128xf32, #tpu.memory_space<vmem>>[vector<16xi32>, vector<16xi32>], vector<16xf32>,
        %add3A_753 = arith.constant 19 : i32
        %add3A_754 = vector.broadcast %add3A_753 : i32 to vector<16xi32>
        %add3A_755 = arith.addi %mul3A_549, %add3A_754 : vector<16xi32>
        %gather3A_756 = tpu.vector_load_idx %arg22[%add3A_529, %add3A_755] : memref<128x128xf32, #tpu.memory_space<vmem>>[vector<16xi32>, vector<16xi32>], vector<16xf32>,
        %add3A_757 = arith.constant 20 : i32
        %add3A_758 = vector.broadcast %add3A_757 : i32 to vector<16xi32>
        %add3A_759 = arith.addi %mul3A_549, %add3A_758 : vector<16xi32>
        %gather3A_760 = tpu.vector_load_idx %arg22[%add3A_529, %add3A_759] : memref<128x128xf32, #tpu.memory_space<vmem>>[vector<16xi32>, vector<16xi32>], vector<16xf32>,
        %add3A_761 = arith.constant 21 : i32
        %add3A_762 = vector.broadcast %add3A_761 : i32 to vector<16xi32>
        %add3A_763 = arith.addi %mul3A_549, %add3A_762 : vector<16xi32>
        %gather3A_764 = tpu.vector_load_idx %arg22[%add3A_529, %add3A_763] : memref<128x128xf32, #tpu.memory_space<vmem>>[vector<16xi32>, vector<16xi32>], vector<16xf32>,
        %add3A_765 = arith.constant 22 : i32
        %add3A_766 = vector.broadcast %add3A_765 : i32 to vector<16xi32>
        %add3A_767 = arith.addi %mul3A_549, %add3A_766 : vector<16xi32>
        %gather3A_768 = tpu.vector_load_idx %arg22[%add3A_529, %add3A_767] : memref<128x128xf32, #tpu.memory_space<vmem>>[vector<16xi32>, vector<16xi32>], vector<16xf32>,
        %add3A_769 = arith.constant 23 : i32
        %add3A_770 = vector.broadcast %add3A_769 : i32 to vector<16xi32>
        %add3A_771 = arith.addi %mul3A_549, %add3A_770 : vector<16xi32>
        %gather3A_772 = tpu.vector_load_idx %arg22[%add3A_529, %add3A_771] : memref<128x128xf32, #tpu.memory_space<vmem>>[vector<16xi32>, vector<16xi32>], vector<16xf32>,
        %add3A_773 = arith.constant 24 : i32
        %add3A_774 = vector.broadcast %add3A_773 : i32 to vector<16xi32>
        %add3A_775 = arith.addi %mul3A_549, %add3A_774 : vector<16xi32>
        %gather3A_776 = tpu.vector_load_idx %arg22[%add3A_529, %add3A_775] : memref<128x128xf32, #tpu.memory_space<vmem>>[vector<16xi32>, vector<16xi32>], vector<16xf32>,
        %add3A_777 = arith.constant 25 : i32
        %add3A_778 = vector.broadcast %add3A_777 : i32 to vector<16xi32>
        %add3A_779 = arith.addi %mul3A_549, %add3A_778 : vector<16xi32>
        %gather3A_780 = tpu.vector_load_idx %arg22[%add3A_529, %add3A_779] : memref<128x128xf32, #tpu.memory_space<vmem>>[vector<16xi32>, vector<16xi32>], vector<16xf32>,
        %add3A_781 = arith.constant 26 : i32
        %add3A_782 = vector.broadcast %add3A_781 : i32 to vector<16xi32>
        %add3A_783 = arith.addi %mul3A_549, %add3A_782 : vector<16xi32>
        %gather3A_784 = tpu.vector_load_idx %arg22[%add3A_529, %add3A_783] : memref<128x128xf32, #tpu.memory_space<vmem>>[vector<16xi32>, vector<16xi32>], vector<16xf32>,
        %add3A_785 = arith.constant 27 : i32
        %add3A_786 = vector.broadcast %add3A_785 : i32 to vector<16xi32>
        %add3A_787 = arith.addi %mul3A_549, %add3A_786 : vector<16xi32>
        %gather3A_788 = tpu.vector_load_idx %arg22[%add3A_529, %add3A_787] : memref<128x128xf32, #tpu.memory_space<vmem>>[vector<16xi32>, vector<16xi32>], vector<16xf32>,
        %add3A_789 = arith.constant 28 : i32
        %add3A_790 = vector.broadcast %add3A_789 : i32 to vector<16xi32>
        %add3A_791 = arith.addi %mul3A_549, %add3A_790 : vector<16xi32>
        %gather3A_792 = tpu.vector_load_idx %arg22[%add3A_529, %add3A_791] : memref<128x128xf32, #tpu.memory_space<vmem>>[vector<16xi32>, vector<16xi32>], vector<16xf32>,
        %add3A_793 = arith.constant 29 : i32
        %add3A_794 = vector.broadcast %add3A_793 : i32 to vector<16xi32>
        %add3A_795 = arith.addi %mul3A_549, %add3A_794 : vector<16xi32>
        %gather3A_796 = tpu.vector_load_idx %arg22[%add3A_529, %add3A_795] : memref<128x128xf32, #tpu.memory_space<vmem>>[vector<16xi32>, vector<16xi32>], vector<16xf32>,
        %add3A_797 = arith.constant 30 : i32
        %add3A_798 = vector.broadcast %add3A_797 : i32 to vector<16xi32>
        %add3A_799 = arith.addi %mul3A_549, %add3A_798 : vector<16xi32>
        %gather3A_800 = tpu.vector_load_idx %arg22[%add3A_529, %add3A_799] : memref<128x128xf32, #tpu.memory_space<vmem>>[vector<16xi32>, vector<16xi32>], vector<16xf32>,
        %add3A_801 = arith.constant 31 : i32
        %add3A_802 = vector.broadcast %add3A_801 : i32 to vector<16xi32>
        %add3A_803 = arith.addi %mul3A_549, %add3A_802 : vector<16xi32>
        %gather3A_804 = tpu.vector_load_idx %arg22[%add3A_529, %add3A_803] : memref<128x128xf32, #tpu.memory_space<vmem>>[vector<16xi32>, vector<16xi32>], vector<16xf32>,
        %mul3A_805 = arith.constant 16 : i32
        %mul3A_806 = arith.muli %scan3A_525, %mul3A_805 : i32
        %swap3A_807 = arith.constant 0 : i32
        %swap3A_808 = arith.index_cast %swap3A_807 : i32 to index
        %swap3A_809 = arith.index_cast %mul3A_806 : i32 to index
        %swap3A_810 = tpu.vector_load %arg24[%swap3A_808, %swap3A_809] {strides = array<i32>} : memref<32x128xf32, #tpu.memory_space<vmem>>, vector<16xf32>,
        tpu.vector_store %arg24[%swap3A_808, %swap3A_809], %gather3A {strides = array<i32>} : memref<32x128xf32, #tpu.memory_space<vmem>>, vector<16xf32>,
        %mul3A_811 = arith.constant 16 : i32
        %mul3A_812 = arith.muli %scan3A_525, %mul3A_811 : i32
        %swap3A_813 = arith.constant 0 : i32
        %swap3A_814 = arith.index_cast %swap3A_813 : i32 to index
        %swap3A_815 = arith.index_cast %mul3A_812 : i32 to index
        %swap3A_816 = tpu.vector_load %arg26[%swap3A_814, %swap3A_815] {strides = array<i32>} : memref<32x128xf32, #tpu.memory_space<vmem>>, vector<16xf32>,
        tpu.vector_store %arg26[%swap3A_814, %swap3A_815], %gather3A_680 {strides = array<i32>} : memref<32x128xf32, #tpu.memory_space<vmem>>, vector<16xf32>,
        %mul3A_817 = arith.constant 16 : i32
        %mul3A_818 = arith.muli %scan3A_525, %mul3A_817 : i32
        %swap3A_819 = arith.constant 1 : i32
        %swap3A_820 = arith.index_cast %swap3A_819 : i32 to index
        %swap3A_821 = arith.index_cast %mul3A_818 : i32 to index
        %swap3A_822 = tpu.vector_load %arg24[%swap3A_820, %swap3A_821] {strides = array<i32>} : memref<32x128xf32, #tpu.memory_space<vmem>>, vector<16xf32>,
        tpu.vector_store %arg24[%swap3A_820, %swap3A_821], %gather3A_556 {strides = array<i32>} : memref<32x128xf32, #tpu.memory_space<vmem>>, vector<16xf32>,
        %mul3A_823 = arith.constant 16 : i32
        %mul3A_824 = arith.muli %scan3A_525, %mul3A_823 : i32
        %swap3A_825 = arith.constant 1 : i32
        %swap3A_826 = arith.index_cast %swap3A_825 : i32 to index
        %swap3A_827 = arith.index_cast %mul3A_824 : i32 to index
        %swap3A_828 = tpu.vector_load %arg26[%swap3A_826, %swap3A_827] {strides = array<i32>} : memref<32x128xf32, #tpu.memory_space<vmem>>, vector<16xf32>,
        tpu.vector_store %arg26[%swap3A_826, %swap3A_827], %gather3A_684 {strides = array<i32>} : memref<32x128xf32, #tpu.memory_space<vmem>>, vector<16xf32>,
        %mul3A_829 = arith.constant 16 : i32
        %mul3A_830 = arith.muli %scan3A_525, %mul3A_829 : i32
        %swap3A_831 = arith.constant 2 : i32
        %swap3A_832 = arith.index_cast %swap3A_831 : i32 to index
        %swap3A_833 = arith.index_cast %mul3A_830 : i32 to index
        %swap3A_834 = tpu.vector_load %arg24[%swap3A_832, %swap3A_833] {strides = array<i32>} : memref<32x128xf32, #tpu.memory_space<vmem>>, vector<16xf32>,
        tpu.vector_store %arg24[%swap3A_832, %swap3A_833], %gather3A_560 {strides = array<i32>} : memref<32x128xf32, #tpu.memory_space<vmem>>, vector<16xf32>,
        %mul3A_835 = arith.constant 16 : i32
        %mul3A_836 = arith.muli %scan3A_525, %mul3A_835 : i32
        %swap3A_837 = arith.constant 2 : i32
        %swap3A_838 = arith.index_cast %swap3A_837 : i32 to index
        %swap3A_839 = arith.index_cast %mul3A_836 : i32 to index
        %swap3A_840 = tpu.vector_load %arg26[%swap3A_838, %swap3A_839] {strides = array<i32>} : memref<32x128xf32, #tpu.memory_space<vmem>>, vector<16xf32>,
        tpu.vector_store %arg26[%swap3A_838, %swap3A_839], %gather3A_688 {strides = array<i32>} : memref<32x128xf32, #tpu.memory_space<vmem>>, vector<16xf32>,
        %mul3A_841 = arith.constant 16 : i32
        %mul3A_842 = arith.muli %scan3A_525, %mul3A_841 : i32
        %swap3A_843 = arith.constant 3 : i32
        %swap3A_844 = arith.index_cast %swap3A_843 : i32 to index
        %swap3A_845 = arith.index_cast %mul3A_842 : i32 to index
        %swap3A_846 = tpu.vector_load %arg24[%swap3A_844, %swap3A_845] {strides = array<i32>} : memref<32x128xf32, #tpu.memory_space<vmem>>, vector<16xf32>,
        tpu.vector_store %arg24[%swap3A_844, %swap3A_845], %gather3A_564 {strides = array<i32>} : memref<32x128xf32, #tpu.memory_space<vmem>>, vector<16xf32>,
        %mul3A_847 = arith.constant 16 : i32
        %mul3A_848 = arith.muli %scan3A_525, %mul3A_847 : i32
        %swap3A_849 = arith.constant 3 : i32
        %swap3A_850 = arith.index_cast %swap3A_849 : i32 to index
        %swap3A_851 = arith.index_cast %mul3A_848 : i32 to index
        %swap3A_852 = tpu.vector_load %arg26[%swap3A_850, %swap3A_851] {strides = array<i32>} : memref<32x128xf32, #tpu.memory_space<vmem>>, vector<16xf32>,
        tpu.vector_store %arg26[%swap3A_850, %swap3A_851], %gather3A_692 {strides = array<i32>} : memref<32x128xf32, #tpu.memory_space<vmem>>, vector<16xf32>,
        %mul3A_853 = arith.constant 16 : i32
        %mul3A_854 = arith.muli %scan3A_525, %mul3A_853 : i32
        %swap3A_855 = arith.constant 4 : i32
        %swap3A_856 = arith.index_cast %swap3A_855 : i32 to index
        %swap3A_857 = arith.index_cast %mul3A_854 : i32 to index
        %swap3A_858 = tpu.vector_load %arg24[%swap3A_856, %swap3A_857] {strides = array<i32>} : memref<32x128xf32, #tpu.memory_space<vmem>>, vector<16xf32>,
        tpu.vector_store %arg24[%swap3A_856, %swap3A_857], %gather3A_568 {strides = array<i32>} : memref<32x128xf32, #tpu.memory_space<vmem>>, vector<16xf32>,
        %mul3A_859 = arith.constant 16 : i32
        %mul3A_860 = arith.muli %scan3A_525, %mul3A_859 : i32
        %swap3A_861 = arith.constant 4 : i32
        %swap3A_862 = arith.index_cast %swap3A_861 : i32 to index
        %swap3A_863 = arith.index_cast %mul3A_860 : i32 to index
        %swap3A_864 = tpu.vector_load %arg26[%swap3A_862, %swap3A_863] {strides = array<i32>} : memref<32x128xf32, #tpu.memory_space<vmem>>, vector<16xf32>,
        tpu.vector_store %arg26[%swap3A_862, %swap3A_863], %gather3A_696 {strides = array<i32>} : memref<32x128xf32, #tpu.memory_space<vmem>>, vector<16xf32>,
        %mul3A_865 = arith.constant 16 : i32
        %mul3A_866 = arith.muli %scan3A_525, %mul3A_865 : i32
        %swap3A_867 = arith.constant 5 : i32
        %swap3A_868 = arith.index_cast %swap3A_867 : i32 to index
        %swap3A_869 = arith.index_cast %mul3A_866 : i32 to index
        %swap3A_870 = tpu.vector_load %arg24[%swap3A_868, %swap3A_869] {strides = array<i32>} : memref<32x128xf32, #tpu.memory_space<vmem>>, vector<16xf32>,
        tpu.vector_store %arg24[%swap3A_868, %swap3A_869], %gather3A_572 {strides = array<i32>} : memref<32x128xf32, #tpu.memory_space<vmem>>, vector<16xf32>,
        %mul3A_871 = arith.constant 16 : i32
        %mul3A_872 = arith.muli %scan3A_525, %mul3A_871 : i32
        %swap3A_873 = arith.constant 5 : i32
        %swap3A_874 = arith.index_cast %swap3A_873 : i32 to index
        %swap3A_875 = arith.index_cast %mul3A_872 : i32 to index
        %swap3A_876 = tpu.vector_load %arg26[%swap3A_874, %swap3A_875] {strides = array<i32>} : memref<32x128xf32, #tpu.memory_space<vmem>>, vector<16xf32>,
        tpu.vector_store %arg26[%swap3A_874, %swap3A_875], %gather3A_700 {strides = array<i32>} : memref<32x128xf32, #tpu.memory_space<vmem>>, vector<16xf32>,
        %mul3A_877 = arith.constant 16 : i32
        %mul3A_878 = arith.muli %scan3A_525, %mul3A_877 : i32
        %swap3A_879 = arith.constant 6 : i32
        %swap3A_880 = arith.index_cast %swap3A_879 : i32 to index
        %swap3A_881 = arith.index_cast %mul3A_878 : i32 to index
        %swap3A_882 = tpu.vector_load %arg24[%swap3A_880, %swap3A_881] {strides = array<i32>} : memref<32x128xf32, #tpu.memory_space<vmem>>, vector<16xf32>,
        tpu.vector_store %arg24[%swap3A_880, %swap3A_881], %gather3A_576 {strides = array<i32>} : memref<32x128xf32, #tpu.memory_space<vmem>>, vector<16xf32>,
        %mul3A_883 = arith.constant 16 : i32
        %mul3A_884 = arith.muli %scan3A_525, %mul3A_883 : i32
        %swap3A_885 = arith.constant 6 : i32
        %swap3A_886 = arith.index_cast %swap3A_885 : i32 to index
        %swap3A_887 = arith.index_cast %mul3A_884 : i32 to index
        %swap3A_888 = tpu.vector_load %arg26[%swap3A_886, %swap3A_887] {strides = array<i32>} : memref<32x128xf32, #tpu.memory_space<vmem>>, vector<16xf32>,
        tpu.vector_store %arg26[%swap3A_886, %swap3A_887], %gather3A_704 {strides = array<i32>} : memref<32x128xf32, #tpu.memory_space<vmem>>, vector<16xf32>,
        %mul3A_889 = arith.constant 16 : i32
        %mul3A_890 = arith.muli %scan3A_525, %mul3A_889 : i32
        %swap3A_891 = arith.constant 7 : i32
        %swap3A_892 = arith.index_cast %swap3A_891 : i32 to index
        %swap3A_893 = arith.index_cast %mul3A_890 : i32 to index
        %swap3A_894 = tpu.vector_load %arg24[%swap3A_892, %swap3A_893] {strides = array<i32>} : memref<32x128xf32, #tpu.memory_space<vmem>>, vector<16xf32>,
        tpu.vector_store %arg24[%swap3A_892, %swap3A_893], %gather3A_580 {strides = array<i32>} : memref<32x128xf32, #tpu.memory_space<vmem>>, vector<16xf32>,
        %mul3A_895 = arith.constant 16 : i32
        %mul3A_896 = arith.muli %scan3A_525, %mul3A_895 : i32
        %swap3A_897 = arith.constant 7 : i32
        %swap3A_898 = arith.index_cast %swap3A_897 : i32 to index
        %swap3A_899 = arith.index_cast %mul3A_896 : i32 to index
        %swap3A_900 = tpu.vector_load %arg26[%swap3A_898, %swap3A_899] {strides = array<i32>} : memref<32x128xf32, #tpu.memory_space<vmem>>, vector<16xf32>,
        tpu.vector_store %arg26[%swap3A_898, %swap3A_899], %gather3A_708 {strides = array<i32>} : memref<32x128xf32, #tpu.memory_space<vmem>>, vector<16xf32>,
        %mul3A_901 = arith.constant 16 : i32
        %mul3A_902 = arith.muli %scan3A_525, %mul3A_901 : i32
        %swap3A_903 = arith.constant 8 : i32
        %swap3A_904 = arith.index_cast %swap3A_903 : i32 to index
        %swap3A_905 = arith.index_cast %mul3A_902 : i32 to index
        %swap3A_906 = tpu.vector_load %arg24[%swap3A_904, %swap3A_905] {strides = array<i32>} : memref<32x128xf32, #tpu.memory_space<vmem>>, vector<16xf32>,
        tpu.vector_store %arg24[%swap3A_904, %swap3A_905], %gather3A_584 {strides = array<i32>} : memref<32x128xf32, #tpu.memory_space<vmem>>, vector<16xf32>,
        %mul3A_907 = arith.constant 16 : i32
        %mul3A_908 = arith.muli %scan3A_525, %mul3A_907 : i32
        %swap3A_909 = arith.constant 8 : i32
        %swap3A_910 = arith.index_cast %swap3A_909 : i32 to index
        %swap3A_911 = arith.index_cast %mul3A_908 : i32 to index
        %swap3A_912 = tpu.vector_load %arg26[%swap3A_910, %swap3A_911] {strides = array<i32>} : memref<32x128xf32, #tpu.memory_space<vmem>>, vector<16xf32>,
        tpu.vector_store %arg26[%swap3A_910, %swap3A_911], %gather3A_712 {strides = array<i32>} : memref<32x128xf32, #tpu.memory_space<vmem>>, vector<16xf32>,
        %mul3A_913 = arith.constant 16 : i32
        %mul3A_914 = arith.muli %scan3A_525, %mul3A_913 : i32
        %swap3A_915 = arith.constant 9 : i32
        %swap3A_916 = arith.index_cast %swap3A_915 : i32 to index
        %swap3A_917 = arith.index_cast %mul3A_914 : i32 to index
        %swap3A_918 = tpu.vector_load %arg24[%swap3A_916, %swap3A_917] {strides = array<i32>} : memref<32x128xf32, #tpu.memory_space<vmem>>, vector<16xf32>,
        tpu.vector_store %arg24[%swap3A_916, %swap3A_917], %gather3A_588 {strides = array<i32>} : memref<32x128xf32, #tpu.memory_space<vmem>>, vector<16xf32>,
        %mul3A_919 = arith.constant 16 : i32
        %mul3A_920 = arith.muli %scan3A_525, %mul3A_919 : i32
        %swap3A_921 = arith.constant 9 : i32
        %swap3A_922 = arith.index_cast %swap3A_921 : i32 to index
        %swap3A_923 = arith.index_cast %mul3A_920 : i32 to index
        %swap3A_924 = tpu.vector_load %arg26[%swap3A_922, %swap3A_923] {strides = array<i32>} : memref<32x128xf32, #tpu.memory_space<vmem>>, vector<16xf32>,
        tpu.vector_store %arg26[%swap3A_922, %swap3A_923], %gather3A_716 {strides = array<i32>} : memref<32x128xf32, #tpu.memory_space<vmem>>, vector<16xf32>,
        %mul3A_925 = arith.constant 16 : i32
        %mul3A_926 = arith.muli %scan3A_525, %mul3A_925 : i32
        %swap3A_927 = arith.constant 10 : i32
        %swap3A_928 = arith.index_cast %swap3A_927 : i32 to index
        %swap3A_929 = arith.index_cast %mul3A_926 : i32 to index
        %swap3A_930 = tpu.vector_load %arg24[%swap3A_928, %swap3A_929] {strides = array<i32>} : memref<32x128xf32, #tpu.memory_space<vmem>>, vector<16xf32>,
        tpu.vector_store %arg24[%swap3A_928, %swap3A_929], %gather3A_592 {strides = array<i32>} : memref<32x128xf32, #tpu.memory_space<vmem>>, vector<16xf32>,
        %mul3A_931 = arith.constant 16 : i32
        %mul3A_932 = arith.muli %scan3A_525, %mul3A_931 : i32
        %swap3A_933 = arith.constant 10 : i32
        %swap3A_934 = arith.index_cast %swap3A_933 : i32 to index
        %swap3A_935 = arith.index_cast %mul3A_932 : i32 to index
        %swap3A_936 = tpu.vector_load %arg26[%swap3A_934, %swap3A_935] {strides = array<i32>} : memref<32x128xf32, #tpu.memory_space<vmem>>, vector<16xf32>,
        tpu.vector_store %arg26[%swap3A_934, %swap3A_935], %gather3A_720 {strides = array<i32>} : memref<32x128xf32, #tpu.memory_space<vmem>>, vector<16xf32>,
        %mul3A_937 = arith.constant 16 : i32
        %mul3A_938 = arith.muli %scan3A_525, %mul3A_937 : i32
        %swap3A_939 = arith.constant 11 : i32
        %swap3A_940 = arith.index_cast %swap3A_939 : i32 to index
        %swap3A_941 = arith.index_cast %mul3A_938 : i32 to index
        %swap3A_942 = tpu.vector_load %arg24[%swap3A_940, %swap3A_941] {strides = array<i32>} : memref<32x128xf32, #tpu.memory_space<vmem>>, vector<16xf32>,
        tpu.vector_store %arg24[%swap3A_940, %swap3A_941], %gather3A_596 {strides = array<i32>} : memref<32x128xf32, #tpu.memory_space<vmem>>, vector<16xf32>,
        %mul3A_943 = arith.constant 16 : i32
        %mul3A_944 = arith.muli %scan3A_525, %mul3A_943 : i32
        %swap3A_945 = arith.constant 11 : i32
        %swap3A_946 = arith.index_cast %swap3A_945 : i32 to index
        %swap3A_947 = arith.index_cast %mul3A_944 : i32 to index
        %swap3A_948 = tpu.vector_load %arg26[%swap3A_946, %swap3A_947] {strides = array<i32>} : memref<32x128xf32, #tpu.memory_space<vmem>>, vector<16xf32>,
        tpu.vector_store %arg26[%swap3A_946, %swap3A_947], %gather3A_724 {strides = array<i32>} : memref<32x128xf32, #tpu.memory_space<vmem>>, vector<16xf32>,
        %mul3A_949 = arith.constant 16 : i32
        %mul3A_950 = arith.muli %scan3A_525, %mul3A_949 : i32
        %swap3A_951 = arith.constant 12 : i32
        %swap3A_952 = arith.index_cast %swap3A_951 : i32 to index
        %swap3A_953 = arith.index_cast %mul3A_950 : i32 to index
        %swap3A_954 = tpu.vector_load %arg24[%swap3A_952, %swap3A_953] {strides = array<i32>} : memref<32x128xf32, #tpu.memory_space<vmem>>, vector<16xf32>,
        tpu.vector_store %arg24[%swap3A_952, %swap3A_953], %gather3A_600 {strides = array<i32>} : memref<32x128xf32, #tpu.memory_space<vmem>>, vector<16xf32>,
        %mul3A_955 = arith.constant 16 : i32
        %mul3A_956 = arith.muli %scan3A_525, %mul3A_955 : i32
        %swap3A_957 = arith.constant 12 : i32
        %swap3A_958 = arith.index_cast %swap3A_957 : i32 to index
        %swap3A_959 = arith.index_cast %mul3A_956 : i32 to index
        %swap3A_960 = tpu.vector_load %arg26[%swap3A_958, %swap3A_959] {strides = array<i32>} : memref<32x128xf32, #tpu.memory_space<vmem>>, vector<16xf32>,
        tpu.vector_store %arg26[%swap3A_958, %swap3A_959], %gather3A_728 {strides = array<i32>} : memref<32x128xf32, #tpu.memory_space<vmem>>, vector<16xf32>,
        %mul3A_961 = arith.constant 16 : i32
        %mul3A_962 = arith.muli %scan3A_525, %mul3A_961 : i32
        %swap3A_963 = arith.constant 13 : i32
        %swap3A_964 = arith.index_cast %swap3A_963 : i32 to index
        %swap3A_965 = arith.index_cast %mul3A_962 : i32 to index
        %swap3A_966 = tpu.vector_load %arg24[%swap3A_964, %swap3A_965] {strides = array<i32>} : memref<32x128xf32, #tpu.memory_space<vmem>>, vector<16xf32>,
        tpu.vector_store %arg24[%swap3A_964, %swap3A_965], %gather3A_604 {strides = array<i32>} : memref<32x128xf32, #tpu.memory_space<vmem>>, vector<16xf32>,
        %mul3A_967 = arith.constant 16 : i32
        %mul3A_968 = arith.muli %scan3A_525, %mul3A_967 : i32
        %swap3A_969 = arith.constant 13 : i32
        %swap3A_970 = arith.index_cast %swap3A_969 : i32 to index
        %swap3A_971 = arith.index_cast %mul3A_968 : i32 to index
        %swap3A_972 = tpu.vector_load %arg26[%swap3A_970, %swap3A_971] {strides = array<i32>} : memref<32x128xf32, #tpu.memory_space<vmem>>, vector<16xf32>,
        tpu.vector_store %arg26[%swap3A_970, %swap3A_971], %gather3A_732 {strides = array<i32>} : memref<32x128xf32, #tpu.memory_space<vmem>>, vector<16xf32>,
        %mul3A_973 = arith.constant 16 : i32
        %mul3A_974 = arith.muli %scan3A_525, %mul3A_973 : i32
        %swap3A_975 = arith.constant 14 : i32
        %swap3A_976 = arith.index_cast %swap3A_975 : i32 to index
        %swap3A_977 = arith.index_cast %mul3A_974 : i32 to index
        %swap3A_978 = tpu.vector_load %arg24[%swap3A_976, %swap3A_977] {strides = array<i32>} : memref<32x128xf32, #tpu.memory_space<vmem>>, vector<16xf32>,
        tpu.vector_store %arg24[%swap3A_976, %swap3A_977], %gather3A_608 {strides = array<i32>} : memref<32x128xf32, #tpu.memory_space<vmem>>, vector<16xf32>,
        %mul3A_979 = arith.constant 16 : i32
        %mul3A_980 = arith.muli %scan3A_525, %mul3A_979 : i32
        %swap3A_981 = arith.constant 14 : i32
        %swap3A_982 = arith.index_cast %swap3A_981 : i32 to index
        %swap3A_983 = arith.index_cast %mul3A_980 : i32 to index
        %swap3A_984 = tpu.vector_load %arg26[%swap3A_982, %swap3A_983] {strides = array<i32>} : memref<32x128xf32, #tpu.memory_space<vmem>>, vector<16xf32>,
        tpu.vector_store %arg26[%swap3A_982, %swap3A_983], %gather3A_736 {strides = array<i32>} : memref<32x128xf32, #tpu.memory_space<vmem>>, vector<16xf32>,
        %mul3A_985 = arith.constant 16 : i32
        %mul3A_986 = arith.muli %scan3A_525, %mul3A_985 : i32
        %swap3A_987 = arith.constant 15 : i32
        %swap3A_988 = arith.index_cast %swap3A_987 : i32 to index
        %swap3A_989 = arith.index_cast %mul3A_986 : i32 to index
        %swap3A_990 = tpu.vector_load %arg24[%swap3A_988, %swap3A_989] {strides = array<i32>} : memref<32x128xf32, #tpu.memory_space<vmem>>, vector<16xf32>,
        tpu.vector_store %arg24[%swap3A_988, %swap3A_989], %gather3A_612 {strides = array<i32>} : memref<32x128xf32, #tpu.memory_space<vmem>>, vector<16xf32>,
        %mul3A_991 = arith.constant 16 : i32
        %mul3A_992 = arith.muli %scan3A_525, %mul3A_991 : i32
        %swap3A_993 = arith.constant 15 : i32
        %swap3A_994 = arith.index_cast %swap3A_993 : i32 to index
        %swap3A_995 = arith.index_cast %mul3A_992 : i32 to index
        %swap3A_996 = tpu.vector_load %arg26[%swap3A_994, %swap3A_995] {strides = array<i32>} : memref<32x128xf32, #tpu.memory_space<vmem>>, vector<16xf32>,
        tpu.vector_store %arg26[%swap3A_994, %swap3A_995], %gather3A_740 {strides = array<i32>} : memref<32x128xf32, #tpu.memory_space<vmem>>, vector<16xf32>,
        %mul3A_997 = arith.constant 16 : i32
        %mul3A_998 = arith.muli %scan3A_525, %mul3A_997 : i32
        %swap3A_999 = arith.constant 16 : i32
        %swap3A_1000 = arith.index_cast %swap3A_999 : i32 to index
        %swap3A_1001 = arith.index_cast %mul3A_998 : i32 to index
        %swap3A_1002 = tpu.vector_load %arg24[%swap3A_1000, %swap3A_1001] {strides = array<i32>} : memref<32x128xf32, #tpu.memory_space<vmem>>, vector<16xf32>,
        tpu.vector_store %arg24[%swap3A_1000, %swap3A_1001], %gather3A_616 {strides = array<i32>} : memref<32x128xf32, #tpu.memory_space<vmem>>, vector<16xf32>,
        %mul3A_1003 = arith.constant 16 : i32
        %mul3A_1004 = arith.muli %scan3A_525, %mul3A_1003 : i32
        %swap3A_1005 = arith.constant 16 : i32
        %swap3A_1006 = arith.index_cast %swap3A_1005 : i32 to index
        %swap3A_1007 = arith.index_cast %mul3A_1004 : i32 to index
        %swap3A_1008 = tpu.vector_load %arg26[%swap3A_1006, %swap3A_1007] {strides = array<i32>} : memref<32x128xf32, #tpu.memory_space<vmem>>, vector<16xf32>,
        tpu.vector_store %arg26[%swap3A_1006, %swap3A_1007], %gather3A_744 {strides = array<i32>} : memref<32x128xf32, #tpu.memory_space<vmem>>, vector<16xf32>,
        %mul3A_1009 = arith.constant 16 : i32
        %mul3A_1010 = arith.muli %scan3A_525, %mul3A_1009 : i32
        %swap3A_1011 = arith.constant 17 : i32
        %swap3A_1012 = arith.index_cast %swap3A_1011 : i32 to index
        %swap3A_1013 = arith.index_cast %mul3A_1010 : i32 to index
        %swap3A_1014 = tpu.vector_load %arg24[%swap3A_1012, %swap3A_1013] {strides = array<i32>} : memref<32x128xf32, #tpu.memory_space<vmem>>, vector<16xf32>,
        tpu.vector_store %arg24[%swap3A_1012, %swap3A_1013], %gather3A_620 {strides = array<i32>} : memref<32x128xf32, #tpu.memory_space<vmem>>, vector<16xf32>,
        %mul3A_1015 = arith.constant 16 : i32
        %mul3A_1016 = arith.muli %scan3A_525, %mul3A_1015 : i32
        %swap3A_1017 = arith.constant 17 : i32
        %swap3A_1018 = arith.index_cast %swap3A_1017 : i32 to index
        %swap3A_1019 = arith.index_cast %mul3A_1016 : i32 to index
        %swap3A_1020 = tpu.vector_load %arg26[%swap3A_1018, %swap3A_1019] {strides = array<i32>} : memref<32x128xf32, #tpu.memory_space<vmem>>, vector<16xf32>,
        tpu.vector_store %arg26[%swap3A_1018, %swap3A_1019], %gather3A_748 {strides = array<i32>} : memref<32x128xf32, #tpu.memory_space<vmem>>, vector<16xf32>,
        %mul3A_1021 = arith.constant 16 : i32
        %mul3A_1022 = arith.muli %scan3A_525, %mul3A_1021 : i32
        %swap3A_1023 = arith.constant 18 : i32
        %swap3A_1024 = arith.index_cast %swap3A_1023 : i32 to index
        %swap3A_1025 = arith.index_cast %mul3A_1022 : i32 to index
        %swap3A_1026 = tpu.vector_load %arg24[%swap3A_1024, %swap3A_1025] {strides = array<i32>} : memref<32x128xf32, #tpu.memory_space<vmem>>, vector<16xf32>,
        tpu.vector_store %arg24[%swap3A_1024, %swap3A_1025], %gather3A_624 {strides = array<i32>} : memref<32x128xf32, #tpu.memory_space<vmem>>, vector<16xf32>,
        %mul3A_1027 = arith.constant 16 : i32
        %mul3A_1028 = arith.muli %scan3A_525, %mul3A_1027 : i32
        %swap3A_1029 = arith.constant 18 : i32
        %swap3A_1030 = arith.index_cast %swap3A_1029 : i32 to index
        %swap3A_1031 = arith.index_cast %mul3A_1028 : i32 to index
        %swap3A_1032 = tpu.vector_load %arg26[%swap3A_1030, %swap3A_1031] {strides = array<i32>} : memref<32x128xf32, #tpu.memory_space<vmem>>, vector<16xf32>,
        tpu.vector_store %arg26[%swap3A_1030, %swap3A_1031], %gather3A_752 {strides = array<i32>} : memref<32x128xf32, #tpu.memory_space<vmem>>, vector<16xf32>,
        %mul3A_1033 = arith.constant 16 : i32
        %mul3A_1034 = arith.muli %scan3A_525, %mul3A_1033 : i32
        %swap3A_1035 = arith.constant 19 : i32
        %swap3A_1036 = arith.index_cast %swap3A_1035 : i32 to index
        %swap3A_1037 = arith.index_cast %mul3A_1034 : i32 to index
        %swap3A_1038 = tpu.vector_load %arg24[%swap3A_1036, %swap3A_1037] {strides = array<i32>} : memref<32x128xf32, #tpu.memory_space<vmem>>, vector<16xf32>,
        tpu.vector_store %arg24[%swap3A_1036, %swap3A_1037], %gather3A_628 {strides = array<i32>} : memref<32x128xf32, #tpu.memory_space<vmem>>, vector<16xf32>,
        %mul3A_1039 = arith.constant 16 : i32
        %mul3A_1040 = arith.muli %scan3A_525, %mul3A_1039 : i32
        %swap3A_1041 = arith.constant 19 : i32
        %swap3A_1042 = arith.index_cast %swap3A_1041 : i32 to index
        %swap3A_1043 = arith.index_cast %mul3A_1040 : i32 to index
        %swap3A_1044 = tpu.vector_load %arg26[%swap3A_1042, %swap3A_1043] {strides = array<i32>} : memref<32x128xf32, #tpu.memory_space<vmem>>, vector<16xf32>,
        tpu.vector_store %arg26[%swap3A_1042, %swap3A_1043], %gather3A_756 {strides = array<i32>} : memref<32x128xf32, #tpu.memory_space<vmem>>, vector<16xf32>,
        %mul3A_1045 = arith.constant 16 : i32
        %mul3A_1046 = arith.muli %scan3A_525, %mul3A_1045 : i32
        %swap3A_1047 = arith.constant 20 : i32
        %swap3A_1048 = arith.index_cast %swap3A_1047 : i32 to index
        %swap3A_1049 = arith.index_cast %mul3A_1046 : i32 to index
        %swap3A_1050 = tpu.vector_load %arg24[%swap3A_1048, %swap3A_1049] {strides = array<i32>} : memref<32x128xf32, #tpu.memory_space<vmem>>, vector<16xf32>,
        tpu.vector_store %arg24[%swap3A_1048, %swap3A_1049], %gather3A_632 {strides = array<i32>} : memref<32x128xf32, #tpu.memory_space<vmem>>, vector<16xf32>,
        %mul3A_1051 = arith.constant 16 : i32
        %mul3A_1052 = arith.muli %scan3A_525, %mul3A_1051 : i32
        %swap3A_1053 = arith.constant 20 : i32
        %swap3A_1054 = arith.index_cast %swap3A_1053 : i32 to index
        %swap3A_1055 = arith.index_cast %mul3A_1052 : i32 to index
        %swap3A_1056 = tpu.vector_load %arg26[%swap3A_1054, %swap3A_1055] {strides = array<i32>} : memref<32x128xf32, #tpu.memory_space<vmem>>, vector<16xf32>,
        tpu.vector_store %arg26[%swap3A_1054, %swap3A_1055], %gather3A_760 {strides = array<i32>} : memref<32x128xf32, #tpu.memory_space<vmem>>, vector<16xf32>,
        %mul3A_1057 = arith.constant 16 : i32
        %mul3A_1058 = arith.muli %scan3A_525, %mul3A_1057 : i32
        %swap3A_1059 = arith.constant 21 : i32
        %swap3A_1060 = arith.index_cast %swap3A_1059 : i32 to index
        %swap3A_1061 = arith.index_cast %mul3A_1058 : i32 to index
        %swap3A_1062 = tpu.vector_load %arg24[%swap3A_1060, %swap3A_1061] {strides = array<i32>} : memref<32x128xf32, #tpu.memory_space<vmem>>, vector<16xf32>,
        tpu.vector_store %arg24[%swap3A_1060, %swap3A_1061], %gather3A_636 {strides = array<i32>} : memref<32x128xf32, #tpu.memory_space<vmem>>, vector<16xf32>,
        %mul3A_1063 = arith.constant 16 : i32
        %mul3A_1064 = arith.muli %scan3A_525, %mul3A_1063 : i32
        %swap3A_1065 = arith.constant 21 : i32
        %swap3A_1066 = arith.index_cast %swap3A_1065 : i32 to index
        %swap3A_1067 = arith.index_cast %mul3A_1064 : i32 to index
        %swap3A_1068 = tpu.vector_load %arg26[%swap3A_1066, %swap3A_1067] {strides = array<i32>} : memref<32x128xf32, #tpu.memory_space<vmem>>, vector<16xf32>,
        tpu.vector_store %arg26[%swap3A_1066, %swap3A_1067], %gather3A_764 {strides = array<i32>} : memref<32x128xf32, #tpu.memory_space<vmem>>, vector<16xf32>,
        %mul3A_1069 = arith.constant 16 : i32
        %mul3A_1070 = arith.muli %scan3A_525, %mul3A_1069 : i32
        %swap3A_1071 = arith.constant 22 : i32
        %swap3A_1072 = arith.index_cast %swap3A_1071 : i32 to index
        %swap3A_1073 = arith.index_cast %mul3A_1070 : i32 to index
        %swap3A_1074 = tpu.vector_load %arg24[%swap3A_1072, %swap3A_1073] {strides = array<i32>} : memref<32x128xf32, #tpu.memory_space<vmem>>, vector<16xf32>,
        tpu.vector_store %arg24[%swap3A_1072, %swap3A_1073], %gather3A_640 {strides = array<i32>} : memref<32x128xf32, #tpu.memory_space<vmem>>, vector<16xf32>,
        %mul3A_1075 = arith.constant 16 : i32
        %mul3A_1076 = arith.muli %scan3A_525, %mul3A_1075 : i32
        %swap3A_1077 = arith.constant 22 : i32
        %swap3A_1078 = arith.index_cast %swap3A_1077 : i32 to index
        %swap3A_1079 = arith.index_cast %mul3A_1076 : i32 to index
        %swap3A_1080 = tpu.vector_load %arg26[%swap3A_1078, %swap3A_1079] {strides = array<i32>} : memref<32x128xf32, #tpu.memory_space<vmem>>, vector<16xf32>,
        tpu.vector_store %arg26[%swap3A_1078, %swap3A_1079], %gather3A_768 {strides = array<i32>} : memref<32x128xf32, #tpu.memory_space<vmem>>, vector<16xf32>,
        %mul3A_1081 = arith.constant 16 : i32
        %mul3A_1082 = arith.muli %scan3A_525, %mul3A_1081 : i32
        %swap3A_1083 = arith.constant 23 : i32
        %swap3A_1084 = arith.index_cast %swap3A_1083 : i32 to index
        %swap3A_1085 = arith.index_cast %mul3A_1082 : i32 to index
        %swap3A_1086 = tpu.vector_load %arg24[%swap3A_1084, %swap3A_1085] {strides = array<i32>} : memref<32x128xf32, #tpu.memory_space<vmem>>, vector<16xf32>,
        tpu.vector_store %arg24[%swap3A_1084, %swap3A_1085], %gather3A_644 {strides = array<i32>} : memref<32x128xf32, #tpu.memory_space<vmem>>, vector<16xf32>,
        %mul3A_1087 = arith.constant 16 : i32
        %mul3A_1088 = arith.muli %scan3A_525, %mul3A_1087 : i32
        %swap3A_1089 = arith.constant 23 : i32
        %swap3A_1090 = arith.index_cast %swap3A_1089 : i32 to index
        %swap3A_1091 = arith.index_cast %mul3A_1088 : i32 to index
        %swap3A_1092 = tpu.vector_load %arg26[%swap3A_1090, %swap3A_1091] {strides = array<i32>} : memref<32x128xf32, #tpu.memory_space<vmem>>, vector<16xf32>,
        tpu.vector_store %arg26[%swap3A_1090, %swap3A_1091], %gather3A_772 {strides = array<i32>} : memref<32x128xf32, #tpu.memory_space<vmem>>, vector<16xf32>,
        %mul3A_1093 = arith.constant 16 : i32
        %mul3A_1094 = arith.muli %scan3A_525, %mul3A_1093 : i32
        %swap3A_1095 = arith.constant 24 : i32
        %swap3A_1096 = arith.index_cast %swap3A_1095 : i32 to index
        %swap3A_1097 = arith.index_cast %mul3A_1094 : i32 to index
        %swap3A_1098 = tpu.vector_load %arg24[%swap3A_1096, %swap3A_1097] {strides = array<i32>} : memref<32x128xf32, #tpu.memory_space<vmem>>, vector<16xf32>,
        tpu.vector_store %arg24[%swap3A_1096, %swap3A_1097], %gather3A_648 {strides = array<i32>} : memref<32x128xf32, #tpu.memory_space<vmem>>, vector<16xf32>,
        %mul3A_1099 = arith.constant 16 : i32
        %mul3A_1100 = arith.muli %scan3A_525, %mul3A_1099 : i32
        %swap3A_1101 = arith.constant 24 : i32
        %swap3A_1102 = arith.index_cast %swap3A_1101 : i32 to index
        %swap3A_1103 = arith.index_cast %mul3A_1100 : i32 to index
        %swap3A_1104 = tpu.vector_load %arg26[%swap3A_1102, %swap3A_1103] {strides = array<i32>} : memref<32x128xf32, #tpu.memory_space<vmem>>, vector<16xf32>,
        tpu.vector_store %arg26[%swap3A_1102, %swap3A_1103], %gather3A_776 {strides = array<i32>} : memref<32x128xf32, #tpu.memory_space<vmem>>, vector<16xf32>,
        %mul3A_1105 = arith.constant 16 : i32
        %mul3A_1106 = arith.muli %scan3A_525, %mul3A_1105 : i32
        %swap3A_1107 = arith.constant 25 : i32
        %swap3A_1108 = arith.index_cast %swap3A_1107 : i32 to index
        %swap3A_1109 = arith.index_cast %mul3A_1106 : i32 to index
        %swap3A_1110 = tpu.vector_load %arg24[%swap3A_1108, %swap3A_1109] {strides = array<i32>} : memref<32x128xf32, #tpu.memory_space<vmem>>, vector<16xf32>,
        tpu.vector_store %arg24[%swap3A_1108, %swap3A_1109], %gather3A_652 {strides = array<i32>} : memref<32x128xf32, #tpu.memory_space<vmem>>, vector<16xf32>,
        %mul3A_1111 = arith.constant 16 : i32
        %mul3A_1112 = arith.muli %scan3A_525, %mul3A_1111 : i32
        %swap3A_1113 = arith.constant 25 : i32
        %swap3A_1114 = arith.index_cast %swap3A_1113 : i32 to index
        %swap3A_1115 = arith.index_cast %mul3A_1112 : i32 to index
        %swap3A_1116 = tpu.vector_load %arg26[%swap3A_1114, %swap3A_1115] {strides = array<i32>} : memref<32x128xf32, #tpu.memory_space<vmem>>, vector<16xf32>,
        tpu.vector_store %arg26[%swap3A_1114, %swap3A_1115], %gather3A_780 {strides = array<i32>} : memref<32x128xf32, #tpu.memory_space<vmem>>, vector<16xf32>,
        %mul3A_1117 = arith.constant 16 : i32
        %mul3A_1118 = arith.muli %scan3A_525, %mul3A_1117 : i32
        %swap3A_1119 = arith.constant 26 : i32
        %swap3A_1120 = arith.index_cast %swap3A_1119 : i32 to index
        %swap3A_1121 = arith.index_cast %mul3A_1118 : i32 to index
        %swap3A_1122 = tpu.vector_load %arg24[%swap3A_1120, %swap3A_1121] {strides = array<i32>} : memref<32x128xf32, #tpu.memory_space<vmem>>, vector<16xf32>,
        tpu.vector_store %arg24[%swap3A_1120, %swap3A_1121], %gather3A_656 {strides = array<i32>} : memref<32x128xf32, #tpu.memory_space<vmem>>, vector<16xf32>,
        %mul3A_1123 = arith.constant 16 : i32
        %mul3A_1124 = arith.muli %scan3A_525, %mul3A_1123 : i32
        %swap3A_1125 = arith.constant 26 : i32
        %swap3A_1126 = arith.index_cast %swap3A_1125 : i32 to index
        %swap3A_1127 = arith.index_cast %mul3A_1124 : i32 to index
        %swap3A_1128 = tpu.vector_load %arg26[%swap3A_1126, %swap3A_1127] {strides = array<i32>} : memref<32x128xf32, #tpu.memory_space<vmem>>, vector<16xf32>,
        tpu.vector_store %arg26[%swap3A_1126, %swap3A_1127], %gather3A_784 {strides = array<i32>} : memref<32x128xf32, #tpu.memory_space<vmem>>, vector<16xf32>,
        %mul3A_1129 = arith.constant 16 : i32
        %mul3A_1130 = arith.muli %scan3A_525, %mul3A_1129 : i32
        %swap3A_1131 = arith.constant 27 : i32
        %swap3A_1132 = arith.index_cast %swap3A_1131 : i32 to index
        %swap3A_1133 = arith.index_cast %mul3A_1130 : i32 to index
        %swap3A_1134 = tpu.vector_load %arg24[%swap3A_1132, %swap3A_1133] {strides = array<i32>} : memref<32x128xf32, #tpu.memory_space<vmem>>, vector<16xf32>,
        tpu.vector_store %arg24[%swap3A_1132, %swap3A_1133], %gather3A_660 {strides = array<i32>} : memref<32x128xf32, #tpu.memory_space<vmem>>, vector<16xf32>,
        %mul3A_1135 = arith.constant 16 : i32
        %mul3A_1136 = arith.muli %scan3A_525, %mul3A_1135 : i32
        %swap3A_1137 = arith.constant 27 : i32
        %swap3A_1138 = arith.index_cast %swap3A_1137 : i32 to index
        %swap3A_1139 = arith.index_cast %mul3A_1136 : i32 to index
        %swap3A_1140 = tpu.vector_load %arg26[%swap3A_1138, %swap3A_1139] {strides = array<i32>} : memref<32x128xf32, #tpu.memory_space<vmem>>, vector<16xf32>,
        tpu.vector_store %arg26[%swap3A_1138, %swap3A_1139], %gather3A_788 {strides = array<i32>} : memref<32x128xf32, #tpu.memory_space<vmem>>, vector<16xf32>,
        %mul3A_1141 = arith.constant 16 : i32
        %mul3A_1142 = arith.muli %scan3A_525, %mul3A_1141 : i32
        %swap3A_1143 = arith.constant 28 : i32
        %swap3A_1144 = arith.index_cast %swap3A_1143 : i32 to index
        %swap3A_1145 = arith.index_cast %mul3A_1142 : i32 to index
        %swap3A_1146 = tpu.vector_load %arg24[%swap3A_1144, %swap3A_1145] {strides = array<i32>} : memref<32x128xf32, #tpu.memory_space<vmem>>, vector<16xf32>,
        tpu.vector_store %arg24[%swap3A_1144, %swap3A_1145], %gather3A_664 {strides = array<i32>} : memref<32x128xf32, #tpu.memory_space<vmem>>, vector<16xf32>,
        %mul3A_1147 = arith.constant 16 : i32
        %mul3A_1148 = arith.muli %scan3A_525, %mul3A_1147 : i32
        %swap3A_1149 = arith.constant 28 : i32
        %swap3A_1150 = arith.index_cast %swap3A_1149 : i32 to index
        %swap3A_1151 = arith.index_cast %mul3A_1148 : i32 to index
        %swap3A_1152 = tpu.vector_load %arg26[%swap3A_1150, %swap3A_1151] {strides = array<i32>} : memref<32x128xf32, #tpu.memory_space<vmem>>, vector<16xf32>,
        tpu.vector_store %arg26[%swap3A_1150, %swap3A_1151], %gather3A_792 {strides = array<i32>} : memref<32x128xf32, #tpu.memory_space<vmem>>, vector<16xf32>,
        %mul3A_1153 = arith.constant 16 : i32
        %mul3A_1154 = arith.muli %scan3A_525, %mul3A_1153 : i32
        %swap3A_1155 = arith.constant 29 : i32
        %swap3A_1156 = arith.index_cast %swap3A_1155 : i32 to index
        %swap3A_1157 = arith.index_cast %mul3A_1154 : i32 to index
        %swap3A_1158 = tpu.vector_load %arg24[%swap3A_1156, %swap3A_1157] {strides = array<i32>} : memref<32x128xf32, #tpu.memory_space<vmem>>, vector<16xf32>,
        tpu.vector_store %arg24[%swap3A_1156, %swap3A_1157], %gather3A_668 {strides = array<i32>} : memref<32x128xf32, #tpu.memory_space<vmem>>, vector<16xf32>,
        %mul3A_1159 = arith.constant 16 : i32
        %mul3A_1160 = arith.muli %scan3A_525, %mul3A_1159 : i32
        %swap3A_1161 = arith.constant 29 : i32
        %swap3A_1162 = arith.index_cast %swap3A_1161 : i32 to index
        %swap3A_1163 = arith.index_cast %mul3A_1160 : i32 to index
        %swap3A_1164 = tpu.vector_load %arg26[%swap3A_1162, %swap3A_1163] {strides = array<i32>} : memref<32x128xf32, #tpu.memory_space<vmem>>, vector<16xf32>,
        tpu.vector_store %arg26[%swap3A_1162, %swap3A_1163], %gather3A_796 {strides = array<i32>} : memref<32x128xf32, #tpu.memory_space<vmem>>, vector<16xf32>,
        %mul3A_1165 = arith.constant 16 : i32
        %mul3A_1166 = arith.muli %scan3A_525, %mul3A_1165 : i32
        %swap3A_1167 = arith.constant 30 : i32
        %swap3A_1168 = arith.index_cast %swap3A_1167 : i32 to index
        %swap3A_1169 = arith.index_cast %mul3A_1166 : i32 to index
        %swap3A_1170 = tpu.vector_load %arg24[%swap3A_1168, %swap3A_1169] {strides = array<i32>} : memref<32x128xf32, #tpu.memory_space<vmem>>, vector<16xf32>,
        tpu.vector_store %arg24[%swap3A_1168, %swap3A_1169], %gather3A_672 {strides = array<i32>} : memref<32x128xf32, #tpu.memory_space<vmem>>, vector<16xf32>,
        %mul3A_1171 = arith.constant 16 : i32
        %mul3A_1172 = arith.muli %scan3A_525, %mul3A_1171 : i32
        %swap3A_1173 = arith.constant 30 : i32
        %swap3A_1174 = arith.index_cast %swap3A_1173 : i32 to index
        %swap3A_1175 = arith.index_cast %mul3A_1172 : i32 to index
        %swap3A_1176 = tpu.vector_load %arg26[%swap3A_1174, %swap3A_1175] {strides = array<i32>} : memref<32x128xf32, #tpu.memory_space<vmem>>, vector<16xf32>,
        tpu.vector_store %arg26[%swap3A_1174, %swap3A_1175], %gather3A_800 {strides = array<i32>} : memref<32x128xf32, #tpu.memory_space<vmem>>, vector<16xf32>,
        %mul3A_1177 = arith.constant 16 : i32
        %mul3A_1178 = arith.muli %scan3A_525, %mul3A_1177 : i32
        %swap3A_1179 = arith.constant 31 : i32
        %swap3A_1180 = arith.index_cast %swap3A_1179 : i32 to index
        %swap3A_1181 = arith.index_cast %mul3A_1178 : i32 to index
        %swap3A_1182 = tpu.vector_load %arg24[%swap3A_1180, %swap3A_1181] {strides = array<i32>} : memref<32x128xf32, #tpu.memory_space<vmem>>, vector<16xf32>,
        tpu.vector_store %arg24[%swap3A_1180, %swap3A_1181], %gather3A_676 {strides = array<i32>} : memref<32x128xf32, #tpu.memory_space<vmem>>, vector<16xf32>,
        %mul3A_1183 = arith.constant 16 : i32
        %mul3A_1184 = arith.muli %scan3A_525, %mul3A_1183 : i32
        %swap3A_1185 = arith.constant 31 : i32
        %swap3A_1186 = arith.index_cast %swap3A_1185 : i32 to index
        %swap3A_1187 = arith.index_cast %mul3A_1184 : i32 to index
        %swap3A_1188 = tpu.vector_load %arg26[%swap3A_1186, %swap3A_1187] {strides = array<i32>} : memref<32x128xf32, #tpu.memory_space<vmem>>, vector<16xf32>,
        tpu.vector_store %arg26[%swap3A_1186, %swap3A_1187], %gather3A_804 {strides = array<i32>} : memref<32x128xf32, #tpu.memory_space<vmem>>, vector<16xf32>,
      }
      %scan3A_329 = arith.constant 8 : i32
      %mul3A_330 = arith.constant 128 : i32
      %mul3A_331 = arith.muli %select_n3A_312, %mul3A_330 : i32
      %add3A_332 = arith.addi %mul3A_2, %mul3A_331 : i32
      %dma_start3A_333 = arith.constant 0 : i32
      %dma_start3A_334 = tpu.memref_slice %arg6[%select_n3A_296, %dma_start3A_333, %add3A_332] : memref<50x64x16384xf32, #tpu.memory_space<hbm>> -> memref<1x32x128xf32, #tpu.memory_space<hbm>>
      %dma_start3A_335 = tpu.memref_squeeze %dma_start3A_334 : memref<1x32x128xf32, #tpu.memory_space<hbm>> -> memref<32x128xf32, #tpu.memory_space<hbm>>
      %dma_start3A_336 = arith.constant 0 : i32
      %dma_start3A_337 = tpu.memref_slice %arg6[%select_n3A_296, %dma_start3A_336, %add3A_332] : memref<50x64x16384xf32, #tpu.memory_space<hbm>> -> memref<1x32x128xf32, #tpu.memory_space<hbm>>
      %dma_start3A_338 = tpu.memref_squeeze %dma_start3A_337 : memref<1x32x128xf32, #tpu.memory_space<hbm>> -> memref<32x128xf32, #tpu.memory_space<hbm>>
      tpu.enqueue_dma source(%arg24 : memref<32x128xf32, #tpu.memory_space<vmem>>) target(%dma_start3A_338 : memref<32x128xf32, #tpu.memory_space<hbm>>) target_semaphore(%arg32 : memref<!tpu.dma_semaphore, #tpu.memory_space<semaphore_mem>>)
      %dma_start3A_339 = arith.constant 32 : i32
      %dma_start3A_340 = tpu.memref_slice %arg6[%select_n3A_296, %dma_start3A_339, %add3A_332] : memref<50x64x16384xf32, #tpu.memory_space<hbm>> -> memref<1x32x128xf32, #tpu.memory_space<hbm>>
      %dma_start3A_341 = tpu.memref_squeeze %dma_start3A_340 : memref<1x32x128xf32, #tpu.memory_space<hbm>> -> memref<32x128xf32, #tpu.memory_space<hbm>>
      %dma_start3A_342 = arith.constant 32 : i32
      %dma_start3A_343 = tpu.memref_slice %arg6[%select_n3A_296, %dma_start3A_342, %add3A_332] : memref<50x64x16384xf32, #tpu.memory_space<hbm>> -> memref<1x32x128xf32, #tpu.memory_space<hbm>>
      %dma_start3A_344 = tpu.memref_squeeze %dma_start3A_343 : memref<1x32x128xf32, #tpu.memory_space<hbm>> -> memref<32x128xf32, #tpu.memory_space<hbm>>
      tpu.enqueue_dma source(%arg26 : memref<32x128xf32, #tpu.memory_space<vmem>>) target(%dma_start3A_344 : memref<32x128xf32, #tpu.memory_space<hbm>>) target_semaphore(%arg34 : memref<!tpu.dma_semaphore, #tpu.memory_space<semaphore_mem>>)
      %mul3A_345 = arith.constant 4 : i32
      %mul3A_346 = arith.muli %scan3A_177, %mul3A_345 : i32
      %add3A_347 = arith.constant 2 : i32
      %add3A_348 = arith.addi %mul3A_346, %add3A_347 : i32
      %add3A_349 = arith.constant 2 : i32
      %add3A_350 = arith.addi %add3A_348, %add3A_349 : i32
      %lt3A_351 = arith.constant 200 : i32
      %lt3A_352 = arith.cmpi slt, %add3A_350, %lt3A_351 : i32
      %convert_element_type3A_353 = arith.extui %lt3A_352 : i1 to i32
      %cond3A_354 = arith.constant 0 : i32
      %cond3A_355 = arith.cmpi ne, %convert_element_type3A_353, %cond3A_354 : i32
      scf.if %cond3A_355 {
        %add3A_525 = arith.constant 2 : i32
        %add3A_526 = arith.addi %add3A_348, %add3A_525 : i32
        %jit3A_527 = arith.constant 4 : i32
        %div3A_528 = arith.divsi %add3A_526, %jit3A_527 : i32
        %sign3A_529 = arith.constant 0 : i32
        %sign3A_530 = arith.cmpi sgt, %add3A_526, %sign3A_529 : i32
        %sign3A_531 = arith.extui %sign3A_530 : i1 to i32
        %sign3A_532 = arith.constant 0 : i32
        %sign3A_533 = arith.cmpi slt, %add3A_526, %sign3A_532 : i32
        %sign3A_534 = arith.extui %sign3A_533 : i1 to i32
        %sign3A_535 = arith.subi %sign3A_531, %sign3A_534 : i32
        %sign3A_536 = arith.constant 0 : i32
        %sign3A_537 = arith.cmpi sgt, %jit3A_527, %sign3A_536 : i32
        %sign3A_538 = arith.extui %sign3A_537 : i1 to i32
        %sign3A_539 = arith.constant 0 : i32
        %sign3A_540 = arith.cmpi slt, %jit3A_527, %sign3A_539 : i32
        %sign3A_541 = arith.extui %sign3A_540 : i1 to i32
        %sign3A_542 = arith.subi %sign3A_538, %sign3A_541 : i32
        %ne3A_543 = arith.cmpi ne, %sign3A_535, %sign3A_542 : i32
        %rem3A_544 = arith.remsi %add3A_526, %jit3A_527 : i32
        %ne3A_545 = arith.constant 0 : i32
        %ne3A_546 = arith.cmpi ne, %rem3A_544, %ne3A_545 : i32
        %and3A_547 = arith.andi %ne3A_543, %ne3A_546 : i1
        %sub3A_548 = arith.constant 1 : i32
        %sub3A_549 = arith.subi %div3A_528, %sub3A_548 : i32
        %select_n3A_550 = arith.select %and3A_547, %sub3A_549, %div3A_528 : i32
        %jit3A_551 = arith.constant 4 : i32
        %eq3A_552 = arith.constant 0 : i32
        %eq3A_553 = arith.cmpi eq, %jit3A_551, %eq3A_552 : i32
        %jit3A_554 = arith.constant 1 : i32
        %select_n3A_555 = arith.select %eq3A_553, %jit3A_554, %jit3A_551 : i32
        %rem3A_556 = arith.remsi %add3A_526, %select_n3A_555 : i32
        %ne3A_557 = arith.constant 0 : i32
        %ne3A_558 = arith.cmpi ne, %rem3A_556, %ne3A_557 : i32
        %lt3A_559 = arith.constant 0 : i32
        %lt3A_560 = arith.cmpi slt, %rem3A_556, %lt3A_559 : i32
        %lt3A_561 = arith.constant 0 : i32
        %lt3A_562 = arith.cmpi slt, %select_n3A_555, %lt3A_561 : i32
        %ne3A_563 = arith.xori %lt3A_560, %lt3A_562 : i1
        %and3A_564 = arith.andi %ne3A_563, %ne3A_558 : i1
        %add3A_565 = arith.addi %rem3A_556, %select_n3A_555 : i32
        %select_n3A_566 = arith.select %and3A_564, %add3A_565, %rem3A_556 : i32
        %mul3A_567 = arith.constant 16384 : i32
        %mul3A_568 = arith.muli %select_n3A_550, %mul3A_567 : i32
        %add3A_569 = arith.addi %mul3A_568, %mul3A_2 : i32
        %mul3A_570 = arith.constant 128 : i32
        %mul3A_571 = arith.muli %select_n3A_566, %mul3A_570 : i32
        %add3A_572 = arith.addi %add3A_569, %mul3A_571 : i32
        %dma_start3A_573 = tpu.memref_slice %arg2[%add3A_572] : memref<819200xi32, #tpu.memory_space<hbm>> -> memref<128xi32, #tpu.memory_space<hbm>>
        %dma_start3A_574 = tpu.memref_slice %arg2[%add3A_572] : memref<819200xi32, #tpu.memory_space<hbm>> -> memref<128xi32, #tpu.memory_space<hbm>>
        tpu.enqueue_dma source(%dma_start3A_574 : memref<128xi32, #tpu.memory_space<hbm>>) target(%arg7 : memref<128xi32, #tpu.memory_space<vmem>>) target_semaphore(%arg35 : memref<!tpu.dma_semaphore, #tpu.memory_space<semaphore_mem>>)
        %dma_start3A_575 = tpu.memref_slice %arg3[%add3A_572] : memref<819200xi32, #tpu.memory_space<hbm>> -> memref<128xi32, #tpu.memory_space<hbm>>
        %dma_start3A_576 = tpu.memref_slice %arg3[%add3A_572] : memref<819200xi32, #tpu.memory_space<hbm>> -> memref<128xi32, #tpu.memory_space<hbm>>
        tpu.enqueue_dma source(%dma_start3A_576 : memref<128xi32, #tpu.memory_space<hbm>>) target(%arg11 : memref<128xi32, #tpu.memory_space<vmem>>) target_semaphore(%arg39 : memref<!tpu.dma_semaphore, #tpu.memory_space<semaphore_mem>>)
      } else {
      }
      %add3A_356 = arith.constant 1 : i32
      %add3A_357 = arith.addi %add3A_348, %add3A_356 : i32
      %lt3A_358 = arith.constant 200 : i32
      %lt3A_359 = arith.cmpi slt, %add3A_357, %lt3A_358 : i32
      %convert_element_type3A_360 = arith.extui %lt3A_359 : i1 to i32
      %cond3A_361 = arith.constant 0 : i32
      %cond3A_362 = arith.cmpi ne, %convert_element_type3A_360, %cond3A_361 : i32
      scf.if %cond3A_362 {
        %add3A_525 = arith.constant 1 : i32
        %add3A_526 = arith.addi %add3A_348, %add3A_525 : i32
        %jit3A_527 = arith.constant 4 : i32
        %div3A_528 = arith.divsi %add3A_526, %jit3A_527 : i32
        %sign3A_529 = arith.constant 0 : i32
        %sign3A_530 = arith.cmpi sgt, %add3A_526, %sign3A_529 : i32
        %sign3A_531 = arith.extui %sign3A_530 : i1 to i32
        %sign3A_532 = arith.constant 0 : i32
        %sign3A_533 = arith.cmpi slt, %add3A_526, %sign3A_532 : i32
        %sign3A_534 = arith.extui %sign3A_533 : i1 to i32
        %sign3A_535 = arith.subi %sign3A_531, %sign3A_534 : i32
        %sign3A_536 = arith.constant 0 : i32
        %sign3A_537 = arith.cmpi sgt, %jit3A_527, %sign3A_536 : i32
        %sign3A_538 = arith.extui %sign3A_537 : i1 to i32
        %sign3A_539 = arith.constant 0 : i32
        %sign3A_540 = arith.cmpi slt, %jit3A_527, %sign3A_539 : i32
        %sign3A_541 = arith.extui %sign3A_540 : i1 to i32
        %sign3A_542 = arith.subi %sign3A_538, %sign3A_541 : i32
        %ne3A_543 = arith.cmpi ne, %sign3A_535, %sign3A_542 : i32
        %rem3A_544 = arith.remsi %add3A_526, %jit3A_527 : i32
        %ne3A_545 = arith.constant 0 : i32
        %ne3A_546 = arith.cmpi ne, %rem3A_544, %ne3A_545 : i32
        %and3A_547 = arith.andi %ne3A_543, %ne3A_546 : i1
        %sub3A_548 = arith.constant 1 : i32
        %sub3A_549 = arith.subi %div3A_528, %sub3A_548 : i32
        %select_n3A_550 = arith.select %and3A_547, %sub3A_549, %div3A_528 : i32
        %jit3A_551 = arith.constant 4 : i32
        %eq3A_552 = arith.constant 0 : i32
        %eq3A_553 = arith.cmpi eq, %jit3A_551, %eq3A_552 : i32
        %jit3A_554 = arith.constant 1 : i32
        %select_n3A_555 = arith.select %eq3A_553, %jit3A_554, %jit3A_551 : i32
        %rem3A_556 = arith.remsi %add3A_526, %select_n3A_555 : i32
        %ne3A_557 = arith.constant 0 : i32
        %ne3A_558 = arith.cmpi ne, %rem3A_556, %ne3A_557 : i32
        %lt3A_559 = arith.constant 0 : i32
        %lt3A_560 = arith.cmpi slt, %rem3A_556, %lt3A_559 : i32
        %lt3A_561 = arith.constant 0 : i32
        %lt3A_562 = arith.cmpi slt, %select_n3A_555, %lt3A_561 : i32
        %ne3A_563 = arith.xori %lt3A_560, %lt3A_562 : i1
        %and3A_564 = arith.andi %ne3A_563, %ne3A_558 : i1
        %add3A_565 = arith.addi %rem3A_556, %select_n3A_555 : i32
        %select_n3A_566 = arith.select %and3A_564, %add3A_565, %rem3A_556 : i32
        %mul3A_567 = arith.constant 16384 : i32
        %mul3A_568 = arith.muli %select_n3A_550, %mul3A_567 : i32
        %add3A_569 = arith.addi %mul3A_568, %mul3A_2 : i32
        %mul3A_570 = arith.constant 128 : i32
        %mul3A_571 = arith.muli %select_n3A_566, %mul3A_570 : i32
        %add3A_572 = arith.addi %add3A_569, %mul3A_571 : i32
        %dma_wait3A_573 = tpu.memref_slice %arg2[%add3A_572] : memref<819200xi32, #tpu.memory_space<hbm>> -> memref<128xi32, #tpu.memory_space<hbm>>
        %dma_wait3A_574 = tpu.memref_slice %arg2[%add3A_572] : memref<819200xi32, #tpu.memory_space<hbm>> -> memref<128xi32, #tpu.memory_space<hbm>>
        tpu.wait_dma2 semaphore(%arg38 : memref<!tpu.dma_semaphore, #tpu.memory_space<semaphore_mem>>) src(%dma_wait3A_574 : memref<128xi32, #tpu.memory_space<hbm>>) dst(%arg10 : memref<128xi32, #tpu.memory_space<vmem>>)
        %dma_wait3A_575 = tpu.memref_slice %arg3[%add3A_572] : memref<819200xi32, #tpu.memory_space<hbm>> -> memref<128xi32, #tpu.memory_space<hbm>>
        %dma_wait3A_576 = tpu.memref_slice %arg3[%add3A_572] : memref<819200xi32, #tpu.memory_space<hbm>> -> memref<128xi32, #tpu.memory_space<hbm>>
        tpu.wait_dma2 semaphore(%arg42 : memref<!tpu.dma_semaphore, #tpu.memory_space<semaphore_mem>>) src(%dma_wait3A_576 : memref<128xi32, #tpu.memory_space<hbm>>) dst(%arg14 : memref<128xi32, #tpu.memory_space<vmem>>)
        %get3A_577 = arith.constant 0 : index
        %get3A_578 = tpu.vector_load %arg10[%get3A_577] {strides = array<i32>} : memref<128xi32, #tpu.memory_space<vmem>>, vector<16xi32>,
        %get3A_579 = arith.constant 0 : index
        %get3A_580 = tpu.vector_load %arg14[%get3A_579] {strides = array<i32>} : memref<128xi32, #tpu.memory_space<vmem>>, vector<16xi32>,
        %shift_right_logical3A_581 = arith.constant 2 : i32
        %shift_right_logical3A_582 = vector.broadcast %shift_right_logical3A_581 : i32 to vector<16xi32>
        %shift_right_logical3A_583 = arith.shrui %get3A_578, %shift_right_logical3A_582 : vector<16xi32>
        %swap3A_584 = arith.constant 0 : index
        %swap3A_585 = tpu.vector_load %arg16[%swap3A_584] {strides = array<i32>} : memref<128xi32, #tpu.memory_space<vmem>>, vector<16xi32>,
        tpu.vector_store %arg16[%swap3A_584], %shift_right_logical3A_583 {strides = array<i32>} : memref<128xi32, #tpu.memory_space<vmem>>, vector<16xi32>,
        %shift_right_logical3A_586 = arith.constant 2 : i32
        %shift_right_logical3A_587 = vector.broadcast %shift_right_logical3A_586 : i32 to vector<16xi32>
        %shift_right_logical3A_588 = arith.shrui %get3A_580, %shift_right_logical3A_587 : vector<16xi32>
        %swap3A_589 = arith.constant 0 : index
        %swap3A_590 = tpu.vector_load %arg18[%swap3A_589] {strides = array<i32>} : memref<128xi32, #tpu.memory_space<vmem>>, vector<16xi32>,
        tpu.vector_store %arg18[%swap3A_589], %shift_right_logical3A_588 {strides = array<i32>} : memref<128xi32, #tpu.memory_space<vmem>>, vector<16xi32>,
        %get3A_591 = arith.constant 16 : index
        %get3A_592 = tpu.vector_load %arg10[%get3A_591] {strides = array<i32>} : memref<128xi32, #tpu.memory_space<vmem>>, vector<16xi32>,
        %get3A_593 = arith.constant 16 : index
        %get3A_594 = tpu.vector_load %arg14[%get3A_593] {strides = array<i32>} : memref<128xi32, #tpu.memory_space<vmem>>, vector<16xi32>,
        %shift_right_logical3A_595 = arith.constant 2 : i32
        %shift_right_logical3A_596 = vector.broadcast %shift_right_logical3A_595 : i32 to vector<16xi32>
        %shift_right_logical3A_597 = arith.shrui %get3A_592, %shift_right_logical3A_596 : vector<16xi32>
        %swap3A_598 = arith.constant 16 : index
        %swap3A_599 = tpu.vector_load %arg16[%swap3A_598] {strides = array<i32>} : memref<128xi32, #tpu.memory_space<vmem>>, vector<16xi32>,
        tpu.vector_store %arg16[%swap3A_598], %shift_right_logical3A_597 {strides = array<i32>} : memref<128xi32, #tpu.memory_space<vmem>>, vector<16xi32>,
        %shift_right_logical3A_600 = arith.constant 2 : i32
        %shift_right_logical3A_601 = vector.broadcast %shift_right_logical3A_600 : i32 to vector<16xi32>
        %shift_right_logical3A_602 = arith.shrui %get3A_594, %shift_right_logical3A_601 : vector<16xi32>
        %swap3A_603 = arith.constant 16 : index
        %swap3A_604 = tpu.vector_load %arg18[%swap3A_603] {strides = array<i32>} : memref<128xi32, #tpu.memory_space<vmem>>, vector<16xi32>,
        tpu.vector_store %arg18[%swap3A_603], %shift_right_logical3A_602 {strides = array<i32>} : memref<128xi32, #tpu.memory_space<vmem>>, vector<16xi32>,
        %get3A_605 = arith.constant 32 : index
        %get3A_606 = tpu.vector_load %arg10[%get3A_605] {strides = array<i32>} : memref<128xi32, #tpu.memory_space<vmem>>, vector<16xi32>,
        %get3A_607 = arith.constant 32 : index
        %get3A_608 = tpu.vector_load %arg14[%get3A_607] {strides = array<i32>} : memref<128xi32, #tpu.memory_space<vmem>>, vector<16xi32>,
        %shift_right_logical3A_609 = arith.constant 2 : i32
        %shift_right_logical3A_610 = vector.broadcast %shift_right_logical3A_609 : i32 to vector<16xi32>
        %shift_right_logical3A_611 = arith.shrui %get3A_606, %shift_right_logical3A_610 : vector<16xi32>
        %swap3A_612 = arith.constant 32 : index
        %swap3A_613 = tpu.vector_load %arg16[%swap3A_612] {strides = array<i32>} : memref<128xi32, #tpu.memory_space<vmem>>, vector<16xi32>,
        tpu.vector_store %arg16[%swap3A_612], %shift_right_logical3A_611 {strides = array<i32>} : memref<128xi32, #tpu.memory_space<vmem>>, vector<16xi32>,
        %shift_right_logical3A_614 = arith.constant 2 : i32
        %shift_right_logical3A_615 = vector.broadcast %shift_right_logical3A_614 : i32 to vector<16xi32>
        %shift_right_logical3A_616 = arith.shrui %get3A_608, %shift_right_logical3A_615 : vector<16xi32>
        %swap3A_617 = arith.constant 32 : index
        %swap3A_618 = tpu.vector_load %arg18[%swap3A_617] {strides = array<i32>} : memref<128xi32, #tpu.memory_space<vmem>>, vector<16xi32>,
        tpu.vector_store %arg18[%swap3A_617], %shift_right_logical3A_616 {strides = array<i32>} : memref<128xi32, #tpu.memory_space<vmem>>, vector<16xi32>,
        %get3A_619 = arith.constant 48 : index
        %get3A_620 = tpu.vector_load %arg10[%get3A_619] {strides = array<i32>} : memref<128xi32, #tpu.memory_space<vmem>>, vector<16xi32>,
        %get3A_621 = arith.constant 48 : index
        %get3A_622 = tpu.vector_load %arg14[%get3A_621] {strides = array<i32>} : memref<128xi32, #tpu.memory_space<vmem>>, vector<16xi32>,
        %shift_right_logical3A_623 = arith.constant 2 : i32
        %shift_right_logical3A_624 = vector.broadcast %shift_right_logical3A_623 : i32 to vector<16xi32>
        %shift_right_logical3A_625 = arith.shrui %get3A_620, %shift_right_logical3A_624 : vector<16xi32>
        %swap3A_626 = arith.constant 48 : index
        %swap3A_627 = tpu.vector_load %arg16[%swap3A_626] {strides = array<i32>} : memref<128xi32, #tpu.memory_space<vmem>>, vector<16xi32>,
        tpu.vector_store %arg16[%swap3A_626], %shift_right_logical3A_625 {strides = array<i32>} : memref<128xi32, #tpu.memory_space<vmem>>, vector<16xi32>,
        %shift_right_logical3A_628 = arith.constant 2 : i32
        %shift_right_logical3A_629 = vector.broadcast %shift_right_logical3A_628 : i32 to vector<16xi32>
        %shift_right_logical3A_630 = arith.shrui %get3A_622, %shift_right_logical3A_629 : vector<16xi32>
        %swap3A_631 = arith.constant 48 : index
        %swap3A_632 = tpu.vector_load %arg18[%swap3A_631] {strides = array<i32>} : memref<128xi32, #tpu.memory_space<vmem>>, vector<16xi32>,
        tpu.vector_store %arg18[%swap3A_631], %shift_right_logical3A_630 {strides = array<i32>} : memref<128xi32, #tpu.memory_space<vmem>>, vector<16xi32>,
        %get3A_633 = arith.constant 64 : index
        %get3A_634 = tpu.vector_load %arg10[%get3A_633] {strides = array<i32>} : memref<128xi32, #tpu.memory_space<vmem>>, vector<16xi32>,
        %get3A_635 = arith.constant 64 : index
        %get3A_636 = tpu.vector_load %arg14[%get3A_635] {strides = array<i32>} : memref<128xi32, #tpu.memory_space<vmem>>, vector<16xi32>,
        %shift_right_logical3A_637 = arith.constant 2 : i32
        %shift_right_logical3A_638 = vector.broadcast %shift_right_logical3A_637 : i32 to vector<16xi32>
        %shift_right_logical3A_639 = arith.shrui %get3A_634, %shift_right_logical3A_638 : vector<16xi32>
        %swap3A_640 = arith.constant 64 : index
        %swap3A_641 = tpu.vector_load %arg16[%swap3A_640] {strides = array<i32>} : memref<128xi32, #tpu.memory_space<vmem>>, vector<16xi32>,
        tpu.vector_store %arg16[%swap3A_640], %shift_right_logical3A_639 {strides = array<i32>} : memref<128xi32, #tpu.memory_space<vmem>>, vector<16xi32>,
        %shift_right_logical3A_642 = arith.constant 2 : i32
        %shift_right_logical3A_643 = vector.broadcast %shift_right_logical3A_642 : i32 to vector<16xi32>
        %shift_right_logical3A_644 = arith.shrui %get3A_636, %shift_right_logical3A_643 : vector<16xi32>
        %swap3A_645 = arith.constant 64 : index
        %swap3A_646 = tpu.vector_load %arg18[%swap3A_645] {strides = array<i32>} : memref<128xi32, #tpu.memory_space<vmem>>, vector<16xi32>,
        tpu.vector_store %arg18[%swap3A_645], %shift_right_logical3A_644 {strides = array<i32>} : memref<128xi32, #tpu.memory_space<vmem>>, vector<16xi32>,
        %get3A_647 = arith.constant 80 : index
        %get3A_648 = tpu.vector_load %arg10[%get3A_647] {strides = array<i32>} : memref<128xi32, #tpu.memory_space<vmem>>, vector<16xi32>,
        %get3A_649 = arith.constant 80 : index
        %get3A_650 = tpu.vector_load %arg14[%get3A_649] {strides = array<i32>} : memref<128xi32, #tpu.memory_space<vmem>>, vector<16xi32>,
        %shift_right_logical3A_651 = arith.constant 2 : i32
        %shift_right_logical3A_652 = vector.broadcast %shift_right_logical3A_651 : i32 to vector<16xi32>
        %shift_right_logical3A_653 = arith.shrui %get3A_648, %shift_right_logical3A_652 : vector<16xi32>
        %swap3A_654 = arith.constant 80 : index
        %swap3A_655 = tpu.vector_load %arg16[%swap3A_654] {strides = array<i32>} : memref<128xi32, #tpu.memory_space<vmem>>, vector<16xi32>,
        tpu.vector_store %arg16[%swap3A_654], %shift_right_logical3A_653 {strides = array<i32>} : memref<128xi32, #tpu.memory_space<vmem>>, vector<16xi32>,
        %shift_right_logical3A_656 = arith.constant 2 : i32
        %shift_right_logical3A_657 = vector.broadcast %shift_right_logical3A_656 : i32 to vector<16xi32>
        %shift_right_logical3A_658 = arith.shrui %get3A_650, %shift_right_logical3A_657 : vector<16xi32>
        %swap3A_659 = arith.constant 80 : index
        %swap3A_660 = tpu.vector_load %arg18[%swap3A_659] {strides = array<i32>} : memref<128xi32, #tpu.memory_space<vmem>>, vector<16xi32>,
        tpu.vector_store %arg18[%swap3A_659], %shift_right_logical3A_658 {strides = array<i32>} : memref<128xi32, #tpu.memory_space<vmem>>, vector<16xi32>,
        %get3A_661 = arith.constant 96 : index
        %get3A_662 = tpu.vector_load %arg10[%get3A_661] {strides = array<i32>} : memref<128xi32, #tpu.memory_space<vmem>>, vector<16xi32>,
        %get3A_663 = arith.constant 96 : index
        %get3A_664 = tpu.vector_load %arg14[%get3A_663] {strides = array<i32>} : memref<128xi32, #tpu.memory_space<vmem>>, vector<16xi32>,
        %shift_right_logical3A_665 = arith.constant 2 : i32
        %shift_right_logical3A_666 = vector.broadcast %shift_right_logical3A_665 : i32 to vector<16xi32>
        %shift_right_logical3A_667 = arith.shrui %get3A_662, %shift_right_logical3A_666 : vector<16xi32>
        %swap3A_668 = arith.constant 96 : index
        %swap3A_669 = tpu.vector_load %arg16[%swap3A_668] {strides = array<i32>} : memref<128xi32, #tpu.memory_space<vmem>>, vector<16xi32>,
        tpu.vector_store %arg16[%swap3A_668], %shift_right_logical3A_667 {strides = array<i32>} : memref<128xi32, #tpu.memory_space<vmem>>, vector<16xi32>,
        %shift_right_logical3A_670 = arith.constant 2 : i32
        %shift_right_logical3A_671 = vector.broadcast %shift_right_logical3A_670 : i32 to vector<16xi32>
        %shift_right_logical3A_672 = arith.shrui %get3A_664, %shift_right_logical3A_671 : vector<16xi32>
        %swap3A_673 = arith.constant 96 : index
        %swap3A_674 = tpu.vector_load %arg18[%swap3A_673] {strides = array<i32>} : memref<128xi32, #tpu.memory_space<vmem>>, vector<16xi32>,
        tpu.vector_store %arg18[%swap3A_673], %shift_right_logical3A_672 {strides = array<i32>} : memref<128xi32, #tpu.memory_space<vmem>>, vector<16xi32>,
        %get3A_675 = arith.constant 112 : index
        %get3A_676 = tpu.vector_load %arg10[%get3A_675] {strides = array<i32>} : memref<128xi32, #tpu.memory_space<vmem>>, vector<16xi32>,
        %get3A_677 = arith.constant 112 : index
        %get3A_678 = tpu.vector_load %arg14[%get3A_677] {strides = array<i32>} : memref<128xi32, #tpu.memory_space<vmem>>, vector<16xi32>,
        %shift_right_logical3A_679 = arith.constant 2 : i32
        %shift_right_logical3A_680 = vector.broadcast %shift_right_logical3A_679 : i32 to vector<16xi32>
        %shift_right_logical3A_681 = arith.shrui %get3A_676, %shift_right_logical3A_680 : vector<16xi32>
        %swap3A_682 = arith.constant 112 : index
        %swap3A_683 = tpu.vector_load %arg16[%swap3A_682] {strides = array<i32>} : memref<128xi32, #tpu.memory_space<vmem>>, vector<16xi32>,
        tpu.vector_store %arg16[%swap3A_682], %shift_right_logical3A_681 {strides = array<i32>} : memref<128xi32, #tpu.memory_space<vmem>>, vector<16xi32>,
        %shift_right_logical3A_684 = arith.constant 2 : i32
        %shift_right_logical3A_685 = vector.broadcast %shift_right_logical3A_684 : i32 to vector<16xi32>
        %shift_right_logical3A_686 = arith.shrui %get3A_678, %shift_right_logical3A_685 : vector<16xi32>
        %swap3A_687 = arith.constant 112 : index
        %swap3A_688 = tpu.vector_load %arg18[%swap3A_687] {strides = array<i32>} : memref<128xi32, #tpu.memory_space<vmem>>, vector<16xi32>,
        tpu.vector_store %arg18[%swap3A_687], %shift_right_logical3A_686 {strides = array<i32>} : memref<128xi32, #tpu.memory_space<vmem>>, vector<16xi32>,
        %dma_start3A_689 = arith.constant 0 : i32
        %dma_start3A_690 = arith.constant 0 : i32
        %dma_start3A_691 = tpu.memref_slice %arg4[%dma_start3A_689, %dma_start3A_690] : memref<25000x128xf32, #tpu.memory_space<hbm>> -> memref<25000x128xf32, #tpu.memory_space<hbm>>
        tpu.enqueue_indirect_dma source(%dma_start3A_691 : memref<25000x128xf32, #tpu.memory_space<hbm>>) target(%arg20 : memref<128x128xf32, #tpu.memory_space<vmem>>) offsets(%arg16 : memref<128xi32, #tpu.memory_space<vmem>>) semaphore(%arg28 : memref<!tpu.dma_semaphore, #tpu.memory_space<semaphore_mem>>)
        %dma_start3A_692 = arith.constant 0 : i32
        %dma_start3A_693 = arith.constant 0 : i32
        %dma_start3A_694 = tpu.memref_slice %arg5[%dma_start3A_692, %dma_start3A_693] : memref<250000x128xf32, #tpu.memory_space<hbm>> -> memref<250000x128xf32, #tpu.memory_space<hbm>>
        tpu.enqueue_indirect_dma source(%dma_start3A_694 : memref<250000x128xf32, #tpu.memory_space<hbm>>) target(%arg22 : memref<128x128xf32, #tpu.memory_space<vmem>>) offsets(%arg18 : memref<128xi32, #tpu.memory_space<vmem>>) semaphore(%arg30 : memref<!tpu.dma_semaphore, #tpu.memory_space<semaphore_mem>>)
      } else {
      }
      %jit3A_363 = arith.constant 4 : i32
      %div3A_364 = arith.divsi %add3A_348, %jit3A_363 : i32
      %sign3A_365 = arith.constant 0 : i32
      %sign3A_366 = arith.cmpi sgt, %add3A_348, %sign3A_365 : i32
      %sign3A_367 = arith.extui %sign3A_366 : i1 to i32
      %sign3A_368 = arith.constant 0 : i32
      %sign3A_369 = arith.cmpi slt, %add3A_348, %sign3A_368 : i32
      %sign3A_370 = arith.extui %sign3A_369 : i1 to i32
      %sign3A_371 = arith.subi %sign3A_367, %sign3A_370 : i32
      %sign3A_372 = arith.constant 0 : i32
      %sign3A_373 = arith.cmpi sgt, %jit3A_363, %sign3A_372 : i32
      %sign3A_374 = arith.extui %sign3A_373 : i1 to i32
      %sign3A_375 = arith.constant 0 : i32
      %sign3A_376 = arith.cmpi slt, %jit3A_363, %sign3A_375 : i32
      %sign3A_377 = arith.extui %sign3A_376 : i1 to i32
      %sign3A_378 = arith.subi %sign3A_374, %sign3A_377 : i32
      %ne3A_379 = arith.cmpi ne, %sign3A_371, %sign3A_378 : i32
      %rem3A_380 = arith.remsi %add3A_348, %jit3A_363 : i32
      %ne3A_381 = arith.constant 0 : i32
      %ne3A_382 = arith.cmpi ne, %rem3A_380, %ne3A_381 : i32
      %and3A_383 = arith.andi %ne3A_379, %ne3A_382 : i1
      %sub3A_384 = arith.constant 1 : i32
      %sub3A_385 = arith.subi %div3A_364, %sub3A_384 : i32
      %select_n3A_386 = arith.select %and3A_383, %sub3A_385, %div3A_364 : i32
      %jit3A_387 = arith.constant 4 : i32
      %eq3A_388 = arith.constant 0 : i32
      %eq3A_389 = arith.cmpi eq, %jit3A_387, %eq3A_388 : i32
      %jit3A_390 = arith.constant 1 : i32
      %select_n3A_391 = arith.select %eq3A_389, %jit3A_390, %jit3A_387 : i32
      %rem3A_392 = arith.remsi %add3A_348, %select_n3A_391 : i32
      %ne3A_393 = arith.constant 0 : i32
      %ne3A_394 = arith.cmpi ne, %rem3A_392, %ne3A_393 : i32
      %lt3A_395 = arith.constant 0 : i32
      %lt3A_396 = arith.cmpi slt, %rem3A_392, %lt3A_395 : i32
      %lt3A_397 = arith.constant 0 : i32
      %lt3A_398 = arith.cmpi slt, %select_n3A_391, %lt3A_397 : i32
      %ne3A_399 = arith.xori %lt3A_396, %lt3A_398 : i1
      %and3A_400 = arith.andi %ne3A_399, %ne3A_394 : i1
      %add3A_401 = arith.addi %rem3A_392, %select_n3A_391 : i32
      %select_n3A_402 = arith.select %and3A_400, %add3A_401, %rem3A_392 : i32
      %dma_wait3A_403 = arith.constant 0 : i32
      %dma_wait3A_404 = arith.constant 0 : i32
      %dma_wait3A_405 = tpu.memref_slice %arg4[%dma_wait3A_403, %dma_wait3A_404] : memref<25000x128xf32, #tpu.memory_space<hbm>> -> memref<25000x128xf32, #tpu.memory_space<hbm>>
      tpu.wait_indirect_dma semaphore(%arg27 : memref<!tpu.dma_semaphore, #tpu.memory_space<semaphore_mem>>) src(%dma_wait3A_405 : memref<25000x128xf32, #tpu.memory_space<hbm>>) dst(%arg19 : memref<128x128xf32, #tpu.memory_space<vmem>>)
      %dma_wait3A_406 = arith.constant 0 : i32
      %dma_wait3A_407 = arith.constant 0 : i32
      %dma_wait3A_408 = tpu.memref_slice %arg5[%dma_wait3A_406, %dma_wait3A_407] : memref<250000x128xf32, #tpu.memory_space<hbm>> -> memref<250000x128xf32, #tpu.memory_space<hbm>>
      tpu.wait_indirect_dma semaphore(%arg29 : memref<!tpu.dma_semaphore, #tpu.memory_space<semaphore_mem>>) src(%dma_wait3A_408 : memref<250000x128xf32, #tpu.memory_space<hbm>>) dst(%arg21 : memref<128x128xf32, #tpu.memory_space<vmem>>)
      %ge3A_409 = arith.constant 2 : i32
      %ge3A_410 = arith.cmpi sge, %add3A_348, %ge3A_409 : i32
      %convert_element_type3A_411 = arith.extui %ge3A_410 : i1 to i32
      %cond3A_412 = arith.constant 0 : i32
      %cond3A_413 = arith.cmpi ne, %convert_element_type3A_411, %cond3A_412 : i32
      scf.if %cond3A_413 {
        %sub3A_525 = arith.constant 2 : i32
        %sub3A_526 = arith.subi %add3A_348, %sub3A_525 : i32
        %jit3A_527 = arith.constant 4 : i32
        %div3A_528 = arith.divsi %sub3A_526, %jit3A_527 : i32
        %sign3A_529 = arith.constant 0 : i32
        %sign3A_530 = arith.cmpi sgt, %sub3A_526, %sign3A_529 : i32
        %sign3A_531 = arith.extui %sign3A_530 : i1 to i32
        %sign3A_532 = arith.constant 0 : i32
        %sign3A_533 = arith.cmpi slt, %sub3A_526, %sign3A_532 : i32
        %sign3A_534 = arith.extui %sign3A_533 : i1 to i32
        %sign3A_535 = arith.subi %sign3A_531, %sign3A_534 : i32
        %sign3A_536 = arith.constant 0 : i32
        %sign3A_537 = arith.cmpi sgt, %jit3A_527, %sign3A_536 : i32
        %sign3A_538 = arith.extui %sign3A_537 : i1 to i32
        %sign3A_539 = arith.constant 0 : i32
        %sign3A_540 = arith.cmpi slt, %jit3A_527, %sign3A_539 : i32
        %sign3A_541 = arith.extui %sign3A_540 : i1 to i32
        %sign3A_542 = arith.subi %sign3A_538, %sign3A_541 : i32
        %ne3A_543 = arith.cmpi ne, %sign3A_535, %sign3A_542 : i32
        %rem3A_544 = arith.remsi %sub3A_526, %jit3A_527 : i32
        %ne3A_545 = arith.constant 0 : i32
        %ne3A_546 = arith.cmpi ne, %rem3A_544, %ne3A_545 : i32
        %and3A_547 = arith.andi %ne3A_543, %ne3A_546 : i1
        %sub3A_548 = arith.constant 1 : i32
        %sub3A_549 = arith.subi %div3A_528, %sub3A_548 : i32
        %select_n3A_550 = arith.select %and3A_547, %sub3A_549, %div3A_528 : i32
        %sub3A_551 = arith.constant 2 : i32
        %sub3A_552 = arith.subi %add3A_348, %sub3A_551 : i32
        %jit3A_553 = arith.constant 4 : i32
        %eq3A_554 = arith.constant 0 : i32
        %eq3A_555 = arith.cmpi eq, %jit3A_553, %eq3A_554 : i32
        %jit3A_556 = arith.constant 1 : i32
        %select_n3A_557 = arith.select %eq3A_555, %jit3A_556, %jit3A_553 : i32
        %rem3A_558 = arith.remsi %sub3A_552, %select_n3A_557 : i32
        %ne3A_559 = arith.constant 0 : i32
        %ne3A_560 = arith.cmpi ne, %rem3A_558, %ne3A_559 : i32
        %lt3A_561 = arith.constant 0 : i32
        %lt3A_562 = arith.cmpi slt, %rem3A_558, %lt3A_561 : i32
        %lt3A_563 = arith.constant 0 : i32
        %lt3A_564 = arith.cmpi slt, %select_n3A_557, %lt3A_563 : i32
        %ne3A_565 = arith.xori %lt3A_562, %lt3A_564 : i1
        %and3A_566 = arith.andi %ne3A_565, %ne3A_560 : i1
        %add3A_567 = arith.addi %rem3A_558, %select_n3A_557 : i32
        %select_n3A_568 = arith.select %and3A_566, %add3A_567, %rem3A_558 : i32
        %mul3A_569 = arith.constant 128 : i32
        %mul3A_570 = arith.muli %select_n3A_568, %mul3A_569 : i32
        %add3A_571 = arith.addi %mul3A_2, %mul3A_570 : i32
        %dma_wait3A_572 = arith.constant 0 : i32
        %dma_wait3A_573 = tpu.memref_slice %arg6[%select_n3A_550, %dma_wait3A_572, %add3A_571] : memref<50x64x16384xf32, #tpu.memory_space<hbm>> -> memref<1x32x128xf32, #tpu.memory_space<hbm>>
        %dma_wait3A_574 = tpu.memref_squeeze %dma_wait3A_573 : memref<1x32x128xf32, #tpu.memory_space<hbm>> -> memref<32x128xf32, #tpu.memory_space<hbm>>
        %dma_wait3A_575 = arith.constant 0 : i32
        %dma_wait3A_576 = tpu.memref_slice %arg6[%select_n3A_550, %dma_wait3A_575, %add3A_571] : memref<50x64x16384xf32, #tpu.memory_space<hbm>> -> memref<1x32x128xf32, #tpu.memory_space<hbm>>
        %dma_wait3A_577 = tpu.memref_squeeze %dma_wait3A_576 : memref<1x32x128xf32, #tpu.memory_space<hbm>> -> memref<32x128xf32, #tpu.memory_space<hbm>>
        tpu.wait_dma2 semaphore(%arg31 : memref<!tpu.dma_semaphore, #tpu.memory_space<semaphore_mem>>) src(%arg23 : memref<32x128xf32, #tpu.memory_space<vmem>>) dst(%dma_wait3A_577 : memref<32x128xf32, #tpu.memory_space<hbm>>)
        %dma_wait3A_578 = arith.constant 32 : i32
        %dma_wait3A_579 = tpu.memref_slice %arg6[%select_n3A_550, %dma_wait3A_578, %add3A_571] : memref<50x64x16384xf32, #tpu.memory_space<hbm>> -> memref<1x32x128xf32, #tpu.memory_space<hbm>>
        %dma_wait3A_580 = tpu.memref_squeeze %dma_wait3A_579 : memref<1x32x128xf32, #tpu.memory_space<hbm>> -> memref<32x128xf32, #tpu.memory_space<hbm>>
        %dma_wait3A_581 = arith.constant 32 : i32
        %dma_wait3A_582 = tpu.memref_slice %arg6[%select_n3A_550, %dma_wait3A_581, %add3A_571] : memref<50x64x16384xf32, #tpu.memory_space<hbm>> -> memref<1x32x128xf32, #tpu.memory_space<hbm>>
        %dma_wait3A_583 = tpu.memref_squeeze %dma_wait3A_582 : memref<1x32x128xf32, #tpu.memory_space<hbm>> -> memref<32x128xf32, #tpu.memory_space<hbm>>
        tpu.wait_dma2 semaphore(%arg33 : memref<!tpu.dma_semaphore, #tpu.memory_space<semaphore_mem>>) src(%arg25 : memref<32x128xf32, #tpu.memory_space<vmem>>) dst(%dma_wait3A_583 : memref<32x128xf32, #tpu.memory_space<hbm>>)
      } else {
      }
      %scan3A_414 = arith.constant 0 : i32
      %scan3A_415 = arith.constant 0 : i32
      %scan3A_416 = arith.constant 8 : i32
      %scan3A_417 = arith.addi %scan3A_415, %scan3A_416 : i32
      %scan3A_418 = arith.constant 1 : i32
      scf.for %scan3A_525 = %scan3A_415 to %scan3A_417 step %scan3A_418  : i32 {
        %iota3A = tpu.iota {dimensions = array<i32: 0>} : vector<16xi32>
        %mul3A_526 = arith.constant 16 : i32
        %mul3A_527 = arith.muli %scan3A_525, %mul3A_526 : i32
        %add3A_528 = vector.broadcast %mul3A_527 : i32 to vector<16xi32>
        %add3A_529 = arith.addi %iota3A, %add3A_528 : vector<16xi32>
        %mul3A_530 = arith.constant 16 : i32
        %mul3A_531 = arith.muli %scan3A_525, %mul3A_530 : i32
        %get3A_532 = arith.index_cast %mul3A_531 : i32 to index
        %get3A_533 = tpu.vector_load %arg9[%get3A_532] {strides = array<i32>} : memref<128xi32, #tpu.memory_space<vmem>>, vector<16xi32>,
        %and3A_534 = arith.constant 3 : i32
        %and3A_535 = vector.broadcast %and3A_534 : i32 to vector<16xi32>
        %and3A_536 = arith.andi %get3A_533, %and3A_535 : vector<16xi32>
        %mul3A_537 = arith.constant 32 : i32
        %mul3A_538 = vector.broadcast %mul3A_537 : i32 to vector<16xi32>
        %mul3A_539 = arith.muli %and3A_536, %mul3A_538 : vector<16xi32>
        %mul3A_540 = arith.constant 16 : i32
        %mul3A_541 = arith.muli %scan3A_525, %mul3A_540 : i32
        %get3A_542 = arith.index_cast %mul3A_541 : i32 to index
        %get3A_543 = tpu.vector_load %arg13[%get3A_542] {strides = array<i32>} : memref<128xi32, #tpu.memory_space<vmem>>, vector<16xi32>,
        %and3A_544 = arith.constant 3 : i32
        %and3A_545 = vector.broadcast %and3A_544 : i32 to vector<16xi32>
        %and3A_546 = arith.andi %get3A_543, %and3A_545 : vector<16xi32>
        %mul3A_547 = arith.constant 32 : i32
        %mul3A_548 = vector.broadcast %mul3A_547 : i32 to vector<16xi32>
        %mul3A_549 = arith.muli %and3A_546, %mul3A_548 : vector<16xi32>
        %add3A_550 = arith.constant 0 : i32
        %add3A_551 = vector.broadcast %add3A_550 : i32 to vector<16xi32>
        %add3A_552 = arith.addi %mul3A_539, %add3A_551 : vector<16xi32>
        %gather3A = tpu.vector_load_idx %arg19[%add3A_529, %add3A_552] : memref<128x128xf32, #tpu.memory_space<vmem>>[vector<16xi32>, vector<16xi32>], vector<16xf32>,
        %add3A_553 = arith.constant 1 : i32
        %add3A_554 = vector.broadcast %add3A_553 : i32 to vector<16xi32>
        %add3A_555 = arith.addi %mul3A_539, %add3A_554 : vector<16xi32>
        %gather3A_556 = tpu.vector_load_idx %arg19[%add3A_529, %add3A_555] : memref<128x128xf32, #tpu.memory_space<vmem>>[vector<16xi32>, vector<16xi32>], vector<16xf32>,
        %add3A_557 = arith.constant 2 : i32
        %add3A_558 = vector.broadcast %add3A_557 : i32 to vector<16xi32>
        %add3A_559 = arith.addi %mul3A_539, %add3A_558 : vector<16xi32>
        %gather3A_560 = tpu.vector_load_idx %arg19[%add3A_529, %add3A_559] : memref<128x128xf32, #tpu.memory_space<vmem>>[vector<16xi32>, vector<16xi32>], vector<16xf32>,
        %add3A_561 = arith.constant 3 : i32
        %add3A_562 = vector.broadcast %add3A_561 : i32 to vector<16xi32>
        %add3A_563 = arith.addi %mul3A_539, %add3A_562 : vector<16xi32>
        %gather3A_564 = tpu.vector_load_idx %arg19[%add3A_529, %add3A_563] : memref<128x128xf32, #tpu.memory_space<vmem>>[vector<16xi32>, vector<16xi32>], vector<16xf32>,
        %add3A_565 = arith.constant 4 : i32
        %add3A_566 = vector.broadcast %add3A_565 : i32 to vector<16xi32>
        %add3A_567 = arith.addi %mul3A_539, %add3A_566 : vector<16xi32>
        %gather3A_568 = tpu.vector_load_idx %arg19[%add3A_529, %add3A_567] : memref<128x128xf32, #tpu.memory_space<vmem>>[vector<16xi32>, vector<16xi32>], vector<16xf32>,
        %add3A_569 = arith.constant 5 : i32
        %add3A_570 = vector.broadcast %add3A_569 : i32 to vector<16xi32>
        %add3A_571 = arith.addi %mul3A_539, %add3A_570 : vector<16xi32>
        %gather3A_572 = tpu.vector_load_idx %arg19[%add3A_529, %add3A_571] : memref<128x128xf32, #tpu.memory_space<vmem>>[vector<16xi32>, vector<16xi32>], vector<16xf32>,
        %add3A_573 = arith.constant 6 : i32
        %add3A_574 = vector.broadcast %add3A_573 : i32 to vector<16xi32>
        %add3A_575 = arith.addi %mul3A_539, %add3A_574 : vector<16xi32>
        %gather3A_576 = tpu.vector_load_idx %arg19[%add3A_529, %add3A_575] : memref<128x128xf32, #tpu.memory_space<vmem>>[vector<16xi32>, vector<16xi32>], vector<16xf32>,
        %add3A_577 = arith.constant 7 : i32
        %add3A_578 = vector.broadcast %add3A_577 : i32 to vector<16xi32>
        %add3A_579 = arith.addi %mul3A_539, %add3A_578 : vector<16xi32>
        %gather3A_580 = tpu.vector_load_idx %arg19[%add3A_529, %add3A_579] : memref<128x128xf32, #tpu.memory_space<vmem>>[vector<16xi32>, vector<16xi32>], vector<16xf32>,
        %add3A_581 = arith.constant 8 : i32
        %add3A_582 = vector.broadcast %add3A_581 : i32 to vector<16xi32>
        %add3A_583 = arith.addi %mul3A_539, %add3A_582 : vector<16xi32>
        %gather3A_584 = tpu.vector_load_idx %arg19[%add3A_529, %add3A_583] : memref<128x128xf32, #tpu.memory_space<vmem>>[vector<16xi32>, vector<16xi32>], vector<16xf32>,
        %add3A_585 = arith.constant 9 : i32
        %add3A_586 = vector.broadcast %add3A_585 : i32 to vector<16xi32>
        %add3A_587 = arith.addi %mul3A_539, %add3A_586 : vector<16xi32>
        %gather3A_588 = tpu.vector_load_idx %arg19[%add3A_529, %add3A_587] : memref<128x128xf32, #tpu.memory_space<vmem>>[vector<16xi32>, vector<16xi32>], vector<16xf32>,
        %add3A_589 = arith.constant 10 : i32
        %add3A_590 = vector.broadcast %add3A_589 : i32 to vector<16xi32>
        %add3A_591 = arith.addi %mul3A_539, %add3A_590 : vector<16xi32>
        %gather3A_592 = tpu.vector_load_idx %arg19[%add3A_529, %add3A_591] : memref<128x128xf32, #tpu.memory_space<vmem>>[vector<16xi32>, vector<16xi32>], vector<16xf32>,
        %add3A_593 = arith.constant 11 : i32
        %add3A_594 = vector.broadcast %add3A_593 : i32 to vector<16xi32>
        %add3A_595 = arith.addi %mul3A_539, %add3A_594 : vector<16xi32>
        %gather3A_596 = tpu.vector_load_idx %arg19[%add3A_529, %add3A_595] : memref<128x128xf32, #tpu.memory_space<vmem>>[vector<16xi32>, vector<16xi32>], vector<16xf32>,
        %add3A_597 = arith.constant 12 : i32
        %add3A_598 = vector.broadcast %add3A_597 : i32 to vector<16xi32>
        %add3A_599 = arith.addi %mul3A_539, %add3A_598 : vector<16xi32>
        %gather3A_600 = tpu.vector_load_idx %arg19[%add3A_529, %add3A_599] : memref<128x128xf32, #tpu.memory_space<vmem>>[vector<16xi32>, vector<16xi32>], vector<16xf32>,
        %add3A_601 = arith.constant 13 : i32
        %add3A_602 = vector.broadcast %add3A_601 : i32 to vector<16xi32>
        %add3A_603 = arith.addi %mul3A_539, %add3A_602 : vector<16xi32>
        %gather3A_604 = tpu.vector_load_idx %arg19[%add3A_529, %add3A_603] : memref<128x128xf32, #tpu.memory_space<vmem>>[vector<16xi32>, vector<16xi32>], vector<16xf32>,
        %add3A_605 = arith.constant 14 : i32
        %add3A_606 = vector.broadcast %add3A_605 : i32 to vector<16xi32>
        %add3A_607 = arith.addi %mul3A_539, %add3A_606 : vector<16xi32>
        %gather3A_608 = tpu.vector_load_idx %arg19[%add3A_529, %add3A_607] : memref<128x128xf32, #tpu.memory_space<vmem>>[vector<16xi32>, vector<16xi32>], vector<16xf32>,
        %add3A_609 = arith.constant 15 : i32
        %add3A_610 = vector.broadcast %add3A_609 : i32 to vector<16xi32>
        %add3A_611 = arith.addi %mul3A_539, %add3A_610 : vector<16xi32>
        %gather3A_612 = tpu.vector_load_idx %arg19[%add3A_529, %add3A_611] : memref<128x128xf32, #tpu.memory_space<vmem>>[vector<16xi32>, vector<16xi32>], vector<16xf32>,
        %add3A_613 = arith.constant 16 : i32
        %add3A_614 = vector.broadcast %add3A_613 : i32 to vector<16xi32>
        %add3A_615 = arith.addi %mul3A_539, %add3A_614 : vector<16xi32>
        %gather3A_616 = tpu.vector_load_idx %arg19[%add3A_529, %add3A_615] : memref<128x128xf32, #tpu.memory_space<vmem>>[vector<16xi32>, vector<16xi32>], vector<16xf32>,
        %add3A_617 = arith.constant 17 : i32
        %add3A_618 = vector.broadcast %add3A_617 : i32 to vector<16xi32>
        %add3A_619 = arith.addi %mul3A_539, %add3A_618 : vector<16xi32>
        %gather3A_620 = tpu.vector_load_idx %arg19[%add3A_529, %add3A_619] : memref<128x128xf32, #tpu.memory_space<vmem>>[vector<16xi32>, vector<16xi32>], vector<16xf32>,
        %add3A_621 = arith.constant 18 : i32
        %add3A_622 = vector.broadcast %add3A_621 : i32 to vector<16xi32>
        %add3A_623 = arith.addi %mul3A_539, %add3A_622 : vector<16xi32>
        %gather3A_624 = tpu.vector_load_idx %arg19[%add3A_529, %add3A_623] : memref<128x128xf32, #tpu.memory_space<vmem>>[vector<16xi32>, vector<16xi32>], vector<16xf32>,
        %add3A_625 = arith.constant 19 : i32
        %add3A_626 = vector.broadcast %add3A_625 : i32 to vector<16xi32>
        %add3A_627 = arith.addi %mul3A_539, %add3A_626 : vector<16xi32>
        %gather3A_628 = tpu.vector_load_idx %arg19[%add3A_529, %add3A_627] : memref<128x128xf32, #tpu.memory_space<vmem>>[vector<16xi32>, vector<16xi32>], vector<16xf32>,
        %add3A_629 = arith.constant 20 : i32
        %add3A_630 = vector.broadcast %add3A_629 : i32 to vector<16xi32>
        %add3A_631 = arith.addi %mul3A_539, %add3A_630 : vector<16xi32>
        %gather3A_632 = tpu.vector_load_idx %arg19[%add3A_529, %add3A_631] : memref<128x128xf32, #tpu.memory_space<vmem>>[vector<16xi32>, vector<16xi32>], vector<16xf32>,
        %add3A_633 = arith.constant 21 : i32
        %add3A_634 = vector.broadcast %add3A_633 : i32 to vector<16xi32>
        %add3A_635 = arith.addi %mul3A_539, %add3A_634 : vector<16xi32>
        %gather3A_636 = tpu.vector_load_idx %arg19[%add3A_529, %add3A_635] : memref<128x128xf32, #tpu.memory_space<vmem>>[vector<16xi32>, vector<16xi32>], vector<16xf32>,
        %add3A_637 = arith.constant 22 : i32
        %add3A_638 = vector.broadcast %add3A_637 : i32 to vector<16xi32>
        %add3A_639 = arith.addi %mul3A_539, %add3A_638 : vector<16xi32>
        %gather3A_640 = tpu.vector_load_idx %arg19[%add3A_529, %add3A_639] : memref<128x128xf32, #tpu.memory_space<vmem>>[vector<16xi32>, vector<16xi32>], vector<16xf32>,
        %add3A_641 = arith.constant 23 : i32
        %add3A_642 = vector.broadcast %add3A_641 : i32 to vector<16xi32>
        %add3A_643 = arith.addi %mul3A_539, %add3A_642 : vector<16xi32>
        %gather3A_644 = tpu.vector_load_idx %arg19[%add3A_529, %add3A_643] : memref<128x128xf32, #tpu.memory_space<vmem>>[vector<16xi32>, vector<16xi32>], vector<16xf32>,
        %add3A_645 = arith.constant 24 : i32
        %add3A_646 = vector.broadcast %add3A_645 : i32 to vector<16xi32>
        %add3A_647 = arith.addi %mul3A_539, %add3A_646 : vector<16xi32>
        %gather3A_648 = tpu.vector_load_idx %arg19[%add3A_529, %add3A_647] : memref<128x128xf32, #tpu.memory_space<vmem>>[vector<16xi32>, vector<16xi32>], vector<16xf32>,
        %add3A_649 = arith.constant 25 : i32
        %add3A_650 = vector.broadcast %add3A_649 : i32 to vector<16xi32>
        %add3A_651 = arith.addi %mul3A_539, %add3A_650 : vector<16xi32>
        %gather3A_652 = tpu.vector_load_idx %arg19[%add3A_529, %add3A_651] : memref<128x128xf32, #tpu.memory_space<vmem>>[vector<16xi32>, vector<16xi32>], vector<16xf32>,
        %add3A_653 = arith.constant 26 : i32
        %add3A_654 = vector.broadcast %add3A_653 : i32 to vector<16xi32>
        %add3A_655 = arith.addi %mul3A_539, %add3A_654 : vector<16xi32>
        %gather3A_656 = tpu.vector_load_idx %arg19[%add3A_529, %add3A_655] : memref<128x128xf32, #tpu.memory_space<vmem>>[vector<16xi32>, vector<16xi32>], vector<16xf32>,
        %add3A_657 = arith.constant 27 : i32
        %add3A_658 = vector.broadcast %add3A_657 : i32 to vector<16xi32>
        %add3A_659 = arith.addi %mul3A_539, %add3A_658 : vector<16xi32>
        %gather3A_660 = tpu.vector_load_idx %arg19[%add3A_529, %add3A_659] : memref<128x128xf32, #tpu.memory_space<vmem>>[vector<16xi32>, vector<16xi32>], vector<16xf32>,
        %add3A_661 = arith.constant 28 : i32
        %add3A_662 = vector.broadcast %add3A_661 : i32 to vector<16xi32>
        %add3A_663 = arith.addi %mul3A_539, %add3A_662 : vector<16xi32>
        %gather3A_664 = tpu.vector_load_idx %arg19[%add3A_529, %add3A_663] : memref<128x128xf32, #tpu.memory_space<vmem>>[vector<16xi32>, vector<16xi32>], vector<16xf32>,
        %add3A_665 = arith.constant 29 : i32
        %add3A_666 = vector.broadcast %add3A_665 : i32 to vector<16xi32>
        %add3A_667 = arith.addi %mul3A_539, %add3A_666 : vector<16xi32>
        %gather3A_668 = tpu.vector_load_idx %arg19[%add3A_529, %add3A_667] : memref<128x128xf32, #tpu.memory_space<vmem>>[vector<16xi32>, vector<16xi32>], vector<16xf32>,
        %add3A_669 = arith.constant 30 : i32
        %add3A_670 = vector.broadcast %add3A_669 : i32 to vector<16xi32>
        %add3A_671 = arith.addi %mul3A_539, %add3A_670 : vector<16xi32>
        %gather3A_672 = tpu.vector_load_idx %arg19[%add3A_529, %add3A_671] : memref<128x128xf32, #tpu.memory_space<vmem>>[vector<16xi32>, vector<16xi32>], vector<16xf32>,
        %add3A_673 = arith.constant 31 : i32
        %add3A_674 = vector.broadcast %add3A_673 : i32 to vector<16xi32>
        %add3A_675 = arith.addi %mul3A_539, %add3A_674 : vector<16xi32>
        %gather3A_676 = tpu.vector_load_idx %arg19[%add3A_529, %add3A_675] : memref<128x128xf32, #tpu.memory_space<vmem>>[vector<16xi32>, vector<16xi32>], vector<16xf32>,
        %add3A_677 = arith.constant 0 : i32
        %add3A_678 = vector.broadcast %add3A_677 : i32 to vector<16xi32>
        %add3A_679 = arith.addi %mul3A_549, %add3A_678 : vector<16xi32>
        %gather3A_680 = tpu.vector_load_idx %arg21[%add3A_529, %add3A_679] : memref<128x128xf32, #tpu.memory_space<vmem>>[vector<16xi32>, vector<16xi32>], vector<16xf32>,
        %add3A_681 = arith.constant 1 : i32
        %add3A_682 = vector.broadcast %add3A_681 : i32 to vector<16xi32>
        %add3A_683 = arith.addi %mul3A_549, %add3A_682 : vector<16xi32>
        %gather3A_684 = tpu.vector_load_idx %arg21[%add3A_529, %add3A_683] : memref<128x128xf32, #tpu.memory_space<vmem>>[vector<16xi32>, vector<16xi32>], vector<16xf32>,
        %add3A_685 = arith.constant 2 : i32
        %add3A_686 = vector.broadcast %add3A_685 : i32 to vector<16xi32>
        %add3A_687 = arith.addi %mul3A_549, %add3A_686 : vector<16xi32>
        %gather3A_688 = tpu.vector_load_idx %arg21[%add3A_529, %add3A_687] : memref<128x128xf32, #tpu.memory_space<vmem>>[vector<16xi32>, vector<16xi32>], vector<16xf32>,
        %add3A_689 = arith.constant 3 : i32
        %add3A_690 = vector.broadcast %add3A_689 : i32 to vector<16xi32>
        %add3A_691 = arith.addi %mul3A_549, %add3A_690 : vector<16xi32>
        %gather3A_692 = tpu.vector_load_idx %arg21[%add3A_529, %add3A_691] : memref<128x128xf32, #tpu.memory_space<vmem>>[vector<16xi32>, vector<16xi32>], vector<16xf32>,
        %add3A_693 = arith.constant 4 : i32
        %add3A_694 = vector.broadcast %add3A_693 : i32 to vector<16xi32>
        %add3A_695 = arith.addi %mul3A_549, %add3A_694 : vector<16xi32>
        %gather3A_696 = tpu.vector_load_idx %arg21[%add3A_529, %add3A_695] : memref<128x128xf32, #tpu.memory_space<vmem>>[vector<16xi32>, vector<16xi32>], vector<16xf32>,
        %add3A_697 = arith.constant 5 : i32
        %add3A_698 = vector.broadcast %add3A_697 : i32 to vector<16xi32>
        %add3A_699 = arith.addi %mul3A_549, %add3A_698 : vector<16xi32>
        %gather3A_700 = tpu.vector_load_idx %arg21[%add3A_529, %add3A_699] : memref<128x128xf32, #tpu.memory_space<vmem>>[vector<16xi32>, vector<16xi32>], vector<16xf32>,
        %add3A_701 = arith.constant 6 : i32
        %add3A_702 = vector.broadcast %add3A_701 : i32 to vector<16xi32>
        %add3A_703 = arith.addi %mul3A_549, %add3A_702 : vector<16xi32>
        %gather3A_704 = tpu.vector_load_idx %arg21[%add3A_529, %add3A_703] : memref<128x128xf32, #tpu.memory_space<vmem>>[vector<16xi32>, vector<16xi32>], vector<16xf32>,
        %add3A_705 = arith.constant 7 : i32
        %add3A_706 = vector.broadcast %add3A_705 : i32 to vector<16xi32>
        %add3A_707 = arith.addi %mul3A_549, %add3A_706 : vector<16xi32>
        %gather3A_708 = tpu.vector_load_idx %arg21[%add3A_529, %add3A_707] : memref<128x128xf32, #tpu.memory_space<vmem>>[vector<16xi32>, vector<16xi32>], vector<16xf32>,
        %add3A_709 = arith.constant 8 : i32
        %add3A_710 = vector.broadcast %add3A_709 : i32 to vector<16xi32>
        %add3A_711 = arith.addi %mul3A_549, %add3A_710 : vector<16xi32>
        %gather3A_712 = tpu.vector_load_idx %arg21[%add3A_529, %add3A_711] : memref<128x128xf32, #tpu.memory_space<vmem>>[vector<16xi32>, vector<16xi32>], vector<16xf32>,
        %add3A_713 = arith.constant 9 : i32
        %add3A_714 = vector.broadcast %add3A_713 : i32 to vector<16xi32>
        %add3A_715 = arith.addi %mul3A_549, %add3A_714 : vector<16xi32>
        %gather3A_716 = tpu.vector_load_idx %arg21[%add3A_529, %add3A_715] : memref<128x128xf32, #tpu.memory_space<vmem>>[vector<16xi32>, vector<16xi32>], vector<16xf32>,
        %add3A_717 = arith.constant 10 : i32
        %add3A_718 = vector.broadcast %add3A_717 : i32 to vector<16xi32>
        %add3A_719 = arith.addi %mul3A_549, %add3A_718 : vector<16xi32>
        %gather3A_720 = tpu.vector_load_idx %arg21[%add3A_529, %add3A_719] : memref<128x128xf32, #tpu.memory_space<vmem>>[vector<16xi32>, vector<16xi32>], vector<16xf32>,
        %add3A_721 = arith.constant 11 : i32
        %add3A_722 = vector.broadcast %add3A_721 : i32 to vector<16xi32>
        %add3A_723 = arith.addi %mul3A_549, %add3A_722 : vector<16xi32>
        %gather3A_724 = tpu.vector_load_idx %arg21[%add3A_529, %add3A_723] : memref<128x128xf32, #tpu.memory_space<vmem>>[vector<16xi32>, vector<16xi32>], vector<16xf32>,
        %add3A_725 = arith.constant 12 : i32
        %add3A_726 = vector.broadcast %add3A_725 : i32 to vector<16xi32>
        %add3A_727 = arith.addi %mul3A_549, %add3A_726 : vector<16xi32>
        %gather3A_728 = tpu.vector_load_idx %arg21[%add3A_529, %add3A_727] : memref<128x128xf32, #tpu.memory_space<vmem>>[vector<16xi32>, vector<16xi32>], vector<16xf32>,
        %add3A_729 = arith.constant 13 : i32
        %add3A_730 = vector.broadcast %add3A_729 : i32 to vector<16xi32>
        %add3A_731 = arith.addi %mul3A_549, %add3A_730 : vector<16xi32>
        %gather3A_732 = tpu.vector_load_idx %arg21[%add3A_529, %add3A_731] : memref<128x128xf32, #tpu.memory_space<vmem>>[vector<16xi32>, vector<16xi32>], vector<16xf32>,
        %add3A_733 = arith.constant 14 : i32
        %add3A_734 = vector.broadcast %add3A_733 : i32 to vector<16xi32>
        %add3A_735 = arith.addi %mul3A_549, %add3A_734 : vector<16xi32>
        %gather3A_736 = tpu.vector_load_idx %arg21[%add3A_529, %add3A_735] : memref<128x128xf32, #tpu.memory_space<vmem>>[vector<16xi32>, vector<16xi32>], vector<16xf32>,
        %add3A_737 = arith.constant 15 : i32
        %add3A_738 = vector.broadcast %add3A_737 : i32 to vector<16xi32>
        %add3A_739 = arith.addi %mul3A_549, %add3A_738 : vector<16xi32>
        %gather3A_740 = tpu.vector_load_idx %arg21[%add3A_529, %add3A_739] : memref<128x128xf32, #tpu.memory_space<vmem>>[vector<16xi32>, vector<16xi32>], vector<16xf32>,
        %add3A_741 = arith.constant 16 : i32
        %add3A_742 = vector.broadcast %add3A_741 : i32 to vector<16xi32>
        %add3A_743 = arith.addi %mul3A_549, %add3A_742 : vector<16xi32>
        %gather3A_744 = tpu.vector_load_idx %arg21[%add3A_529, %add3A_743] : memref<128x128xf32, #tpu.memory_space<vmem>>[vector<16xi32>, vector<16xi32>], vector<16xf32>,
        %add3A_745 = arith.constant 17 : i32
        %add3A_746 = vector.broadcast %add3A_745 : i32 to vector<16xi32>
        %add3A_747 = arith.addi %mul3A_549, %add3A_746 : vector<16xi32>
        %gather3A_748 = tpu.vector_load_idx %arg21[%add3A_529, %add3A_747] : memref<128x128xf32, #tpu.memory_space<vmem>>[vector<16xi32>, vector<16xi32>], vector<16xf32>,
        %add3A_749 = arith.constant 18 : i32
        %add3A_750 = vector.broadcast %add3A_749 : i32 to vector<16xi32>
        %add3A_751 = arith.addi %mul3A_549, %add3A_750 : vector<16xi32>
        %gather3A_752 = tpu.vector_load_idx %arg21[%add3A_529, %add3A_751] : memref<128x128xf32, #tpu.memory_space<vmem>>[vector<16xi32>, vector<16xi32>], vector<16xf32>,
        %add3A_753 = arith.constant 19 : i32
        %add3A_754 = vector.broadcast %add3A_753 : i32 to vector<16xi32>
        %add3A_755 = arith.addi %mul3A_549, %add3A_754 : vector<16xi32>
        %gather3A_756 = tpu.vector_load_idx %arg21[%add3A_529, %add3A_755] : memref<128x128xf32, #tpu.memory_space<vmem>>[vector<16xi32>, vector<16xi32>], vector<16xf32>,
        %add3A_757 = arith.constant 20 : i32
        %add3A_758 = vector.broadcast %add3A_757 : i32 to vector<16xi32>
        %add3A_759 = arith.addi %mul3A_549, %add3A_758 : vector<16xi32>
        %gather3A_760 = tpu.vector_load_idx %arg21[%add3A_529, %add3A_759] : memref<128x128xf32, #tpu.memory_space<vmem>>[vector<16xi32>, vector<16xi32>], vector<16xf32>,
        %add3A_761 = arith.constant 21 : i32
        %add3A_762 = vector.broadcast %add3A_761 : i32 to vector<16xi32>
        %add3A_763 = arith.addi %mul3A_549, %add3A_762 : vector<16xi32>
        %gather3A_764 = tpu.vector_load_idx %arg21[%add3A_529, %add3A_763] : memref<128x128xf32, #tpu.memory_space<vmem>>[vector<16xi32>, vector<16xi32>], vector<16xf32>,
        %add3A_765 = arith.constant 22 : i32
        %add3A_766 = vector.broadcast %add3A_765 : i32 to vector<16xi32>
        %add3A_767 = arith.addi %mul3A_549, %add3A_766 : vector<16xi32>
        %gather3A_768 = tpu.vector_load_idx %arg21[%add3A_529, %add3A_767] : memref<128x128xf32, #tpu.memory_space<vmem>>[vector<16xi32>, vector<16xi32>], vector<16xf32>,
        %add3A_769 = arith.constant 23 : i32
        %add3A_770 = vector.broadcast %add3A_769 : i32 to vector<16xi32>
        %add3A_771 = arith.addi %mul3A_549, %add3A_770 : vector<16xi32>
        %gather3A_772 = tpu.vector_load_idx %arg21[%add3A_529, %add3A_771] : memref<128x128xf32, #tpu.memory_space<vmem>>[vector<16xi32>, vector<16xi32>], vector<16xf32>,
        %add3A_773 = arith.constant 24 : i32
        %add3A_774 = vector.broadcast %add3A_773 : i32 to vector<16xi32>
        %add3A_775 = arith.addi %mul3A_549, %add3A_774 : vector<16xi32>
        %gather3A_776 = tpu.vector_load_idx %arg21[%add3A_529, %add3A_775] : memref<128x128xf32, #tpu.memory_space<vmem>>[vector<16xi32>, vector<16xi32>], vector<16xf32>,
        %add3A_777 = arith.constant 25 : i32
        %add3A_778 = vector.broadcast %add3A_777 : i32 to vector<16xi32>
        %add3A_779 = arith.addi %mul3A_549, %add3A_778 : vector<16xi32>
        %gather3A_780 = tpu.vector_load_idx %arg21[%add3A_529, %add3A_779] : memref<128x128xf32, #tpu.memory_space<vmem>>[vector<16xi32>, vector<16xi32>], vector<16xf32>,
        %add3A_781 = arith.constant 26 : i32
        %add3A_782 = vector.broadcast %add3A_781 : i32 to vector<16xi32>
        %add3A_783 = arith.addi %mul3A_549, %add3A_782 : vector<16xi32>
        %gather3A_784 = tpu.vector_load_idx %arg21[%add3A_529, %add3A_783] : memref<128x128xf32, #tpu.memory_space<vmem>>[vector<16xi32>, vector<16xi32>], vector<16xf32>,
        %add3A_785 = arith.constant 27 : i32
        %add3A_786 = vector.broadcast %add3A_785 : i32 to vector<16xi32>
        %add3A_787 = arith.addi %mul3A_549, %add3A_786 : vector<16xi32>
        %gather3A_788 = tpu.vector_load_idx %arg21[%add3A_529, %add3A_787] : memref<128x128xf32, #tpu.memory_space<vmem>>[vector<16xi32>, vector<16xi32>], vector<16xf32>,
        %add3A_789 = arith.constant 28 : i32
        %add3A_790 = vector.broadcast %add3A_789 : i32 to vector<16xi32>
        %add3A_791 = arith.addi %mul3A_549, %add3A_790 : vector<16xi32>
        %gather3A_792 = tpu.vector_load_idx %arg21[%add3A_529, %add3A_791] : memref<128x128xf32, #tpu.memory_space<vmem>>[vector<16xi32>, vector<16xi32>], vector<16xf32>,
        %add3A_793 = arith.constant 29 : i32
        %add3A_794 = vector.broadcast %add3A_793 : i32 to vector<16xi32>
        %add3A_795 = arith.addi %mul3A_549, %add3A_794 : vector<16xi32>
        %gather3A_796 = tpu.vector_load_idx %arg21[%add3A_529, %add3A_795] : memref<128x128xf32, #tpu.memory_space<vmem>>[vector<16xi32>, vector<16xi32>], vector<16xf32>,
        %add3A_797 = arith.constant 30 : i32
        %add3A_798 = vector.broadcast %add3A_797 : i32 to vector<16xi32>
        %add3A_799 = arith.addi %mul3A_549, %add3A_798 : vector<16xi32>
        %gather3A_800 = tpu.vector_load_idx %arg21[%add3A_529, %add3A_799] : memref<128x128xf32, #tpu.memory_space<vmem>>[vector<16xi32>, vector<16xi32>], vector<16xf32>,
        %add3A_801 = arith.constant 31 : i32
        %add3A_802 = vector.broadcast %add3A_801 : i32 to vector<16xi32>
        %add3A_803 = arith.addi %mul3A_549, %add3A_802 : vector<16xi32>
        %gather3A_804 = tpu.vector_load_idx %arg21[%add3A_529, %add3A_803] : memref<128x128xf32, #tpu.memory_space<vmem>>[vector<16xi32>, vector<16xi32>], vector<16xf32>,
        %mul3A_805 = arith.constant 16 : i32
        %mul3A_806 = arith.muli %scan3A_525, %mul3A_805 : i32
        %swap3A_807 = arith.constant 0 : i32
        %swap3A_808 = arith.index_cast %swap3A_807 : i32 to index
        %swap3A_809 = arith.index_cast %mul3A_806 : i32 to index
        %swap3A_810 = tpu.vector_load %arg23[%swap3A_808, %swap3A_809] {strides = array<i32>} : memref<32x128xf32, #tpu.memory_space<vmem>>, vector<16xf32>,
        tpu.vector_store %arg23[%swap3A_808, %swap3A_809], %gather3A {strides = array<i32>} : memref<32x128xf32, #tpu.memory_space<vmem>>, vector<16xf32>,
        %mul3A_811 = arith.constant 16 : i32
        %mul3A_812 = arith.muli %scan3A_525, %mul3A_811 : i32
        %swap3A_813 = arith.constant 0 : i32
        %swap3A_814 = arith.index_cast %swap3A_813 : i32 to index
        %swap3A_815 = arith.index_cast %mul3A_812 : i32 to index
        %swap3A_816 = tpu.vector_load %arg25[%swap3A_814, %swap3A_815] {strides = array<i32>} : memref<32x128xf32, #tpu.memory_space<vmem>>, vector<16xf32>,
        tpu.vector_store %arg25[%swap3A_814, %swap3A_815], %gather3A_680 {strides = array<i32>} : memref<32x128xf32, #tpu.memory_space<vmem>>, vector<16xf32>,
        %mul3A_817 = arith.constant 16 : i32
        %mul3A_818 = arith.muli %scan3A_525, %mul3A_817 : i32
        %swap3A_819 = arith.constant 1 : i32
        %swap3A_820 = arith.index_cast %swap3A_819 : i32 to index
        %swap3A_821 = arith.index_cast %mul3A_818 : i32 to index
        %swap3A_822 = tpu.vector_load %arg23[%swap3A_820, %swap3A_821] {strides = array<i32>} : memref<32x128xf32, #tpu.memory_space<vmem>>, vector<16xf32>,
        tpu.vector_store %arg23[%swap3A_820, %swap3A_821], %gather3A_556 {strides = array<i32>} : memref<32x128xf32, #tpu.memory_space<vmem>>, vector<16xf32>,
        %mul3A_823 = arith.constant 16 : i32
        %mul3A_824 = arith.muli %scan3A_525, %mul3A_823 : i32
        %swap3A_825 = arith.constant 1 : i32
        %swap3A_826 = arith.index_cast %swap3A_825 : i32 to index
        %swap3A_827 = arith.index_cast %mul3A_824 : i32 to index
        %swap3A_828 = tpu.vector_load %arg25[%swap3A_826, %swap3A_827] {strides = array<i32>} : memref<32x128xf32, #tpu.memory_space<vmem>>, vector<16xf32>,
        tpu.vector_store %arg25[%swap3A_826, %swap3A_827], %gather3A_684 {strides = array<i32>} : memref<32x128xf32, #tpu.memory_space<vmem>>, vector<16xf32>,
        %mul3A_829 = arith.constant 16 : i32
        %mul3A_830 = arith.muli %scan3A_525, %mul3A_829 : i32
        %swap3A_831 = arith.constant 2 : i32
        %swap3A_832 = arith.index_cast %swap3A_831 : i32 to index
        %swap3A_833 = arith.index_cast %mul3A_830 : i32 to index
        %swap3A_834 = tpu.vector_load %arg23[%swap3A_832, %swap3A_833] {strides = array<i32>} : memref<32x128xf32, #tpu.memory_space<vmem>>, vector<16xf32>,
        tpu.vector_store %arg23[%swap3A_832, %swap3A_833], %gather3A_560 {strides = array<i32>} : memref<32x128xf32, #tpu.memory_space<vmem>>, vector<16xf32>,
        %mul3A_835 = arith.constant 16 : i32
        %mul3A_836 = arith.muli %scan3A_525, %mul3A_835 : i32
        %swap3A_837 = arith.constant 2 : i32
        %swap3A_838 = arith.index_cast %swap3A_837 : i32 to index
        %swap3A_839 = arith.index_cast %mul3A_836 : i32 to index
        %swap3A_840 = tpu.vector_load %arg25[%swap3A_838, %swap3A_839] {strides = array<i32>} : memref<32x128xf32, #tpu.memory_space<vmem>>, vector<16xf32>,
        tpu.vector_store %arg25[%swap3A_838, %swap3A_839], %gather3A_688 {strides = array<i32>} : memref<32x128xf32, #tpu.memory_space<vmem>>, vector<16xf32>,
        %mul3A_841 = arith.constant 16 : i32
        %mul3A_842 = arith.muli %scan3A_525, %mul3A_841 : i32
        %swap3A_843 = arith.constant 3 : i32
        %swap3A_844 = arith.index_cast %swap3A_843 : i32 to index
        %swap3A_845 = arith.index_cast %mul3A_842 : i32 to index
        %swap3A_846 = tpu.vector_load %arg23[%swap3A_844, %swap3A_845] {strides = array<i32>} : memref<32x128xf32, #tpu.memory_space<vmem>>, vector<16xf32>,
        tpu.vector_store %arg23[%swap3A_844, %swap3A_845], %gather3A_564 {strides = array<i32>} : memref<32x128xf32, #tpu.memory_space<vmem>>, vector<16xf32>,
        %mul3A_847 = arith.constant 16 : i32
        %mul3A_848 = arith.muli %scan3A_525, %mul3A_847 : i32
        %swap3A_849 = arith.constant 3 : i32
        %swap3A_850 = arith.index_cast %swap3A_849 : i32 to index
        %swap3A_851 = arith.index_cast %mul3A_848 : i32 to index
        %swap3A_852 = tpu.vector_load %arg25[%swap3A_850, %swap3A_851] {strides = array<i32>} : memref<32x128xf32, #tpu.memory_space<vmem>>, vector<16xf32>,
        tpu.vector_store %arg25[%swap3A_850, %swap3A_851], %gather3A_692 {strides = array<i32>} : memref<32x128xf32, #tpu.memory_space<vmem>>, vector<16xf32>,
        %mul3A_853 = arith.constant 16 : i32
        %mul3A_854 = arith.muli %scan3A_525, %mul3A_853 : i32
        %swap3A_855 = arith.constant 4 : i32
        %swap3A_856 = arith.index_cast %swap3A_855 : i32 to index
        %swap3A_857 = arith.index_cast %mul3A_854 : i32 to index
        %swap3A_858 = tpu.vector_load %arg23[%swap3A_856, %swap3A_857] {strides = array<i32>} : memref<32x128xf32, #tpu.memory_space<vmem>>, vector<16xf32>,
        tpu.vector_store %arg23[%swap3A_856, %swap3A_857], %gather3A_568 {strides = array<i32>} : memref<32x128xf32, #tpu.memory_space<vmem>>, vector<16xf32>,
        %mul3A_859 = arith.constant 16 : i32
        %mul3A_860 = arith.muli %scan3A_525, %mul3A_859 : i32
        %swap3A_861 = arith.constant 4 : i32
        %swap3A_862 = arith.index_cast %swap3A_861 : i32 to index
        %swap3A_863 = arith.index_cast %mul3A_860 : i32 to index
        %swap3A_864 = tpu.vector_load %arg25[%swap3A_862, %swap3A_863] {strides = array<i32>} : memref<32x128xf32, #tpu.memory_space<vmem>>, vector<16xf32>,
        tpu.vector_store %arg25[%swap3A_862, %swap3A_863], %gather3A_696 {strides = array<i32>} : memref<32x128xf32, #tpu.memory_space<vmem>>, vector<16xf32>,
        %mul3A_865 = arith.constant 16 : i32
        %mul3A_866 = arith.muli %scan3A_525, %mul3A_865 : i32
        %swap3A_867 = arith.constant 5 : i32
        %swap3A_868 = arith.index_cast %swap3A_867 : i32 to index
        %swap3A_869 = arith.index_cast %mul3A_866 : i32 to index
        %swap3A_870 = tpu.vector_load %arg23[%swap3A_868, %swap3A_869] {strides = array<i32>} : memref<32x128xf32, #tpu.memory_space<vmem>>, vector<16xf32>,
        tpu.vector_store %arg23[%swap3A_868, %swap3A_869], %gather3A_572 {strides = array<i32>} : memref<32x128xf32, #tpu.memory_space<vmem>>, vector<16xf32>,
        %mul3A_871 = arith.constant 16 : i32
        %mul3A_872 = arith.muli %scan3A_525, %mul3A_871 : i32
        %swap3A_873 = arith.constant 5 : i32
        %swap3A_874 = arith.index_cast %swap3A_873 : i32 to index
        %swap3A_875 = arith.index_cast %mul3A_872 : i32 to index
        %swap3A_876 = tpu.vector_load %arg25[%swap3A_874, %swap3A_875] {strides = array<i32>} : memref<32x128xf32, #tpu.memory_space<vmem>>, vector<16xf32>,
        tpu.vector_store %arg25[%swap3A_874, %swap3A_875], %gather3A_700 {strides = array<i32>} : memref<32x128xf32, #tpu.memory_space<vmem>>, vector<16xf32>,
        %mul3A_877 = arith.constant 16 : i32
        %mul3A_878 = arith.muli %scan3A_525, %mul3A_877 : i32
        %swap3A_879 = arith.constant 6 : i32
        %swap3A_880 = arith.index_cast %swap3A_879 : i32 to index
        %swap3A_881 = arith.index_cast %mul3A_878 : i32 to index
        %swap3A_882 = tpu.vector_load %arg23[%swap3A_880, %swap3A_881] {strides = array<i32>} : memref<32x128xf32, #tpu.memory_space<vmem>>, vector<16xf32>,
        tpu.vector_store %arg23[%swap3A_880, %swap3A_881], %gather3A_576 {strides = array<i32>} : memref<32x128xf32, #tpu.memory_space<vmem>>, vector<16xf32>,
        %mul3A_883 = arith.constant 16 : i32
        %mul3A_884 = arith.muli %scan3A_525, %mul3A_883 : i32
        %swap3A_885 = arith.constant 6 : i32
        %swap3A_886 = arith.index_cast %swap3A_885 : i32 to index
        %swap3A_887 = arith.index_cast %mul3A_884 : i32 to index
        %swap3A_888 = tpu.vector_load %arg25[%swap3A_886, %swap3A_887] {strides = array<i32>} : memref<32x128xf32, #tpu.memory_space<vmem>>, vector<16xf32>,
        tpu.vector_store %arg25[%swap3A_886, %swap3A_887], %gather3A_704 {strides = array<i32>} : memref<32x128xf32, #tpu.memory_space<vmem>>, vector<16xf32>,
        %mul3A_889 = arith.constant 16 : i32
        %mul3A_890 = arith.muli %scan3A_525, %mul3A_889 : i32
        %swap3A_891 = arith.constant 7 : i32
        %swap3A_892 = arith.index_cast %swap3A_891 : i32 to index
        %swap3A_893 = arith.index_cast %mul3A_890 : i32 to index
        %swap3A_894 = tpu.vector_load %arg23[%swap3A_892, %swap3A_893] {strides = array<i32>} : memref<32x128xf32, #tpu.memory_space<vmem>>, vector<16xf32>,
        tpu.vector_store %arg23[%swap3A_892, %swap3A_893], %gather3A_580 {strides = array<i32>} : memref<32x128xf32, #tpu.memory_space<vmem>>, vector<16xf32>,
        %mul3A_895 = arith.constant 16 : i32
        %mul3A_896 = arith.muli %scan3A_525, %mul3A_895 : i32
        %swap3A_897 = arith.constant 7 : i32
        %swap3A_898 = arith.index_cast %swap3A_897 : i32 to index
        %swap3A_899 = arith.index_cast %mul3A_896 : i32 to index
        %swap3A_900 = tpu.vector_load %arg25[%swap3A_898, %swap3A_899] {strides = array<i32>} : memref<32x128xf32, #tpu.memory_space<vmem>>, vector<16xf32>,
        tpu.vector_store %arg25[%swap3A_898, %swap3A_899], %gather3A_708 {strides = array<i32>} : memref<32x128xf32, #tpu.memory_space<vmem>>, vector<16xf32>,
        %mul3A_901 = arith.constant 16 : i32
        %mul3A_902 = arith.muli %scan3A_525, %mul3A_901 : i32
        %swap3A_903 = arith.constant 8 : i32
        %swap3A_904 = arith.index_cast %swap3A_903 : i32 to index
        %swap3A_905 = arith.index_cast %mul3A_902 : i32 to index
        %swap3A_906 = tpu.vector_load %arg23[%swap3A_904, %swap3A_905] {strides = array<i32>} : memref<32x128xf32, #tpu.memory_space<vmem>>, vector<16xf32>,
        tpu.vector_store %arg23[%swap3A_904, %swap3A_905], %gather3A_584 {strides = array<i32>} : memref<32x128xf32, #tpu.memory_space<vmem>>, vector<16xf32>,
        %mul3A_907 = arith.constant 16 : i32
        %mul3A_908 = arith.muli %scan3A_525, %mul3A_907 : i32
        %swap3A_909 = arith.constant 8 : i32
        %swap3A_910 = arith.index_cast %swap3A_909 : i32 to index
        %swap3A_911 = arith.index_cast %mul3A_908 : i32 to index
        %swap3A_912 = tpu.vector_load %arg25[%swap3A_910, %swap3A_911] {strides = array<i32>} : memref<32x128xf32, #tpu.memory_space<vmem>>, vector<16xf32>,
        tpu.vector_store %arg25[%swap3A_910, %swap3A_911], %gather3A_712 {strides = array<i32>} : memref<32x128xf32, #tpu.memory_space<vmem>>, vector<16xf32>,
        %mul3A_913 = arith.constant 16 : i32
        %mul3A_914 = arith.muli %scan3A_525, %mul3A_913 : i32
        %swap3A_915 = arith.constant 9 : i32
        %swap3A_916 = arith.index_cast %swap3A_915 : i32 to index
        %swap3A_917 = arith.index_cast %mul3A_914 : i32 to index
        %swap3A_918 = tpu.vector_load %arg23[%swap3A_916, %swap3A_917] {strides = array<i32>} : memref<32x128xf32, #tpu.memory_space<vmem>>, vector<16xf32>,
        tpu.vector_store %arg23[%swap3A_916, %swap3A_917], %gather3A_588 {strides = array<i32>} : memref<32x128xf32, #tpu.memory_space<vmem>>, vector<16xf32>,
        %mul3A_919 = arith.constant 16 : i32
        %mul3A_920 = arith.muli %scan3A_525, %mul3A_919 : i32
        %swap3A_921 = arith.constant 9 : i32
        %swap3A_922 = arith.index_cast %swap3A_921 : i32 to index
        %swap3A_923 = arith.index_cast %mul3A_920 : i32 to index
        %swap3A_924 = tpu.vector_load %arg25[%swap3A_922, %swap3A_923] {strides = array<i32>} : memref<32x128xf32, #tpu.memory_space<vmem>>, vector<16xf32>,
        tpu.vector_store %arg25[%swap3A_922, %swap3A_923], %gather3A_716 {strides = array<i32>} : memref<32x128xf32, #tpu.memory_space<vmem>>, vector<16xf32>,
        %mul3A_925 = arith.constant 16 : i32
        %mul3A_926 = arith.muli %scan3A_525, %mul3A_925 : i32
        %swap3A_927 = arith.constant 10 : i32
        %swap3A_928 = arith.index_cast %swap3A_927 : i32 to index
        %swap3A_929 = arith.index_cast %mul3A_926 : i32 to index
        %swap3A_930 = tpu.vector_load %arg23[%swap3A_928, %swap3A_929] {strides = array<i32>} : memref<32x128xf32, #tpu.memory_space<vmem>>, vector<16xf32>,
        tpu.vector_store %arg23[%swap3A_928, %swap3A_929], %gather3A_592 {strides = array<i32>} : memref<32x128xf32, #tpu.memory_space<vmem>>, vector<16xf32>,
        %mul3A_931 = arith.constant 16 : i32
        %mul3A_932 = arith.muli %scan3A_525, %mul3A_931 : i32
        %swap3A_933 = arith.constant 10 : i32
        %swap3A_934 = arith.index_cast %swap3A_933 : i32 to index
        %swap3A_935 = arith.index_cast %mul3A_932 : i32 to index
        %swap3A_936 = tpu.vector_load %arg25[%swap3A_934, %swap3A_935] {strides = array<i32>} : memref<32x128xf32, #tpu.memory_space<vmem>>, vector<16xf32>,
        tpu.vector_store %arg25[%swap3A_934, %swap3A_935], %gather3A_720 {strides = array<i32>} : memref<32x128xf32, #tpu.memory_space<vmem>>, vector<16xf32>,
        %mul3A_937 = arith.constant 16 : i32
        %mul3A_938 = arith.muli %scan3A_525, %mul3A_937 : i32
        %swap3A_939 = arith.constant 11 : i32
        %swap3A_940 = arith.index_cast %swap3A_939 : i32 to index
        %swap3A_941 = arith.index_cast %mul3A_938 : i32 to index
        %swap3A_942 = tpu.vector_load %arg23[%swap3A_940, %swap3A_941] {strides = array<i32>} : memref<32x128xf32, #tpu.memory_space<vmem>>, vector<16xf32>,
        tpu.vector_store %arg23[%swap3A_940, %swap3A_941], %gather3A_596 {strides = array<i32>} : memref<32x128xf32, #tpu.memory_space<vmem>>, vector<16xf32>,
        %mul3A_943 = arith.constant 16 : i32
        %mul3A_944 = arith.muli %scan3A_525, %mul3A_943 : i32
        %swap3A_945 = arith.constant 11 : i32
        %swap3A_946 = arith.index_cast %swap3A_945 : i32 to index
        %swap3A_947 = arith.index_cast %mul3A_944 : i32 to index
        %swap3A_948 = tpu.vector_load %arg25[%swap3A_946, %swap3A_947] {strides = array<i32>} : memref<32x128xf32, #tpu.memory_space<vmem>>, vector<16xf32>,
        tpu.vector_store %arg25[%swap3A_946, %swap3A_947], %gather3A_724 {strides = array<i32>} : memref<32x128xf32, #tpu.memory_space<vmem>>, vector<16xf32>,
        %mul3A_949 = arith.constant 16 : i32
        %mul3A_950 = arith.muli %scan3A_525, %mul3A_949 : i32
        %swap3A_951 = arith.constant 12 : i32
        %swap3A_952 = arith.index_cast %swap3A_951 : i32 to index
        %swap3A_953 = arith.index_cast %mul3A_950 : i32 to index
        %swap3A_954 = tpu.vector_load %arg23[%swap3A_952, %swap3A_953] {strides = array<i32>} : memref<32x128xf32, #tpu.memory_space<vmem>>, vector<16xf32>,
        tpu.vector_store %arg23[%swap3A_952, %swap3A_953], %gather3A_600 {strides = array<i32>} : memref<32x128xf32, #tpu.memory_space<vmem>>, vector<16xf32>,
        %mul3A_955 = arith.constant 16 : i32
        %mul3A_956 = arith.muli %scan3A_525, %mul3A_955 : i32
        %swap3A_957 = arith.constant 12 : i32
        %swap3A_958 = arith.index_cast %swap3A_957 : i32 to index
        %swap3A_959 = arith.index_cast %mul3A_956 : i32 to index
        %swap3A_960 = tpu.vector_load %arg25[%swap3A_958, %swap3A_959] {strides = array<i32>} : memref<32x128xf32, #tpu.memory_space<vmem>>, vector<16xf32>,
        tpu.vector_store %arg25[%swap3A_958, %swap3A_959], %gather3A_728 {strides = array<i32>} : memref<32x128xf32, #tpu.memory_space<vmem>>, vector<16xf32>,
        %mul3A_961 = arith.constant 16 : i32
        %mul3A_962 = arith.muli %scan3A_525, %mul3A_961 : i32
        %swap3A_963 = arith.constant 13 : i32
        %swap3A_964 = arith.index_cast %swap3A_963 : i32 to index
        %swap3A_965 = arith.index_cast %mul3A_962 : i32 to index
        %swap3A_966 = tpu.vector_load %arg23[%swap3A_964, %swap3A_965] {strides = array<i32>} : memref<32x128xf32, #tpu.memory_space<vmem>>, vector<16xf32>,
        tpu.vector_store %arg23[%swap3A_964, %swap3A_965], %gather3A_604 {strides = array<i32>} : memref<32x128xf32, #tpu.memory_space<vmem>>, vector<16xf32>,
        %mul3A_967 = arith.constant 16 : i32
        %mul3A_968 = arith.muli %scan3A_525, %mul3A_967 : i32
        %swap3A_969 = arith.constant 13 : i32
        %swap3A_970 = arith.index_cast %swap3A_969 : i32 to index
        %swap3A_971 = arith.index_cast %mul3A_968 : i32 to index
        %swap3A_972 = tpu.vector_load %arg25[%swap3A_970, %swap3A_971] {strides = array<i32>} : memref<32x128xf32, #tpu.memory_space<vmem>>, vector<16xf32>,
        tpu.vector_store %arg25[%swap3A_970, %swap3A_971], %gather3A_732 {strides = array<i32>} : memref<32x128xf32, #tpu.memory_space<vmem>>, vector<16xf32>,
        %mul3A_973 = arith.constant 16 : i32
        %mul3A_974 = arith.muli %scan3A_525, %mul3A_973 : i32
        %swap3A_975 = arith.constant 14 : i32
        %swap3A_976 = arith.index_cast %swap3A_975 : i32 to index
        %swap3A_977 = arith.index_cast %mul3A_974 : i32 to index
        %swap3A_978 = tpu.vector_load %arg23[%swap3A_976, %swap3A_977] {strides = array<i32>} : memref<32x128xf32, #tpu.memory_space<vmem>>, vector<16xf32>,
        tpu.vector_store %arg23[%swap3A_976, %swap3A_977], %gather3A_608 {strides = array<i32>} : memref<32x128xf32, #tpu.memory_space<vmem>>, vector<16xf32>,
        %mul3A_979 = arith.constant 16 : i32
        %mul3A_980 = arith.muli %scan3A_525, %mul3A_979 : i32
        %swap3A_981 = arith.constant 14 : i32
        %swap3A_982 = arith.index_cast %swap3A_981 : i32 to index
        %swap3A_983 = arith.index_cast %mul3A_980 : i32 to index
        %swap3A_984 = tpu.vector_load %arg25[%swap3A_982, %swap3A_983] {strides = array<i32>} : memref<32x128xf32, #tpu.memory_space<vmem>>, vector<16xf32>,
        tpu.vector_store %arg25[%swap3A_982, %swap3A_983], %gather3A_736 {strides = array<i32>} : memref<32x128xf32, #tpu.memory_space<vmem>>, vector<16xf32>,
        %mul3A_985 = arith.constant 16 : i32
        %mul3A_986 = arith.muli %scan3A_525, %mul3A_985 : i32
        %swap3A_987 = arith.constant 15 : i32
        %swap3A_988 = arith.index_cast %swap3A_987 : i32 to index
        %swap3A_989 = arith.index_cast %mul3A_986 : i32 to index
        %swap3A_990 = tpu.vector_load %arg23[%swap3A_988, %swap3A_989] {strides = array<i32>} : memref<32x128xf32, #tpu.memory_space<vmem>>, vector<16xf32>,
        tpu.vector_store %arg23[%swap3A_988, %swap3A_989], %gather3A_612 {strides = array<i32>} : memref<32x128xf32, #tpu.memory_space<vmem>>, vector<16xf32>,
        %mul3A_991 = arith.constant 16 : i32
        %mul3A_992 = arith.muli %scan3A_525, %mul3A_991 : i32
        %swap3A_993 = arith.constant 15 : i32
        %swap3A_994 = arith.index_cast %swap3A_993 : i32 to index
        %swap3A_995 = arith.index_cast %mul3A_992 : i32 to index
        %swap3A_996 = tpu.vector_load %arg25[%swap3A_994, %swap3A_995] {strides = array<i32>} : memref<32x128xf32, #tpu.memory_space<vmem>>, vector<16xf32>,
        tpu.vector_store %arg25[%swap3A_994, %swap3A_995], %gather3A_740 {strides = array<i32>} : memref<32x128xf32, #tpu.memory_space<vmem>>, vector<16xf32>,
        %mul3A_997 = arith.constant 16 : i32
        %mul3A_998 = arith.muli %scan3A_525, %mul3A_997 : i32
        %swap3A_999 = arith.constant 16 : i32
        %swap3A_1000 = arith.index_cast %swap3A_999 : i32 to index
        %swap3A_1001 = arith.index_cast %mul3A_998 : i32 to index
        %swap3A_1002 = tpu.vector_load %arg23[%swap3A_1000, %swap3A_1001] {strides = array<i32>} : memref<32x128xf32, #tpu.memory_space<vmem>>, vector<16xf32>,
        tpu.vector_store %arg23[%swap3A_1000, %swap3A_1001], %gather3A_616 {strides = array<i32>} : memref<32x128xf32, #tpu.memory_space<vmem>>, vector<16xf32>,
        %mul3A_1003 = arith.constant 16 : i32
        %mul3A_1004 = arith.muli %scan3A_525, %mul3A_1003 : i32
        %swap3A_1005 = arith.constant 16 : i32
        %swap3A_1006 = arith.index_cast %swap3A_1005 : i32 to index
        %swap3A_1007 = arith.index_cast %mul3A_1004 : i32 to index
        %swap3A_1008 = tpu.vector_load %arg25[%swap3A_1006, %swap3A_1007] {strides = array<i32>} : memref<32x128xf32, #tpu.memory_space<vmem>>, vector<16xf32>,
        tpu.vector_store %arg25[%swap3A_1006, %swap3A_1007], %gather3A_744 {strides = array<i32>} : memref<32x128xf32, #tpu.memory_space<vmem>>, vector<16xf32>,
        %mul3A_1009 = arith.constant 16 : i32
        %mul3A_1010 = arith.muli %scan3A_525, %mul3A_1009 : i32
        %swap3A_1011 = arith.constant 17 : i32
        %swap3A_1012 = arith.index_cast %swap3A_1011 : i32 to index
        %swap3A_1013 = arith.index_cast %mul3A_1010 : i32 to index
        %swap3A_1014 = tpu.vector_load %arg23[%swap3A_1012, %swap3A_1013] {strides = array<i32>} : memref<32x128xf32, #tpu.memory_space<vmem>>, vector<16xf32>,
        tpu.vector_store %arg23[%swap3A_1012, %swap3A_1013], %gather3A_620 {strides = array<i32>} : memref<32x128xf32, #tpu.memory_space<vmem>>, vector<16xf32>,
        %mul3A_1015 = arith.constant 16 : i32
        %mul3A_1016 = arith.muli %scan3A_525, %mul3A_1015 : i32
        %swap3A_1017 = arith.constant 17 : i32
        %swap3A_1018 = arith.index_cast %swap3A_1017 : i32 to index
        %swap3A_1019 = arith.index_cast %mul3A_1016 : i32 to index
        %swap3A_1020 = tpu.vector_load %arg25[%swap3A_1018, %swap3A_1019] {strides = array<i32>} : memref<32x128xf32, #tpu.memory_space<vmem>>, vector<16xf32>,
        tpu.vector_store %arg25[%swap3A_1018, %swap3A_1019], %gather3A_748 {strides = array<i32>} : memref<32x128xf32, #tpu.memory_space<vmem>>, vector<16xf32>,
        %mul3A_1021 = arith.constant 16 : i32
        %mul3A_1022 = arith.muli %scan3A_525, %mul3A_1021 : i32
        %swap3A_1023 = arith.constant 18 : i32
        %swap3A_1024 = arith.index_cast %swap3A_1023 : i32 to index
        %swap3A_1025 = arith.index_cast %mul3A_1022 : i32 to index
        %swap3A_1026 = tpu.vector_load %arg23[%swap3A_1024, %swap3A_1025] {strides = array<i32>} : memref<32x128xf32, #tpu.memory_space<vmem>>, vector<16xf32>,
        tpu.vector_store %arg23[%swap3A_1024, %swap3A_1025], %gather3A_624 {strides = array<i32>} : memref<32x128xf32, #tpu.memory_space<vmem>>, vector<16xf32>,
        %mul3A_1027 = arith.constant 16 : i32
        %mul3A_1028 = arith.muli %scan3A_525, %mul3A_1027 : i32
        %swap3A_1029 = arith.constant 18 : i32
        %swap3A_1030 = arith.index_cast %swap3A_1029 : i32 to index
        %swap3A_1031 = arith.index_cast %mul3A_1028 : i32 to index
        %swap3A_1032 = tpu.vector_load %arg25[%swap3A_1030, %swap3A_1031] {strides = array<i32>} : memref<32x128xf32, #tpu.memory_space<vmem>>, vector<16xf32>,
        tpu.vector_store %arg25[%swap3A_1030, %swap3A_1031], %gather3A_752 {strides = array<i32>} : memref<32x128xf32, #tpu.memory_space<vmem>>, vector<16xf32>,
        %mul3A_1033 = arith.constant 16 : i32
        %mul3A_1034 = arith.muli %scan3A_525, %mul3A_1033 : i32
        %swap3A_1035 = arith.constant 19 : i32
        %swap3A_1036 = arith.index_cast %swap3A_1035 : i32 to index
        %swap3A_1037 = arith.index_cast %mul3A_1034 : i32 to index
        %swap3A_1038 = tpu.vector_load %arg23[%swap3A_1036, %swap3A_1037] {strides = array<i32>} : memref<32x128xf32, #tpu.memory_space<vmem>>, vector<16xf32>,
        tpu.vector_store %arg23[%swap3A_1036, %swap3A_1037], %gather3A_628 {strides = array<i32>} : memref<32x128xf32, #tpu.memory_space<vmem>>, vector<16xf32>,
        %mul3A_1039 = arith.constant 16 : i32
        %mul3A_1040 = arith.muli %scan3A_525, %mul3A_1039 : i32
        %swap3A_1041 = arith.constant 19 : i32
        %swap3A_1042 = arith.index_cast %swap3A_1041 : i32 to index
        %swap3A_1043 = arith.index_cast %mul3A_1040 : i32 to index
        %swap3A_1044 = tpu.vector_load %arg25[%swap3A_1042, %swap3A_1043] {strides = array<i32>} : memref<32x128xf32, #tpu.memory_space<vmem>>, vector<16xf32>,
        tpu.vector_store %arg25[%swap3A_1042, %swap3A_1043], %gather3A_756 {strides = array<i32>} : memref<32x128xf32, #tpu.memory_space<vmem>>, vector<16xf32>,
        %mul3A_1045 = arith.constant 16 : i32
        %mul3A_1046 = arith.muli %scan3A_525, %mul3A_1045 : i32
        %swap3A_1047 = arith.constant 20 : i32
        %swap3A_1048 = arith.index_cast %swap3A_1047 : i32 to index
        %swap3A_1049 = arith.index_cast %mul3A_1046 : i32 to index
        %swap3A_1050 = tpu.vector_load %arg23[%swap3A_1048, %swap3A_1049] {strides = array<i32>} : memref<32x128xf32, #tpu.memory_space<vmem>>, vector<16xf32>,
        tpu.vector_store %arg23[%swap3A_1048, %swap3A_1049], %gather3A_632 {strides = array<i32>} : memref<32x128xf32, #tpu.memory_space<vmem>>, vector<16xf32>,
        %mul3A_1051 = arith.constant 16 : i32
        %mul3A_1052 = arith.muli %scan3A_525, %mul3A_1051 : i32
        %swap3A_1053 = arith.constant 20 : i32
        %swap3A_1054 = arith.index_cast %swap3A_1053 : i32 to index
        %swap3A_1055 = arith.index_cast %mul3A_1052 : i32 to index
        %swap3A_1056 = tpu.vector_load %arg25[%swap3A_1054, %swap3A_1055] {strides = array<i32>} : memref<32x128xf32, #tpu.memory_space<vmem>>, vector<16xf32>,
        tpu.vector_store %arg25[%swap3A_1054, %swap3A_1055], %gather3A_760 {strides = array<i32>} : memref<32x128xf32, #tpu.memory_space<vmem>>, vector<16xf32>,
        %mul3A_1057 = arith.constant 16 : i32
        %mul3A_1058 = arith.muli %scan3A_525, %mul3A_1057 : i32
        %swap3A_1059 = arith.constant 21 : i32
        %swap3A_1060 = arith.index_cast %swap3A_1059 : i32 to index
        %swap3A_1061 = arith.index_cast %mul3A_1058 : i32 to index
        %swap3A_1062 = tpu.vector_load %arg23[%swap3A_1060, %swap3A_1061] {strides = array<i32>} : memref<32x128xf32, #tpu.memory_space<vmem>>, vector<16xf32>,
        tpu.vector_store %arg23[%swap3A_1060, %swap3A_1061], %gather3A_636 {strides = array<i32>} : memref<32x128xf32, #tpu.memory_space<vmem>>, vector<16xf32>,
        %mul3A_1063 = arith.constant 16 : i32
        %mul3A_1064 = arith.muli %scan3A_525, %mul3A_1063 : i32
        %swap3A_1065 = arith.constant 21 : i32
        %swap3A_1066 = arith.index_cast %swap3A_1065 : i32 to index
        %swap3A_1067 = arith.index_cast %mul3A_1064 : i32 to index
        %swap3A_1068 = tpu.vector_load %arg25[%swap3A_1066, %swap3A_1067] {strides = array<i32>} : memref<32x128xf32, #tpu.memory_space<vmem>>, vector<16xf32>,
        tpu.vector_store %arg25[%swap3A_1066, %swap3A_1067], %gather3A_764 {strides = array<i32>} : memref<32x128xf32, #tpu.memory_space<vmem>>, vector<16xf32>,
        %mul3A_1069 = arith.constant 16 : i32
        %mul3A_1070 = arith.muli %scan3A_525, %mul3A_1069 : i32
        %swap3A_1071 = arith.constant 22 : i32
        %swap3A_1072 = arith.index_cast %swap3A_1071 : i32 to index
        %swap3A_1073 = arith.index_cast %mul3A_1070 : i32 to index
        %swap3A_1074 = tpu.vector_load %arg23[%swap3A_1072, %swap3A_1073] {strides = array<i32>} : memref<32x128xf32, #tpu.memory_space<vmem>>, vector<16xf32>,
        tpu.vector_store %arg23[%swap3A_1072, %swap3A_1073], %gather3A_640 {strides = array<i32>} : memref<32x128xf32, #tpu.memory_space<vmem>>, vector<16xf32>,
        %mul3A_1075 = arith.constant 16 : i32
        %mul3A_1076 = arith.muli %scan3A_525, %mul3A_1075 : i32
        %swap3A_1077 = arith.constant 22 : i32
        %swap3A_1078 = arith.index_cast %swap3A_1077 : i32 to index
        %swap3A_1079 = arith.index_cast %mul3A_1076 : i32 to index
        %swap3A_1080 = tpu.vector_load %arg25[%swap3A_1078, %swap3A_1079] {strides = array<i32>} : memref<32x128xf32, #tpu.memory_space<vmem>>, vector<16xf32>,
        tpu.vector_store %arg25[%swap3A_1078, %swap3A_1079], %gather3A_768 {strides = array<i32>} : memref<32x128xf32, #tpu.memory_space<vmem>>, vector<16xf32>,
        %mul3A_1081 = arith.constant 16 : i32
        %mul3A_1082 = arith.muli %scan3A_525, %mul3A_1081 : i32
        %swap3A_1083 = arith.constant 23 : i32
        %swap3A_1084 = arith.index_cast %swap3A_1083 : i32 to index
        %swap3A_1085 = arith.index_cast %mul3A_1082 : i32 to index
        %swap3A_1086 = tpu.vector_load %arg23[%swap3A_1084, %swap3A_1085] {strides = array<i32>} : memref<32x128xf32, #tpu.memory_space<vmem>>, vector<16xf32>,
        tpu.vector_store %arg23[%swap3A_1084, %swap3A_1085], %gather3A_644 {strides = array<i32>} : memref<32x128xf32, #tpu.memory_space<vmem>>, vector<16xf32>,
        %mul3A_1087 = arith.constant 16 : i32
        %mul3A_1088 = arith.muli %scan3A_525, %mul3A_1087 : i32
        %swap3A_1089 = arith.constant 23 : i32
        %swap3A_1090 = arith.index_cast %swap3A_1089 : i32 to index
        %swap3A_1091 = arith.index_cast %mul3A_1088 : i32 to index
        %swap3A_1092 = tpu.vector_load %arg25[%swap3A_1090, %swap3A_1091] {strides = array<i32>} : memref<32x128xf32, #tpu.memory_space<vmem>>, vector<16xf32>,
        tpu.vector_store %arg25[%swap3A_1090, %swap3A_1091], %gather3A_772 {strides = array<i32>} : memref<32x128xf32, #tpu.memory_space<vmem>>, vector<16xf32>,
        %mul3A_1093 = arith.constant 16 : i32
        %mul3A_1094 = arith.muli %scan3A_525, %mul3A_1093 : i32
        %swap3A_1095 = arith.constant 24 : i32
        %swap3A_1096 = arith.index_cast %swap3A_1095 : i32 to index
        %swap3A_1097 = arith.index_cast %mul3A_1094 : i32 to index
        %swap3A_1098 = tpu.vector_load %arg23[%swap3A_1096, %swap3A_1097] {strides = array<i32>} : memref<32x128xf32, #tpu.memory_space<vmem>>, vector<16xf32>,
        tpu.vector_store %arg23[%swap3A_1096, %swap3A_1097], %gather3A_648 {strides = array<i32>} : memref<32x128xf32, #tpu.memory_space<vmem>>, vector<16xf32>,
        %mul3A_1099 = arith.constant 16 : i32
        %mul3A_1100 = arith.muli %scan3A_525, %mul3A_1099 : i32
        %swap3A_1101 = arith.constant 24 : i32
        %swap3A_1102 = arith.index_cast %swap3A_1101 : i32 to index
        %swap3A_1103 = arith.index_cast %mul3A_1100 : i32 to index
        %swap3A_1104 = tpu.vector_load %arg25[%swap3A_1102, %swap3A_1103] {strides = array<i32>} : memref<32x128xf32, #tpu.memory_space<vmem>>, vector<16xf32>,
        tpu.vector_store %arg25[%swap3A_1102, %swap3A_1103], %gather3A_776 {strides = array<i32>} : memref<32x128xf32, #tpu.memory_space<vmem>>, vector<16xf32>,
        %mul3A_1105 = arith.constant 16 : i32
        %mul3A_1106 = arith.muli %scan3A_525, %mul3A_1105 : i32
        %swap3A_1107 = arith.constant 25 : i32
        %swap3A_1108 = arith.index_cast %swap3A_1107 : i32 to index
        %swap3A_1109 = arith.index_cast %mul3A_1106 : i32 to index
        %swap3A_1110 = tpu.vector_load %arg23[%swap3A_1108, %swap3A_1109] {strides = array<i32>} : memref<32x128xf32, #tpu.memory_space<vmem>>, vector<16xf32>,
        tpu.vector_store %arg23[%swap3A_1108, %swap3A_1109], %gather3A_652 {strides = array<i32>} : memref<32x128xf32, #tpu.memory_space<vmem>>, vector<16xf32>,
        %mul3A_1111 = arith.constant 16 : i32
        %mul3A_1112 = arith.muli %scan3A_525, %mul3A_1111 : i32
        %swap3A_1113 = arith.constant 25 : i32
        %swap3A_1114 = arith.index_cast %swap3A_1113 : i32 to index
        %swap3A_1115 = arith.index_cast %mul3A_1112 : i32 to index
        %swap3A_1116 = tpu.vector_load %arg25[%swap3A_1114, %swap3A_1115] {strides = array<i32>} : memref<32x128xf32, #tpu.memory_space<vmem>>, vector<16xf32>,
        tpu.vector_store %arg25[%swap3A_1114, %swap3A_1115], %gather3A_780 {strides = array<i32>} : memref<32x128xf32, #tpu.memory_space<vmem>>, vector<16xf32>,
        %mul3A_1117 = arith.constant 16 : i32
        %mul3A_1118 = arith.muli %scan3A_525, %mul3A_1117 : i32
        %swap3A_1119 = arith.constant 26 : i32
        %swap3A_1120 = arith.index_cast %swap3A_1119 : i32 to index
        %swap3A_1121 = arith.index_cast %mul3A_1118 : i32 to index
        %swap3A_1122 = tpu.vector_load %arg23[%swap3A_1120, %swap3A_1121] {strides = array<i32>} : memref<32x128xf32, #tpu.memory_space<vmem>>, vector<16xf32>,
        tpu.vector_store %arg23[%swap3A_1120, %swap3A_1121], %gather3A_656 {strides = array<i32>} : memref<32x128xf32, #tpu.memory_space<vmem>>, vector<16xf32>,
        %mul3A_1123 = arith.constant 16 : i32
        %mul3A_1124 = arith.muli %scan3A_525, %mul3A_1123 : i32
        %swap3A_1125 = arith.constant 26 : i32
        %swap3A_1126 = arith.index_cast %swap3A_1125 : i32 to index
        %swap3A_1127 = arith.index_cast %mul3A_1124 : i32 to index
        %swap3A_1128 = tpu.vector_load %arg25[%swap3A_1126, %swap3A_1127] {strides = array<i32>} : memref<32x128xf32, #tpu.memory_space<vmem>>, vector<16xf32>,
        tpu.vector_store %arg25[%swap3A_1126, %swap3A_1127], %gather3A_784 {strides = array<i32>} : memref<32x128xf32, #tpu.memory_space<vmem>>, vector<16xf32>,
        %mul3A_1129 = arith.constant 16 : i32
        %mul3A_1130 = arith.muli %scan3A_525, %mul3A_1129 : i32
        %swap3A_1131 = arith.constant 27 : i32
        %swap3A_1132 = arith.index_cast %swap3A_1131 : i32 to index
        %swap3A_1133 = arith.index_cast %mul3A_1130 : i32 to index
        %swap3A_1134 = tpu.vector_load %arg23[%swap3A_1132, %swap3A_1133] {strides = array<i32>} : memref<32x128xf32, #tpu.memory_space<vmem>>, vector<16xf32>,
        tpu.vector_store %arg23[%swap3A_1132, %swap3A_1133], %gather3A_660 {strides = array<i32>} : memref<32x128xf32, #tpu.memory_space<vmem>>, vector<16xf32>,
        %mul3A_1135 = arith.constant 16 : i32
        %mul3A_1136 = arith.muli %scan3A_525, %mul3A_1135 : i32
        %swap3A_1137 = arith.constant 27 : i32
        %swap3A_1138 = arith.index_cast %swap3A_1137 : i32 to index
        %swap3A_1139 = arith.index_cast %mul3A_1136 : i32 to index
        %swap3A_1140 = tpu.vector_load %arg25[%swap3A_1138, %swap3A_1139] {strides = array<i32>} : memref<32x128xf32, #tpu.memory_space<vmem>>, vector<16xf32>,
        tpu.vector_store %arg25[%swap3A_1138, %swap3A_1139], %gather3A_788 {strides = array<i32>} : memref<32x128xf32, #tpu.memory_space<vmem>>, vector<16xf32>,
        %mul3A_1141 = arith.constant 16 : i32
        %mul3A_1142 = arith.muli %scan3A_525, %mul3A_1141 : i32
        %swap3A_1143 = arith.constant 28 : i32
        %swap3A_1144 = arith.index_cast %swap3A_1143 : i32 to index
        %swap3A_1145 = arith.index_cast %mul3A_1142 : i32 to index
        %swap3A_1146 = tpu.vector_load %arg23[%swap3A_1144, %swap3A_1145] {strides = array<i32>} : memref<32x128xf32, #tpu.memory_space<vmem>>, vector<16xf32>,
        tpu.vector_store %arg23[%swap3A_1144, %swap3A_1145], %gather3A_664 {strides = array<i32>} : memref<32x128xf32, #tpu.memory_space<vmem>>, vector<16xf32>,
        %mul3A_1147 = arith.constant 16 : i32
        %mul3A_1148 = arith.muli %scan3A_525, %mul3A_1147 : i32
        %swap3A_1149 = arith.constant 28 : i32
        %swap3A_1150 = arith.index_cast %swap3A_1149 : i32 to index
        %swap3A_1151 = arith.index_cast %mul3A_1148 : i32 to index
        %swap3A_1152 = tpu.vector_load %arg25[%swap3A_1150, %swap3A_1151] {strides = array<i32>} : memref<32x128xf32, #tpu.memory_space<vmem>>, vector<16xf32>,
        tpu.vector_store %arg25[%swap3A_1150, %swap3A_1151], %gather3A_792 {strides = array<i32>} : memref<32x128xf32, #tpu.memory_space<vmem>>, vector<16xf32>,
        %mul3A_1153 = arith.constant 16 : i32
        %mul3A_1154 = arith.muli %scan3A_525, %mul3A_1153 : i32
        %swap3A_1155 = arith.constant 29 : i32
        %swap3A_1156 = arith.index_cast %swap3A_1155 : i32 to index
        %swap3A_1157 = arith.index_cast %mul3A_1154 : i32 to index
        %swap3A_1158 = tpu.vector_load %arg23[%swap3A_1156, %swap3A_1157] {strides = array<i32>} : memref<32x128xf32, #tpu.memory_space<vmem>>, vector<16xf32>,
        tpu.vector_store %arg23[%swap3A_1156, %swap3A_1157], %gather3A_668 {strides = array<i32>} : memref<32x128xf32, #tpu.memory_space<vmem>>, vector<16xf32>,
        %mul3A_1159 = arith.constant 16 : i32
        %mul3A_1160 = arith.muli %scan3A_525, %mul3A_1159 : i32
        %swap3A_1161 = arith.constant 29 : i32
        %swap3A_1162 = arith.index_cast %swap3A_1161 : i32 to index
        %swap3A_1163 = arith.index_cast %mul3A_1160 : i32 to index
        %swap3A_1164 = tpu.vector_load %arg25[%swap3A_1162, %swap3A_1163] {strides = array<i32>} : memref<32x128xf32, #tpu.memory_space<vmem>>, vector<16xf32>,
        tpu.vector_store %arg25[%swap3A_1162, %swap3A_1163], %gather3A_796 {strides = array<i32>} : memref<32x128xf32, #tpu.memory_space<vmem>>, vector<16xf32>,
        %mul3A_1165 = arith.constant 16 : i32
        %mul3A_1166 = arith.muli %scan3A_525, %mul3A_1165 : i32
        %swap3A_1167 = arith.constant 30 : i32
        %swap3A_1168 = arith.index_cast %swap3A_1167 : i32 to index
        %swap3A_1169 = arith.index_cast %mul3A_1166 : i32 to index
        %swap3A_1170 = tpu.vector_load %arg23[%swap3A_1168, %swap3A_1169] {strides = array<i32>} : memref<32x128xf32, #tpu.memory_space<vmem>>, vector<16xf32>,
        tpu.vector_store %arg23[%swap3A_1168, %swap3A_1169], %gather3A_672 {strides = array<i32>} : memref<32x128xf32, #tpu.memory_space<vmem>>, vector<16xf32>,
        %mul3A_1171 = arith.constant 16 : i32
        %mul3A_1172 = arith.muli %scan3A_525, %mul3A_1171 : i32
        %swap3A_1173 = arith.constant 30 : i32
        %swap3A_1174 = arith.index_cast %swap3A_1173 : i32 to index
        %swap3A_1175 = arith.index_cast %mul3A_1172 : i32 to index
        %swap3A_1176 = tpu.vector_load %arg25[%swap3A_1174, %swap3A_1175] {strides = array<i32>} : memref<32x128xf32, #tpu.memory_space<vmem>>, vector<16xf32>,
        tpu.vector_store %arg25[%swap3A_1174, %swap3A_1175], %gather3A_800 {strides = array<i32>} : memref<32x128xf32, #tpu.memory_space<vmem>>, vector<16xf32>,
        %mul3A_1177 = arith.constant 16 : i32
        %mul3A_1178 = arith.muli %scan3A_525, %mul3A_1177 : i32
        %swap3A_1179 = arith.constant 31 : i32
        %swap3A_1180 = arith.index_cast %swap3A_1179 : i32 to index
        %swap3A_1181 = arith.index_cast %mul3A_1178 : i32 to index
        %swap3A_1182 = tpu.vector_load %arg23[%swap3A_1180, %swap3A_1181] {strides = array<i32>} : memref<32x128xf32, #tpu.memory_space<vmem>>, vector<16xf32>,
        tpu.vector_store %arg23[%swap3A_1180, %swap3A_1181], %gather3A_676 {strides = array<i32>} : memref<32x128xf32, #tpu.memory_space<vmem>>, vector<16xf32>,
        %mul3A_1183 = arith.constant 16 : i32
        %mul3A_1184 = arith.muli %scan3A_525, %mul3A_1183 : i32
        %swap3A_1185 = arith.constant 31 : i32
        %swap3A_1186 = arith.index_cast %swap3A_1185 : i32 to index
        %swap3A_1187 = arith.index_cast %mul3A_1184 : i32 to index
        %swap3A_1188 = tpu.vector_load %arg25[%swap3A_1186, %swap3A_1187] {strides = array<i32>} : memref<32x128xf32, #tpu.memory_space<vmem>>, vector<16xf32>,
        tpu.vector_store %arg25[%swap3A_1186, %swap3A_1187], %gather3A_804 {strides = array<i32>} : memref<32x128xf32, #tpu.memory_space<vmem>>, vector<16xf32>,
      }
      %scan3A_419 = arith.constant 8 : i32
      %mul3A_420 = arith.constant 128 : i32
      %mul3A_421 = arith.muli %select_n3A_402, %mul3A_420 : i32
      %add3A_422 = arith.addi %mul3A_2, %mul3A_421 : i32
      %dma_start3A_423 = arith.constant 0 : i32
      %dma_start3A_424 = tpu.memref_slice %arg6[%select_n3A_386, %dma_start3A_423, %add3A_422] : memref<50x64x16384xf32, #tpu.memory_space<hbm>> -> memref<1x32x128xf32, #tpu.memory_space<hbm>>
      %dma_start3A_425 = tpu.memref_squeeze %dma_start3A_424 : memref<1x32x128xf32, #tpu.memory_space<hbm>> -> memref<32x128xf32, #tpu.memory_space<hbm>>
      %dma_start3A_426 = arith.constant 0 : i32
      %dma_start3A_427 = tpu.memref_slice %arg6[%select_n3A_386, %dma_start3A_426, %add3A_422] : memref<50x64x16384xf32, #tpu.memory_space<hbm>> -> memref<1x32x128xf32, #tpu.memory_space<hbm>>
      %dma_start3A_428 = tpu.memref_squeeze %dma_start3A_427 : memref<1x32x128xf32, #tpu.memory_space<hbm>> -> memref<32x128xf32, #tpu.memory_space<hbm>>
      tpu.enqueue_dma source(%arg23 : memref<32x128xf32, #tpu.memory_space<vmem>>) target(%dma_start3A_428 : memref<32x128xf32, #tpu.memory_space<hbm>>) target_semaphore(%arg31 : memref<!tpu.dma_semaphore, #tpu.memory_space<semaphore_mem>>)
      %dma_start3A_429 = arith.constant 32 : i32
      %dma_start3A_430 = tpu.memref_slice %arg6[%select_n3A_386, %dma_start3A_429, %add3A_422] : memref<50x64x16384xf32, #tpu.memory_space<hbm>> -> memref<1x32x128xf32, #tpu.memory_space<hbm>>
      %dma_start3A_431 = tpu.memref_squeeze %dma_start3A_430 : memref<1x32x128xf32, #tpu.memory_space<hbm>> -> memref<32x128xf32, #tpu.memory_space<hbm>>
      %dma_start3A_432 = arith.constant 32 : i32
      %dma_start3A_433 = tpu.memref_slice %arg6[%select_n3A_386, %dma_start3A_432, %add3A_422] : memref<50x64x16384xf32, #tpu.memory_space<hbm>> -> memref<1x32x128xf32, #tpu.memory_space<hbm>>
      %dma_start3A_434 = tpu.memref_squeeze %dma_start3A_433 : memref<1x32x128xf32, #tpu.memory_space<hbm>> -> memref<32x128xf32, #tpu.memory_space<hbm>>
      tpu.enqueue_dma source(%arg25 : memref<32x128xf32, #tpu.memory_space<vmem>>) target(%dma_start3A_434 : memref<32x128xf32, #tpu.memory_space<hbm>>) target_semaphore(%arg33 : memref<!tpu.dma_semaphore, #tpu.memory_space<semaphore_mem>>)
      %mul3A_435 = arith.constant 4 : i32
      %mul3A_436 = arith.muli %scan3A_177, %mul3A_435 : i32
      %add3A_437 = arith.constant 3 : i32
      %add3A_438 = arith.addi %mul3A_436, %add3A_437 : i32
      %add3A_439 = arith.constant 2 : i32
      %add3A_440 = arith.addi %add3A_438, %add3A_439 : i32
      %lt3A_441 = arith.constant 200 : i32
      %lt3A_442 = arith.cmpi slt, %add3A_440, %lt3A_441 : i32
      %convert_element_type3A_443 = arith.extui %lt3A_442 : i1 to i32
      %cond3A_444 = arith.constant 0 : i32
      %cond3A_445 = arith.cmpi ne, %convert_element_type3A_443, %cond3A_444 : i32
      scf.if %cond3A_445 {
        %add3A_525 = arith.constant 2 : i32
        %add3A_526 = arith.addi %add3A_438, %add3A_525 : i32
        %jit3A_527 = arith.constant 4 : i32
        %div3A_528 = arith.divsi %add3A_526, %jit3A_527 : i32
        %sign3A_529 = arith.constant 0 : i32
        %sign3A_530 = arith.cmpi sgt, %add3A_526, %sign3A_529 : i32
        %sign3A_531 = arith.extui %sign3A_530 : i1 to i32
        %sign3A_532 = arith.constant 0 : i32
        %sign3A_533 = arith.cmpi slt, %add3A_526, %sign3A_532 : i32
        %sign3A_534 = arith.extui %sign3A_533 : i1 to i32
        %sign3A_535 = arith.subi %sign3A_531, %sign3A_534 : i32
        %sign3A_536 = arith.constant 0 : i32
        %sign3A_537 = arith.cmpi sgt, %jit3A_527, %sign3A_536 : i32
        %sign3A_538 = arith.extui %sign3A_537 : i1 to i32
        %sign3A_539 = arith.constant 0 : i32
        %sign3A_540 = arith.cmpi slt, %jit3A_527, %sign3A_539 : i32
        %sign3A_541 = arith.extui %sign3A_540 : i1 to i32
        %sign3A_542 = arith.subi %sign3A_538, %sign3A_541 : i32
        %ne3A_543 = arith.cmpi ne, %sign3A_535, %sign3A_542 : i32
        %rem3A_544 = arith.remsi %add3A_526, %jit3A_527 : i32
        %ne3A_545 = arith.constant 0 : i32
        %ne3A_546 = arith.cmpi ne, %rem3A_544, %ne3A_545 : i32
        %and3A_547 = arith.andi %ne3A_543, %ne3A_546 : i1
        %sub3A_548 = arith.constant 1 : i32
        %sub3A_549 = arith.subi %div3A_528, %sub3A_548 : i32
        %select_n3A_550 = arith.select %and3A_547, %sub3A_549, %div3A_528 : i32
        %jit3A_551 = arith.constant 4 : i32
        %eq3A_552 = arith.constant 0 : i32
        %eq3A_553 = arith.cmpi eq, %jit3A_551, %eq3A_552 : i32
        %jit3A_554 = arith.constant 1 : i32
        %select_n3A_555 = arith.select %eq3A_553, %jit3A_554, %jit3A_551 : i32
        %rem3A_556 = arith.remsi %add3A_526, %select_n3A_555 : i32
        %ne3A_557 = arith.constant 0 : i32
        %ne3A_558 = arith.cmpi ne, %rem3A_556, %ne3A_557 : i32
        %lt3A_559 = arith.constant 0 : i32
        %lt3A_560 = arith.cmpi slt, %rem3A_556, %lt3A_559 : i32
        %lt3A_561 = arith.constant 0 : i32
        %lt3A_562 = arith.cmpi slt, %select_n3A_555, %lt3A_561 : i32
        %ne3A_563 = arith.xori %lt3A_560, %lt3A_562 : i1
        %and3A_564 = arith.andi %ne3A_563, %ne3A_558 : i1
        %add3A_565 = arith.addi %rem3A_556, %select_n3A_555 : i32
        %select_n3A_566 = arith.select %and3A_564, %add3A_565, %rem3A_556 : i32
        %mul3A_567 = arith.constant 16384 : i32
        %mul3A_568 = arith.muli %select_n3A_550, %mul3A_567 : i32
        %add3A_569 = arith.addi %mul3A_568, %mul3A_2 : i32
        %mul3A_570 = arith.constant 128 : i32
        %mul3A_571 = arith.muli %select_n3A_566, %mul3A_570 : i32
        %add3A_572 = arith.addi %add3A_569, %mul3A_571 : i32
        %dma_start3A_573 = tpu.memref_slice %arg2[%add3A_572] : memref<819200xi32, #tpu.memory_space<hbm>> -> memref<128xi32, #tpu.memory_space<hbm>>
        %dma_start3A_574 = tpu.memref_slice %arg2[%add3A_572] : memref<819200xi32, #tpu.memory_space<hbm>> -> memref<128xi32, #tpu.memory_space<hbm>>
        tpu.enqueue_dma source(%dma_start3A_574 : memref<128xi32, #tpu.memory_space<hbm>>) target(%arg8 : memref<128xi32, #tpu.memory_space<vmem>>) target_semaphore(%arg36 : memref<!tpu.dma_semaphore, #tpu.memory_space<semaphore_mem>>)
        %dma_start3A_575 = tpu.memref_slice %arg3[%add3A_572] : memref<819200xi32, #tpu.memory_space<hbm>> -> memref<128xi32, #tpu.memory_space<hbm>>
        %dma_start3A_576 = tpu.memref_slice %arg3[%add3A_572] : memref<819200xi32, #tpu.memory_space<hbm>> -> memref<128xi32, #tpu.memory_space<hbm>>
        tpu.enqueue_dma source(%dma_start3A_576 : memref<128xi32, #tpu.memory_space<hbm>>) target(%arg12 : memref<128xi32, #tpu.memory_space<vmem>>) target_semaphore(%arg40 : memref<!tpu.dma_semaphore, #tpu.memory_space<semaphore_mem>>)
      } else {
      }
      %add3A_446 = arith.constant 1 : i32
      %add3A_447 = arith.addi %add3A_438, %add3A_446 : i32
      %lt3A_448 = arith.constant 200 : i32
      %lt3A_449 = arith.cmpi slt, %add3A_447, %lt3A_448 : i32
      %convert_element_type3A_450 = arith.extui %lt3A_449 : i1 to i32
      %cond3A_451 = arith.constant 0 : i32
      %cond3A_452 = arith.cmpi ne, %convert_element_type3A_450, %cond3A_451 : i32
      scf.if %cond3A_452 {
        %add3A_525 = arith.constant 1 : i32
        %add3A_526 = arith.addi %add3A_438, %add3A_525 : i32
        %jit3A_527 = arith.constant 4 : i32
        %div3A_528 = arith.divsi %add3A_526, %jit3A_527 : i32
        %sign3A_529 = arith.constant 0 : i32
        %sign3A_530 = arith.cmpi sgt, %add3A_526, %sign3A_529 : i32
        %sign3A_531 = arith.extui %sign3A_530 : i1 to i32
        %sign3A_532 = arith.constant 0 : i32
        %sign3A_533 = arith.cmpi slt, %add3A_526, %sign3A_532 : i32
        %sign3A_534 = arith.extui %sign3A_533 : i1 to i32
        %sign3A_535 = arith.subi %sign3A_531, %sign3A_534 : i32
        %sign3A_536 = arith.constant 0 : i32
        %sign3A_537 = arith.cmpi sgt, %jit3A_527, %sign3A_536 : i32
        %sign3A_538 = arith.extui %sign3A_537 : i1 to i32
        %sign3A_539 = arith.constant 0 : i32
        %sign3A_540 = arith.cmpi slt, %jit3A_527, %sign3A_539 : i32
        %sign3A_541 = arith.extui %sign3A_540 : i1 to i32
        %sign3A_542 = arith.subi %sign3A_538, %sign3A_541 : i32
        %ne3A_543 = arith.cmpi ne, %sign3A_535, %sign3A_542 : i32
        %rem3A_544 = arith.remsi %add3A_526, %jit3A_527 : i32
        %ne3A_545 = arith.constant 0 : i32
        %ne3A_546 = arith.cmpi ne, %rem3A_544, %ne3A_545 : i32
        %and3A_547 = arith.andi %ne3A_543, %ne3A_546 : i1
        %sub3A_548 = arith.constant 1 : i32
        %sub3A_549 = arith.subi %div3A_528, %sub3A_548 : i32
        %select_n3A_550 = arith.select %and3A_547, %sub3A_549, %div3A_528 : i32
        %jit3A_551 = arith.constant 4 : i32
        %eq3A_552 = arith.constant 0 : i32
        %eq3A_553 = arith.cmpi eq, %jit3A_551, %eq3A_552 : i32
        %jit3A_554 = arith.constant 1 : i32
        %select_n3A_555 = arith.select %eq3A_553, %jit3A_554, %jit3A_551 : i32
        %rem3A_556 = arith.remsi %add3A_526, %select_n3A_555 : i32
        %ne3A_557 = arith.constant 0 : i32
        %ne3A_558 = arith.cmpi ne, %rem3A_556, %ne3A_557 : i32
        %lt3A_559 = arith.constant 0 : i32
        %lt3A_560 = arith.cmpi slt, %rem3A_556, %lt3A_559 : i32
        %lt3A_561 = arith.constant 0 : i32
        %lt3A_562 = arith.cmpi slt, %select_n3A_555, %lt3A_561 : i32
        %ne3A_563 = arith.xori %lt3A_560, %lt3A_562 : i1
        %and3A_564 = arith.andi %ne3A_563, %ne3A_558 : i1
        %add3A_565 = arith.addi %rem3A_556, %select_n3A_555 : i32
        %select_n3A_566 = arith.select %and3A_564, %add3A_565, %rem3A_556 : i32
        %mul3A_567 = arith.constant 16384 : i32
        %mul3A_568 = arith.muli %select_n3A_550, %mul3A_567 : i32
        %add3A_569 = arith.addi %mul3A_568, %mul3A_2 : i32
        %mul3A_570 = arith.constant 128 : i32
        %mul3A_571 = arith.muli %select_n3A_566, %mul3A_570 : i32
        %add3A_572 = arith.addi %add3A_569, %mul3A_571 : i32
        %dma_wait3A_573 = tpu.memref_slice %arg2[%add3A_572] : memref<819200xi32, #tpu.memory_space<hbm>> -> memref<128xi32, #tpu.memory_space<hbm>>
        %dma_wait3A_574 = tpu.memref_slice %arg2[%add3A_572] : memref<819200xi32, #tpu.memory_space<hbm>> -> memref<128xi32, #tpu.memory_space<hbm>>
        tpu.wait_dma2 semaphore(%arg35 : memref<!tpu.dma_semaphore, #tpu.memory_space<semaphore_mem>>) src(%dma_wait3A_574 : memref<128xi32, #tpu.memory_space<hbm>>) dst(%arg7 : memref<128xi32, #tpu.memory_space<vmem>>)
        %dma_wait3A_575 = tpu.memref_slice %arg3[%add3A_572] : memref<819200xi32, #tpu.memory_space<hbm>> -> memref<128xi32, #tpu.memory_space<hbm>>
        %dma_wait3A_576 = tpu.memref_slice %arg3[%add3A_572] : memref<819200xi32, #tpu.memory_space<hbm>> -> memref<128xi32, #tpu.memory_space<hbm>>
        tpu.wait_dma2 semaphore(%arg39 : memref<!tpu.dma_semaphore, #tpu.memory_space<semaphore_mem>>) src(%dma_wait3A_576 : memref<128xi32, #tpu.memory_space<hbm>>) dst(%arg11 : memref<128xi32, #tpu.memory_space<vmem>>)
        %get3A_577 = arith.constant 0 : index
        %get3A_578 = tpu.vector_load %arg7[%get3A_577] {strides = array<i32>} : memref<128xi32, #tpu.memory_space<vmem>>, vector<16xi32>,
        %get3A_579 = arith.constant 0 : index
        %get3A_580 = tpu.vector_load %arg11[%get3A_579] {strides = array<i32>} : memref<128xi32, #tpu.memory_space<vmem>>, vector<16xi32>,
        %shift_right_logical3A_581 = arith.constant 2 : i32
        %shift_right_logical3A_582 = vector.broadcast %shift_right_logical3A_581 : i32 to vector<16xi32>
        %shift_right_logical3A_583 = arith.shrui %get3A_578, %shift_right_logical3A_582 : vector<16xi32>
        %swap3A_584 = arith.constant 0 : index
        %swap3A_585 = tpu.vector_load %arg15[%swap3A_584] {strides = array<i32>} : memref<128xi32, #tpu.memory_space<vmem>>, vector<16xi32>,
        tpu.vector_store %arg15[%swap3A_584], %shift_right_logical3A_583 {strides = array<i32>} : memref<128xi32, #tpu.memory_space<vmem>>, vector<16xi32>,
        %shift_right_logical3A_586 = arith.constant 2 : i32
        %shift_right_logical3A_587 = vector.broadcast %shift_right_logical3A_586 : i32 to vector<16xi32>
        %shift_right_logical3A_588 = arith.shrui %get3A_580, %shift_right_logical3A_587 : vector<16xi32>
        %swap3A_589 = arith.constant 0 : index
        %swap3A_590 = tpu.vector_load %arg17[%swap3A_589] {strides = array<i32>} : memref<128xi32, #tpu.memory_space<vmem>>, vector<16xi32>,
        tpu.vector_store %arg17[%swap3A_589], %shift_right_logical3A_588 {strides = array<i32>} : memref<128xi32, #tpu.memory_space<vmem>>, vector<16xi32>,
        %get3A_591 = arith.constant 16 : index
        %get3A_592 = tpu.vector_load %arg7[%get3A_591] {strides = array<i32>} : memref<128xi32, #tpu.memory_space<vmem>>, vector<16xi32>,
        %get3A_593 = arith.constant 16 : index
        %get3A_594 = tpu.vector_load %arg11[%get3A_593] {strides = array<i32>} : memref<128xi32, #tpu.memory_space<vmem>>, vector<16xi32>,
        %shift_right_logical3A_595 = arith.constant 2 : i32
        %shift_right_logical3A_596 = vector.broadcast %shift_right_logical3A_595 : i32 to vector<16xi32>
        %shift_right_logical3A_597 = arith.shrui %get3A_592, %shift_right_logical3A_596 : vector<16xi32>
        %swap3A_598 = arith.constant 16 : index
        %swap3A_599 = tpu.vector_load %arg15[%swap3A_598] {strides = array<i32>} : memref<128xi32, #tpu.memory_space<vmem>>, vector<16xi32>,
        tpu.vector_store %arg15[%swap3A_598], %shift_right_logical3A_597 {strides = array<i32>} : memref<128xi32, #tpu.memory_space<vmem>>, vector<16xi32>,
        %shift_right_logical3A_600 = arith.constant 2 : i32
        %shift_right_logical3A_601 = vector.broadcast %shift_right_logical3A_600 : i32 to vector<16xi32>
        %shift_right_logical3A_602 = arith.shrui %get3A_594, %shift_right_logical3A_601 : vector<16xi32>
        %swap3A_603 = arith.constant 16 : index
        %swap3A_604 = tpu.vector_load %arg17[%swap3A_603] {strides = array<i32>} : memref<128xi32, #tpu.memory_space<vmem>>, vector<16xi32>,
        tpu.vector_store %arg17[%swap3A_603], %shift_right_logical3A_602 {strides = array<i32>} : memref<128xi32, #tpu.memory_space<vmem>>, vector<16xi32>,
        %get3A_605 = arith.constant 32 : index
        %get3A_606 = tpu.vector_load %arg7[%get3A_605] {strides = array<i32>} : memref<128xi32, #tpu.memory_space<vmem>>, vector<16xi32>,
        %get3A_607 = arith.constant 32 : index
        %get3A_608 = tpu.vector_load %arg11[%get3A_607] {strides = array<i32>} : memref<128xi32, #tpu.memory_space<vmem>>, vector<16xi32>,
        %shift_right_logical3A_609 = arith.constant 2 : i32
        %shift_right_logical3A_610 = vector.broadcast %shift_right_logical3A_609 : i32 to vector<16xi32>
        %shift_right_logical3A_611 = arith.shrui %get3A_606, %shift_right_logical3A_610 : vector<16xi32>
        %swap3A_612 = arith.constant 32 : index
        %swap3A_613 = tpu.vector_load %arg15[%swap3A_612] {strides = array<i32>} : memref<128xi32, #tpu.memory_space<vmem>>, vector<16xi32>,
        tpu.vector_store %arg15[%swap3A_612], %shift_right_logical3A_611 {strides = array<i32>} : memref<128xi32, #tpu.memory_space<vmem>>, vector<16xi32>,
        %shift_right_logical3A_614 = arith.constant 2 : i32
        %shift_right_logical3A_615 = vector.broadcast %shift_right_logical3A_614 : i32 to vector<16xi32>
        %shift_right_logical3A_616 = arith.shrui %get3A_608, %shift_right_logical3A_615 : vector<16xi32>
        %swap3A_617 = arith.constant 32 : index
        %swap3A_618 = tpu.vector_load %arg17[%swap3A_617] {strides = array<i32>} : memref<128xi32, #tpu.memory_space<vmem>>, vector<16xi32>,
        tpu.vector_store %arg17[%swap3A_617], %shift_right_logical3A_616 {strides = array<i32>} : memref<128xi32, #tpu.memory_space<vmem>>, vector<16xi32>,
        %get3A_619 = arith.constant 48 : index
        %get3A_620 = tpu.vector_load %arg7[%get3A_619] {strides = array<i32>} : memref<128xi32, #tpu.memory_space<vmem>>, vector<16xi32>,
        %get3A_621 = arith.constant 48 : index
        %get3A_622 = tpu.vector_load %arg11[%get3A_621] {strides = array<i32>} : memref<128xi32, #tpu.memory_space<vmem>>, vector<16xi32>,
        %shift_right_logical3A_623 = arith.constant 2 : i32
        %shift_right_logical3A_624 = vector.broadcast %shift_right_logical3A_623 : i32 to vector<16xi32>
        %shift_right_logical3A_625 = arith.shrui %get3A_620, %shift_right_logical3A_624 : vector<16xi32>
        %swap3A_626 = arith.constant 48 : index
        %swap3A_627 = tpu.vector_load %arg15[%swap3A_626] {strides = array<i32>} : memref<128xi32, #tpu.memory_space<vmem>>, vector<16xi32>,
        tpu.vector_store %arg15[%swap3A_626], %shift_right_logical3A_625 {strides = array<i32>} : memref<128xi32, #tpu.memory_space<vmem>>, vector<16xi32>,
        %shift_right_logical3A_628 = arith.constant 2 : i32
        %shift_right_logical3A_629 = vector.broadcast %shift_right_logical3A_628 : i32 to vector<16xi32>
        %shift_right_logical3A_630 = arith.shrui %get3A_622, %shift_right_logical3A_629 : vector<16xi32>
        %swap3A_631 = arith.constant 48 : index
        %swap3A_632 = tpu.vector_load %arg17[%swap3A_631] {strides = array<i32>} : memref<128xi32, #tpu.memory_space<vmem>>, vector<16xi32>,
        tpu.vector_store %arg17[%swap3A_631], %shift_right_logical3A_630 {strides = array<i32>} : memref<128xi32, #tpu.memory_space<vmem>>, vector<16xi32>,
        %get3A_633 = arith.constant 64 : index
        %get3A_634 = tpu.vector_load %arg7[%get3A_633] {strides = array<i32>} : memref<128xi32, #tpu.memory_space<vmem>>, vector<16xi32>,
        %get3A_635 = arith.constant 64 : index
        %get3A_636 = tpu.vector_load %arg11[%get3A_635] {strides = array<i32>} : memref<128xi32, #tpu.memory_space<vmem>>, vector<16xi32>,
        %shift_right_logical3A_637 = arith.constant 2 : i32
        %shift_right_logical3A_638 = vector.broadcast %shift_right_logical3A_637 : i32 to vector<16xi32>
        %shift_right_logical3A_639 = arith.shrui %get3A_634, %shift_right_logical3A_638 : vector<16xi32>
        %swap3A_640 = arith.constant 64 : index
        %swap3A_641 = tpu.vector_load %arg15[%swap3A_640] {strides = array<i32>} : memref<128xi32, #tpu.memory_space<vmem>>, vector<16xi32>,
        tpu.vector_store %arg15[%swap3A_640], %shift_right_logical3A_639 {strides = array<i32>} : memref<128xi32, #tpu.memory_space<vmem>>, vector<16xi32>,
        %shift_right_logical3A_642 = arith.constant 2 : i32
        %shift_right_logical3A_643 = vector.broadcast %shift_right_logical3A_642 : i32 to vector<16xi32>
        %shift_right_logical3A_644 = arith.shrui %get3A_636, %shift_right_logical3A_643 : vector<16xi32>
        %swap3A_645 = arith.constant 64 : index
        %swap3A_646 = tpu.vector_load %arg17[%swap3A_645] {strides = array<i32>} : memref<128xi32, #tpu.memory_space<vmem>>, vector<16xi32>,
        tpu.vector_store %arg17[%swap3A_645], %shift_right_logical3A_644 {strides = array<i32>} : memref<128xi32, #tpu.memory_space<vmem>>, vector<16xi32>,
        %get3A_647 = arith.constant 80 : index
        %get3A_648 = tpu.vector_load %arg7[%get3A_647] {strides = array<i32>} : memref<128xi32, #tpu.memory_space<vmem>>, vector<16xi32>,
        %get3A_649 = arith.constant 80 : index
        %get3A_650 = tpu.vector_load %arg11[%get3A_649] {strides = array<i32>} : memref<128xi32, #tpu.memory_space<vmem>>, vector<16xi32>,
        %shift_right_logical3A_651 = arith.constant 2 : i32
        %shift_right_logical3A_652 = vector.broadcast %shift_right_logical3A_651 : i32 to vector<16xi32>
        %shift_right_logical3A_653 = arith.shrui %get3A_648, %shift_right_logical3A_652 : vector<16xi32>
        %swap3A_654 = arith.constant 80 : index
        %swap3A_655 = tpu.vector_load %arg15[%swap3A_654] {strides = array<i32>} : memref<128xi32, #tpu.memory_space<vmem>>, vector<16xi32>,
        tpu.vector_store %arg15[%swap3A_654], %shift_right_logical3A_653 {strides = array<i32>} : memref<128xi32, #tpu.memory_space<vmem>>, vector<16xi32>,
        %shift_right_logical3A_656 = arith.constant 2 : i32
        %shift_right_logical3A_657 = vector.broadcast %shift_right_logical3A_656 : i32 to vector<16xi32>
        %shift_right_logical3A_658 = arith.shrui %get3A_650, %shift_right_logical3A_657 : vector<16xi32>
        %swap3A_659 = arith.constant 80 : index
        %swap3A_660 = tpu.vector_load %arg17[%swap3A_659] {strides = array<i32>} : memref<128xi32, #tpu.memory_space<vmem>>, vector<16xi32>,
        tpu.vector_store %arg17[%swap3A_659], %shift_right_logical3A_658 {strides = array<i32>} : memref<128xi32, #tpu.memory_space<vmem>>, vector<16xi32>,
        %get3A_661 = arith.constant 96 : index
        %get3A_662 = tpu.vector_load %arg7[%get3A_661] {strides = array<i32>} : memref<128xi32, #tpu.memory_space<vmem>>, vector<16xi32>,
        %get3A_663 = arith.constant 96 : index
        %get3A_664 = tpu.vector_load %arg11[%get3A_663] {strides = array<i32>} : memref<128xi32, #tpu.memory_space<vmem>>, vector<16xi32>,
        %shift_right_logical3A_665 = arith.constant 2 : i32
        %shift_right_logical3A_666 = vector.broadcast %shift_right_logical3A_665 : i32 to vector<16xi32>
        %shift_right_logical3A_667 = arith.shrui %get3A_662, %shift_right_logical3A_666 : vector<16xi32>
        %swap3A_668 = arith.constant 96 : index
        %swap3A_669 = tpu.vector_load %arg15[%swap3A_668] {strides = array<i32>} : memref<128xi32, #tpu.memory_space<vmem>>, vector<16xi32>,
        tpu.vector_store %arg15[%swap3A_668], %shift_right_logical3A_667 {strides = array<i32>} : memref<128xi32, #tpu.memory_space<vmem>>, vector<16xi32>,
        %shift_right_logical3A_670 = arith.constant 2 : i32
        %shift_right_logical3A_671 = vector.broadcast %shift_right_logical3A_670 : i32 to vector<16xi32>
        %shift_right_logical3A_672 = arith.shrui %get3A_664, %shift_right_logical3A_671 : vector<16xi32>
        %swap3A_673 = arith.constant 96 : index
        %swap3A_674 = tpu.vector_load %arg17[%swap3A_673] {strides = array<i32>} : memref<128xi32, #tpu.memory_space<vmem>>, vector<16xi32>,
        tpu.vector_store %arg17[%swap3A_673], %shift_right_logical3A_672 {strides = array<i32>} : memref<128xi32, #tpu.memory_space<vmem>>, vector<16xi32>,
        %get3A_675 = arith.constant 112 : index
        %get3A_676 = tpu.vector_load %arg7[%get3A_675] {strides = array<i32>} : memref<128xi32, #tpu.memory_space<vmem>>, vector<16xi32>,
        %get3A_677 = arith.constant 112 : index
        %get3A_678 = tpu.vector_load %arg11[%get3A_677] {strides = array<i32>} : memref<128xi32, #tpu.memory_space<vmem>>, vector<16xi32>,
        %shift_right_logical3A_679 = arith.constant 2 : i32
        %shift_right_logical3A_680 = vector.broadcast %shift_right_logical3A_679 : i32 to vector<16xi32>
        %shift_right_logical3A_681 = arith.shrui %get3A_676, %shift_right_logical3A_680 : vector<16xi32>
        %swap3A_682 = arith.constant 112 : index
        %swap3A_683 = tpu.vector_load %arg15[%swap3A_682] {strides = array<i32>} : memref<128xi32, #tpu.memory_space<vmem>>, vector<16xi32>,
        tpu.vector_store %arg15[%swap3A_682], %shift_right_logical3A_681 {strides = array<i32>} : memref<128xi32, #tpu.memory_space<vmem>>, vector<16xi32>,
        %shift_right_logical3A_684 = arith.constant 2 : i32
        %shift_right_logical3A_685 = vector.broadcast %shift_right_logical3A_684 : i32 to vector<16xi32>
        %shift_right_logical3A_686 = arith.shrui %get3A_678, %shift_right_logical3A_685 : vector<16xi32>
        %swap3A_687 = arith.constant 112 : index
        %swap3A_688 = tpu.vector_load %arg17[%swap3A_687] {strides = array<i32>} : memref<128xi32, #tpu.memory_space<vmem>>, vector<16xi32>,
        tpu.vector_store %arg17[%swap3A_687], %shift_right_logical3A_686 {strides = array<i32>} : memref<128xi32, #tpu.memory_space<vmem>>, vector<16xi32>,
        %dma_start3A_689 = arith.constant 0 : i32
        %dma_start3A_690 = arith.constant 0 : i32
        %dma_start3A_691 = tpu.memref_slice %arg4[%dma_start3A_689, %dma_start3A_690] : memref<25000x128xf32, #tpu.memory_space<hbm>> -> memref<25000x128xf32, #tpu.memory_space<hbm>>
        tpu.enqueue_indirect_dma source(%dma_start3A_691 : memref<25000x128xf32, #tpu.memory_space<hbm>>) target(%arg19 : memref<128x128xf32, #tpu.memory_space<vmem>>) offsets(%arg15 : memref<128xi32, #tpu.memory_space<vmem>>) semaphore(%arg27 : memref<!tpu.dma_semaphore, #tpu.memory_space<semaphore_mem>>)
        %dma_start3A_692 = arith.constant 0 : i32
        %dma_start3A_693 = arith.constant 0 : i32
        %dma_start3A_694 = tpu.memref_slice %arg5[%dma_start3A_692, %dma_start3A_693] : memref<250000x128xf32, #tpu.memory_space<hbm>> -> memref<250000x128xf32, #tpu.memory_space<hbm>>
        tpu.enqueue_indirect_dma source(%dma_start3A_694 : memref<250000x128xf32, #tpu.memory_space<hbm>>) target(%arg21 : memref<128x128xf32, #tpu.memory_space<vmem>>) offsets(%arg17 : memref<128xi32, #tpu.memory_space<vmem>>) semaphore(%arg29 : memref<!tpu.dma_semaphore, #tpu.memory_space<semaphore_mem>>)
      } else {
      }
      %jit3A_453 = arith.constant 4 : i32
      %div3A_454 = arith.divsi %add3A_438, %jit3A_453 : i32
      %sign3A_455 = arith.constant 0 : i32
      %sign3A_456 = arith.cmpi sgt, %add3A_438, %sign3A_455 : i32
      %sign3A_457 = arith.extui %sign3A_456 : i1 to i32
      %sign3A_458 = arith.constant 0 : i32
      %sign3A_459 = arith.cmpi slt, %add3A_438, %sign3A_458 : i32
      %sign3A_460 = arith.extui %sign3A_459 : i1 to i32
      %sign3A_461 = arith.subi %sign3A_457, %sign3A_460 : i32
      %sign3A_462 = arith.constant 0 : i32
      %sign3A_463 = arith.cmpi sgt, %jit3A_453, %sign3A_462 : i32
      %sign3A_464 = arith.extui %sign3A_463 : i1 to i32
      %sign3A_465 = arith.constant 0 : i32
      %sign3A_466 = arith.cmpi slt, %jit3A_453, %sign3A_465 : i32
      %sign3A_467 = arith.extui %sign3A_466 : i1 to i32
      %sign3A_468 = arith.subi %sign3A_464, %sign3A_467 : i32
      %ne3A_469 = arith.cmpi ne, %sign3A_461, %sign3A_468 : i32
      %rem3A_470 = arith.remsi %add3A_438, %jit3A_453 : i32
      %ne3A_471 = arith.constant 0 : i32
      %ne3A_472 = arith.cmpi ne, %rem3A_470, %ne3A_471 : i32
      %and3A_473 = arith.andi %ne3A_469, %ne3A_472 : i1
      %sub3A_474 = arith.constant 1 : i32
      %sub3A_475 = arith.subi %div3A_454, %sub3A_474 : i32
      %select_n3A_476 = arith.select %and3A_473, %sub3A_475, %div3A_454 : i32
      %jit3A_477 = arith.constant 4 : i32
      %eq3A_478 = arith.constant 0 : i32
      %eq3A_479 = arith.cmpi eq, %jit3A_477, %eq3A_478 : i32
      %jit3A_480 = arith.constant 1 : i32
      %select_n3A_481 = arith.select %eq3A_479, %jit3A_480, %jit3A_477 : i32
      %rem3A_482 = arith.remsi %add3A_438, %select_n3A_481 : i32
      %ne3A_483 = arith.constant 0 : i32
      %ne3A_484 = arith.cmpi ne, %rem3A_482, %ne3A_483 : i32
      %lt3A_485 = arith.constant 0 : i32
      %lt3A_486 = arith.cmpi slt, %rem3A_482, %lt3A_485 : i32
      %lt3A_487 = arith.constant 0 : i32
      %lt3A_488 = arith.cmpi slt, %select_n3A_481, %lt3A_487 : i32
      %ne3A_489 = arith.xori %lt3A_486, %lt3A_488 : i1
      %and3A_490 = arith.andi %ne3A_489, %ne3A_484 : i1
      %add3A_491 = arith.addi %rem3A_482, %select_n3A_481 : i32
      %select_n3A_492 = arith.select %and3A_490, %add3A_491, %rem3A_482 : i32
      %dma_wait3A_493 = arith.constant 0 : i32
      %dma_wait3A_494 = arith.constant 0 : i32
      %dma_wait3A_495 = tpu.memref_slice %arg4[%dma_wait3A_493, %dma_wait3A_494] : memref<25000x128xf32, #tpu.memory_space<hbm>> -> memref<25000x128xf32, #tpu.memory_space<hbm>>
      tpu.wait_indirect_dma semaphore(%arg28 : memref<!tpu.dma_semaphore, #tpu.memory_space<semaphore_mem>>) src(%dma_wait3A_495 : memref<25000x128xf32, #tpu.memory_space<hbm>>) dst(%arg20 : memref<128x128xf32, #tpu.memory_space<vmem>>)
      %dma_wait3A_496 = arith.constant 0 : i32
      %dma_wait3A_497 = arith.constant 0 : i32
      %dma_wait3A_498 = tpu.memref_slice %arg5[%dma_wait3A_496, %dma_wait3A_497] : memref<250000x128xf32, #tpu.memory_space<hbm>> -> memref<250000x128xf32, #tpu.memory_space<hbm>>
      tpu.wait_indirect_dma semaphore(%arg30 : memref<!tpu.dma_semaphore, #tpu.memory_space<semaphore_mem>>) src(%dma_wait3A_498 : memref<250000x128xf32, #tpu.memory_space<hbm>>) dst(%arg22 : memref<128x128xf32, #tpu.memory_space<vmem>>)
      %ge3A_499 = arith.constant 2 : i32
      %ge3A_500 = arith.cmpi sge, %add3A_438, %ge3A_499 : i32
      %convert_element_type3A_501 = arith.extui %ge3A_500 : i1 to i32
      %cond3A_502 = arith.constant 0 : i32
      %cond3A_503 = arith.cmpi ne, %convert_element_type3A_501, %cond3A_502 : i32
      scf.if %cond3A_503 {
        %sub3A_525 = arith.constant 2 : i32
        %sub3A_526 = arith.subi %add3A_438, %sub3A_525 : i32
        %jit3A_527 = arith.constant 4 : i32
        %div3A_528 = arith.divsi %sub3A_526, %jit3A_527 : i32
        %sign3A_529 = arith.constant 0 : i32
        %sign3A_530 = arith.cmpi sgt, %sub3A_526, %sign3A_529 : i32
        %sign3A_531 = arith.extui %sign3A_530 : i1 to i32
        %sign3A_532 = arith.constant 0 : i32
        %sign3A_533 = arith.cmpi slt, %sub3A_526, %sign3A_532 : i32
        %sign3A_534 = arith.extui %sign3A_533 : i1 to i32
        %sign3A_535 = arith.subi %sign3A_531, %sign3A_534 : i32
        %sign3A_536 = arith.constant 0 : i32
        %sign3A_537 = arith.cmpi sgt, %jit3A_527, %sign3A_536 : i32
        %sign3A_538 = arith.extui %sign3A_537 : i1 to i32
        %sign3A_539 = arith.constant 0 : i32
        %sign3A_540 = arith.cmpi slt, %jit3A_527, %sign3A_539 : i32
        %sign3A_541 = arith.extui %sign3A_540 : i1 to i32
        %sign3A_542 = arith.subi %sign3A_538, %sign3A_541 : i32
        %ne3A_543 = arith.cmpi ne, %sign3A_535, %sign3A_542 : i32
        %rem3A_544 = arith.remsi %sub3A_526, %jit3A_527 : i32
        %ne3A_545 = arith.constant 0 : i32
        %ne3A_546 = arith.cmpi ne, %rem3A_544, %ne3A_545 : i32
        %and3A_547 = arith.andi %ne3A_543, %ne3A_546 : i1
        %sub3A_548 = arith.constant 1 : i32
        %sub3A_549 = arith.subi %div3A_528, %sub3A_548 : i32
        %select_n3A_550 = arith.select %and3A_547, %sub3A_549, %div3A_528 : i32
        %sub3A_551 = arith.constant 2 : i32
        %sub3A_552 = arith.subi %add3A_438, %sub3A_551 : i32
        %jit3A_553 = arith.constant 4 : i32
        %eq3A_554 = arith.constant 0 : i32
        %eq3A_555 = arith.cmpi eq, %jit3A_553, %eq3A_554 : i32
        %jit3A_556 = arith.constant 1 : i32
        %select_n3A_557 = arith.select %eq3A_555, %jit3A_556, %jit3A_553 : i32
        %rem3A_558 = arith.remsi %sub3A_552, %select_n3A_557 : i32
        %ne3A_559 = arith.constant 0 : i32
        %ne3A_560 = arith.cmpi ne, %rem3A_558, %ne3A_559 : i32
        %lt3A_561 = arith.constant 0 : i32
        %lt3A_562 = arith.cmpi slt, %rem3A_558, %lt3A_561 : i32
        %lt3A_563 = arith.constant 0 : i32
        %lt3A_564 = arith.cmpi slt, %select_n3A_557, %lt3A_563 : i32
        %ne3A_565 = arith.xori %lt3A_562, %lt3A_564 : i1
        %and3A_566 = arith.andi %ne3A_565, %ne3A_560 : i1
        %add3A_567 = arith.addi %rem3A_558, %select_n3A_557 : i32
        %select_n3A_568 = arith.select %and3A_566, %add3A_567, %rem3A_558 : i32
        %mul3A_569 = arith.constant 128 : i32
        %mul3A_570 = arith.muli %select_n3A_568, %mul3A_569 : i32
        %add3A_571 = arith.addi %mul3A_2, %mul3A_570 : i32
        %dma_wait3A_572 = arith.constant 0 : i32
        %dma_wait3A_573 = tpu.memref_slice %arg6[%select_n3A_550, %dma_wait3A_572, %add3A_571] : memref<50x64x16384xf32, #tpu.memory_space<hbm>> -> memref<1x32x128xf32, #tpu.memory_space<hbm>>
        %dma_wait3A_574 = tpu.memref_squeeze %dma_wait3A_573 : memref<1x32x128xf32, #tpu.memory_space<hbm>> -> memref<32x128xf32, #tpu.memory_space<hbm>>
        %dma_wait3A_575 = arith.constant 0 : i32
        %dma_wait3A_576 = tpu.memref_slice %arg6[%select_n3A_550, %dma_wait3A_575, %add3A_571] : memref<50x64x16384xf32, #tpu.memory_space<hbm>> -> memref<1x32x128xf32, #tpu.memory_space<hbm>>
        %dma_wait3A_577 = tpu.memref_squeeze %dma_wait3A_576 : memref<1x32x128xf32, #tpu.memory_space<hbm>> -> memref<32x128xf32, #tpu.memory_space<hbm>>
        tpu.wait_dma2 semaphore(%arg32 : memref<!tpu.dma_semaphore, #tpu.memory_space<semaphore_mem>>) src(%arg24 : memref<32x128xf32, #tpu.memory_space<vmem>>) dst(%dma_wait3A_577 : memref<32x128xf32, #tpu.memory_space<hbm>>)
        %dma_wait3A_578 = arith.constant 32 : i32
        %dma_wait3A_579 = tpu.memref_slice %arg6[%select_n3A_550, %dma_wait3A_578, %add3A_571] : memref<50x64x16384xf32, #tpu.memory_space<hbm>> -> memref<1x32x128xf32, #tpu.memory_space<hbm>>
        %dma_wait3A_580 = tpu.memref_squeeze %dma_wait3A_579 : memref<1x32x128xf32, #tpu.memory_space<hbm>> -> memref<32x128xf32, #tpu.memory_space<hbm>>
        %dma_wait3A_581 = arith.constant 32 : i32
        %dma_wait3A_582 = tpu.memref_slice %arg6[%select_n3A_550, %dma_wait3A_581, %add3A_571] : memref<50x64x16384xf32, #tpu.memory_space<hbm>> -> memref<1x32x128xf32, #tpu.memory_space<hbm>>
        %dma_wait3A_583 = tpu.memref_squeeze %dma_wait3A_582 : memref<1x32x128xf32, #tpu.memory_space<hbm>> -> memref<32x128xf32, #tpu.memory_space<hbm>>
        tpu.wait_dma2 semaphore(%arg34 : memref<!tpu.dma_semaphore, #tpu.memory_space<semaphore_mem>>) src(%arg26 : memref<32x128xf32, #tpu.memory_space<vmem>>) dst(%dma_wait3A_583 : memref<32x128xf32, #tpu.memory_space<hbm>>)
      } else {
      }
      %scan3A_504 = arith.constant 0 : i32
      %scan3A_505 = arith.constant 0 : i32
      %scan3A_506 = arith.constant 8 : i32
      %scan3A_507 = arith.addi %scan3A_505, %scan3A_506 : i32
      %scan3A_508 = arith.constant 1 : i32
      scf.for %scan3A_525 = %scan3A_505 to %scan3A_507 step %scan3A_508  : i32 {
        %iota3A = tpu.iota {dimensions = array<i32: 0>} : vector<16xi32>
        %mul3A_526 = arith.constant 16 : i32
        %mul3A_527 = arith.muli %scan3A_525, %mul3A_526 : i32
        %add3A_528 = vector.broadcast %mul3A_527 : i32 to vector<16xi32>
        %add3A_529 = arith.addi %iota3A, %add3A_528 : vector<16xi32>
        %mul3A_530 = arith.constant 16 : i32
        %mul3A_531 = arith.muli %scan3A_525, %mul3A_530 : i32
        %get3A_532 = arith.index_cast %mul3A_531 : i32 to index
        %get3A_533 = tpu.vector_load %arg10[%get3A_532] {strides = array<i32>} : memref<128xi32, #tpu.memory_space<vmem>>, vector<16xi32>,
        %and3A_534 = arith.constant 3 : i32
        %and3A_535 = vector.broadcast %and3A_534 : i32 to vector<16xi32>
        %and3A_536 = arith.andi %get3A_533, %and3A_535 : vector<16xi32>
        %mul3A_537 = arith.constant 32 : i32
        %mul3A_538 = vector.broadcast %mul3A_537 : i32 to vector<16xi32>
        %mul3A_539 = arith.muli %and3A_536, %mul3A_538 : vector<16xi32>
        %mul3A_540 = arith.constant 16 : i32
        %mul3A_541 = arith.muli %scan3A_525, %mul3A_540 : i32
        %get3A_542 = arith.index_cast %mul3A_541 : i32 to index
        %get3A_543 = tpu.vector_load %arg14[%get3A_542] {strides = array<i32>} : memref<128xi32, #tpu.memory_space<vmem>>, vector<16xi32>,
        %and3A_544 = arith.constant 3 : i32
        %and3A_545 = vector.broadcast %and3A_544 : i32 to vector<16xi32>
        %and3A_546 = arith.andi %get3A_543, %and3A_545 : vector<16xi32>
        %mul3A_547 = arith.constant 32 : i32
        %mul3A_548 = vector.broadcast %mul3A_547 : i32 to vector<16xi32>
        %mul3A_549 = arith.muli %and3A_546, %mul3A_548 : vector<16xi32>
        %add3A_550 = arith.constant 0 : i32
        %add3A_551 = vector.broadcast %add3A_550 : i32 to vector<16xi32>
        %add3A_552 = arith.addi %mul3A_539, %add3A_551 : vector<16xi32>
        %gather3A = tpu.vector_load_idx %arg20[%add3A_529, %add3A_552] : memref<128x128xf32, #tpu.memory_space<vmem>>[vector<16xi32>, vector<16xi32>], vector<16xf32>,
        %add3A_553 = arith.constant 1 : i32
        %add3A_554 = vector.broadcast %add3A_553 : i32 to vector<16xi32>
        %add3A_555 = arith.addi %mul3A_539, %add3A_554 : vector<16xi32>
        %gather3A_556 = tpu.vector_load_idx %arg20[%add3A_529, %add3A_555] : memref<128x128xf32, #tpu.memory_space<vmem>>[vector<16xi32>, vector<16xi32>], vector<16xf32>,
        %add3A_557 = arith.constant 2 : i32
        %add3A_558 = vector.broadcast %add3A_557 : i32 to vector<16xi32>
        %add3A_559 = arith.addi %mul3A_539, %add3A_558 : vector<16xi32>
        %gather3A_560 = tpu.vector_load_idx %arg20[%add3A_529, %add3A_559] : memref<128x128xf32, #tpu.memory_space<vmem>>[vector<16xi32>, vector<16xi32>], vector<16xf32>,
        %add3A_561 = arith.constant 3 : i32
        %add3A_562 = vector.broadcast %add3A_561 : i32 to vector<16xi32>
        %add3A_563 = arith.addi %mul3A_539, %add3A_562 : vector<16xi32>
        %gather3A_564 = tpu.vector_load_idx %arg20[%add3A_529, %add3A_563] : memref<128x128xf32, #tpu.memory_space<vmem>>[vector<16xi32>, vector<16xi32>], vector<16xf32>,
        %add3A_565 = arith.constant 4 : i32
        %add3A_566 = vector.broadcast %add3A_565 : i32 to vector<16xi32>
        %add3A_567 = arith.addi %mul3A_539, %add3A_566 : vector<16xi32>
        %gather3A_568 = tpu.vector_load_idx %arg20[%add3A_529, %add3A_567] : memref<128x128xf32, #tpu.memory_space<vmem>>[vector<16xi32>, vector<16xi32>], vector<16xf32>,
        %add3A_569 = arith.constant 5 : i32
        %add3A_570 = vector.broadcast %add3A_569 : i32 to vector<16xi32>
        %add3A_571 = arith.addi %mul3A_539, %add3A_570 : vector<16xi32>
        %gather3A_572 = tpu.vector_load_idx %arg20[%add3A_529, %add3A_571] : memref<128x128xf32, #tpu.memory_space<vmem>>[vector<16xi32>, vector<16xi32>], vector<16xf32>,
        %add3A_573 = arith.constant 6 : i32
        %add3A_574 = vector.broadcast %add3A_573 : i32 to vector<16xi32>
        %add3A_575 = arith.addi %mul3A_539, %add3A_574 : vector<16xi32>
        %gather3A_576 = tpu.vector_load_idx %arg20[%add3A_529, %add3A_575] : memref<128x128xf32, #tpu.memory_space<vmem>>[vector<16xi32>, vector<16xi32>], vector<16xf32>,
        %add3A_577 = arith.constant 7 : i32
        %add3A_578 = vector.broadcast %add3A_577 : i32 to vector<16xi32>
        %add3A_579 = arith.addi %mul3A_539, %add3A_578 : vector<16xi32>
        %gather3A_580 = tpu.vector_load_idx %arg20[%add3A_529, %add3A_579] : memref<128x128xf32, #tpu.memory_space<vmem>>[vector<16xi32>, vector<16xi32>], vector<16xf32>,
        %add3A_581 = arith.constant 8 : i32
        %add3A_582 = vector.broadcast %add3A_581 : i32 to vector<16xi32>
        %add3A_583 = arith.addi %mul3A_539, %add3A_582 : vector<16xi32>
        %gather3A_584 = tpu.vector_load_idx %arg20[%add3A_529, %add3A_583] : memref<128x128xf32, #tpu.memory_space<vmem>>[vector<16xi32>, vector<16xi32>], vector<16xf32>,
        %add3A_585 = arith.constant 9 : i32
        %add3A_586 = vector.broadcast %add3A_585 : i32 to vector<16xi32>
        %add3A_587 = arith.addi %mul3A_539, %add3A_586 : vector<16xi32>
        %gather3A_588 = tpu.vector_load_idx %arg20[%add3A_529, %add3A_587] : memref<128x128xf32, #tpu.memory_space<vmem>>[vector<16xi32>, vector<16xi32>], vector<16xf32>,
        %add3A_589 = arith.constant 10 : i32
        %add3A_590 = vector.broadcast %add3A_589 : i32 to vector<16xi32>
        %add3A_591 = arith.addi %mul3A_539, %add3A_590 : vector<16xi32>
        %gather3A_592 = tpu.vector_load_idx %arg20[%add3A_529, %add3A_591] : memref<128x128xf32, #tpu.memory_space<vmem>>[vector<16xi32>, vector<16xi32>], vector<16xf32>,
        %add3A_593 = arith.constant 11 : i32
        %add3A_594 = vector.broadcast %add3A_593 : i32 to vector<16xi32>
        %add3A_595 = arith.addi %mul3A_539, %add3A_594 : vector<16xi32>
        %gather3A_596 = tpu.vector_load_idx %arg20[%add3A_529, %add3A_595] : memref<128x128xf32, #tpu.memory_space<vmem>>[vector<16xi32>, vector<16xi32>], vector<16xf32>,
        %add3A_597 = arith.constant 12 : i32
        %add3A_598 = vector.broadcast %add3A_597 : i32 to vector<16xi32>
        %add3A_599 = arith.addi %mul3A_539, %add3A_598 : vector<16xi32>
        %gather3A_600 = tpu.vector_load_idx %arg20[%add3A_529, %add3A_599] : memref<128x128xf32, #tpu.memory_space<vmem>>[vector<16xi32>, vector<16xi32>], vector<16xf32>,
        %add3A_601 = arith.constant 13 : i32
        %add3A_602 = vector.broadcast %add3A_601 : i32 to vector<16xi32>
        %add3A_603 = arith.addi %mul3A_539, %add3A_602 : vector<16xi32>
        %gather3A_604 = tpu.vector_load_idx %arg20[%add3A_529, %add3A_603] : memref<128x128xf32, #tpu.memory_space<vmem>>[vector<16xi32>, vector<16xi32>], vector<16xf32>,
        %add3A_605 = arith.constant 14 : i32
        %add3A_606 = vector.broadcast %add3A_605 : i32 to vector<16xi32>
        %add3A_607 = arith.addi %mul3A_539, %add3A_606 : vector<16xi32>
        %gather3A_608 = tpu.vector_load_idx %arg20[%add3A_529, %add3A_607] : memref<128x128xf32, #tpu.memory_space<vmem>>[vector<16xi32>, vector<16xi32>], vector<16xf32>,
        %add3A_609 = arith.constant 15 : i32
        %add3A_610 = vector.broadcast %add3A_609 : i32 to vector<16xi32>
        %add3A_611 = arith.addi %mul3A_539, %add3A_610 : vector<16xi32>
        %gather3A_612 = tpu.vector_load_idx %arg20[%add3A_529, %add3A_611] : memref<128x128xf32, #tpu.memory_space<vmem>>[vector<16xi32>, vector<16xi32>], vector<16xf32>,
        %add3A_613 = arith.constant 16 : i32
        %add3A_614 = vector.broadcast %add3A_613 : i32 to vector<16xi32>
        %add3A_615 = arith.addi %mul3A_539, %add3A_614 : vector<16xi32>
        %gather3A_616 = tpu.vector_load_idx %arg20[%add3A_529, %add3A_615] : memref<128x128xf32, #tpu.memory_space<vmem>>[vector<16xi32>, vector<16xi32>], vector<16xf32>,
        %add3A_617 = arith.constant 17 : i32
        %add3A_618 = vector.broadcast %add3A_617 : i32 to vector<16xi32>
        %add3A_619 = arith.addi %mul3A_539, %add3A_618 : vector<16xi32>
        %gather3A_620 = tpu.vector_load_idx %arg20[%add3A_529, %add3A_619] : memref<128x128xf32, #tpu.memory_space<vmem>>[vector<16xi32>, vector<16xi32>], vector<16xf32>,
        %add3A_621 = arith.constant 18 : i32
        %add3A_622 = vector.broadcast %add3A_621 : i32 to vector<16xi32>
        %add3A_623 = arith.addi %mul3A_539, %add3A_622 : vector<16xi32>
        %gather3A_624 = tpu.vector_load_idx %arg20[%add3A_529, %add3A_623] : memref<128x128xf32, #tpu.memory_space<vmem>>[vector<16xi32>, vector<16xi32>], vector<16xf32>,
        %add3A_625 = arith.constant 19 : i32
        %add3A_626 = vector.broadcast %add3A_625 : i32 to vector<16xi32>
        %add3A_627 = arith.addi %mul3A_539, %add3A_626 : vector<16xi32>
        %gather3A_628 = tpu.vector_load_idx %arg20[%add3A_529, %add3A_627] : memref<128x128xf32, #tpu.memory_space<vmem>>[vector<16xi32>, vector<16xi32>], vector<16xf32>,
        %add3A_629 = arith.constant 20 : i32
        %add3A_630 = vector.broadcast %add3A_629 : i32 to vector<16xi32>
        %add3A_631 = arith.addi %mul3A_539, %add3A_630 : vector<16xi32>
        %gather3A_632 = tpu.vector_load_idx %arg20[%add3A_529, %add3A_631] : memref<128x128xf32, #tpu.memory_space<vmem>>[vector<16xi32>, vector<16xi32>], vector<16xf32>,
        %add3A_633 = arith.constant 21 : i32
        %add3A_634 = vector.broadcast %add3A_633 : i32 to vector<16xi32>
        %add3A_635 = arith.addi %mul3A_539, %add3A_634 : vector<16xi32>
        %gather3A_636 = tpu.vector_load_idx %arg20[%add3A_529, %add3A_635] : memref<128x128xf32, #tpu.memory_space<vmem>>[vector<16xi32>, vector<16xi32>], vector<16xf32>,
        %add3A_637 = arith.constant 22 : i32
        %add3A_638 = vector.broadcast %add3A_637 : i32 to vector<16xi32>
        %add3A_639 = arith.addi %mul3A_539, %add3A_638 : vector<16xi32>
        %gather3A_640 = tpu.vector_load_idx %arg20[%add3A_529, %add3A_639] : memref<128x128xf32, #tpu.memory_space<vmem>>[vector<16xi32>, vector<16xi32>], vector<16xf32>,
        %add3A_641 = arith.constant 23 : i32
        %add3A_642 = vector.broadcast %add3A_641 : i32 to vector<16xi32>
        %add3A_643 = arith.addi %mul3A_539, %add3A_642 : vector<16xi32>
        %gather3A_644 = tpu.vector_load_idx %arg20[%add3A_529, %add3A_643] : memref<128x128xf32, #tpu.memory_space<vmem>>[vector<16xi32>, vector<16xi32>], vector<16xf32>,
        %add3A_645 = arith.constant 24 : i32
        %add3A_646 = vector.broadcast %add3A_645 : i32 to vector<16xi32>
        %add3A_647 = arith.addi %mul3A_539, %add3A_646 : vector<16xi32>
        %gather3A_648 = tpu.vector_load_idx %arg20[%add3A_529, %add3A_647] : memref<128x128xf32, #tpu.memory_space<vmem>>[vector<16xi32>, vector<16xi32>], vector<16xf32>,
        %add3A_649 = arith.constant 25 : i32
        %add3A_650 = vector.broadcast %add3A_649 : i32 to vector<16xi32>
        %add3A_651 = arith.addi %mul3A_539, %add3A_650 : vector<16xi32>
        %gather3A_652 = tpu.vector_load_idx %arg20[%add3A_529, %add3A_651] : memref<128x128xf32, #tpu.memory_space<vmem>>[vector<16xi32>, vector<16xi32>], vector<16xf32>,
        %add3A_653 = arith.constant 26 : i32
        %add3A_654 = vector.broadcast %add3A_653 : i32 to vector<16xi32>
        %add3A_655 = arith.addi %mul3A_539, %add3A_654 : vector<16xi32>
        %gather3A_656 = tpu.vector_load_idx %arg20[%add3A_529, %add3A_655] : memref<128x128xf32, #tpu.memory_space<vmem>>[vector<16xi32>, vector<16xi32>], vector<16xf32>,
        %add3A_657 = arith.constant 27 : i32
        %add3A_658 = vector.broadcast %add3A_657 : i32 to vector<16xi32>
        %add3A_659 = arith.addi %mul3A_539, %add3A_658 : vector<16xi32>
        %gather3A_660 = tpu.vector_load_idx %arg20[%add3A_529, %add3A_659] : memref<128x128xf32, #tpu.memory_space<vmem>>[vector<16xi32>, vector<16xi32>], vector<16xf32>,
        %add3A_661 = arith.constant 28 : i32
        %add3A_662 = vector.broadcast %add3A_661 : i32 to vector<16xi32>
        %add3A_663 = arith.addi %mul3A_539, %add3A_662 : vector<16xi32>
        %gather3A_664 = tpu.vector_load_idx %arg20[%add3A_529, %add3A_663] : memref<128x128xf32, #tpu.memory_space<vmem>>[vector<16xi32>, vector<16xi32>], vector<16xf32>,
        %add3A_665 = arith.constant 29 : i32
        %add3A_666 = vector.broadcast %add3A_665 : i32 to vector<16xi32>
        %add3A_667 = arith.addi %mul3A_539, %add3A_666 : vector<16xi32>
        %gather3A_668 = tpu.vector_load_idx %arg20[%add3A_529, %add3A_667] : memref<128x128xf32, #tpu.memory_space<vmem>>[vector<16xi32>, vector<16xi32>], vector<16xf32>,
        %add3A_669 = arith.constant 30 : i32
        %add3A_670 = vector.broadcast %add3A_669 : i32 to vector<16xi32>
        %add3A_671 = arith.addi %mul3A_539, %add3A_670 : vector<16xi32>
        %gather3A_672 = tpu.vector_load_idx %arg20[%add3A_529, %add3A_671] : memref<128x128xf32, #tpu.memory_space<vmem>>[vector<16xi32>, vector<16xi32>], vector<16xf32>,
        %add3A_673 = arith.constant 31 : i32
        %add3A_674 = vector.broadcast %add3A_673 : i32 to vector<16xi32>
        %add3A_675 = arith.addi %mul3A_539, %add3A_674 : vector<16xi32>
        %gather3A_676 = tpu.vector_load_idx %arg20[%add3A_529, %add3A_675] : memref<128x128xf32, #tpu.memory_space<vmem>>[vector<16xi32>, vector<16xi32>], vector<16xf32>,
        %add3A_677 = arith.constant 0 : i32
        %add3A_678 = vector.broadcast %add3A_677 : i32 to vector<16xi32>
        %add3A_679 = arith.addi %mul3A_549, %add3A_678 : vector<16xi32>
        %gather3A_680 = tpu.vector_load_idx %arg22[%add3A_529, %add3A_679] : memref<128x128xf32, #tpu.memory_space<vmem>>[vector<16xi32>, vector<16xi32>], vector<16xf32>,
        %add3A_681 = arith.constant 1 : i32
        %add3A_682 = vector.broadcast %add3A_681 : i32 to vector<16xi32>
        %add3A_683 = arith.addi %mul3A_549, %add3A_682 : vector<16xi32>
        %gather3A_684 = tpu.vector_load_idx %arg22[%add3A_529, %add3A_683] : memref<128x128xf32, #tpu.memory_space<vmem>>[vector<16xi32>, vector<16xi32>], vector<16xf32>,
        %add3A_685 = arith.constant 2 : i32
        %add3A_686 = vector.broadcast %add3A_685 : i32 to vector<16xi32>
        %add3A_687 = arith.addi %mul3A_549, %add3A_686 : vector<16xi32>
        %gather3A_688 = tpu.vector_load_idx %arg22[%add3A_529, %add3A_687] : memref<128x128xf32, #tpu.memory_space<vmem>>[vector<16xi32>, vector<16xi32>], vector<16xf32>,
        %add3A_689 = arith.constant 3 : i32
        %add3A_690 = vector.broadcast %add3A_689 : i32 to vector<16xi32>
        %add3A_691 = arith.addi %mul3A_549, %add3A_690 : vector<16xi32>
        %gather3A_692 = tpu.vector_load_idx %arg22[%add3A_529, %add3A_691] : memref<128x128xf32, #tpu.memory_space<vmem>>[vector<16xi32>, vector<16xi32>], vector<16xf32>,
        %add3A_693 = arith.constant 4 : i32
        %add3A_694 = vector.broadcast %add3A_693 : i32 to vector<16xi32>
        %add3A_695 = arith.addi %mul3A_549, %add3A_694 : vector<16xi32>
        %gather3A_696 = tpu.vector_load_idx %arg22[%add3A_529, %add3A_695] : memref<128x128xf32, #tpu.memory_space<vmem>>[vector<16xi32>, vector<16xi32>], vector<16xf32>,
        %add3A_697 = arith.constant 5 : i32
        %add3A_698 = vector.broadcast %add3A_697 : i32 to vector<16xi32>
        %add3A_699 = arith.addi %mul3A_549, %add3A_698 : vector<16xi32>
        %gather3A_700 = tpu.vector_load_idx %arg22[%add3A_529, %add3A_699] : memref<128x128xf32, #tpu.memory_space<vmem>>[vector<16xi32>, vector<16xi32>], vector<16xf32>,
        %add3A_701 = arith.constant 6 : i32
        %add3A_702 = vector.broadcast %add3A_701 : i32 to vector<16xi32>
        %add3A_703 = arith.addi %mul3A_549, %add3A_702 : vector<16xi32>
        %gather3A_704 = tpu.vector_load_idx %arg22[%add3A_529, %add3A_703] : memref<128x128xf32, #tpu.memory_space<vmem>>[vector<16xi32>, vector<16xi32>], vector<16xf32>,
        %add3A_705 = arith.constant 7 : i32
        %add3A_706 = vector.broadcast %add3A_705 : i32 to vector<16xi32>
        %add3A_707 = arith.addi %mul3A_549, %add3A_706 : vector<16xi32>
        %gather3A_708 = tpu.vector_load_idx %arg22[%add3A_529, %add3A_707] : memref<128x128xf32, #tpu.memory_space<vmem>>[vector<16xi32>, vector<16xi32>], vector<16xf32>,
        %add3A_709 = arith.constant 8 : i32
        %add3A_710 = vector.broadcast %add3A_709 : i32 to vector<16xi32>
        %add3A_711 = arith.addi %mul3A_549, %add3A_710 : vector<16xi32>
        %gather3A_712 = tpu.vector_load_idx %arg22[%add3A_529, %add3A_711] : memref<128x128xf32, #tpu.memory_space<vmem>>[vector<16xi32>, vector<16xi32>], vector<16xf32>,
        %add3A_713 = arith.constant 9 : i32
        %add3A_714 = vector.broadcast %add3A_713 : i32 to vector<16xi32>
        %add3A_715 = arith.addi %mul3A_549, %add3A_714 : vector<16xi32>
        %gather3A_716 = tpu.vector_load_idx %arg22[%add3A_529, %add3A_715] : memref<128x128xf32, #tpu.memory_space<vmem>>[vector<16xi32>, vector<16xi32>], vector<16xf32>,
        %add3A_717 = arith.constant 10 : i32
        %add3A_718 = vector.broadcast %add3A_717 : i32 to vector<16xi32>
        %add3A_719 = arith.addi %mul3A_549, %add3A_718 : vector<16xi32>
        %gather3A_720 = tpu.vector_load_idx %arg22[%add3A_529, %add3A_719] : memref<128x128xf32, #tpu.memory_space<vmem>>[vector<16xi32>, vector<16xi32>], vector<16xf32>,
        %add3A_721 = arith.constant 11 : i32
        %add3A_722 = vector.broadcast %add3A_721 : i32 to vector<16xi32>
        %add3A_723 = arith.addi %mul3A_549, %add3A_722 : vector<16xi32>
        %gather3A_724 = tpu.vector_load_idx %arg22[%add3A_529, %add3A_723] : memref<128x128xf32, #tpu.memory_space<vmem>>[vector<16xi32>, vector<16xi32>], vector<16xf32>,
        %add3A_725 = arith.constant 12 : i32
        %add3A_726 = vector.broadcast %add3A_725 : i32 to vector<16xi32>
        %add3A_727 = arith.addi %mul3A_549, %add3A_726 : vector<16xi32>
        %gather3A_728 = tpu.vector_load_idx %arg22[%add3A_529, %add3A_727] : memref<128x128xf32, #tpu.memory_space<vmem>>[vector<16xi32>, vector<16xi32>], vector<16xf32>,
        %add3A_729 = arith.constant 13 : i32
        %add3A_730 = vector.broadcast %add3A_729 : i32 to vector<16xi32>
        %add3A_731 = arith.addi %mul3A_549, %add3A_730 : vector<16xi32>
        %gather3A_732 = tpu.vector_load_idx %arg22[%add3A_529, %add3A_731] : memref<128x128xf32, #tpu.memory_space<vmem>>[vector<16xi32>, vector<16xi32>], vector<16xf32>,
        %add3A_733 = arith.constant 14 : i32
        %add3A_734 = vector.broadcast %add3A_733 : i32 to vector<16xi32>
        %add3A_735 = arith.addi %mul3A_549, %add3A_734 : vector<16xi32>
        %gather3A_736 = tpu.vector_load_idx %arg22[%add3A_529, %add3A_735] : memref<128x128xf32, #tpu.memory_space<vmem>>[vector<16xi32>, vector<16xi32>], vector<16xf32>,
        %add3A_737 = arith.constant 15 : i32
        %add3A_738 = vector.broadcast %add3A_737 : i32 to vector<16xi32>
        %add3A_739 = arith.addi %mul3A_549, %add3A_738 : vector<16xi32>
        %gather3A_740 = tpu.vector_load_idx %arg22[%add3A_529, %add3A_739] : memref<128x128xf32, #tpu.memory_space<vmem>>[vector<16xi32>, vector<16xi32>], vector<16xf32>,
        %add3A_741 = arith.constant 16 : i32
        %add3A_742 = vector.broadcast %add3A_741 : i32 to vector<16xi32>
        %add3A_743 = arith.addi %mul3A_549, %add3A_742 : vector<16xi32>
        %gather3A_744 = tpu.vector_load_idx %arg22[%add3A_529, %add3A_743] : memref<128x128xf32, #tpu.memory_space<vmem>>[vector<16xi32>, vector<16xi32>], vector<16xf32>,
        %add3A_745 = arith.constant 17 : i32
        %add3A_746 = vector.broadcast %add3A_745 : i32 to vector<16xi32>
        %add3A_747 = arith.addi %mul3A_549, %add3A_746 : vector<16xi32>
        %gather3A_748 = tpu.vector_load_idx %arg22[%add3A_529, %add3A_747] : memref<128x128xf32, #tpu.memory_space<vmem>>[vector<16xi32>, vector<16xi32>], vector<16xf32>,
        %add3A_749 = arith.constant 18 : i32
        %add3A_750 = vector.broadcast %add3A_749 : i32 to vector<16xi32>
        %add3A_751 = arith.addi %mul3A_549, %add3A_750 : vector<16xi32>
        %gather3A_752 = tpu.vector_load_idx %arg22[%add3A_529, %add3A_751] : memref<128x128xf32, #tpu.memory_space<vmem>>[vector<16xi32>, vector<16xi32>], vector<16xf32>,
        %add3A_753 = arith.constant 19 : i32
        %add3A_754 = vector.broadcast %add3A_753 : i32 to vector<16xi32>
        %add3A_755 = arith.addi %mul3A_549, %add3A_754 : vector<16xi32>
        %gather3A_756 = tpu.vector_load_idx %arg22[%add3A_529, %add3A_755] : memref<128x128xf32, #tpu.memory_space<vmem>>[vector<16xi32>, vector<16xi32>], vector<16xf32>,
        %add3A_757 = arith.constant 20 : i32
        %add3A_758 = vector.broadcast %add3A_757 : i32 to vector<16xi32>
        %add3A_759 = arith.addi %mul3A_549, %add3A_758 : vector<16xi32>
        %gather3A_760 = tpu.vector_load_idx %arg22[%add3A_529, %add3A_759] : memref<128x128xf32, #tpu.memory_space<vmem>>[vector<16xi32>, vector<16xi32>], vector<16xf32>,
        %add3A_761 = arith.constant 21 : i32
        %add3A_762 = vector.broadcast %add3A_761 : i32 to vector<16xi32>
        %add3A_763 = arith.addi %mul3A_549, %add3A_762 : vector<16xi32>
        %gather3A_764 = tpu.vector_load_idx %arg22[%add3A_529, %add3A_763] : memref<128x128xf32, #tpu.memory_space<vmem>>[vector<16xi32>, vector<16xi32>], vector<16xf32>,
        %add3A_765 = arith.constant 22 : i32
        %add3A_766 = vector.broadcast %add3A_765 : i32 to vector<16xi32>
        %add3A_767 = arith.addi %mul3A_549, %add3A_766 : vector<16xi32>
        %gather3A_768 = tpu.vector_load_idx %arg22[%add3A_529, %add3A_767] : memref<128x128xf32, #tpu.memory_space<vmem>>[vector<16xi32>, vector<16xi32>], vector<16xf32>,
        %add3A_769 = arith.constant 23 : i32
        %add3A_770 = vector.broadcast %add3A_769 : i32 to vector<16xi32>
        %add3A_771 = arith.addi %mul3A_549, %add3A_770 : vector<16xi32>
        %gather3A_772 = tpu.vector_load_idx %arg22[%add3A_529, %add3A_771] : memref<128x128xf32, #tpu.memory_space<vmem>>[vector<16xi32>, vector<16xi32>], vector<16xf32>,
        %add3A_773 = arith.constant 24 : i32
        %add3A_774 = vector.broadcast %add3A_773 : i32 to vector<16xi32>
        %add3A_775 = arith.addi %mul3A_549, %add3A_774 : vector<16xi32>
        %gather3A_776 = tpu.vector_load_idx %arg22[%add3A_529, %add3A_775] : memref<128x128xf32, #tpu.memory_space<vmem>>[vector<16xi32>, vector<16xi32>], vector<16xf32>,
        %add3A_777 = arith.constant 25 : i32
        %add3A_778 = vector.broadcast %add3A_777 : i32 to vector<16xi32>
        %add3A_779 = arith.addi %mul3A_549, %add3A_778 : vector<16xi32>
        %gather3A_780 = tpu.vector_load_idx %arg22[%add3A_529, %add3A_779] : memref<128x128xf32, #tpu.memory_space<vmem>>[vector<16xi32>, vector<16xi32>], vector<16xf32>,
        %add3A_781 = arith.constant 26 : i32
        %add3A_782 = vector.broadcast %add3A_781 : i32 to vector<16xi32>
        %add3A_783 = arith.addi %mul3A_549, %add3A_782 : vector<16xi32>
        %gather3A_784 = tpu.vector_load_idx %arg22[%add3A_529, %add3A_783] : memref<128x128xf32, #tpu.memory_space<vmem>>[vector<16xi32>, vector<16xi32>], vector<16xf32>,
        %add3A_785 = arith.constant 27 : i32
        %add3A_786 = vector.broadcast %add3A_785 : i32 to vector<16xi32>
        %add3A_787 = arith.addi %mul3A_549, %add3A_786 : vector<16xi32>
        %gather3A_788 = tpu.vector_load_idx %arg22[%add3A_529, %add3A_787] : memref<128x128xf32, #tpu.memory_space<vmem>>[vector<16xi32>, vector<16xi32>], vector<16xf32>,
        %add3A_789 = arith.constant 28 : i32
        %add3A_790 = vector.broadcast %add3A_789 : i32 to vector<16xi32>
        %add3A_791 = arith.addi %mul3A_549, %add3A_790 : vector<16xi32>
        %gather3A_792 = tpu.vector_load_idx %arg22[%add3A_529, %add3A_791] : memref<128x128xf32, #tpu.memory_space<vmem>>[vector<16xi32>, vector<16xi32>], vector<16xf32>,
        %add3A_793 = arith.constant 29 : i32
        %add3A_794 = vector.broadcast %add3A_793 : i32 to vector<16xi32>
        %add3A_795 = arith.addi %mul3A_549, %add3A_794 : vector<16xi32>
        %gather3A_796 = tpu.vector_load_idx %arg22[%add3A_529, %add3A_795] : memref<128x128xf32, #tpu.memory_space<vmem>>[vector<16xi32>, vector<16xi32>], vector<16xf32>,
        %add3A_797 = arith.constant 30 : i32
        %add3A_798 = vector.broadcast %add3A_797 : i32 to vector<16xi32>
        %add3A_799 = arith.addi %mul3A_549, %add3A_798 : vector<16xi32>
        %gather3A_800 = tpu.vector_load_idx %arg22[%add3A_529, %add3A_799] : memref<128x128xf32, #tpu.memory_space<vmem>>[vector<16xi32>, vector<16xi32>], vector<16xf32>,
        %add3A_801 = arith.constant 31 : i32
        %add3A_802 = vector.broadcast %add3A_801 : i32 to vector<16xi32>
        %add3A_803 = arith.addi %mul3A_549, %add3A_802 : vector<16xi32>
        %gather3A_804 = tpu.vector_load_idx %arg22[%add3A_529, %add3A_803] : memref<128x128xf32, #tpu.memory_space<vmem>>[vector<16xi32>, vector<16xi32>], vector<16xf32>,
        %mul3A_805 = arith.constant 16 : i32
        %mul3A_806 = arith.muli %scan3A_525, %mul3A_805 : i32
        %swap3A_807 = arith.constant 0 : i32
        %swap3A_808 = arith.index_cast %swap3A_807 : i32 to index
        %swap3A_809 = arith.index_cast %mul3A_806 : i32 to index
        %swap3A_810 = tpu.vector_load %arg24[%swap3A_808, %swap3A_809] {strides = array<i32>} : memref<32x128xf32, #tpu.memory_space<vmem>>, vector<16xf32>,
        tpu.vector_store %arg24[%swap3A_808, %swap3A_809], %gather3A {strides = array<i32>} : memref<32x128xf32, #tpu.memory_space<vmem>>, vector<16xf32>,
        %mul3A_811 = arith.constant 16 : i32
        %mul3A_812 = arith.muli %scan3A_525, %mul3A_811 : i32
        %swap3A_813 = arith.constant 0 : i32
        %swap3A_814 = arith.index_cast %swap3A_813 : i32 to index
        %swap3A_815 = arith.index_cast %mul3A_812 : i32 to index
        %swap3A_816 = tpu.vector_load %arg26[%swap3A_814, %swap3A_815] {strides = array<i32>} : memref<32x128xf32, #tpu.memory_space<vmem>>, vector<16xf32>,
        tpu.vector_store %arg26[%swap3A_814, %swap3A_815], %gather3A_680 {strides = array<i32>} : memref<32x128xf32, #tpu.memory_space<vmem>>, vector<16xf32>,
        %mul3A_817 = arith.constant 16 : i32
        %mul3A_818 = arith.muli %scan3A_525, %mul3A_817 : i32
        %swap3A_819 = arith.constant 1 : i32
        %swap3A_820 = arith.index_cast %swap3A_819 : i32 to index
        %swap3A_821 = arith.index_cast %mul3A_818 : i32 to index
        %swap3A_822 = tpu.vector_load %arg24[%swap3A_820, %swap3A_821] {strides = array<i32>} : memref<32x128xf32, #tpu.memory_space<vmem>>, vector<16xf32>,
        tpu.vector_store %arg24[%swap3A_820, %swap3A_821], %gather3A_556 {strides = array<i32>} : memref<32x128xf32, #tpu.memory_space<vmem>>, vector<16xf32>,
        %mul3A_823 = arith.constant 16 : i32
        %mul3A_824 = arith.muli %scan3A_525, %mul3A_823 : i32
        %swap3A_825 = arith.constant 1 : i32
        %swap3A_826 = arith.index_cast %swap3A_825 : i32 to index
        %swap3A_827 = arith.index_cast %mul3A_824 : i32 to index
        %swap3A_828 = tpu.vector_load %arg26[%swap3A_826, %swap3A_827] {strides = array<i32>} : memref<32x128xf32, #tpu.memory_space<vmem>>, vector<16xf32>,
        tpu.vector_store %arg26[%swap3A_826, %swap3A_827], %gather3A_684 {strides = array<i32>} : memref<32x128xf32, #tpu.memory_space<vmem>>, vector<16xf32>,
        %mul3A_829 = arith.constant 16 : i32
        %mul3A_830 = arith.muli %scan3A_525, %mul3A_829 : i32
        %swap3A_831 = arith.constant 2 : i32
        %swap3A_832 = arith.index_cast %swap3A_831 : i32 to index
        %swap3A_833 = arith.index_cast %mul3A_830 : i32 to index
        %swap3A_834 = tpu.vector_load %arg24[%swap3A_832, %swap3A_833] {strides = array<i32>} : memref<32x128xf32, #tpu.memory_space<vmem>>, vector<16xf32>,
        tpu.vector_store %arg24[%swap3A_832, %swap3A_833], %gather3A_560 {strides = array<i32>} : memref<32x128xf32, #tpu.memory_space<vmem>>, vector<16xf32>,
        %mul3A_835 = arith.constant 16 : i32
        %mul3A_836 = arith.muli %scan3A_525, %mul3A_835 : i32
        %swap3A_837 = arith.constant 2 : i32
        %swap3A_838 = arith.index_cast %swap3A_837 : i32 to index
        %swap3A_839 = arith.index_cast %mul3A_836 : i32 to index
        %swap3A_840 = tpu.vector_load %arg26[%swap3A_838, %swap3A_839] {strides = array<i32>} : memref<32x128xf32, #tpu.memory_space<vmem>>, vector<16xf32>,
        tpu.vector_store %arg26[%swap3A_838, %swap3A_839], %gather3A_688 {strides = array<i32>} : memref<32x128xf32, #tpu.memory_space<vmem>>, vector<16xf32>,
        %mul3A_841 = arith.constant 16 : i32
        %mul3A_842 = arith.muli %scan3A_525, %mul3A_841 : i32
        %swap3A_843 = arith.constant 3 : i32
        %swap3A_844 = arith.index_cast %swap3A_843 : i32 to index
        %swap3A_845 = arith.index_cast %mul3A_842 : i32 to index
        %swap3A_846 = tpu.vector_load %arg24[%swap3A_844, %swap3A_845] {strides = array<i32>} : memref<32x128xf32, #tpu.memory_space<vmem>>, vector<16xf32>,
        tpu.vector_store %arg24[%swap3A_844, %swap3A_845], %gather3A_564 {strides = array<i32>} : memref<32x128xf32, #tpu.memory_space<vmem>>, vector<16xf32>,
        %mul3A_847 = arith.constant 16 : i32
        %mul3A_848 = arith.muli %scan3A_525, %mul3A_847 : i32
        %swap3A_849 = arith.constant 3 : i32
        %swap3A_850 = arith.index_cast %swap3A_849 : i32 to index
        %swap3A_851 = arith.index_cast %mul3A_848 : i32 to index
        %swap3A_852 = tpu.vector_load %arg26[%swap3A_850, %swap3A_851] {strides = array<i32>} : memref<32x128xf32, #tpu.memory_space<vmem>>, vector<16xf32>,
        tpu.vector_store %arg26[%swap3A_850, %swap3A_851], %gather3A_692 {strides = array<i32>} : memref<32x128xf32, #tpu.memory_space<vmem>>, vector<16xf32>,
        %mul3A_853 = arith.constant 16 : i32
        %mul3A_854 = arith.muli %scan3A_525, %mul3A_853 : i32
        %swap3A_855 = arith.constant 4 : i32
        %swap3A_856 = arith.index_cast %swap3A_855 : i32 to index
        %swap3A_857 = arith.index_cast %mul3A_854 : i32 to index
        %swap3A_858 = tpu.vector_load %arg24[%swap3A_856, %swap3A_857] {strides = array<i32>} : memref<32x128xf32, #tpu.memory_space<vmem>>, vector<16xf32>,
        tpu.vector_store %arg24[%swap3A_856, %swap3A_857], %gather3A_568 {strides = array<i32>} : memref<32x128xf32, #tpu.memory_space<vmem>>, vector<16xf32>,
        %mul3A_859 = arith.constant 16 : i32
        %mul3A_860 = arith.muli %scan3A_525, %mul3A_859 : i32
        %swap3A_861 = arith.constant 4 : i32
        %swap3A_862 = arith.index_cast %swap3A_861 : i32 to index
        %swap3A_863 = arith.index_cast %mul3A_860 : i32 to index
        %swap3A_864 = tpu.vector_load %arg26[%swap3A_862, %swap3A_863] {strides = array<i32>} : memref<32x128xf32, #tpu.memory_space<vmem>>, vector<16xf32>,
        tpu.vector_store %arg26[%swap3A_862, %swap3A_863], %gather3A_696 {strides = array<i32>} : memref<32x128xf32, #tpu.memory_space<vmem>>, vector<16xf32>,
        %mul3A_865 = arith.constant 16 : i32
        %mul3A_866 = arith.muli %scan3A_525, %mul3A_865 : i32
        %swap3A_867 = arith.constant 5 : i32
        %swap3A_868 = arith.index_cast %swap3A_867 : i32 to index
        %swap3A_869 = arith.index_cast %mul3A_866 : i32 to index
        %swap3A_870 = tpu.vector_load %arg24[%swap3A_868, %swap3A_869] {strides = array<i32>} : memref<32x128xf32, #tpu.memory_space<vmem>>, vector<16xf32>,
        tpu.vector_store %arg24[%swap3A_868, %swap3A_869], %gather3A_572 {strides = array<i32>} : memref<32x128xf32, #tpu.memory_space<vmem>>, vector<16xf32>,
        %mul3A_871 = arith.constant 16 : i32
        %mul3A_872 = arith.muli %scan3A_525, %mul3A_871 : i32
        %swap3A_873 = arith.constant 5 : i32
        %swap3A_874 = arith.index_cast %swap3A_873 : i32 to index
        %swap3A_875 = arith.index_cast %mul3A_872 : i32 to index
        %swap3A_876 = tpu.vector_load %arg26[%swap3A_874, %swap3A_875] {strides = array<i32>} : memref<32x128xf32, #tpu.memory_space<vmem>>, vector<16xf32>,
        tpu.vector_store %arg26[%swap3A_874, %swap3A_875], %gather3A_700 {strides = array<i32>} : memref<32x128xf32, #tpu.memory_space<vmem>>, vector<16xf32>,
        %mul3A_877 = arith.constant 16 : i32
        %mul3A_878 = arith.muli %scan3A_525, %mul3A_877 : i32
        %swap3A_879 = arith.constant 6 : i32
        %swap3A_880 = arith.index_cast %swap3A_879 : i32 to index
        %swap3A_881 = arith.index_cast %mul3A_878 : i32 to index
        %swap3A_882 = tpu.vector_load %arg24[%swap3A_880, %swap3A_881] {strides = array<i32>} : memref<32x128xf32, #tpu.memory_space<vmem>>, vector<16xf32>,
        tpu.vector_store %arg24[%swap3A_880, %swap3A_881], %gather3A_576 {strides = array<i32>} : memref<32x128xf32, #tpu.memory_space<vmem>>, vector<16xf32>,
        %mul3A_883 = arith.constant 16 : i32
        %mul3A_884 = arith.muli %scan3A_525, %mul3A_883 : i32
        %swap3A_885 = arith.constant 6 : i32
        %swap3A_886 = arith.index_cast %swap3A_885 : i32 to index
        %swap3A_887 = arith.index_cast %mul3A_884 : i32 to index
        %swap3A_888 = tpu.vector_load %arg26[%swap3A_886, %swap3A_887] {strides = array<i32>} : memref<32x128xf32, #tpu.memory_space<vmem>>, vector<16xf32>,
        tpu.vector_store %arg26[%swap3A_886, %swap3A_887], %gather3A_704 {strides = array<i32>} : memref<32x128xf32, #tpu.memory_space<vmem>>, vector<16xf32>,
        %mul3A_889 = arith.constant 16 : i32
        %mul3A_890 = arith.muli %scan3A_525, %mul3A_889 : i32
        %swap3A_891 = arith.constant 7 : i32
        %swap3A_892 = arith.index_cast %swap3A_891 : i32 to index
        %swap3A_893 = arith.index_cast %mul3A_890 : i32 to index
        %swap3A_894 = tpu.vector_load %arg24[%swap3A_892, %swap3A_893] {strides = array<i32>} : memref<32x128xf32, #tpu.memory_space<vmem>>, vector<16xf32>,
        tpu.vector_store %arg24[%swap3A_892, %swap3A_893], %gather3A_580 {strides = array<i32>} : memref<32x128xf32, #tpu.memory_space<vmem>>, vector<16xf32>,
        %mul3A_895 = arith.constant 16 : i32
        %mul3A_896 = arith.muli %scan3A_525, %mul3A_895 : i32
        %swap3A_897 = arith.constant 7 : i32
        %swap3A_898 = arith.index_cast %swap3A_897 : i32 to index
        %swap3A_899 = arith.index_cast %mul3A_896 : i32 to index
        %swap3A_900 = tpu.vector_load %arg26[%swap3A_898, %swap3A_899] {strides = array<i32>} : memref<32x128xf32, #tpu.memory_space<vmem>>, vector<16xf32>,
        tpu.vector_store %arg26[%swap3A_898, %swap3A_899], %gather3A_708 {strides = array<i32>} : memref<32x128xf32, #tpu.memory_space<vmem>>, vector<16xf32>,
        %mul3A_901 = arith.constant 16 : i32
        %mul3A_902 = arith.muli %scan3A_525, %mul3A_901 : i32
        %swap3A_903 = arith.constant 8 : i32
        %swap3A_904 = arith.index_cast %swap3A_903 : i32 to index
        %swap3A_905 = arith.index_cast %mul3A_902 : i32 to index
        %swap3A_906 = tpu.vector_load %arg24[%swap3A_904, %swap3A_905] {strides = array<i32>} : memref<32x128xf32, #tpu.memory_space<vmem>>, vector<16xf32>,
        tpu.vector_store %arg24[%swap3A_904, %swap3A_905], %gather3A_584 {strides = array<i32>} : memref<32x128xf32, #tpu.memory_space<vmem>>, vector<16xf32>,
        %mul3A_907 = arith.constant 16 : i32
        %mul3A_908 = arith.muli %scan3A_525, %mul3A_907 : i32
        %swap3A_909 = arith.constant 8 : i32
        %swap3A_910 = arith.index_cast %swap3A_909 : i32 to index
        %swap3A_911 = arith.index_cast %mul3A_908 : i32 to index
        %swap3A_912 = tpu.vector_load %arg26[%swap3A_910, %swap3A_911] {strides = array<i32>} : memref<32x128xf32, #tpu.memory_space<vmem>>, vector<16xf32>,
        tpu.vector_store %arg26[%swap3A_910, %swap3A_911], %gather3A_712 {strides = array<i32>} : memref<32x128xf32, #tpu.memory_space<vmem>>, vector<16xf32>,
        %mul3A_913 = arith.constant 16 : i32
        %mul3A_914 = arith.muli %scan3A_525, %mul3A_913 : i32
        %swap3A_915 = arith.constant 9 : i32
        %swap3A_916 = arith.index_cast %swap3A_915 : i32 to index
        %swap3A_917 = arith.index_cast %mul3A_914 : i32 to index
        %swap3A_918 = tpu.vector_load %arg24[%swap3A_916, %swap3A_917] {strides = array<i32>} : memref<32x128xf32, #tpu.memory_space<vmem>>, vector<16xf32>,
        tpu.vector_store %arg24[%swap3A_916, %swap3A_917], %gather3A_588 {strides = array<i32>} : memref<32x128xf32, #tpu.memory_space<vmem>>, vector<16xf32>,
        %mul3A_919 = arith.constant 16 : i32
        %mul3A_920 = arith.muli %scan3A_525, %mul3A_919 : i32
        %swap3A_921 = arith.constant 9 : i32
        %swap3A_922 = arith.index_cast %swap3A_921 : i32 to index
        %swap3A_923 = arith.index_cast %mul3A_920 : i32 to index
        %swap3A_924 = tpu.vector_load %arg26[%swap3A_922, %swap3A_923] {strides = array<i32>} : memref<32x128xf32, #tpu.memory_space<vmem>>, vector<16xf32>,
        tpu.vector_store %arg26[%swap3A_922, %swap3A_923], %gather3A_716 {strides = array<i32>} : memref<32x128xf32, #tpu.memory_space<vmem>>, vector<16xf32>,
        %mul3A_925 = arith.constant 16 : i32
        %mul3A_926 = arith.muli %scan3A_525, %mul3A_925 : i32
        %swap3A_927 = arith.constant 10 : i32
        %swap3A_928 = arith.index_cast %swap3A_927 : i32 to index
        %swap3A_929 = arith.index_cast %mul3A_926 : i32 to index
        %swap3A_930 = tpu.vector_load %arg24[%swap3A_928, %swap3A_929] {strides = array<i32>} : memref<32x128xf32, #tpu.memory_space<vmem>>, vector<16xf32>,
        tpu.vector_store %arg24[%swap3A_928, %swap3A_929], %gather3A_592 {strides = array<i32>} : memref<32x128xf32, #tpu.memory_space<vmem>>, vector<16xf32>,
        %mul3A_931 = arith.constant 16 : i32
        %mul3A_932 = arith.muli %scan3A_525, %mul3A_931 : i32
        %swap3A_933 = arith.constant 10 : i32
        %swap3A_934 = arith.index_cast %swap3A_933 : i32 to index
        %swap3A_935 = arith.index_cast %mul3A_932 : i32 to index
        %swap3A_936 = tpu.vector_load %arg26[%swap3A_934, %swap3A_935] {strides = array<i32>} : memref<32x128xf32, #tpu.memory_space<vmem>>, vector<16xf32>,
        tpu.vector_store %arg26[%swap3A_934, %swap3A_935], %gather3A_720 {strides = array<i32>} : memref<32x128xf32, #tpu.memory_space<vmem>>, vector<16xf32>,
        %mul3A_937 = arith.constant 16 : i32
        %mul3A_938 = arith.muli %scan3A_525, %mul3A_937 : i32
        %swap3A_939 = arith.constant 11 : i32
        %swap3A_940 = arith.index_cast %swap3A_939 : i32 to index
        %swap3A_941 = arith.index_cast %mul3A_938 : i32 to index
        %swap3A_942 = tpu.vector_load %arg24[%swap3A_940, %swap3A_941] {strides = array<i32>} : memref<32x128xf32, #tpu.memory_space<vmem>>, vector<16xf32>,
        tpu.vector_store %arg24[%swap3A_940, %swap3A_941], %gather3A_596 {strides = array<i32>} : memref<32x128xf32, #tpu.memory_space<vmem>>, vector<16xf32>,
        %mul3A_943 = arith.constant 16 : i32
        %mul3A_944 = arith.muli %scan3A_525, %mul3A_943 : i32
        %swap3A_945 = arith.constant 11 : i32
        %swap3A_946 = arith.index_cast %swap3A_945 : i32 to index
        %swap3A_947 = arith.index_cast %mul3A_944 : i32 to index
        %swap3A_948 = tpu.vector_load %arg26[%swap3A_946, %swap3A_947] {strides = array<i32>} : memref<32x128xf32, #tpu.memory_space<vmem>>, vector<16xf32>,
        tpu.vector_store %arg26[%swap3A_946, %swap3A_947], %gather3A_724 {strides = array<i32>} : memref<32x128xf32, #tpu.memory_space<vmem>>, vector<16xf32>,
        %mul3A_949 = arith.constant 16 : i32
        %mul3A_950 = arith.muli %scan3A_525, %mul3A_949 : i32
        %swap3A_951 = arith.constant 12 : i32
        %swap3A_952 = arith.index_cast %swap3A_951 : i32 to index
        %swap3A_953 = arith.index_cast %mul3A_950 : i32 to index
        %swap3A_954 = tpu.vector_load %arg24[%swap3A_952, %swap3A_953] {strides = array<i32>} : memref<32x128xf32, #tpu.memory_space<vmem>>, vector<16xf32>,
        tpu.vector_store %arg24[%swap3A_952, %swap3A_953], %gather3A_600 {strides = array<i32>} : memref<32x128xf32, #tpu.memory_space<vmem>>, vector<16xf32>,
        %mul3A_955 = arith.constant 16 : i32
        %mul3A_956 = arith.muli %scan3A_525, %mul3A_955 : i32
        %swap3A_957 = arith.constant 12 : i32
        %swap3A_958 = arith.index_cast %swap3A_957 : i32 to index
        %swap3A_959 = arith.index_cast %mul3A_956 : i32 to index
        %swap3A_960 = tpu.vector_load %arg26[%swap3A_958, %swap3A_959] {strides = array<i32>} : memref<32x128xf32, #tpu.memory_space<vmem>>, vector<16xf32>,
        tpu.vector_store %arg26[%swap3A_958, %swap3A_959], %gather3A_728 {strides = array<i32>} : memref<32x128xf32, #tpu.memory_space<vmem>>, vector<16xf32>,
        %mul3A_961 = arith.constant 16 : i32
        %mul3A_962 = arith.muli %scan3A_525, %mul3A_961 : i32
        %swap3A_963 = arith.constant 13 : i32
        %swap3A_964 = arith.index_cast %swap3A_963 : i32 to index
        %swap3A_965 = arith.index_cast %mul3A_962 : i32 to index
        %swap3A_966 = tpu.vector_load %arg24[%swap3A_964, %swap3A_965] {strides = array<i32>} : memref<32x128xf32, #tpu.memory_space<vmem>>, vector<16xf32>,
        tpu.vector_store %arg24[%swap3A_964, %swap3A_965], %gather3A_604 {strides = array<i32>} : memref<32x128xf32, #tpu.memory_space<vmem>>, vector<16xf32>,
        %mul3A_967 = arith.constant 16 : i32
        %mul3A_968 = arith.muli %scan3A_525, %mul3A_967 : i32
        %swap3A_969 = arith.constant 13 : i32
        %swap3A_970 = arith.index_cast %swap3A_969 : i32 to index
        %swap3A_971 = arith.index_cast %mul3A_968 : i32 to index
        %swap3A_972 = tpu.vector_load %arg26[%swap3A_970, %swap3A_971] {strides = array<i32>} : memref<32x128xf32, #tpu.memory_space<vmem>>, vector<16xf32>,
        tpu.vector_store %arg26[%swap3A_970, %swap3A_971], %gather3A_732 {strides = array<i32>} : memref<32x128xf32, #tpu.memory_space<vmem>>, vector<16xf32>,
        %mul3A_973 = arith.constant 16 : i32
        %mul3A_974 = arith.muli %scan3A_525, %mul3A_973 : i32
        %swap3A_975 = arith.constant 14 : i32
        %swap3A_976 = arith.index_cast %swap3A_975 : i32 to index
        %swap3A_977 = arith.index_cast %mul3A_974 : i32 to index
        %swap3A_978 = tpu.vector_load %arg24[%swap3A_976, %swap3A_977] {strides = array<i32>} : memref<32x128xf32, #tpu.memory_space<vmem>>, vector<16xf32>,
        tpu.vector_store %arg24[%swap3A_976, %swap3A_977], %gather3A_608 {strides = array<i32>} : memref<32x128xf32, #tpu.memory_space<vmem>>, vector<16xf32>,
        %mul3A_979 = arith.constant 16 : i32
        %mul3A_980 = arith.muli %scan3A_525, %mul3A_979 : i32
        %swap3A_981 = arith.constant 14 : i32
        %swap3A_982 = arith.index_cast %swap3A_981 : i32 to index
        %swap3A_983 = arith.index_cast %mul3A_980 : i32 to index
        %swap3A_984 = tpu.vector_load %arg26[%swap3A_982, %swap3A_983] {strides = array<i32>} : memref<32x128xf32, #tpu.memory_space<vmem>>, vector<16xf32>,
        tpu.vector_store %arg26[%swap3A_982, %swap3A_983], %gather3A_736 {strides = array<i32>} : memref<32x128xf32, #tpu.memory_space<vmem>>, vector<16xf32>,
        %mul3A_985 = arith.constant 16 : i32
        %mul3A_986 = arith.muli %scan3A_525, %mul3A_985 : i32
        %swap3A_987 = arith.constant 15 : i32
        %swap3A_988 = arith.index_cast %swap3A_987 : i32 to index
        %swap3A_989 = arith.index_cast %mul3A_986 : i32 to index
        %swap3A_990 = tpu.vector_load %arg24[%swap3A_988, %swap3A_989] {strides = array<i32>} : memref<32x128xf32, #tpu.memory_space<vmem>>, vector<16xf32>,
        tpu.vector_store %arg24[%swap3A_988, %swap3A_989], %gather3A_612 {strides = array<i32>} : memref<32x128xf32, #tpu.memory_space<vmem>>, vector<16xf32>,
        %mul3A_991 = arith.constant 16 : i32
        %mul3A_992 = arith.muli %scan3A_525, %mul3A_991 : i32
        %swap3A_993 = arith.constant 15 : i32
        %swap3A_994 = arith.index_cast %swap3A_993 : i32 to index
        %swap3A_995 = arith.index_cast %mul3A_992 : i32 to index
        %swap3A_996 = tpu.vector_load %arg26[%swap3A_994, %swap3A_995] {strides = array<i32>} : memref<32x128xf32, #tpu.memory_space<vmem>>, vector<16xf32>,
        tpu.vector_store %arg26[%swap3A_994, %swap3A_995], %gather3A_740 {strides = array<i32>} : memref<32x128xf32, #tpu.memory_space<vmem>>, vector<16xf32>,
        %mul3A_997 = arith.constant 16 : i32
        %mul3A_998 = arith.muli %scan3A_525, %mul3A_997 : i32
        %swap3A_999 = arith.constant 16 : i32
        %swap3A_1000 = arith.index_cast %swap3A_999 : i32 to index
        %swap3A_1001 = arith.index_cast %mul3A_998 : i32 to index
        %swap3A_1002 = tpu.vector_load %arg24[%swap3A_1000, %swap3A_1001] {strides = array<i32>} : memref<32x128xf32, #tpu.memory_space<vmem>>, vector<16xf32>,
        tpu.vector_store %arg24[%swap3A_1000, %swap3A_1001], %gather3A_616 {strides = array<i32>} : memref<32x128xf32, #tpu.memory_space<vmem>>, vector<16xf32>,
        %mul3A_1003 = arith.constant 16 : i32
        %mul3A_1004 = arith.muli %scan3A_525, %mul3A_1003 : i32
        %swap3A_1005 = arith.constant 16 : i32
        %swap3A_1006 = arith.index_cast %swap3A_1005 : i32 to index
        %swap3A_1007 = arith.index_cast %mul3A_1004 : i32 to index
        %swap3A_1008 = tpu.vector_load %arg26[%swap3A_1006, %swap3A_1007] {strides = array<i32>} : memref<32x128xf32, #tpu.memory_space<vmem>>, vector<16xf32>,
        tpu.vector_store %arg26[%swap3A_1006, %swap3A_1007], %gather3A_744 {strides = array<i32>} : memref<32x128xf32, #tpu.memory_space<vmem>>, vector<16xf32>,
        %mul3A_1009 = arith.constant 16 : i32
        %mul3A_1010 = arith.muli %scan3A_525, %mul3A_1009 : i32
        %swap3A_1011 = arith.constant 17 : i32
        %swap3A_1012 = arith.index_cast %swap3A_1011 : i32 to index
        %swap3A_1013 = arith.index_cast %mul3A_1010 : i32 to index
        %swap3A_1014 = tpu.vector_load %arg24[%swap3A_1012, %swap3A_1013] {strides = array<i32>} : memref<32x128xf32, #tpu.memory_space<vmem>>, vector<16xf32>,
        tpu.vector_store %arg24[%swap3A_1012, %swap3A_1013], %gather3A_620 {strides = array<i32>} : memref<32x128xf32, #tpu.memory_space<vmem>>, vector<16xf32>,
        %mul3A_1015 = arith.constant 16 : i32
        %mul3A_1016 = arith.muli %scan3A_525, %mul3A_1015 : i32
        %swap3A_1017 = arith.constant 17 : i32
        %swap3A_1018 = arith.index_cast %swap3A_1017 : i32 to index
        %swap3A_1019 = arith.index_cast %mul3A_1016 : i32 to index
        %swap3A_1020 = tpu.vector_load %arg26[%swap3A_1018, %swap3A_1019] {strides = array<i32>} : memref<32x128xf32, #tpu.memory_space<vmem>>, vector<16xf32>,
        tpu.vector_store %arg26[%swap3A_1018, %swap3A_1019], %gather3A_748 {strides = array<i32>} : memref<32x128xf32, #tpu.memory_space<vmem>>, vector<16xf32>,
        %mul3A_1021 = arith.constant 16 : i32
        %mul3A_1022 = arith.muli %scan3A_525, %mul3A_1021 : i32
        %swap3A_1023 = arith.constant 18 : i32
        %swap3A_1024 = arith.index_cast %swap3A_1023 : i32 to index
        %swap3A_1025 = arith.index_cast %mul3A_1022 : i32 to index
        %swap3A_1026 = tpu.vector_load %arg24[%swap3A_1024, %swap3A_1025] {strides = array<i32>} : memref<32x128xf32, #tpu.memory_space<vmem>>, vector<16xf32>,
        tpu.vector_store %arg24[%swap3A_1024, %swap3A_1025], %gather3A_624 {strides = array<i32>} : memref<32x128xf32, #tpu.memory_space<vmem>>, vector<16xf32>,
        %mul3A_1027 = arith.constant 16 : i32
        %mul3A_1028 = arith.muli %scan3A_525, %mul3A_1027 : i32
        %swap3A_1029 = arith.constant 18 : i32
        %swap3A_1030 = arith.index_cast %swap3A_1029 : i32 to index
        %swap3A_1031 = arith.index_cast %mul3A_1028 : i32 to index
        %swap3A_1032 = tpu.vector_load %arg26[%swap3A_1030, %swap3A_1031] {strides = array<i32>} : memref<32x128xf32, #tpu.memory_space<vmem>>, vector<16xf32>,
        tpu.vector_store %arg26[%swap3A_1030, %swap3A_1031], %gather3A_752 {strides = array<i32>} : memref<32x128xf32, #tpu.memory_space<vmem>>, vector<16xf32>,
        %mul3A_1033 = arith.constant 16 : i32
        %mul3A_1034 = arith.muli %scan3A_525, %mul3A_1033 : i32
        %swap3A_1035 = arith.constant 19 : i32
        %swap3A_1036 = arith.index_cast %swap3A_1035 : i32 to index
        %swap3A_1037 = arith.index_cast %mul3A_1034 : i32 to index
        %swap3A_1038 = tpu.vector_load %arg24[%swap3A_1036, %swap3A_1037] {strides = array<i32>} : memref<32x128xf32, #tpu.memory_space<vmem>>, vector<16xf32>,
        tpu.vector_store %arg24[%swap3A_1036, %swap3A_1037], %gather3A_628 {strides = array<i32>} : memref<32x128xf32, #tpu.memory_space<vmem>>, vector<16xf32>,
        %mul3A_1039 = arith.constant 16 : i32
        %mul3A_1040 = arith.muli %scan3A_525, %mul3A_1039 : i32
        %swap3A_1041 = arith.constant 19 : i32
        %swap3A_1042 = arith.index_cast %swap3A_1041 : i32 to index
        %swap3A_1043 = arith.index_cast %mul3A_1040 : i32 to index
        %swap3A_1044 = tpu.vector_load %arg26[%swap3A_1042, %swap3A_1043] {strides = array<i32>} : memref<32x128xf32, #tpu.memory_space<vmem>>, vector<16xf32>,
        tpu.vector_store %arg26[%swap3A_1042, %swap3A_1043], %gather3A_756 {strides = array<i32>} : memref<32x128xf32, #tpu.memory_space<vmem>>, vector<16xf32>,
        %mul3A_1045 = arith.constant 16 : i32
        %mul3A_1046 = arith.muli %scan3A_525, %mul3A_1045 : i32
        %swap3A_1047 = arith.constant 20 : i32
        %swap3A_1048 = arith.index_cast %swap3A_1047 : i32 to index
        %swap3A_1049 = arith.index_cast %mul3A_1046 : i32 to index
        %swap3A_1050 = tpu.vector_load %arg24[%swap3A_1048, %swap3A_1049] {strides = array<i32>} : memref<32x128xf32, #tpu.memory_space<vmem>>, vector<16xf32>,
        tpu.vector_store %arg24[%swap3A_1048, %swap3A_1049], %gather3A_632 {strides = array<i32>} : memref<32x128xf32, #tpu.memory_space<vmem>>, vector<16xf32>,
        %mul3A_1051 = arith.constant 16 : i32
        %mul3A_1052 = arith.muli %scan3A_525, %mul3A_1051 : i32
        %swap3A_1053 = arith.constant 20 : i32
        %swap3A_1054 = arith.index_cast %swap3A_1053 : i32 to index
        %swap3A_1055 = arith.index_cast %mul3A_1052 : i32 to index
        %swap3A_1056 = tpu.vector_load %arg26[%swap3A_1054, %swap3A_1055] {strides = array<i32>} : memref<32x128xf32, #tpu.memory_space<vmem>>, vector<16xf32>,
        tpu.vector_store %arg26[%swap3A_1054, %swap3A_1055], %gather3A_760 {strides = array<i32>} : memref<32x128xf32, #tpu.memory_space<vmem>>, vector<16xf32>,
        %mul3A_1057 = arith.constant 16 : i32
        %mul3A_1058 = arith.muli %scan3A_525, %mul3A_1057 : i32
        %swap3A_1059 = arith.constant 21 : i32
        %swap3A_1060 = arith.index_cast %swap3A_1059 : i32 to index
        %swap3A_1061 = arith.index_cast %mul3A_1058 : i32 to index
        %swap3A_1062 = tpu.vector_load %arg24[%swap3A_1060, %swap3A_1061] {strides = array<i32>} : memref<32x128xf32, #tpu.memory_space<vmem>>, vector<16xf32>,
        tpu.vector_store %arg24[%swap3A_1060, %swap3A_1061], %gather3A_636 {strides = array<i32>} : memref<32x128xf32, #tpu.memory_space<vmem>>, vector<16xf32>,
        %mul3A_1063 = arith.constant 16 : i32
        %mul3A_1064 = arith.muli %scan3A_525, %mul3A_1063 : i32
        %swap3A_1065 = arith.constant 21 : i32
        %swap3A_1066 = arith.index_cast %swap3A_1065 : i32 to index
        %swap3A_1067 = arith.index_cast %mul3A_1064 : i32 to index
        %swap3A_1068 = tpu.vector_load %arg26[%swap3A_1066, %swap3A_1067] {strides = array<i32>} : memref<32x128xf32, #tpu.memory_space<vmem>>, vector<16xf32>,
        tpu.vector_store %arg26[%swap3A_1066, %swap3A_1067], %gather3A_764 {strides = array<i32>} : memref<32x128xf32, #tpu.memory_space<vmem>>, vector<16xf32>,
        %mul3A_1069 = arith.constant 16 : i32
        %mul3A_1070 = arith.muli %scan3A_525, %mul3A_1069 : i32
        %swap3A_1071 = arith.constant 22 : i32
        %swap3A_1072 = arith.index_cast %swap3A_1071 : i32 to index
        %swap3A_1073 = arith.index_cast %mul3A_1070 : i32 to index
        %swap3A_1074 = tpu.vector_load %arg24[%swap3A_1072, %swap3A_1073] {strides = array<i32>} : memref<32x128xf32, #tpu.memory_space<vmem>>, vector<16xf32>,
        tpu.vector_store %arg24[%swap3A_1072, %swap3A_1073], %gather3A_640 {strides = array<i32>} : memref<32x128xf32, #tpu.memory_space<vmem>>, vector<16xf32>,
        %mul3A_1075 = arith.constant 16 : i32
        %mul3A_1076 = arith.muli %scan3A_525, %mul3A_1075 : i32
        %swap3A_1077 = arith.constant 22 : i32
        %swap3A_1078 = arith.index_cast %swap3A_1077 : i32 to index
        %swap3A_1079 = arith.index_cast %mul3A_1076 : i32 to index
        %swap3A_1080 = tpu.vector_load %arg26[%swap3A_1078, %swap3A_1079] {strides = array<i32>} : memref<32x128xf32, #tpu.memory_space<vmem>>, vector<16xf32>,
        tpu.vector_store %arg26[%swap3A_1078, %swap3A_1079], %gather3A_768 {strides = array<i32>} : memref<32x128xf32, #tpu.memory_space<vmem>>, vector<16xf32>,
        %mul3A_1081 = arith.constant 16 : i32
        %mul3A_1082 = arith.muli %scan3A_525, %mul3A_1081 : i32
        %swap3A_1083 = arith.constant 23 : i32
        %swap3A_1084 = arith.index_cast %swap3A_1083 : i32 to index
        %swap3A_1085 = arith.index_cast %mul3A_1082 : i32 to index
        %swap3A_1086 = tpu.vector_load %arg24[%swap3A_1084, %swap3A_1085] {strides = array<i32>} : memref<32x128xf32, #tpu.memory_space<vmem>>, vector<16xf32>,
        tpu.vector_store %arg24[%swap3A_1084, %swap3A_1085], %gather3A_644 {strides = array<i32>} : memref<32x128xf32, #tpu.memory_space<vmem>>, vector<16xf32>,
        %mul3A_1087 = arith.constant 16 : i32
        %mul3A_1088 = arith.muli %scan3A_525, %mul3A_1087 : i32
        %swap3A_1089 = arith.constant 23 : i32
        %swap3A_1090 = arith.index_cast %swap3A_1089 : i32 to index
        %swap3A_1091 = arith.index_cast %mul3A_1088 : i32 to index
        %swap3A_1092 = tpu.vector_load %arg26[%swap3A_1090, %swap3A_1091] {strides = array<i32>} : memref<32x128xf32, #tpu.memory_space<vmem>>, vector<16xf32>,
        tpu.vector_store %arg26[%swap3A_1090, %swap3A_1091], %gather3A_772 {strides = array<i32>} : memref<32x128xf32, #tpu.memory_space<vmem>>, vector<16xf32>,
        %mul3A_1093 = arith.constant 16 : i32
        %mul3A_1094 = arith.muli %scan3A_525, %mul3A_1093 : i32
        %swap3A_1095 = arith.constant 24 : i32
        %swap3A_1096 = arith.index_cast %swap3A_1095 : i32 to index
        %swap3A_1097 = arith.index_cast %mul3A_1094 : i32 to index
        %swap3A_1098 = tpu.vector_load %arg24[%swap3A_1096, %swap3A_1097] {strides = array<i32>} : memref<32x128xf32, #tpu.memory_space<vmem>>, vector<16xf32>,
        tpu.vector_store %arg24[%swap3A_1096, %swap3A_1097], %gather3A_648 {strides = array<i32>} : memref<32x128xf32, #tpu.memory_space<vmem>>, vector<16xf32>,
        %mul3A_1099 = arith.constant 16 : i32
        %mul3A_1100 = arith.muli %scan3A_525, %mul3A_1099 : i32
        %swap3A_1101 = arith.constant 24 : i32
        %swap3A_1102 = arith.index_cast %swap3A_1101 : i32 to index
        %swap3A_1103 = arith.index_cast %mul3A_1100 : i32 to index
        %swap3A_1104 = tpu.vector_load %arg26[%swap3A_1102, %swap3A_1103] {strides = array<i32>} : memref<32x128xf32, #tpu.memory_space<vmem>>, vector<16xf32>,
        tpu.vector_store %arg26[%swap3A_1102, %swap3A_1103], %gather3A_776 {strides = array<i32>} : memref<32x128xf32, #tpu.memory_space<vmem>>, vector<16xf32>,
        %mul3A_1105 = arith.constant 16 : i32
        %mul3A_1106 = arith.muli %scan3A_525, %mul3A_1105 : i32
        %swap3A_1107 = arith.constant 25 : i32
        %swap3A_1108 = arith.index_cast %swap3A_1107 : i32 to index
        %swap3A_1109 = arith.index_cast %mul3A_1106 : i32 to index
        %swap3A_1110 = tpu.vector_load %arg24[%swap3A_1108, %swap3A_1109] {strides = array<i32>} : memref<32x128xf32, #tpu.memory_space<vmem>>, vector<16xf32>,
        tpu.vector_store %arg24[%swap3A_1108, %swap3A_1109], %gather3A_652 {strides = array<i32>} : memref<32x128xf32, #tpu.memory_space<vmem>>, vector<16xf32>,
        %mul3A_1111 = arith.constant 16 : i32
        %mul3A_1112 = arith.muli %scan3A_525, %mul3A_1111 : i32
        %swap3A_1113 = arith.constant 25 : i32
        %swap3A_1114 = arith.index_cast %swap3A_1113 : i32 to index
        %swap3A_1115 = arith.index_cast %mul3A_1112 : i32 to index
        %swap3A_1116 = tpu.vector_load %arg26[%swap3A_1114, %swap3A_1115] {strides = array<i32>} : memref<32x128xf32, #tpu.memory_space<vmem>>, vector<16xf32>,
        tpu.vector_store %arg26[%swap3A_1114, %swap3A_1115], %gather3A_780 {strides = array<i32>} : memref<32x128xf32, #tpu.memory_space<vmem>>, vector<16xf32>,
        %mul3A_1117 = arith.constant 16 : i32
        %mul3A_1118 = arith.muli %scan3A_525, %mul3A_1117 : i32
        %swap3A_1119 = arith.constant 26 : i32
        %swap3A_1120 = arith.index_cast %swap3A_1119 : i32 to index
        %swap3A_1121 = arith.index_cast %mul3A_1118 : i32 to index
        %swap3A_1122 = tpu.vector_load %arg24[%swap3A_1120, %swap3A_1121] {strides = array<i32>} : memref<32x128xf32, #tpu.memory_space<vmem>>, vector<16xf32>,
        tpu.vector_store %arg24[%swap3A_1120, %swap3A_1121], %gather3A_656 {strides = array<i32>} : memref<32x128xf32, #tpu.memory_space<vmem>>, vector<16xf32>,
        %mul3A_1123 = arith.constant 16 : i32
        %mul3A_1124 = arith.muli %scan3A_525, %mul3A_1123 : i32
        %swap3A_1125 = arith.constant 26 : i32
        %swap3A_1126 = arith.index_cast %swap3A_1125 : i32 to index
        %swap3A_1127 = arith.index_cast %mul3A_1124 : i32 to index
        %swap3A_1128 = tpu.vector_load %arg26[%swap3A_1126, %swap3A_1127] {strides = array<i32>} : memref<32x128xf32, #tpu.memory_space<vmem>>, vector<16xf32>,
        tpu.vector_store %arg26[%swap3A_1126, %swap3A_1127], %gather3A_784 {strides = array<i32>} : memref<32x128xf32, #tpu.memory_space<vmem>>, vector<16xf32>,
        %mul3A_1129 = arith.constant 16 : i32
        %mul3A_1130 = arith.muli %scan3A_525, %mul3A_1129 : i32
        %swap3A_1131 = arith.constant 27 : i32
        %swap3A_1132 = arith.index_cast %swap3A_1131 : i32 to index
        %swap3A_1133 = arith.index_cast %mul3A_1130 : i32 to index
        %swap3A_1134 = tpu.vector_load %arg24[%swap3A_1132, %swap3A_1133] {strides = array<i32>} : memref<32x128xf32, #tpu.memory_space<vmem>>, vector<16xf32>,
        tpu.vector_store %arg24[%swap3A_1132, %swap3A_1133], %gather3A_660 {strides = array<i32>} : memref<32x128xf32, #tpu.memory_space<vmem>>, vector<16xf32>,
        %mul3A_1135 = arith.constant 16 : i32
        %mul3A_1136 = arith.muli %scan3A_525, %mul3A_1135 : i32
        %swap3A_1137 = arith.constant 27 : i32
        %swap3A_1138 = arith.index_cast %swap3A_1137 : i32 to index
        %swap3A_1139 = arith.index_cast %mul3A_1136 : i32 to index
        %swap3A_1140 = tpu.vector_load %arg26[%swap3A_1138, %swap3A_1139] {strides = array<i32>} : memref<32x128xf32, #tpu.memory_space<vmem>>, vector<16xf32>,
        tpu.vector_store %arg26[%swap3A_1138, %swap3A_1139], %gather3A_788 {strides = array<i32>} : memref<32x128xf32, #tpu.memory_space<vmem>>, vector<16xf32>,
        %mul3A_1141 = arith.constant 16 : i32
        %mul3A_1142 = arith.muli %scan3A_525, %mul3A_1141 : i32
        %swap3A_1143 = arith.constant 28 : i32
        %swap3A_1144 = arith.index_cast %swap3A_1143 : i32 to index
        %swap3A_1145 = arith.index_cast %mul3A_1142 : i32 to index
        %swap3A_1146 = tpu.vector_load %arg24[%swap3A_1144, %swap3A_1145] {strides = array<i32>} : memref<32x128xf32, #tpu.memory_space<vmem>>, vector<16xf32>,
        tpu.vector_store %arg24[%swap3A_1144, %swap3A_1145], %gather3A_664 {strides = array<i32>} : memref<32x128xf32, #tpu.memory_space<vmem>>, vector<16xf32>,
        %mul3A_1147 = arith.constant 16 : i32
        %mul3A_1148 = arith.muli %scan3A_525, %mul3A_1147 : i32
        %swap3A_1149 = arith.constant 28 : i32
        %swap3A_1150 = arith.index_cast %swap3A_1149 : i32 to index
        %swap3A_1151 = arith.index_cast %mul3A_1148 : i32 to index
        %swap3A_1152 = tpu.vector_load %arg26[%swap3A_1150, %swap3A_1151] {strides = array<i32>} : memref<32x128xf32, #tpu.memory_space<vmem>>, vector<16xf32>,
        tpu.vector_store %arg26[%swap3A_1150, %swap3A_1151], %gather3A_792 {strides = array<i32>} : memref<32x128xf32, #tpu.memory_space<vmem>>, vector<16xf32>,
        %mul3A_1153 = arith.constant 16 : i32
        %mul3A_1154 = arith.muli %scan3A_525, %mul3A_1153 : i32
        %swap3A_1155 = arith.constant 29 : i32
        %swap3A_1156 = arith.index_cast %swap3A_1155 : i32 to index
        %swap3A_1157 = arith.index_cast %mul3A_1154 : i32 to index
        %swap3A_1158 = tpu.vector_load %arg24[%swap3A_1156, %swap3A_1157] {strides = array<i32>} : memref<32x128xf32, #tpu.memory_space<vmem>>, vector<16xf32>,
        tpu.vector_store %arg24[%swap3A_1156, %swap3A_1157], %gather3A_668 {strides = array<i32>} : memref<32x128xf32, #tpu.memory_space<vmem>>, vector<16xf32>,
        %mul3A_1159 = arith.constant 16 : i32
        %mul3A_1160 = arith.muli %scan3A_525, %mul3A_1159 : i32
        %swap3A_1161 = arith.constant 29 : i32
        %swap3A_1162 = arith.index_cast %swap3A_1161 : i32 to index
        %swap3A_1163 = arith.index_cast %mul3A_1160 : i32 to index
        %swap3A_1164 = tpu.vector_load %arg26[%swap3A_1162, %swap3A_1163] {strides = array<i32>} : memref<32x128xf32, #tpu.memory_space<vmem>>, vector<16xf32>,
        tpu.vector_store %arg26[%swap3A_1162, %swap3A_1163], %gather3A_796 {strides = array<i32>} : memref<32x128xf32, #tpu.memory_space<vmem>>, vector<16xf32>,
        %mul3A_1165 = arith.constant 16 : i32
        %mul3A_1166 = arith.muli %scan3A_525, %mul3A_1165 : i32
        %swap3A_1167 = arith.constant 30 : i32
        %swap3A_1168 = arith.index_cast %swap3A_1167 : i32 to index
        %swap3A_1169 = arith.index_cast %mul3A_1166 : i32 to index
        %swap3A_1170 = tpu.vector_load %arg24[%swap3A_1168, %swap3A_1169] {strides = array<i32>} : memref<32x128xf32, #tpu.memory_space<vmem>>, vector<16xf32>,
        tpu.vector_store %arg24[%swap3A_1168, %swap3A_1169], %gather3A_672 {strides = array<i32>} : memref<32x128xf32, #tpu.memory_space<vmem>>, vector<16xf32>,
        %mul3A_1171 = arith.constant 16 : i32
        %mul3A_1172 = arith.muli %scan3A_525, %mul3A_1171 : i32
        %swap3A_1173 = arith.constant 30 : i32
        %swap3A_1174 = arith.index_cast %swap3A_1173 : i32 to index
        %swap3A_1175 = arith.index_cast %mul3A_1172 : i32 to index
        %swap3A_1176 = tpu.vector_load %arg26[%swap3A_1174, %swap3A_1175] {strides = array<i32>} : memref<32x128xf32, #tpu.memory_space<vmem>>, vector<16xf32>,
        tpu.vector_store %arg26[%swap3A_1174, %swap3A_1175], %gather3A_800 {strides = array<i32>} : memref<32x128xf32, #tpu.memory_space<vmem>>, vector<16xf32>,
        %mul3A_1177 = arith.constant 16 : i32
        %mul3A_1178 = arith.muli %scan3A_525, %mul3A_1177 : i32
        %swap3A_1179 = arith.constant 31 : i32
        %swap3A_1180 = arith.index_cast %swap3A_1179 : i32 to index
        %swap3A_1181 = arith.index_cast %mul3A_1178 : i32 to index
        %swap3A_1182 = tpu.vector_load %arg24[%swap3A_1180, %swap3A_1181] {strides = array<i32>} : memref<32x128xf32, #tpu.memory_space<vmem>>, vector<16xf32>,
        tpu.vector_store %arg24[%swap3A_1180, %swap3A_1181], %gather3A_676 {strides = array<i32>} : memref<32x128xf32, #tpu.memory_space<vmem>>, vector<16xf32>,
        %mul3A_1183 = arith.constant 16 : i32
        %mul3A_1184 = arith.muli %scan3A_525, %mul3A_1183 : i32
        %swap3A_1185 = arith.constant 31 : i32
        %swap3A_1186 = arith.index_cast %swap3A_1185 : i32 to index
        %swap3A_1187 = arith.index_cast %mul3A_1184 : i32 to index
        %swap3A_1188 = tpu.vector_load %arg26[%swap3A_1186, %swap3A_1187] {strides = array<i32>} : memref<32x128xf32, #tpu.memory_space<vmem>>, vector<16xf32>,
        tpu.vector_store %arg26[%swap3A_1186, %swap3A_1187], %gather3A_804 {strides = array<i32>} : memref<32x128xf32, #tpu.memory_space<vmem>>, vector<16xf32>,
      }
      %scan3A_509 = arith.constant 8 : i32
      %mul3A_510 = arith.constant 128 : i32
      %mul3A_511 = arith.muli %select_n3A_492, %mul3A_510 : i32
      %add3A_512 = arith.addi %mul3A_2, %mul3A_511 : i32
      %dma_start3A_513 = arith.constant 0 : i32
      %dma_start3A_514 = tpu.memref_slice %arg6[%select_n3A_476, %dma_start3A_513, %add3A_512] : memref<50x64x16384xf32, #tpu.memory_space<hbm>> -> memref<1x32x128xf32, #tpu.memory_space<hbm>>
      %dma_start3A_515 = tpu.memref_squeeze %dma_start3A_514 : memref<1x32x128xf32, #tpu.memory_space<hbm>> -> memref<32x128xf32, #tpu.memory_space<hbm>>
      %dma_start3A_516 = arith.constant 0 : i32
      %dma_start3A_517 = tpu.memref_slice %arg6[%select_n3A_476, %dma_start3A_516, %add3A_512] : memref<50x64x16384xf32, #tpu.memory_space<hbm>> -> memref<1x32x128xf32, #tpu.memory_space<hbm>>
      %dma_start3A_518 = tpu.memref_squeeze %dma_start3A_517 : memref<1x32x128xf32, #tpu.memory_space<hbm>> -> memref<32x128xf32, #tpu.memory_space<hbm>>
      tpu.enqueue_dma source(%arg24 : memref<32x128xf32, #tpu.memory_space<vmem>>) target(%dma_start3A_518 : memref<32x128xf32, #tpu.memory_space<hbm>>) target_semaphore(%arg32 : memref<!tpu.dma_semaphore, #tpu.memory_space<semaphore_mem>>)
      %dma_start3A_519 = arith.constant 32 : i32
      %dma_start3A_520 = tpu.memref_slice %arg6[%select_n3A_476, %dma_start3A_519, %add3A_512] : memref<50x64x16384xf32, #tpu.memory_space<hbm>> -> memref<1x32x128xf32, #tpu.memory_space<hbm>>
      %dma_start3A_521 = tpu.memref_squeeze %dma_start3A_520 : memref<1x32x128xf32, #tpu.memory_space<hbm>> -> memref<32x128xf32, #tpu.memory_space<hbm>>
      %dma_start3A_522 = arith.constant 32 : i32
      %dma_start3A_523 = tpu.memref_slice %arg6[%select_n3A_476, %dma_start3A_522, %add3A_512] : memref<50x64x16384xf32, #tpu.memory_space<hbm>> -> memref<1x32x128xf32, #tpu.memory_space<hbm>>
      %dma_start3A_524 = tpu.memref_squeeze %dma_start3A_523 : memref<1x32x128xf32, #tpu.memory_space<hbm>> -> memref<32x128xf32, #tpu.memory_space<hbm>>
      tpu.enqueue_dma source(%arg26 : memref<32x128xf32, #tpu.memory_space<vmem>>) target(%dma_start3A_524 : memref<32x128xf32, #tpu.memory_space<hbm>>) target_semaphore(%arg34 : memref<!tpu.dma_semaphore, #tpu.memory_space<semaphore_mem>>)
    }
    %scan3A_144 = arith.constant 50 : i32
    %add3A_145 = arith.constant 256 : i32
    %add3A_146 = arith.addi %mul3A_2, %add3A_145 : i32
    %dma_wait3A_147 = arith.constant 49 : i32
    %dma_wait3A_148 = arith.constant 0 : i32
    %dma_wait3A_149 = tpu.memref_slice %arg6[%dma_wait3A_147, %dma_wait3A_148, %add3A_146] : memref<50x64x16384xf32, #tpu.memory_space<hbm>> -> memref<1x32x128xf32, #tpu.memory_space<hbm>>
    %dma_wait3A_150 = tpu.memref_squeeze %dma_wait3A_149 : memref<1x32x128xf32, #tpu.memory_space<hbm>> -> memref<32x128xf32, #tpu.memory_space<hbm>>
    %dma_wait3A_151 = arith.constant 0 : i32
    %dma_wait3A_152 = tpu.memref_slice %arg6[%dma_wait3A_147, %dma_wait3A_151, %add3A_146] : memref<50x64x16384xf32, #tpu.memory_space<hbm>> -> memref<1x32x128xf32, #tpu.memory_space<hbm>>
    %dma_wait3A_153 = tpu.memref_squeeze %dma_wait3A_152 : memref<1x32x128xf32, #tpu.memory_space<hbm>> -> memref<32x128xf32, #tpu.memory_space<hbm>>
    tpu.wait_dma2 semaphore(%arg31 : memref<!tpu.dma_semaphore, #tpu.memory_space<semaphore_mem>>) src(%arg23 : memref<32x128xf32, #tpu.memory_space<vmem>>) dst(%dma_wait3A_153 : memref<32x128xf32, #tpu.memory_space<hbm>>)
    %dma_wait3A_154 = arith.constant 49 : i32
    %dma_wait3A_155 = arith.constant 32 : i32
    %dma_wait3A_156 = tpu.memref_slice %arg6[%dma_wait3A_154, %dma_wait3A_155, %add3A_146] : memref<50x64x16384xf32, #tpu.memory_space<hbm>> -> memref<1x32x128xf32, #tpu.memory_space<hbm>>
    %dma_wait3A_157 = tpu.memref_squeeze %dma_wait3A_156 : memref<1x32x128xf32, #tpu.memory_space<hbm>> -> memref<32x128xf32, #tpu.memory_space<hbm>>
    %dma_wait3A_158 = arith.constant 32 : i32
    %dma_wait3A_159 = tpu.memref_slice %arg6[%dma_wait3A_154, %dma_wait3A_158, %add3A_146] : memref<50x64x16384xf32, #tpu.memory_space<hbm>> -> memref<1x32x128xf32, #tpu.memory_space<hbm>>
    %dma_wait3A_160 = tpu.memref_squeeze %dma_wait3A_159 : memref<1x32x128xf32, #tpu.memory_space<hbm>> -> memref<32x128xf32, #tpu.memory_space<hbm>>
    tpu.wait_dma2 semaphore(%arg33 : memref<!tpu.dma_semaphore, #tpu.memory_space<semaphore_mem>>) src(%arg25 : memref<32x128xf32, #tpu.memory_space<vmem>>) dst(%dma_wait3A_160 : memref<32x128xf32, #tpu.memory_space<hbm>>)
    %add3A_161 = arith.constant 384 : i32
    %add3A_162 = arith.addi %mul3A_2, %add3A_161 : i32
    %dma_wait3A_163 = arith.constant 49 : i32
    %dma_wait3A_164 = arith.constant 0 : i32
    %dma_wait3A_165 = tpu.memref_slice %arg6[%dma_wait3A_163, %dma_wait3A_164, %add3A_162] : memref<50x64x16384xf32, #tpu.memory_space<hbm>> -> memref<1x32x128xf32, #tpu.memory_space<hbm>>
    %dma_wait3A_166 = tpu.memref_squeeze %dma_wait3A_165 : memref<1x32x128xf32, #tpu.memory_space<hbm>> -> memref<32x128xf32, #tpu.memory_space<hbm>>
    %dma_wait3A_167 = arith.constant 0 : i32
    %dma_wait3A_168 = tpu.memref_slice %arg6[%dma_wait3A_163, %dma_wait3A_167, %add3A_162] : memref<50x64x16384xf32, #tpu.memory_space<hbm>> -> memref<1x32x128xf32, #tpu.memory_space<hbm>>
    %dma_wait3A_169 = tpu.memref_squeeze %dma_wait3A_168 : memref<1x32x128xf32, #tpu.memory_space<hbm>> -> memref<32x128xf32, #tpu.memory_space<hbm>>
    tpu.wait_dma2 semaphore(%arg32 : memref<!tpu.dma_semaphore, #tpu.memory_space<semaphore_mem>>) src(%arg24 : memref<32x128xf32, #tpu.memory_space<vmem>>) dst(%dma_wait3A_169 : memref<32x128xf32, #tpu.memory_space<hbm>>)
    %dma_wait3A_170 = arith.constant 49 : i32
    %dma_wait3A_171 = arith.constant 32 : i32
    %dma_wait3A_172 = tpu.memref_slice %arg6[%dma_wait3A_170, %dma_wait3A_171, %add3A_162] : memref<50x64x16384xf32, #tpu.memory_space<hbm>> -> memref<1x32x128xf32, #tpu.memory_space<hbm>>
    %dma_wait3A_173 = tpu.memref_squeeze %dma_wait3A_172 : memref<1x32x128xf32, #tpu.memory_space<hbm>> -> memref<32x128xf32, #tpu.memory_space<hbm>>
    %dma_wait3A_174 = arith.constant 32 : i32
    %dma_wait3A_175 = tpu.memref_slice %arg6[%dma_wait3A_170, %dma_wait3A_174, %add3A_162] : memref<50x64x16384xf32, #tpu.memory_space<hbm>> -> memref<1x32x128xf32, #tpu.memory_space<hbm>>
    %dma_wait3A_176 = tpu.memref_squeeze %dma_wait3A_175 : memref<1x32x128xf32, #tpu.memory_space<hbm>> -> memref<32x128xf32, #tpu.memory_space<hbm>>
    tpu.wait_dma2 semaphore(%arg34 : memref<!tpu.dma_semaphore, #tpu.memory_space<semaphore_mem>>) src(%arg26 : memref<32x128xf32, #tpu.memory_space<vmem>>) dst(%dma_wait3A_176 : memref<32x128xf32, #tpu.memory_space<hbm>>)
    return
  }
}

</mosaic_0001>

<sc_bundles>
// kernel: kernel.3.cloned.1.call-start
scs
__scs_entry_jumppad:
0x0: {  	(pc) =	sbr.rel $0x88, $3  }
0x1: {  	(tag) =	ssettag $0x0;
	lr =	simm.s32 $0x1  }
0x2: {  	[smem:$0x3F9D] =	sst lr;
	_ =	strace $0xD0000000  }
0x3: {  	_ = 	snop  }
0x4: {  	_ = 	snop  }
0x5: {  	_ = 	snop  }
0x6: {  	_ = 	snop  }
0x7: {  	_ = 	snop  }
__scs_overlays_trampoline_lowered:
0x8: {  	[smem:$0x3FAC] =	sst s0  }
0x9: {  	[smem:$0x3FAD] =	sst s1  }
0xa: {  	[smem:$0x3FAE] =	sst s2  }
0xb: {  	[smem:$0x3FAF] =	sst s3  }
0xc: {  	[smem:$0x3FB0] =	sst s4  }
0xd: {  	[smem:$0x3FB1] =	sst s5  }
0xe: {  	[smem:$0x3FB2] =	sst s6  }
0xf: {  	[smem:$0x3FB3] =	sst s7  }
0x10: {  	[smem:$0x3FB4] =	sst s8  }
0x11: {  	[smem:$0x3FB5] =	sst s9;
	s0 =	simm.s32 @!p0 $0x0  }
0x12: {  	s1 =	sld [smem:$0x3F9B];
	s0 =	simm.s32 @p0 $0x1  }
0x13: {  	[smem:$0x3FB6] =	sst s0;
	s0 =	simm.s32 @!p1 $0x0  }
0x14: {  	s2 =	sld [smem:$0x3F9A];
	s0 =	simm.s32 @p1 $0x1  }
0x15: {  	[smem:$0x3FB7] =	sst s0;
	s0 =	simm.s32 @!p2 $0x0  }
0x16: {  	s3 =	sld [smem:$0x3FDB];
	s0 =	simm.s32 @p2 $0x1  }
0x17: {  	s4 =	simm.s32 $0x1BF5;
	[smem:$0x3FB9] =	sst s0  }
0x18: {  	s0 =	sld [smem:$0x3F9C];
	_ =	swait.ge [sflag:s4], $0x0  }
0x19: {  	s7 =	sld [smem:$0x3F9D]  }
0x1a: {  	s8 =	sadd.s32 $0xFFFFE003, lr  }
0x1b: {  	s9 =	sadd.s32 $0xFFFFFEF7, lr;
	s5 =	simm.s32 $0xFFFFFFFF;
	p2 =	slt.u32 s8, $0xFFFFF086  }
0x1c: {  	p1 =	slt.u32 s9, $0xF7A;
	s5 =	simm.s32 @!p2 $0x0  }
0x1d: {  	s5 =	simm.s32 @p1 $0x1;
	p0 =	seq.s32 s7, s2  }
0x1e: {  	s7 =	smul.u32 @!p0 $0xF7A, s2;
	p2 =	seq.s32 @!p0 s5, $0x0  }
0x1f: {  	s9 =	smul.u32 $0xF7A, s1;
	s8 =	simm.s32 @!p0 $0x1BF5;
	p2 =	por !p2, p0  }
0x20: {  	[sflag:s8] =	ssyncset.s32 @!p0 $0xFFFFF086;
	s6 =	sadd.s32 @!p0 s3, s7;
	s7 =	simm.s32 @!p0 $0x108  }
0x21: {  	s3 =	sadd.s32 s3, s9;
	s6 =	sadd.s32 @!p0 $0x88, s6;
	s7 =	simm.s32 @p2 $0x1082  }
0x22: {  	[simem:s7], [sflag:s8] =	dma.local @!p0 [hbm:s6], $0xF7A  }
0x23: {  	s9 =	sor.u32 $0xD0000000, s2;
	s6 =	simm.s32 $0x108;
	_ =	swait.ge @!p0 [sflag:s8], $0x0  }
0x24: {  	s3 =	sadd.s32 $0x88, s3;
	s6 =	simm.s32 @!p1 $0x1082;
	[sflag:s4] =	ssyncset.s32 $0xFFFFF086  }
0x25: {  	[simem:s6], [sflag:s4] =	dma.local [hbm:s3], $0xF7A  }
0x26: {  	[smem:$0x3F9D] =	sst s1;
	(tag) =	ssettag s2;
	_ =	strace s9  }
0x27: {  	s1 =	sld [smem:$0x3FAD]  }
0x28: {  	s2 =	sld [smem:$0x3FAE]  }
0x29: {  	s4 =	sld [smem:$0x3FB0]  }
0x2a: {  	p0 =	seq.s32 s5, $0x0;
	s5 =	sld [smem:$0x3FB1]  }
0x2b: {  	s6 =	sld [smem:$0x3FB2]  }
0x2c: {  	s7 =	sld [smem:$0x3FB3]  }
0x2d: {  	s3 =	simm.s32 $0x108;
	s8 =	sld [smem:$0x3FB4]  }
0x2e: {  	s3 =	simm.s32 @!p0 $0x1082;
	s9 =	sld [smem:$0x3FB5]  }
0x2f: {  	lr =	sadd.s32 s0, s3;
	s0 =	sld [smem:$0x3FAC]  }
0x30: {  	s3 =	sld [smem:$0x3FAF]  }
0x31: {  	[smem:$0x3FB8] =	sst s10  }
0x32: {  	s10 =	sld [smem:$0x3FB6];
	_ =	sdelay $0x3  }
0x33: {  	p0 =	seq.s32 s10, $0x1;
	s10 =	sld [smem:$0x3FB8];
	_ =	sdelay $0x3  }
0x34: {  	[smem:$0x3FB8] =	sst s10  }
0x35: {  	s10 =	sld [smem:$0x3FB7];
	_ =	sdelay $0x3  }
0x36: {  	p1 =	seq.s32 s10, $0x1;
	s10 =	sld [smem:$0x3FB8];
	_ =	sdelay $0x3  }
0x37: {  	[smem:$0x3FB8] =	sst s10  }
0x38: {  	s10 =	sld [smem:$0x3FB9]  }
0x39: {  	_ = 	snop;
	(pc) =	sbr.ind lr, $3  }
0x3a: {  	_ = 	snop  }
0x3b: {  	_ = 	snop  }
0x3c: {  	p2 =	seq.s32 s10, $0x1;
	s10 =	sld [smem:$0x3FB8]  }
0x3d: {  	_ =	shalt  }
0x3e: {  	_ =	shalt  }
0x3f: {  	_ =	shalt  }
0x40: {  	_ =	shalt  }
0x41: {  	_ =	shalt  }
0x42: {  	_ =	shalt  }
0x43: {  	_ =	shalt  }
0x44: {  	_ =	shalt  }
0x45: {  	_ =	shalt  }
0x46: {  	_ =	shalt  }
0x47: {  	_ =	shalt  }
0x48: {  	_ =	shalt  }
0x49: {  	_ =	shalt  }
0x4a: {  	_ =	shalt  }
0x4b: {  	_ =	shalt  }
0x4c: {  	_ =	shalt  }
0x4d: {  	_ =	shalt  }
0x4e: {  	_ =	shalt  }
0x4f: {  	_ =	shalt  }
0x50: {  	_ =	shalt  }
0x51: {  	_ =	shalt  }
0x52: {  	_ =	shalt  }
0x53: {  	_ =	shalt  }
0x54: {  	_ =	shalt  }
0x55: {  	_ =	shalt  }
0x56: {  	_ =	shalt  }
0x57: {  	_ =	shalt  }
0x58: {  	_ =	shalt  }
0x59: {  	_ =	shalt  }
0x5a: {  	_ =	shalt  }
0x5b: {  	_ =	shalt  }
0x5c: {  	_ =	shalt  }
0x5d: {  	_ =	shalt  }
0x5e: {  	_ =	shalt  }
0x5f: {  	_ =	shalt  }
0x60: {  	_ =	shalt  }
0x61: {  	_ =	shalt  }
0x62: {  	_ =	shalt  }
0x63: {  	_ =	shalt  }
0x64: {  	_ =	shalt  }
0x65: {  	_ =	shalt  }
0x66: {  	_ =	shalt  }
0x67: {  	_ =	shalt  }
0x68: {  	_ =	shalt  }
0x69: {  	_ =	shalt  }
0x6a: {  	_ =	shalt  }
0x6b: {  	_ =	shalt  }
0x6c: {  	_ =	shalt  }
0x6d: {  	_ =	shalt  }
0x6e: {  	_ =	shalt  }
0x6f: {  	_ =	shalt  }
0x70: {  	_ =	shalt  }
0x71: {  	_ =	shalt  }
0x72: {  	_ =	shalt  }
0x73: {  	_ =	shalt  }
0x74: {  	_ =	shalt  }
0x75: {  	_ =	shalt  }
0x76: {  	_ =	shalt  }
0x77: {  	_ =	shalt  }
0x78: {  	_ =	shalt  }
0x79: {  	_ =	shalt  }
0x7a: {  	_ =	shalt  }
0x7b: {  	_ =	shalt  }
0x7c: {  	_ =	shalt  }
0x7d: {  	_ =	shalt  }
0x7e: {  	_ =	shalt  }
0x7f: {  	_ =	shalt  }
0x80: {  	_ =	shalt  }
0x81: {  	_ =	shalt  }
0x82: {  	_ =	shalt  }
0x83: {  	_ =	shalt  }
0x84: {  	_ =	shalt  }
0x85: {  	_ =	shalt  }
0x86: {  	_ =	shalt  }
0x87: {  	_ =	shalt  }
.Lfunc_end0:
.L_simem_size_0:
called_computation_lowered:
.L_overlay_start_0:
0x88: {  	s2 =	sld [smem:$0x3FD9]  }
0x89: {  	s3 =	sld [smem:$0x3FFE];
	_ =	sdelay $0x1  }
0x8a: {  	s1 =	srdreg.scid  }
0x8b: {  	s0 =	sand.u32 $0x1, s1  }
0x8c: {  	s17 =	sshll.u32 s0, $0xA;
	s2 =	sadd.s32 s3, s2  }
0x8d: {  	s2 =	sadd.s32 s2, s17  }
0x8e: {  	[smem:$0x3FC4] =	sst s2  }
0x8f: {  	_ = 	snop  }
0x90: {  	s2 =	sld [smem:$0x3FD0];
	(tm) =	ssettm $0x1  }
0x91: {  	s18 =	sld [smem:$0x3FFB];
	_ =	sdelay $0x3  }
0x92: {  	_ =	strace s18  }
0x93: {  	s3 =	sld [smem:$0x3FFC];
	_ =	sdelay $0x3  }
0x94: {  	_ =	strace s3  }
0x95: {  	s3 =	sld [smem:$0x3FFD];
	_ =	sdelay $0x3  }
0x96: {  	_ =	strace s3  }
0x97: {  	_ =	strace $0x8FFFFFFF  }
0x98: {  	s19 =	sld [smem:$0x3FDB];
	_ =	sdelay $0x1  }
0x99: {  	s4 =	simm.s32 $_scs_section_size  }
0x9a: {  	s5 =	simm.s32 $_size__tile_overlayer_lowered;
	s6 =	simm.s32 $_tile_overlayer_lowered  }
0x9b: {  	s22 =	simm.s32 $0x1BFF;
	s21 =	sshll.u32 s6, $0x1;
	s3 =	sadd.s32 s4, s19  }
0x9c: {  	s7 =	simm.s32 $0x0;
	s20 =	sshll.u32 s5, $0x1;
	s5 =	sadd.s32 s21, s3  }
0x9d: {  	[timem:s7], [sflag:s22] =	dma.local [hbm:s5], s20  }
0x9e: {  	_ =	swait.ge [sflag:s22], s20  }
0x9f: {  	s4 =	ssub.s32 $0x0, s20;
	[sflag:s22] =	ssyncset.done $0x0  }
0xa0: {  	[sflag:s22] =	ssyncadd.s32 s4;
	_ =	sdelay $0x1  }
0xa1: {  	s23 =	simm.s32 $0x1B8B  }
0xa2: {  	_ =	swait.ge [sflag:s23], $0x1  }
0xa3: {  	[sflag:s23] =	ssyncset.done $0x0  }
0xa4: {  	s25 =	simm.s32 $0x1B8E;
	s24 =	sld [smem:$0x3FFE];
	[sflag:s23] =	ssyncadd.s32 $0xFFFFFFFF  }
0xa5: {  	s26 =	simm.s32 $execute0_lowered;
	[smem:$0x3FD2] =	sst s25  }
0xa6: {  	s5 =	sshll.u32 s26, $0x1;
	_ =	strace $0x80000046;
	[dreg:$0x1] =	wrdreg $0xFFFFFFFF  }
0xa7: {  	s28 =	simm.s32 $_size_execute0_lowered;
	s3 =	sadd.s32 s3, s5;
	[dreg:$0x0] =	wrdreg $0x0  }
0xa8: {  	s5 =	sshll.u32 s28, $0x1;
	[dreg:$0x2] =	wrdreg s3  }
0xa9: {  	[dreg:$0x3] =	wrdreg s5  }
0xaa: {  	[dreg:$0x4] =	wrdreg $0xC0  }
0xab: {  	_ =	task [dreg:s7], $0x5FFFF  }
0xac: {  	[dreg:$0x1] =	wrdreg $0xFFFFFFFF  }
0xad: {  	[dreg:$0x0] =	wrdreg $0x60  }
0xae: {  	[dreg:$0x2] =	wrdreg s24  }
0xaf: {  	[dreg:$0x3] =	wrdreg s2  }
0xb0: {  	[dreg:$0x4] =	wrdreg $0x9  }
0xb1: {  	_ =	task.clear_ibuf [dreg:s7], $0x5FFFF;
	_ =	strace $0x90000046  }
0xb2: {  	s29 =	simm.s32 $0x9;
	_ =	strace $0x80000048  }
0xb3: {  	_ =	swait.ge [sflag:s29], $0x1  }
0xb4: {  	[sflag:s29] =	ssyncadd.s32 $0xFFFFFFFF  }
0xb5: {  	_ =	strace $0x90000048  }
0xb6: {  	_ =	sfence  }
0xb7: {  	s30 =	sld [smem:$0x0];
	_ =	sdelay $0x2  }
0xb8: {  	s31 =	sshll.u32 s1, $0xD;
	s1 =	sshrl.u32 s1, $0x2  }
0xb9: {  	s3 =	sand.u32 $0x4000, s31;
	s1 =	sadd.s32 s1, s30  }
0xba: {  	s0 =	sor.u32 s3, s0;
	s1 =	sshll.u32 s1, $0x11  }
0xbb: {  	s0 =	sor.u32 s1, s0  }
0xbc: {  	s0 =	sadd.s32 $0x8F2B, s0  }
0xbd: {  	[sflag:s0] =	ssyncadd.remote.s32 $0x1  }
0xbe: {  	_ =	sfence.sel $0xFFFF  }
0xbf: {  	[dreg:$0x0] =	wrdreg $0xFFFFFFFF;
	(pc) =	sbr.abs _section_cstart, $3  }
0xc0: {  	[dreg:$0x1] =	wrdreg $0xFFFFFFFF  }
0xc1: {  	_ =	task.clear_ibuf [dreg:s7], $0x2FFFF;
	_ =	strace $0x9FFFFFFF  }
0xc2: {  	(tm) =	ssettm $0x7FFFFFFF  }
0xc3: {  	_ =	shalt  }
tec
execute0_lowered:
.L_overlay_start_1:
0x0: {  	(tag) =	ssettag $0x1  }
0x1: {  	s0 =	rddreg [dreg:$0x0]  }
0x2: {  	s1 =	rddreg [dreg:$0x1];
	s3 =	simm.s32 $0x0;
	s2 =	srdreg.scid  }
0x3: {  	s5 =	stileid.u32;
	s28 =	simm.s32 $0x8600;
	s11 =	simm.s32 $0x1  }
0x4: {  	s12 =	simm.s32 $0x3;
	s18 =	simm.s32 $0x20000;
	s17 =	simm.s32 $0x10  }
0x5: {  	s29 =	simm.s32 $0x8;
	s13 =	simm.s32 $0x0;
	[smem:$0x7FF] =	sst s3  }
0x6: {  	s2 =	sand.u32 $0x1, s2;
	s4 =	sadd.s32 $0x62600, s0;
	s6 =	sshll.u32 s5, $0xA  }
0x7: {  	s5 =	sadd.s32 $0x7B600, s0;
	s8 =	sadd.s32 $0xF42E00, s0;
	s26 =	sadd.s32 $0x10000, s1  }
0x8: {  	_ =	strace $0x80000047;
	s7 =	sshll.u32 s2, $0x9;
	s2 =	ssub.s32 $0x2, s2  }
0x9: {  	[dreg:$0x8] =	wrdreg s26;
	s6 =	sor.u32 s7, s6;
	s9 =	sshrl.u32 s2, $0x1  }
0xa: {  	s7 =	sadd.s32 $0xA00, s0;
	s10 =	sshrl.u32 s6, $0x3;
	s19 =	ssub.s32 s2, s9  }
0xb: {  	s24 =	sor.u32 $0x4000, s6;
	s25 =	sshll.u32 s6, $0x3;
	s9 =	simm.s32 $0x7  }
0xc: {  	s20 =	sor.u32 $0x10, s10;
	s21 =	sadd.s32 s4, s10;
	[dreg:$0x7] =	wrdreg s24  }
0xd: {  	s22 =	sadd.s32 s5, s10;
	s30 =	sor.u32 $0x400, s25;
	[dreg:$0x3] =	wrdreg s21  }
0xe: {  	s31 =	sor.u32 $0x800, s25;
	s0 =	smax.u32 s19, $0x1;
	[dreg:$0x4] =	wrdreg s22  }
0xf: {  	s24 =	simm.s32 $0x400;
	s19 =	simm.s32 $0x4600;
	[dreg:$0x9] =	wrdreg s30  }
0x10: {  	s10 =	simm.s32 $0xC600;
	s23 =	sadd.s32 s4, s20;
	[dreg:$0xa] =	wrdreg s31  }
0x11: {  	v0 =	vlaneseq.u32;
	s2 =	sadd.s32 s5, s20;
	[dreg:$0xc] =	wrdreg s0;
	s20 =	simm.s32 $0x80  }
0x12: {  	v10 =	vmul.u32 $0x80, v0;
	s22 =	simm.s32 $0x2;
	s21 =	simm.s32 $0x6;
	[dreg:$0x5] =	wrdreg s23  }
0x13: {  	[dreg:$0x6] =	wrdreg s2;
	s2 =	sor.u32 $0xC00, s25;
	s25 =	simm.s32 $0x600  }
0x14: {  	[tilespmem:$0x1FFF0] =	vst v10;
	s23 =	simm.s32 $0x4;
	[dreg:$0xb] =	wrdreg s2;
	s2 =	simm.s32 $0x5  }
.LBB2_1:
0x15: {  	[dreg:$0xd] =	wrdreg s13  }
0x16: {  	s0 =	rddreg [dreg:$0x3]  }
0x17: {  	[tilespmem:s3], [sflag:$0x9] =	stream.linear.gather [hbm4b:s0+s3], $0x80, $0x38;
	[tilespmem:$0x14600] =	vst v63  }
0x18: {  	s30 =	rddreg [dreg:$0x4];
	s31 =	simm.s32 $0x200  }
0x19: {  	[tilespmem:s31], [sflag:$0xD] =	stream.linear.gather [hbm4b:s30+s3], $0x80, $0x38;
	[tilespmem:$0x14600] =	vst v63  }
0x1a: {  	s14 =	rddreg [dreg:$0x5]  }
0x1b: {  	[tilespmem:s20], [sflag:$0xA] =	stream.linear.gather [hbm4b:s14+s3], $0x80, $0x38;
	[tilespmem:$0x14600] =	vst v63  }
0x1c: {  	s15 =	rddreg [dreg:$0x6];
	s16 =	simm.s32 $0x280;
	s26 =	simm.s32 $0x9  }
0x1d: {  	[tilespmem:s16], [sflag:$0xE] =	stream.linear.gather [hbm4b:s15+s3], $0x80, $0x38;
	[tilespmem:$0x14600] =	vst v63  }
0x1e: {  	_ =	swait.ge [sflag:s26], $0x80  }
0x1f: {  	[sflag:s26] =	ssyncset.done $0x0  }
0x20: {  	s30 =	simm.s32 $0xD;
	[sflag:s26] =	ssyncadd.s32 $0xFFFFFF80  }
0x21: {  	_ =	swait.ge [sflag:s30], $0x80  }
0x22: {  	[sflag:s30] =	ssyncset.done $0x0  }
0x23: {  	[sflag:s30] =	ssyncadd.s32 $0xFFFFFF80  }
0x24: {  	v1 =	vld [tilespmem:$0x0]  }
0x25: {  	v2 =	vld [tilespmem:$0x200]  }
0x26: {  	v3 =	vld [tilespmem:$0x10]  }
0x27: {  	v4 =	vld [tilespmem:$0x210]  }
0x28: {  	v5 =	vld [tilespmem:$0x20]  }
0x29: {  	v6 =	vld [tilespmem:$0x220];
	v1 =	vshrl.u32 v1, $0x2  }
0x2a: {  	v40 =	vld [tilespmem:$0x30];
	v39 =	vshrl.u32 v2, $0x2;
	[tilespmem:$0x400] =	vst v1  }
0x2b: {  	v42 =	vld [tilespmem:$0x230];
	v41 =	vshrl.u32 v3, $0x2;
	[tilespmem:$0x500] =	vst v39  }
0x2c: {  	v44 =	vld [tilespmem:$0x40];
	v43 =	vshrl.u32 v4, $0x2;
	[tilespmem:$0x410] =	vst v41  }
0x2d: {  	v46 =	vld [tilespmem:$0x240];
	v45 =	vshrl.u32 v5, $0x2;
	[tilespmem:$0x510] =	vst v43  }
0x2e: {  	v48 =	vld [tilespmem:$0x50];
	v47 =	vshrl.u32 v6, $0x2;
	[tilespmem:$0x420] =	vst v45  }
0x2f: {  	v50 =	vld [tilespmem:$0x250];
	v49 =	vshrl.u32 v40, $0x2;
	[tilespmem:$0x520] =	vst v47  }
0x30: {  	v52 =	vld [tilespmem:$0x60];
	v51 =	vshrl.u32 v42, $0x2;
	[tilespmem:$0x430] =	vst v49  }
0x31: {  	v54 =	vld [tilespmem:$0x260];
	v53 =	vshrl.u32 v44, $0x2;
	[tilespmem:$0x530] =	vst v51  }
0x32: {  	v56 =	vld [tilespmem:$0x70];
	v55 =	vshrl.u32 v46, $0x2;
	[tilespmem:$0x440] =	vst v53  }
0x33: {  	v58 =	vld [tilespmem:$0x270];
	v57 =	vshrl.u32 v48, $0x2;
	[tilespmem:$0x540] =	vst v55  }
0x34: {  	v59 =	vshrl.u32 v50, $0x2;
	[tilespmem:$0x450] =	vst v57  }
0x35: {  	v60 =	vshrl.u32 v52, $0x2;
	[tilespmem:$0x550] =	vst v59  }
0x36: {  	v61 =	vshrl.u32 v54, $0x2;
	[tilespmem:$0x460] =	vst v60  }
0x37: {  	v62 =	vshrl.u32 v56, $0x2;
	[tilespmem:$0x560] =	vst v61  }
0x38: {  	v63 =	vshrl.u32 v58, $0x2;
	[tilespmem:$0x470] =	vst v62  }
0x39: {  	[tilespmem:$0x570] =	vst v63  }
0x3a: {  	[tilespmem:s25], [sflag:$0x1] =	stream.indirect.gather [hbm4b:s7+s20], $0x80, s24, s20, $0xb8;
	[tilespmem:$0x14600] =	vst v63  }
0x3b: {  	s31 =	simm.s32 $0x500;
	s14 =	simm.s32 $0x0  }
0x3c: {  	[tilespmem:s28], [sflag:$0x3] =	stream.indirect.gather [hbm4b:s8+s20], $0x80, s31, s20, $0xb8;
	[tilespmem:$0x14600] =	vst v63  }
.LBB2_2:
0x3d: {  	s15 =	sshll.u32 s14, $0xE  }
0x3e: {  	s0 =	sor.u32 s6, s15  }
0x3f: {  	s13 =	sshrl.u32 s0, $0x3  }
0x40: {  	s0 =	sor.u32 $0x20, s13  }
0x41: {  	s26 =	simm.s32 $0x100;
	s16 =	sadd.s32 s4, s0  }
0x42: {  	[tilespmem:s26], [sflag:$0xB] =	stream.linear.gather [hbm4b:s16+s3], $0x80, $0x38;
	[tilespmem:$0x14600] =	vst v63  }
0x43: {  	s0 =	sadd.s32 s5, s0;
	s26 =	simm.s32 $0x300;
	s16 =	simm.s32 $0xA  }
0x44: {  	[tilespmem:s26], [sflag:$0xF] =	stream.linear.gather [hbm4b:s0+s3], $0x80, $0x38;
	[tilespmem:$0x14600] =	vst v63  }
0x45: {  	_ =	swait.ge [sflag:s16], $0x80  }
0x46: {  	[sflag:s16] =	ssyncset.done $0x0  }
0x47: {  	s26 =	simm.s32 $0xE;
	[sflag:s16] =	ssyncadd.s32 $0xFFFFFF80  }
0x48: {  	_ =	swait.ge [sflag:s26], $0x80  }
0x49: {  	[sflag:s26] =	ssyncset.done $0x0  }
0x4a: {  	[sflag:s26] =	ssyncadd.s32 $0xFFFFFF80  }
0x4b: {  	v1 =	vld [tilespmem:$0x80]  }
0x4c: {  	v2 =	vld [tilespmem:$0x280]  }
0x4d: {  	v3 =	vld [tilespmem:$0x90]  }
0x4e: {  	v4 =	vld [tilespmem:$0x290]  }
0x4f: {  	v5 =	vld [tilespmem:$0xA0]  }
0x50: {  	v6 =	vld [tilespmem:$0x2A0];
	v1 =	vshrl.u32 v1, $0x2  }
0x51: {  	[tilespmem:$0x480] =	vst v1;
	v1 =	vshrl.u32 v2, $0x2;
	v2 =	vld [tilespmem:$0xB0]  }
0x52: {  	[tilespmem:$0x580] =	vst v1;
	v1 =	vshrl.u32 v3, $0x2;
	v3 =	vld [tilespmem:$0x2B0]  }
0x53: {  	[tilespmem:$0x490] =	vst v1;
	v1 =	vshrl.u32 v4, $0x2;
	v4 =	vld [tilespmem:$0xC0]  }
0x54: {  	[tilespmem:$0x590] =	vst v1;
	v1 =	vshrl.u32 v5, $0x2;
	v5 =	vld [tilespmem:$0x2C0]  }
0x55: {  	[tilespmem:$0x4A0] =	vst v1;
	v1 =	vshrl.u32 v6, $0x2;
	v6 =	vld [tilespmem:$0xD0]  }
0x56: {  	[tilespmem:$0x5A0] =	vst v1;
	v1 =	vshrl.u32 v2, $0x2;
	v2 =	vld [tilespmem:$0x2D0]  }
0x57: {  	[tilespmem:$0x4B0] =	vst v1;
	v1 =	vshrl.u32 v3, $0x2;
	v3 =	vld [tilespmem:$0xE0]  }
0x58: {  	[tilespmem:$0x5B0] =	vst v1;
	v1 =	vshrl.u32 v4, $0x2;
	v4 =	vld [tilespmem:$0x2E0]  }
0x59: {  	[tilespmem:$0x4C0] =	vst v1;
	v1 =	vshrl.u32 v5, $0x2;
	v5 =	vld [tilespmem:$0xF0]  }
0x5a: {  	[tilespmem:$0x5C0] =	vst v1;
	v1 =	vshrl.u32 v6, $0x2;
	v6 =	vld [tilespmem:$0x2F0]  }
0x5b: {  	[tilespmem:$0x4D0] =	vst v1;
	v1 =	vshrl.u32 v2, $0x2  }
0x5c: {  	[tilespmem:$0x5D0] =	vst v1;
	v1 =	vshrl.u32 v3, $0x2  }
0x5d: {  	[tilespmem:$0x4E0] =	vst v1;
	v1 =	vshrl.u32 v4, $0x2  }
0x5e: {  	[tilespmem:$0x5E0] =	vst v1;
	v1 =	vshrl.u32 v5, $0x2  }
0x5f: {  	[tilespmem:$0x4F0] =	vst v1;
	v1 =	vshrl.u32 v6, $0x2  }
0x60: {  	s16 =	simm.s32 $0x480;
	[tilespmem:$0x5F0] =	vst v1  }
0x61: {  	[tilespmem:s19], [sflag:$0x2] =	stream.indirect.gather [hbm4b:s7+s20], $0x80, s16, s20, $0xb8;
	[tilespmem:$0x14600] =	vst v63  }
0x62: {  	s26 =	simm.s32 $0x580  }
0x63: {  	[tilespmem:s10], [sflag:$0x4] =	stream.indirect.gather [hbm4b:s8+s20], $0x80, s26, s20, $0xb8;
	[tilespmem:$0x14600] =	vst v63  }
0x64: {  	_ =	swait.ge [sflag:s11], $0x4000  }
0x65: {  	[sflag:s11] =	ssyncset.done $0x0  }
0x66: {  	[sflag:s11] =	ssyncadd.s32 $0xFFFFC000  }
0x67: {  	_ =	swait.ge [sflag:s12], $0x4000  }
0x68: {  	p0 =	seq.s32 s14, $0x0;
	[sflag:s12] =	ssyncset.done $0x0  }
0x69: {  	s0 =	simm.s32 @!p0 $0x5;
	[sflag:s12] =	ssyncadd.s32 $0xFFFFC000  }
0x6a: {  	_ =	swait.ge @!p0 [sflag:s0], $0x1000  }
0x6b: {  	[sflag:s0] =	ssyncset.done @!p0 $0x0  }
0x6c: {  	[sflag:s0] =	ssyncadd.s32 @!p0 $0xFFFFF000;
	s0 =	simm.s32 @!p0 $0x7  }
0x6d: {  	_ =	swait.ge @!p0 [sflag:s0], $0x1000  }
0x6e: {  	[sflag:s0] =	ssyncset.done @!p0 $0x0  }
0x6f: {  	s31 =	simm.s32 $0x0;
	[sflag:s0] =	ssyncadd.s32 @!p0 $0xFFFFF000  }
0x70: {  	v1 =	vld [tilespmem:s31+$0x0];
	_ =	sdelay $0x3  }
0x71: {  	v2 =	vmov s31  }
0x72: {  	v2 =	vshll.u32 v2, $0x7;
	v1 =	vshll.u32 v1, $0x5  }
0x73: {  	v2 =	vor.u32 v10, v2;
	v1 =	vand.u32 $0x60, v1  }
0x74: {  	v1 =	vor.u32 v2, v1  }
0x75: {  	v3 =	vor.u32 $0x1, v1;
	_ =	sdelay $0x4  }
0x76: {  	v4 =	vor.u32 $0x2, v1;
	v0 =	vld.idx.msk [tilespmem:v3+s25+$0x0], $0xffff;
	_ =	sdelay $0x1  }
0x77: {  	v6 =	vor.u32 $0x4, v1  }
0x78: {  	s0 =	simm.s32 $0x200;
	v8 =	vor.u32 $0x5, v1  }
0x79: {  	v7 =	vld [tilespmem:s0+$0x0];
	v3 =	vor.u32 $0x6, v1  }
0x7a: {  	v5 =	vor.u32 $0x3, v1;
	[tilespmem:$0x1FFC0] =	vst v0;
	v0 =	vld.idx.msk [tilespmem:v4+s25+$0x0], $0xffff  }
0x7b: {  	v13 =	vld.idx.msk [tilespmem:v1+s25+$0x0], $0xffff;
	v4 =	vor.u32 $0x7, v1  }
0x7c: {  	v14 =	vld.idx.msk [tilespmem:v6+s25+$0x0], $0xffff;
	v6 =	vor.u32 $0x9, v1  }
0x7d: {  	v15 =	vld.idx.msk [tilespmem:v8+s25+$0x0], $0xffff;
	v8 =	vor.u32 $0xA, v1  }
0x7e: {  	v16 =	vld.idx.msk [tilespmem:v3+s25+$0x0], $0xffff;
	v3 =	vor.u32 $0xB, v1  }
0x7f: {  	[tilespmem:$0x1FFD0] =	vst v0;
	v0 =	vld.idx.msk [tilespmem:v5+s25+$0x0], $0xffff;
	v5 =	vor.u32 $0x8, v1  }
0x80: {  	v17 =	vld.idx.msk [tilespmem:v4+s25+$0x0], $0xffff;
	v4 =	vor.u32 $0xC, v1  }
0x81: {  	v19 =	vld.idx.msk [tilespmem:v6+s25+$0x0], $0xffff;
	v6 =	vor.u32 $0xE, v1  }
0x82: {  	v20 =	vld.idx.msk [tilespmem:v8+s25+$0x0], $0xffff;
	v8 =	vor.u32 $0xF, v1  }
0x83: {  	v22 =	vld.idx.msk [tilespmem:v3+s25+$0x0], $0xffff;
	v3 =	vor.u32 $0x10, v1  }
0x84: {  	v18 =	vld.idx.msk [tilespmem:v5+s25+$0x0], $0xffff;
	v5 =	vor.u32 $0xD, v1  }
0x85: {  	v23 =	vld.idx.msk [tilespmem:v4+s25+$0x0], $0xffff;
	v4 =	vor.u32 $0x11, v1  }
0x86: {  	v26 =	vld.idx.msk [tilespmem:v6+s25+$0x0], $0xffff;
	v6 =	vor.u32 $0x13, v1  }
0x87: {  	v27 =	vld.idx.msk [tilespmem:v8+s25+$0x0], $0xffff;
	v8 =	vor.u32 $0x14, v1  }
0x88: {  	v28 =	vld.idx.msk [tilespmem:v3+s25+$0x0], $0xffff;
	v3 =	vor.u32 $0x15, v1  }
0x89: {  	v24 =	vld.idx.msk [tilespmem:v5+s25+$0x0], $0xffff;
	v5 =	vor.u32 $0x12, v1  }
0x8a: {  	v30 =	vld.idx.msk [tilespmem:v4+s25+$0x0], $0xffff;
	v4 =	vor.u32 $0x16, v1  }
0x8b: {  	v9 =	vor.u32 $0x18, v1;
	v32 =	vld.idx.msk [tilespmem:v6+s25+$0x0], $0xffff  }
0x8c: {  	v34 =	vld.idx.msk [tilespmem:v8+s25+$0x0], $0xffff;
	v8 =	vor.u32 $0x19, v1  }
0x8d: {  	v21 =	vor.u32 $0x1B, v1;
	v35 =	vld.idx.msk [tilespmem:v3+s25+$0x0], $0xffff  }
0x8e: {  	v3 =	vor.u32 $0x1A, v1;
	v31 =	vld.idx.msk [tilespmem:v5+s25+$0x0], $0xffff  }
0x8f: {  	v25 =	vor.u32 $0x1D, v1;
	v37 =	vld.idx.msk [tilespmem:v4+s25+$0x0], $0xffff  }
0x90: {  	v29 =	vor.u32 $0x1E, v1;
	v4 =	vld.idx.msk [tilespmem:v9+s25+$0x0], $0xffff;
	v9 =	vshll.u32 v7, $0x5  }
0x91: {  	v5 =	vor.u32 $0x17, v1;
	v7 =	vld.idx.msk [tilespmem:v8+s25+$0x0], $0xffff;
	v33 =	vand.u32 $0x60, v9  }
0x92: {  	v8 =	vld.idx.msk [tilespmem:v21+s25+$0x0], $0xffff;
	v21 =	vor.u32 v2, v33  }
0x93: {  	v9 =	vld.idx.msk [tilespmem:v3+s25+$0x0], $0xffff;
	v33 =	vor.u32 $0x1, v21  }
0x94: {  	v3 =	vld.idx.msk [tilespmem:v25+s25+$0x0], $0xffff;
	v25 =	vor.u32 $0x2, v21  }
0x95: {  	v2 =	vld.idx.msk [tilespmem:v29+s25+$0x0], $0xffff;
	v29 =	vor.u32 $0x3, v21  }
0x96: {  	v36 =	vor.u32 $0x4, v21;
	v6 =	vld.idx.msk [tilespmem:v5+s25+$0x0], $0xffff  }
0x97: {  	v38 =	vor.u32 $0x5, v21;
	v43 =	vld.idx.msk [tilespmem:v21+s28+$0x0], $0xffff  }
0x98: {  	v58 =	vor.u32 $0x6, v21;
	v44 =	vld.idx.msk [tilespmem:v33+s28+$0x0], $0xffff  }
0x99: {  	v59 =	vor.u32 $0x9, v21;
	v45 =	vld.idx.msk [tilespmem:v25+s28+$0x0], $0xffff  }
0x9a: {  	v60 =	vor.u32 $0xA, v21;
	v46 =	vld.idx.msk [tilespmem:v29+s28+$0x0], $0xffff  }
0x9b: {  	v25 =	vor.u32 $0x7, v21;
	v47 =	vld.idx.msk [tilespmem:v36+s28+$0x0], $0xffff  }
0x9c: {  	v61 =	vor.u32 $0xB, v21;
	v48 =	vld.idx.msk [tilespmem:v38+s28+$0x0], $0xffff  }
0x9d: {  	v62 =	vor.u32 $0xE, v21;
	v49 =	vld.idx.msk [tilespmem:v58+s28+$0x0], $0xffff  }
0x9e: {  	v29 =	vor.u32 $0x8, v21;
	v52 =	vld.idx.msk [tilespmem:v59+s28+$0x0], $0xffff  }
0x9f: {  	v63 =	vor.u32 $0xF, v21;
	v53 =	vld.idx.msk [tilespmem:v60+s28+$0x0], $0xffff  }
0xa0: {  	v50 =	vld.idx.msk [tilespmem:v25+s28+$0x0], $0xffff;
	v25 =	vor.u32 $0xC, v21  }
0xa1: {  	v12 =	vor.u32 $0x10, v21;
	v54 =	vld.idx.msk [tilespmem:v61+s28+$0x0], $0xffff  }
0xa2: {  	v40 =	vor.u32 $0x13, v21;
	v57 =	vld.idx.msk [tilespmem:v62+s28+$0x0], $0xffff  }
0xa3: {  	v51 =	vld.idx.msk [tilespmem:v29+s28+$0x0], $0xffff;
	v29 =	vor.u32 $0xD, v21  }
0xa4: {  	v41 =	vor.u32 $0x14, v21;
	v58 =	vld.idx.msk [tilespmem:v63+s28+$0x0], $0xffff  }
0xa5: {  	v55 =	vld.idx.msk [tilespmem:v25+s28+$0x0], $0xffff;
	v25 =	vor.u32 $0x11, v21  }
0xa6: {  	v42 =	vor.u32 $0x15, v21;
	v59 =	vld.idx.msk [tilespmem:v12+s28+$0x0], $0xffff  }
0xa7: {  	v5 =	vor.u32 $0x1C, v1;
	v62 =	vld.idx.msk [tilespmem:v40+s28+$0x0], $0xffff  }
0xa8: {  	v56 =	vld.idx.msk [tilespmem:v29+s28+$0x0], $0xffff;
	v29 =	vor.u32 $0x12, v21  }
0xa9: {  	v1 =	vor.u32 $0x1F, v1;
	v63 =	vld.idx.msk [tilespmem:v41+s28+$0x0], $0xffff  }
0xaa: {  	v60 =	vld.idx.msk [tilespmem:v25+s28+$0x0], $0xffff;
	v25 =	vor.u32 $0x16, v21  }
0xab: {  	v36 =	vor.u32 $0x18, v21;
	v12 =	vld.idx.msk [tilespmem:v42+s28+$0x0], $0xffff  }
0xac: {  	v38 =	vor.u32 $0x19, v21;
	v5 =	vld.idx.msk [tilespmem:v5+s25+$0x0], $0xffff  }
0xad: {  	v61 =	vld.idx.msk [tilespmem:v29+s28+$0x0], $0xffff;
	v29 =	vor.u32 $0x17, v21  }
0xae: {  	v33 =	vor.u32 $0x1A, v21;
	v11 =	vld.idx.msk [tilespmem:v1+s25+$0x0], $0xffff  }
0xaf: {  	v42 =	vld.idx.msk [tilespmem:v25+s28+$0x0], $0xffff;
	v25 =	vor.u32 $0x1B, v21  }
0xb0: {  	[tilespmem:$0x1FFE0] =	vst v0;
	v0 =	vor.u32 $0x1E, v21;
	v40 =	vld.idx.msk [tilespmem:v36+s28+$0x0], $0xffff  }
0xb1: {  	v39 =	vld.idx.msk [tilespmem:v38+s28+$0x0], $0xffff  }
0xb2: {  	v41 =	vld.idx.msk [tilespmem:v29+s28+$0x0], $0xffff;
	v29 =	vor.u32 $0x1C, v21  }
0xb3: {  	v1 =	vor.u32 $0x1D, v21;
	v38 =	vld.idx.msk [tilespmem:v33+s28+$0x0], $0xffff  }
0xb4: {  	v21 =	vor.u32 $0x1F, v21;
	v36 =	vld.idx.msk [tilespmem:v25+s28+$0x0], $0xffff  }
0xb5: {  	v25 =	vld.idx.msk [tilespmem:v0+s28+$0x0], $0xffff  }
0xb6: {  	v0 =	vld [tilespmem:$0x1FFC0]  }
0xb7: {  	v33 =	vld.idx.msk [tilespmem:v29+s28+$0x0], $0xffff  }
0xb8: {  	s30 =	simm.s32 $0x10E00;
	v29 =	vld.idx.msk [tilespmem:v1+s28+$0x0], $0xffff  }
0xb9: {  	s26 =	simm.s32 $0x12E00;
	v21 =	vld.idx.msk [tilespmem:v21+s28+$0x0], $0xffff;
	[tilespmem:s30+$0xFFFFF800] =	vst v13  }
0xba: {  	[tilespmem:s26+$0xFFFFF800] =	vst v43  }
0xbb: {  	[tilespmem:s30+$0xFFFFF880] =	vst v0;
	v0 =	vld [tilespmem:$0x1FFD0];
	_ =	sdelay $0x3  }
0xbc: {  	[tilespmem:s26+$0xFFFFF880] =	vst v44  }
0xbd: {  	[tilespmem:s30+$0xFFFFF900] =	vst v0;
	v0 =	vld [tilespmem:$0x1FFE0];
	_ =	sdelay $0x3  }
0xbe: {  	[tilespmem:s26+$0xFFFFF900] =	vst v45  }
0xbf: {  	[tilespmem:s30+$0xFFFFF980] =	vst v0  }
0xc0: {  	[tilespmem:s26+$0xFFFFF980] =	vst v46  }
0xc1: {  	[tilespmem:s30+$0xFFFFFA00] =	vst v14  }
0xc2: {  	[tilespmem:s26+$0xFFFFFA00] =	vst v47  }
0xc3: {  	[tilespmem:s30+$0xFFFFFA80] =	vst v15  }
0xc4: {  	[tilespmem:s26+$0xFFFFFA80] =	vst v48  }
0xc5: {  	[tilespmem:s30+$0xFFFFFB00] =	vst v16  }
0xc6: {  	[tilespmem:s26+$0xFFFFFB00] =	vst v49  }
0xc7: {  	[tilespmem:s30+$0xFFFFFB80] =	vst v17  }
0xc8: {  	[tilespmem:s26+$0xFFFFFB80] =	vst v50  }
0xc9: {  	[tilespmem:s30+$0xFFFFFC00] =	vst v18  }
0xca: {  	[tilespmem:s26+$0xFFFFFC00] =	vst v51  }
0xcb: {  	[tilespmem:s30+$0xFFFFFC80] =	vst v19  }
0xcc: {  	[tilespmem:s26+$0xFFFFFC80] =	vst v52  }
0xcd: {  	[tilespmem:s30+$0xFFFFFD00] =	vst v20  }
0xce: {  	[tilespmem:s26+$0xFFFFFD00] =	vst v53  }
0xcf: {  	[tilespmem:s30+$0xFFFFFD80] =	vst v22  }
0xd0: {  	[tilespmem:s26+$0xFFFFFD80] =	vst v54  }
0xd1: {  	[tilespmem:s30+$0xFFFFFE00] =	vst v23  }
0xd2: {  	[tilespmem:s26+$0xFFFFFE00] =	vst v55  }
0xd3: {  	[tilespmem:s30+$0xFFFFFE80] =	vst v24  }
0xd4: {  	[tilespmem:s26+$0xFFFFFE80] =	vst v56  }
0xd5: {  	[tilespmem:s30+$0xFFFFFF00] =	vst v26  }
0xd6: {  	[tilespmem:s26+$0xFFFFFF00] =	vst v57  }
0xd7: {  	[tilespmem:s30+$0xFFFFFF80] =	vst v27  }
0xd8: {  	[tilespmem:s26+$0xFFFFFF80] =	vst v58  }
0xd9: {  	[tilespmem:s30+$0x0] =	vst v28  }
0xda: {  	[tilespmem:s26+$0x0] =	vst v59  }
0xdb: {  	[tilespmem:s30+$0x80] =	vst v30  }
0xdc: {  	[tilespmem:s26+$0x80] =	vst v60  }
0xdd: {  	[tilespmem:s30+$0x100] =	vst v31  }
0xde: {  	[tilespmem:s26+$0x100] =	vst v61  }
0xdf: {  	[tilespmem:s30+$0x180] =	vst v32  }
0xe0: {  	[tilespmem:s26+$0x180] =	vst v62  }
0xe1: {  	[tilespmem:s30+$0x200] =	vst v34  }
0xe2: {  	[tilespmem:s26+$0x200] =	vst v63  }
0xe3: {  	[tilespmem:s30+$0x280] =	vst v35  }
0xe4: {  	[tilespmem:s26+$0x280] =	vst v12  }
0xe5: {  	s16 =	simm.s32 $0x10;
	[tilespmem:s30+$0x300] =	vst v37  }
.LBB2_3:
0xe6: {  	[tilespmem:s26+$0x300] =	vst v42  }
0xe7: {  	[tilespmem:s30+$0x380] =	vst v6  }
0xe8: {  	[tilespmem:s26+$0x380] =	vst v41  }
0xe9: {  	[tilespmem:s30+$0x400] =	vst v4  }
0xea: {  	[tilespmem:s26+$0x400] =	vst v40  }
0xeb: {  	[tilespmem:s30+$0x480] =	vst v7  }
0xec: {  	[tilespmem:s26+$0x480] =	vst v39  }
0xed: {  	[tilespmem:s30+$0x500] =	vst v9  }
0xee: {  	[tilespmem:s26+$0x500] =	vst v38  }
0xef: {  	[tilespmem:s30+$0x580] =	vst v8  }
0xf0: {  	[tilespmem:s26+$0x580] =	vst v36  }
0xf1: {  	[tilespmem:s30+$0x600] =	vst v5  }
0xf2: {  	[tilespmem:s26+$0x600] =	vst v33  }
0xf3: {  	[tilespmem:s30+$0x680] =	vst v3  }
0xf4: {  	[tilespmem:s26+$0x680] =	vst v29  }
0xf5: {  	[tilespmem:s30+$0x700] =	vst v2  }
0xf6: {  	[tilespmem:s26+$0x700] =	vst v25  }
0xf7: {  	[tilespmem:s30+$0x780] =	vst v11  }
0xf8: {  	s31 =	sadd.s32 $0x10, s31;
	[tilespmem:s26+$0x780] =	vst v21  }
0xf9: {  	v2 =	vld [tilespmem:s31+$0x0];
	_ =	sdelay $0x3  }
0xfa: {  	v3 =	vmov s16  }
0xfb: {  	v3 =	vshll.u32 v3, $0x7;
	v2 =	vshll.u32 v2, $0x5  }
0xfc: {  	v3 =	vor.u32 v10, v3;
	v2 =	vand.u32 $0x60, v2  }
0xfd: {  	v2 =	vor.u32 v3, v2  }
0xfe: {  	v4 =	vor.u32 $0x1, v2;
	_ =	sdelay $0x3  }
0xff: {  	v5 =	vor.u32 $0x2, v2  }
0x100: {  	v35 =	vld.idx.msk [tilespmem:v4+s25+$0x0], $0xffff;
	v4 =	vor.u32 $0x6, v2;
	_ =	sdelay $0x1  }
0x101: {  	s0 =	sadd.s32 $0x10, s0;
	v7 =	vor.u32 $0x4, v2  }
0x102: {  	v1 =	vld [tilespmem:s0+$0x0];
	v8 =	vor.u32 $0x5, v2  }
0x103: {  	v34 =	vld.idx.msk [tilespmem:v5+s25+$0x0], $0xffff;
	v5 =	vor.u32 $0x7, v2  }
0x104: {  	v28 =	vld.idx.msk [tilespmem:v4+s25+$0x0], $0xffff;
	v4 =	vor.u32 $0xB, v2  }
0x105: {  	v6 =	vor.u32 $0x3, v2;
	v37 =	vld.idx.msk [tilespmem:v2+s25+$0x0], $0xffff  }
0x106: {  	v31 =	vld.idx.msk [tilespmem:v7+s25+$0x0], $0xffff;
	v7 =	vor.u32 $0x9, v2  }
0x107: {  	v30 =	vld.idx.msk [tilespmem:v8+s25+$0x0], $0xffff;
	v8 =	vor.u32 $0xA, v2  }
0x108: {  	v27 =	vld.idx.msk [tilespmem:v5+s25+$0x0], $0xffff;
	v5 =	vor.u32 $0xC, v2  }
0x109: {  	v22 =	vld.idx.msk [tilespmem:v4+s25+$0x0], $0xffff;
	v4 =	vor.u32 $0x10, v2  }
0x10a: {  	v32 =	vld.idx.msk [tilespmem:v6+s25+$0x0], $0xffff;
	v6 =	vor.u32 $0x8, v2  }
0x10b: {  	v24 =	vld.idx.msk [tilespmem:v7+s25+$0x0], $0xffff;
	v7 =	vor.u32 $0xE, v2  }
0x10c: {  	v23 =	vld.idx.msk [tilespmem:v8+s25+$0x0], $0xffff;
	v8 =	vor.u32 $0xF, v2  }
0x10d: {  	v1 =	vshll.u32 v1, $0x5;
	v20 =	vld.idx.msk [tilespmem:v5+s25+$0x0], $0xffff;
	v5 =	vor.u32 $0x11, v2  }
0x10e: {  	v1 =	vand.u32 $0x60, v1;
	v16 =	vld.idx.msk [tilespmem:v4+s25+$0x0], $0xffff;
	v4 =	vor.u32 $0x15, v2  }
0x10f: {  	v36 =	vor.u32 v3, v1;
	v26 =	vld.idx.msk [tilespmem:v6+s25+$0x0], $0xffff  }
0x110: {  	v6 =	vor.u32 $0xD, v2;
	v18 =	vld.idx.msk [tilespmem:v7+s25+$0x0], $0xffff  }
0x111: {  	v7 =	vor.u32 $0x13, v2;
	v17 =	vld.idx.msk [tilespmem:v8+s25+$0x0], $0xffff  }
0x112: {  	v8 =	vor.u32 $0x14, v2;
	v15 =	vld.idx.msk [tilespmem:v5+s25+$0x0], $0xffff  }
0x113: {  	v5 =	vor.u32 $0x16, v2;
	v0 =	vld.idx.msk [tilespmem:v4+s25+$0x0], $0xffff  }
0x114: {  	v9 =	vor.u32 $0x1A, v2;
	v43 =	vld.idx.msk [tilespmem:v36+s28+$0x0], $0xffff  }
0x115: {  	v19 =	vld.idx.msk [tilespmem:v6+s25+$0x0], $0xffff;
	v6 =	vor.u32 $0x12, v2  }
0x116: {  	v13 =	vld.idx.msk [tilespmem:v7+s25+$0x0], $0xffff;
	v7 =	vor.u32 $0x18, v2  }
0x117: {  	v12 =	vld.idx.msk [tilespmem:v8+s25+$0x0], $0xffff;
	v8 =	vor.u32 $0x19, v2  }
0x118: {  	[tilespmem:$0x1FFA0] =	vst v0;
	v0 =	vld.idx.msk [tilespmem:v5+s25+$0x0], $0xffff;
	v5 =	vor.u32 $0x1B, v2  }
0x119: {  	v21 =	vor.u32 $0x1C, v2;
	v9 =	vld.idx.msk [tilespmem:v9+s25+$0x0], $0xffff  }
0x11a: {  	v29 =	vor.u32 $0x1E, v2;
	v14 =	vld.idx.msk [tilespmem:v6+s25+$0x0], $0xffff  }
0x11b: {  	v25 =	vor.u32 $0x1D, v2;
	v4 =	vld.idx.msk [tilespmem:v7+s25+$0x0], $0xffff  }
0x11c: {  	v58 =	vor.u32 $0x1F, v2;
	v7 =	vld.idx.msk [tilespmem:v8+s25+$0x0], $0xffff  }
0x11d: {  	v59 =	vor.u32 $0x4, v36;
	v8 =	vld.idx.msk [tilespmem:v5+s25+$0x0], $0xffff  }
0x11e: {  	v5 =	vld.idx.msk [tilespmem:v21+s25+$0x0], $0xffff;
	v21 =	vor.u32 $0x1, v36  }
0x11f: {  	v6 =	vor.u32 $0x17, v2;
	v2 =	vld.idx.msk [tilespmem:v29+s25+$0x0], $0xffff;
	v29 =	vor.u32 $0x3, v36  }
0x120: {  	v60 =	vor.u32 $0x5, v36;
	v3 =	vld.idx.msk [tilespmem:v25+s25+$0x0], $0xffff  }
0x121: {  	v25 =	vor.u32 $0x2, v36;
	v11 =	vld.idx.msk [tilespmem:v58+s25+$0x0], $0xffff  }
0x122: {  	v61 =	vor.u32 $0x9, v36;
	v47 =	vld.idx.msk [tilespmem:v59+s28+$0x0], $0xffff  }
0x123: {  	v44 =	vld.idx.msk [tilespmem:v21+s28+$0x0], $0xffff;
	v21 =	vor.u32 $0x6, v36  }
0x124: {  	v46 =	vld.idx.msk [tilespmem:v29+s28+$0x0], $0xffff;
	v29 =	vor.u32 $0x8, v36  }
0x125: {  	v62 =	vor.u32 $0xA, v36;
	v48 =	vld.idx.msk [tilespmem:v60+s28+$0x0], $0xffff  }
0x126: {  	v45 =	vld.idx.msk [tilespmem:v25+s28+$0x0], $0xffff;
	v25 =	vor.u32 $0x7, v36  }
0x127: {  	v63 =	vor.u32 $0xE, v36;
	v52 =	vld.idx.msk [tilespmem:v61+s28+$0x0], $0xffff  }
0x128: {  	v49 =	vld.idx.msk [tilespmem:v21+s28+$0x0], $0xffff;
	v21 =	vor.u32 $0xB, v36  }
0x129: {  	v51 =	vld.idx.msk [tilespmem:v29+s28+$0x0], $0xffff;
	v29 =	vor.u32 $0xD, v36  }
0x12a: {  	v40 =	vor.u32 $0xF, v36;
	v53 =	vld.idx.msk [tilespmem:v62+s28+$0x0], $0xffff  }
0x12b: {  	v50 =	vld.idx.msk [tilespmem:v25+s28+$0x0], $0xffff;
	v25 =	vor.u32 $0xC, v36  }
0x12c: {  	v41 =	vor.u32 $0x13, v36;
	v57 =	vld.idx.msk [tilespmem:v63+s28+$0x0], $0xffff  }
0x12d: {  	v54 =	vld.idx.msk [tilespmem:v21+s28+$0x0], $0xffff;
	v21 =	vor.u32 $0x10, v36  }
0x12e: {  	v56 =	vld.idx.msk [tilespmem:v29+s28+$0x0], $0xffff;
	v29 =	vor.u32 $0x12, v36  }
0x12f: {  	v42 =	vor.u32 $0x14, v36;
	v58 =	vld.idx.msk [tilespmem:v40+s28+$0x0], $0xffff  }
0x130: {  	v55 =	vld.idx.msk [tilespmem:v25+s28+$0x0], $0xffff;
	v25 =	vor.u32 $0x11, v36  }
0x131: {  	v33 =	vor.u32 $0x18, v36;
	v62 =	vld.idx.msk [tilespmem:v41+s28+$0x0], $0xffff  }
0x132: {  	v59 =	vld.idx.msk [tilespmem:v21+s28+$0x0], $0xffff;
	v21 =	vor.u32 $0x15, v36  }
0x133: {  	v61 =	vld.idx.msk [tilespmem:v29+s28+$0x0], $0xffff;
	v29 =	vor.u32 $0x17, v36  }
0x134: {  	v38 =	vor.u32 $0x19, v36;
	v63 =	vld.idx.msk [tilespmem:v42+s28+$0x0], $0xffff  }
0x135: {  	v60 =	vld.idx.msk [tilespmem:v25+s28+$0x0], $0xffff;
	v25 =	vor.u32 $0x16, v36  }
0x136: {  	v40 =	vld.idx.msk [tilespmem:v33+s28+$0x0], $0xffff  }
0x137: {  	[tilespmem:$0x1FFB0] =	vst v0;
	v0 =	vld.idx.msk [tilespmem:v21+s28+$0x0], $0xffff;
	v21 =	vor.u32 $0x1A, v36  }
0x138: {  	v41 =	vld.idx.msk [tilespmem:v29+s28+$0x0], $0xffff;
	v29 =	vor.u32 $0x1C, v36  }
0x139: {  	v1 =	vor.u32 $0x1D, v36;
	v39 =	vld.idx.msk [tilespmem:v38+s28+$0x0], $0xffff  }
0x13a: {  	v42 =	vld.idx.msk [tilespmem:v25+s28+$0x0], $0xffff;
	v25 =	vor.u32 $0x1B, v36  }
0x13b: {  	v10 =	vor.u32 $0x1E, v36;
	v6 =	vld.idx.msk [tilespmem:v6+s25+$0x0], $0xffff  }
0x13c: {  	v38 =	vld.idx.msk [tilespmem:v21+s28+$0x0], $0xffff;
	v21 =	vor.u32 $0x1F, v36  }
0x13d: {  	v33 =	vld.idx.msk [tilespmem:v29+s28+$0x0], $0xffff  }
0x13e: {  	v29 =	vld.idx.msk [tilespmem:v1+s28+$0x0], $0xffff  }
0x13f: {  	v36 =	vld.idx.msk [tilespmem:v25+s28+$0x0], $0xffff  }
0x140: {  	s30 =	sadd.s32 $0x10, s30;
	v25 =	vld.idx.msk [tilespmem:v10+s28+$0x0], $0xffff  }
0x141: {  	s26 =	sadd.s32 $0x10, s26;
	v21 =	vld.idx.msk [tilespmem:v21+s28+$0x0], $0xffff;
	[tilespmem:s30+$0xFFFFF800] =	vst v37  }
0x142: {  	[tilespmem:s26+$0xFFFFF800] =	vst v43  }
0x143: {  	[tilespmem:s30+$0xFFFFF880] =	vst v35  }
0x144: {  	[tilespmem:s26+$0xFFFFF880] =	vst v44  }
0x145: {  	[tilespmem:s30+$0xFFFFF900] =	vst v34  }
0x146: {  	[tilespmem:s26+$0xFFFFF900] =	vst v45  }
0x147: {  	[tilespmem:s30+$0xFFFFF980] =	vst v32  }
0x148: {  	[tilespmem:s26+$0xFFFFF980] =	vst v46  }
0x149: {  	[tilespmem:s30+$0xFFFFFA00] =	vst v31  }
0x14a: {  	[tilespmem:s26+$0xFFFFFA00] =	vst v47  }
0x14b: {  	[tilespmem:s30+$0xFFFFFA80] =	vst v30  }
0x14c: {  	[tilespmem:s26+$0xFFFFFA80] =	vst v48  }
0x14d: {  	[tilespmem:s30+$0xFFFFFB00] =	vst v28  }
0x14e: {  	[tilespmem:s26+$0xFFFFFB00] =	vst v49  }
0x14f: {  	[tilespmem:s30+$0xFFFFFB80] =	vst v27  }
0x150: {  	[tilespmem:s26+$0xFFFFFB80] =	vst v50  }
0x151: {  	[tilespmem:s30+$0xFFFFFC00] =	vst v26  }
0x152: {  	[tilespmem:s26+$0xFFFFFC00] =	vst v51  }
0x153: {  	[tilespmem:s30+$0xFFFFFC80] =	vst v24  }
0x154: {  	[tilespmem:s26+$0xFFFFFC80] =	vst v52  }
0x155: {  	[tilespmem:s30+$0xFFFFFD00] =	vst v23  }
0x156: {  	[tilespmem:s26+$0xFFFFFD00] =	vst v53  }
0x157: {  	[tilespmem:s30+$0xFFFFFD80] =	vst v22  }
0x158: {  	[tilespmem:s26+$0xFFFFFD80] =	vst v54  }
0x159: {  	[tilespmem:s30+$0xFFFFFE00] =	vst v20  }
0x15a: {  	[tilespmem:s26+$0xFFFFFE00] =	vst v55  }
0x15b: {  	[tilespmem:s30+$0xFFFFFE80] =	vst v19  }
0x15c: {  	[tilespmem:s26+$0xFFFFFE80] =	vst v56  }
0x15d: {  	[tilespmem:s30+$0xFFFFFF00] =	vst v18  }
0x15e: {  	[tilespmem:s26+$0xFFFFFF00] =	vst v57  }
0x15f: {  	[tilespmem:s30+$0xFFFFFF80] =	vst v17  }
0x160: {  	[tilespmem:s26+$0xFFFFFF80] =	vst v58  }
0x161: {  	[tilespmem:s30+$0x0] =	vst v16  }
0x162: {  	[tilespmem:s26+$0x0] =	vst v59  }
0x163: {  	[tilespmem:s30+$0x80] =	vst v15  }
0x164: {  	[tilespmem:s26+$0x80] =	vst v60  }
0x165: {  	[tilespmem:s30+$0x100] =	vst v14  }
0x166: {  	v1 =	vld [tilespmem:$0x1FFA0];
	[tilespmem:s26+$0x100] =	vst v61  }
0x167: {  	[tilespmem:s30+$0x180] =	vst v13  }
0x168: {  	[tilespmem:s26+$0x180] =	vst v62  }
0x169: {  	[tilespmem:s30+$0x200] =	vst v12  }
0x16a: {  	[tilespmem:s26+$0x200] =	vst v63  }
0x16b: {  	[tilespmem:s30+$0x280] =	vst v1  }
0x16c: {  	p1 =	sne.s32 s16, $0x70;
	[tilespmem:s26+$0x280] =	vst v0;
	v0 =	vld [tilespmem:$0x1FFB0]  }
.Ltmp0:
0x16d: {  	_ = 	snop;
	(pc) =	sbr.rel @p1 .LBB2_3-.Ltmp0, $2  }
0x16e: {  	_ =	sdelay $0x2  }
0x16f: {  	s16 =	sadd.s32 $0x10, s16;
	v10 =	vld [tilespmem:$0x1FFF0];
	[tilespmem:s30+$0x300] =	vst v0  }
0x170: {  	[tilespmem:s26+$0x300] =	vst v42  }
0x171: {  	[tilespmem:s30+$0x380] =	vst v6  }
0x172: {  	[tilespmem:s26+$0x380] =	vst v41  }
0x173: {  	[tilespmem:s30+$0x400] =	vst v4  }
0x174: {  	[tilespmem:s26+$0x400] =	vst v40  }
0x175: {  	[tilespmem:s30+$0x480] =	vst v7  }
0x176: {  	[tilespmem:s26+$0x480] =	vst v39  }
0x177: {  	[tilespmem:s30+$0x500] =	vst v9  }
0x178: {  	[tilespmem:s26+$0x500] =	vst v38  }
0x179: {  	[tilespmem:s30+$0x580] =	vst v8  }
0x17a: {  	[tilespmem:s26+$0x580] =	vst v36  }
0x17b: {  	[tilespmem:s30+$0x600] =	vst v5  }
0x17c: {  	[tilespmem:s26+$0x600] =	vst v33  }
0x17d: {  	[tilespmem:s30+$0x680] =	vst v3  }
0x17e: {  	[tilespmem:s26+$0x680] =	vst v29  }
0x17f: {  	[tilespmem:s30+$0x700] =	vst v2  }
0x180: {  	s0 =	sshll.u32 s14, $0x11;
	[tilespmem:s26+$0x700] =	vst v25  }
0x181: {  	s0 =	sor.u32 s6, s0;
	[tilespmem:s30+$0x780] =	vst v11  }
0x182: {  	s16 =	sadd.s32 s1, s0;
	[tilespmem:s26+$0x780] =	vst v21;
	s26 =	simm.s32 $0x10600  }
0x183: {  	[hbm4b:s16+s24] =	stream.strided.scatter [tilespmem:s26], [sflag:$0x5], $0x1000, s18, s24, $0x38;
	[tilespmem:$0x14600] =	vst v63  }
0x184: {  	s26 =	rddreg [dreg:$0x8]  }
0x185: {  	s0 =	sadd.s32 s0, s26;
	s26 =	simm.s32 $0x12600  }
0x186: {  	[hbm4b:s0+s24] =	stream.strided.scatter [tilespmem:s26], [sflag:$0x7], $0x1000, s18, s24, $0x38;
	[tilespmem:$0x14600] =	vst v63  }
0x187: {  	s0 =	sor.u32 $0x30, s13  }
0x188: {  	s26 =	simm.s32 $0x180;
	s13 =	sadd.s32 s4, s0  }
0x189: {  	[tilespmem:s26], [sflag:$0xC] =	stream.linear.gather [hbm4b:s13+s3], $0x80, $0x38;
	[tilespmem:$0x14600] =	vst v63  }
0x18a: {  	s16 =	simm.s32 $0x380;
	s0 =	sadd.s32 s5, s0;
	s26 =	simm.s32 $0xB  }
0x18b: {  	[tilespmem:s16], [sflag:$0x10] =	stream.linear.gather [hbm4b:s0+s3], $0x80, $0x38;
	[tilespmem:$0x14600] =	vst v63  }
0x18c: {  	_ =	swait.ge [sflag:s26], $0x80  }
0x18d: {  	[sflag:s26] =	ssyncset.done $0x0  }
0x18e: {  	s13 =	simm.s32 $0xF;
	[sflag:s26] =	ssyncadd.s32 $0xFFFFFF80  }
0x18f: {  	_ =	swait.ge [sflag:s13], $0x80  }
0x190: {  	[sflag:s13] =	ssyncset.done $0x0  }
0x191: {  	[sflag:s13] =	ssyncadd.s32 $0xFFFFFF80  }
0x192: {  	v0 =	vld [tilespmem:$0x100]  }
0x193: {  	v1 =	vld [tilespmem:$0x300]  }
0x194: {  	v2 =	vld [tilespmem:$0x110]  }
0x195: {  	v3 =	vld [tilespmem:$0x310]  }
0x196: {  	v4 =	vld [tilespmem:$0x120]  }
0x197: {  	v5 =	vld [tilespmem:$0x320];
	v0 =	vshrl.u32 v0, $0x2  }
0x198: {  	[tilespmem:$0x400] =	vst v0;
	v0 =	vshrl.u32 v1, $0x2;
	v1 =	vld [tilespmem:$0x130]  }
0x199: {  	[tilespmem:$0x500] =	vst v0;
	v0 =	vshrl.u32 v2, $0x2;
	v2 =	vld [tilespmem:$0x330]  }
0x19a: {  	[tilespmem:$0x410] =	vst v0;
	v0 =	vshrl.u32 v3, $0x2;
	v3 =	vld [tilespmem:$0x140]  }
0x19b: {  	[tilespmem:$0x510] =	vst v0;
	v0 =	vshrl.u32 v4, $0x2;
	v4 =	vld [tilespmem:$0x340]  }
0x19c: {  	[tilespmem:$0x420] =	vst v0;
	v0 =	vshrl.u32 v5, $0x2;
	v5 =	vld [tilespmem:$0x150]  }
0x19d: {  	[tilespmem:$0x520] =	vst v0;
	v0 =	vshrl.u32 v1, $0x2;
	v1 =	vld [tilespmem:$0x350]  }
0x19e: {  	[tilespmem:$0x430] =	vst v0;
	v0 =	vshrl.u32 v2, $0x2;
	v2 =	vld [tilespmem:$0x160]  }
0x19f: {  	[tilespmem:$0x530] =	vst v0;
	v0 =	vshrl.u32 v3, $0x2;
	v3 =	vld [tilespmem:$0x360]  }
0x1a0: {  	[tilespmem:$0x440] =	vst v0;
	v0 =	vshrl.u32 v4, $0x2;
	v4 =	vld [tilespmem:$0x170]  }
0x1a1: {  	[tilespmem:$0x540] =	vst v0;
	v0 =	vshrl.u32 v5, $0x2;
	v5 =	vld [tilespmem:$0x370]  }
0x1a2: {  	[tilespmem:$0x450] =	vst v0;
	v0 =	vshrl.u32 v1, $0x2  }
0x1a3: {  	[tilespmem:$0x550] =	vst v0;
	v0 =	vshrl.u32 v2, $0x2  }
0x1a4: {  	[tilespmem:$0x460] =	vst v0;
	v0 =	vshrl.u32 v3, $0x2  }
0x1a5: {  	[tilespmem:$0x560] =	vst v0;
	v0 =	vshrl.u32 v4, $0x2  }
0x1a6: {  	[tilespmem:$0x470] =	vst v0;
	v0 =	vshrl.u32 v5, $0x2  }
0x1a7: {  	[tilespmem:$0x570] =	vst v0  }
0x1a8: {  	[tilespmem:s25], [sflag:$0x1] =	stream.indirect.gather [hbm4b:s7+s20], $0x80, s24, s20, $0xb8;
	[tilespmem:$0x14600] =	vst v63  }
0x1a9: {  	s16 =	simm.s32 $0x500  }
0x1aa: {  	[tilespmem:s28], [sflag:$0x3] =	stream.indirect.gather [hbm4b:s8+s20], $0x80, s16, s20, $0xb8;
	[tilespmem:$0x14600] =	vst v63  }
0x1ab: {  	_ =	swait.ge [sflag:s22], $0x4000  }
0x1ac: {  	[sflag:s22] =	ssyncset.done $0x0  }
0x1ad: {  	[sflag:s22] =	ssyncadd.s32 $0xFFFFC000  }
0x1ae: {  	_ =	swait.ge [sflag:s23], $0x4000  }
0x1af: {  	[sflag:s23] =	ssyncset.done $0x0  }
0x1b0: {  	s0 =	simm.s32 @!p0 $0x6;
	[sflag:s23] =	ssyncadd.s32 $0xFFFFC000  }
0x1b1: {  	_ =	swait.ge @!p0 [sflag:s0], $0x1000  }
0x1b2: {  	[sflag:s0] =	ssyncset.done @!p0 $0x0  }
0x1b3: {  	[sflag:s0] =	ssyncadd.s32 @!p0 $0xFFFFF000;
	s0 =	simm.s32 @!p0 $0x8  }
0x1b4: {  	_ =	swait.ge @!p0 [sflag:s0], $0x1000  }
0x1b5: {  	[sflag:s0] =	ssyncset.done @!p0 $0x0  }
0x1b6: {  	s31 =	simm.s32 $0x80;
	[sflag:s0] =	ssyncadd.s32 @!p0 $0xFFFFF000  }
0x1b7: {  	v0 =	vld [tilespmem:s31+$0x0];
	_ =	sdelay $0x2  }
0x1b8: {  	s26 =	simm.s32 $0x0  }
0x1b9: {  	v1 =	vmov s26  }
0x1ba: {  	v1 =	vshll.u32 v1, $0x7;
	s0 =	simm.s32 $0x280;
	v0 =	vshll.u32 v0, $0x5  }
0x1bb: {  	v1 =	vor.u32 v10, v1;
	v5 =	vld [tilespmem:s0+$0x0];
	v0 =	vand.u32 $0x60, v0  }
0x1bc: {  	v0 =	vor.u32 v1, v0  }
0x1bd: {  	v3 =	vor.u32 $0x2, v0;
	_ =	sdelay $0x2  }
0x1be: {  	v5 =	vshll.u32 v5, $0x5  }
0x1bf: {  	v5 =	vand.u32 $0x60, v5;
	v2 =	vor.u32 $0x1, v0  }
0x1c0: {  	v32 =	vor.u32 v1, v5;
	v3 =	vld.idx.msk [tilespmem:v3+s19+$0x0], $0xffff  }
0x1c1: {  	v4 =	vor.u32 $0x3, v0  }
0x1c2: {  	v6 =	vor.u32 $0x4, v0  }
0x1c3: {  	v7 =	vor.u32 $0x5, v0;
	v11 =	vld.idx.msk [tilespmem:v0+s19+$0x0], $0xffff  }
0x1c4: {  	v20 =	vor.u32 $0x1C, v0;
	v2 =	vld.idx.msk [tilespmem:v2+s19+$0x0], $0xffff  }
0x1c5: {  	v43 =	vld.idx.msk [tilespmem:v32+s10+$0x0], $0xffff;
	[tilespmem:$0x1FF90] =	vst v3;
	v3 =	vor.u32 $0x7, v0  }
0x1c6: {  	v61 =	vor.u32 $0x5, v32;
	v13 =	vld.idx.msk [tilespmem:v4+s19+$0x0], $0xffff  }
0x1c7: {  	v4 =	vor.u32 $0x8, v0;
	v14 =	vld.idx.msk [tilespmem:v6+s19+$0x0], $0xffff  }
0x1c8: {  	v37 =	vor.u32 $0x9, v32;
	v15 =	vld.idx.msk [tilespmem:v7+s19+$0x0], $0xffff  }
0x1c9: {  	v5 =	vld.idx.msk [tilespmem:v20+s19+$0x0], $0xffff;
	[tilespmem:$0x1FF80] =	vst v2;
	v2 =	vor.u32 $0x6, v0  }
0x1ca: {  	v17 =	vld.idx.msk [tilespmem:v3+s19+$0x0], $0xffff;
	v3 =	vor.u32 $0xC, v0  }
0x1cb: {  	v6 =	vor.u32 $0x9, v0;
	v47 =	vld.idx.msk [tilespmem:v61+s10+$0x0], $0xffff  }
0x1cc: {  	v18 =	vld.idx.msk [tilespmem:v4+s19+$0x0], $0xffff;
	v4 =	vor.u32 $0xD, v0  }
0x1cd: {  	v62 =	vor.u32 $0xA, v32;
	v51 =	vld.idx.msk [tilespmem:v37+s10+$0x0], $0xffff  }
0x1ce: {  	v16 =	vld.idx.msk [tilespmem:v2+s19+$0x0], $0xffff;
	v2 =	vor.u32 $0xB, v0  }
0x1cf: {  	v23 =	vld.idx.msk [tilespmem:v3+s19+$0x0], $0xffff;
	v3 =	vor.u32 $0x11, v0  }
0x1d0: {  	v19 =	vld.idx.msk [tilespmem:v6+s19+$0x0], $0xffff;
	v6 =	vor.u32 $0xE, v0  }
0x1d1: {  	v25 =	vld.idx.msk [tilespmem:v4+s19+$0x0], $0xffff;
	v4 =	vor.u32 $0x12, v0  }
0x1d2: {  	v63 =	vor.u32 $0xE, v32;
	v52 =	vld.idx.msk [tilespmem:v62+s10+$0x0], $0xffff  }
0x1d3: {  	v22 =	vld.idx.msk [tilespmem:v2+s19+$0x0], $0xffff;
	v2 =	vor.u32 $0x10, v0  }
0x1d4: {  	v30 =	vld.idx.msk [tilespmem:v3+s19+$0x0], $0xffff;
	v3 =	vor.u32 $0x16, v0  }
0x1d5: {  	v26 =	vld.idx.msk [tilespmem:v6+s19+$0x0], $0xffff;
	v6 =	vor.u32 $0x13, v0  }
0x1d6: {  	v31 =	vld.idx.msk [tilespmem:v4+s19+$0x0], $0xffff;
	v4 =	vor.u32 $0x17, v0  }
0x1d7: {  	v8 =	vor.u32 $0x18, v0;
	v56 =	vld.idx.msk [tilespmem:v63+s10+$0x0], $0xffff  }
0x1d8: {  	v29 =	vld.idx.msk [tilespmem:v2+s19+$0x0], $0xffff;
	v2 =	vor.u32 $0x15, v0  }
0x1d9: {  	v38 =	vld.idx.msk [tilespmem:v3+s19+$0x0], $0xffff;
	v3 =	vor.u32 $0x1B, v0  }
0x1da: {  	v24 =	vor.u32 $0x1D, v0;
	v33 =	vld.idx.msk [tilespmem:v6+s19+$0x0], $0xffff  }
0x1db: {  	v40 =	vor.u32 $0xF, v32;
	v6 =	vld.idx.msk [tilespmem:v4+s19+$0x0], $0xffff  }
0x1dc: {  	v20 =	vor.u32 $0x1, v32;
	v4 =	vld.idx.msk [tilespmem:v8+s19+$0x0], $0xffff  }
0x1dd: {  	v35 =	vld.idx.msk [tilespmem:v2+s19+$0x0], $0xffff;
	v2 =	vor.u32 $0x1A, v0  }
0x1de: {  	v28 =	vor.u32 $0x1E, v0;
	v8 =	vld.idx.msk [tilespmem:v3+s19+$0x0], $0xffff  }
0x1df: {  	v3 =	vld.idx.msk [tilespmem:v24+s19+$0x0], $0xffff;
	v24 =	vor.u32 $0x2, v32  }
0x1e0: {  	v7 =	vor.u32 $0xA, v0;
	v57 =	vld.idx.msk [tilespmem:v40+s10+$0x0], $0xffff  }
0x1e1: {  	v41 =	vor.u32 $0x13, v32;
	v44 =	vld.idx.msk [tilespmem:v20+s10+$0x0], $0xffff  }
0x1e2: {  	v20 =	vor.u32 $0x6, v32;
	v9 =	vld.idx.msk [tilespmem:v2+s19+$0x0], $0xffff  }
0x1e3: {  	v2 =	vld.idx.msk [tilespmem:v28+s19+$0x0], $0xffff;
	v28 =	vor.u32 $0x3, v32  }
0x1e4: {  	v45 =	vld.idx.msk [tilespmem:v24+s10+$0x0], $0xffff;
	v24 =	vor.u32 $0x7, v32  }
0x1e5: {  	v21 =	vld.idx.msk [tilespmem:v7+s19+$0x0], $0xffff;
	v7 =	vor.u32 $0xF, v0  }
0x1e6: {  	v42 =	vor.u32 $0x14, v32;
	v61 =	vld.idx.msk [tilespmem:v41+s10+$0x0], $0xffff  }
0x1e7: {  	v48 =	vld.idx.msk [tilespmem:v20+s10+$0x0], $0xffff;
	v20 =	vor.u32 $0xB, v32  }
0x1e8: {  	v46 =	vld.idx.msk [tilespmem:v28+s10+$0x0], $0xffff;
	v28 =	vor.u32 $0x8, v32  }
0x1e9: {  	v49 =	vld.idx.msk [tilespmem:v24+s10+$0x0], $0xffff;
	v24 =	vor.u32 $0xC, v32  }
0x1ea: {  	v27 =	vld.idx.msk [tilespmem:v7+s19+$0x0], $0xffff;
	v7 =	vor.u32 $0x14, v0  }
0x1eb: {  	v36 =	vor.u32 $0x19, v32;
	v62 =	vld.idx.msk [tilespmem:v42+s10+$0x0], $0xffff  }
0x1ec: {  	v53 =	vld.idx.msk [tilespmem:v20+s10+$0x0], $0xffff;
	v20 =	vor.u32 $0x10, v32  }
0x1ed: {  	v50 =	vld.idx.msk [tilespmem:v28+s10+$0x0], $0xffff;
	v28 =	vor.u32 $0xD, v32  }
0x1ee: {  	v54 =	vld.idx.msk [tilespmem:v24+s10+$0x0], $0xffff;
	v24 =	vor.u32 $0x11, v32  }
0x1ef: {  	v34 =	vld.idx.msk [tilespmem:v7+s19+$0x0], $0xffff;
	v7 =	vor.u32 $0x19, v0;
	v0 =	vor.u32 $0x1F, v0  }
0x1f0: {  	v37 =	vor.u32 $0x18, v32;
	v39 =	vld.idx.msk [tilespmem:v36+s10+$0x0], $0xffff  }
0x1f1: {  	v58 =	vld.idx.msk [tilespmem:v20+s10+$0x0], $0xffff;
	v20 =	vor.u32 $0x15, v32  }
0x1f2: {  	v55 =	vld.idx.msk [tilespmem:v28+s10+$0x0], $0xffff;
	v28 =	vor.u32 $0x12, v32  }
0x1f3: {  	v59 =	vld.idx.msk [tilespmem:v24+s10+$0x0], $0xffff;
	v24 =	vor.u32 $0x16, v32  }
0x1f4: {  	v12 =	vld.idx.msk [tilespmem:v0+s19+$0x0], $0xffff;
	v0 =	vor.u32 $0x4, v32  }
0x1f5: {  	v40 =	vld.idx.msk [tilespmem:v37+s10+$0x0], $0xffff  }
0x1f6: {  	v63 =	vld.idx.msk [tilespmem:v20+s10+$0x0], $0xffff;
	v20 =	vor.u32 $0x1A, v32  }
0x1f7: {  	v60 =	vld.idx.msk [tilespmem:v28+s10+$0x0], $0xffff;
	v28 =	vor.u32 $0x17, v32  }
0x1f8: {  	v42 =	vld.idx.msk [tilespmem:v24+s10+$0x0], $0xffff;
	v24 =	vor.u32 $0x1B, v32  }
0x1f9: {  	v10 =	vld.idx.msk [tilespmem:v0+s10+$0x0], $0xffff;
	v0 =	vor.u32 $0x1E, v32  }
0x1fa: {  	v7 =	vld.idx.msk [tilespmem:v7+s19+$0x0], $0xffff  }
0x1fb: {  	v37 =	vld.idx.msk [tilespmem:v20+s10+$0x0], $0xffff;
	v20 =	vor.u32 $0x1F, v32  }
0x1fc: {  	v41 =	vld.idx.msk [tilespmem:v28+s10+$0x0], $0xffff;
	v28 =	vor.u32 $0x1C, v32  }
0x1fd: {  	v1 =	vor.u32 $0x1D, v32;
	v36 =	vld.idx.msk [tilespmem:v24+s10+$0x0], $0xffff  }
0x1fe: {  	v24 =	vld.idx.msk [tilespmem:v0+s10+$0x0], $0xffff  }
0x1ff: {  	v0 =	vld [tilespmem:$0x1FF80]  }
0x200: {  	v20 =	vld.idx.msk [tilespmem:v20+s10+$0x0], $0xffff  }
0x201: {  	s30 =	simm.s32 $0x11E00;
	v32 =	vld.idx.msk [tilespmem:v28+s10+$0x0], $0xffff  }
0x202: {  	s26 =	simm.s32 $0x13E00;
	v28 =	vld.idx.msk [tilespmem:v1+s10+$0x0], $0xffff;
	[tilespmem:s30+$0xFFFFF800] =	vst v11  }
0x203: {  	[tilespmem:s26+$0xFFFFF800] =	vst v43  }
0x204: {  	[tilespmem:s30+$0xFFFFF880] =	vst v0;
	v0 =	vld [tilespmem:$0x1FF90];
	_ =	sdelay $0x3  }
0x205: {  	[tilespmem:s26+$0xFFFFF880] =	vst v44  }
0x206: {  	[tilespmem:s30+$0xFFFFF900] =	vst v0  }
0x207: {  	[tilespmem:s26+$0xFFFFF900] =	vst v45  }
0x208: {  	[tilespmem:s30+$0xFFFFF980] =	vst v13  }
0x209: {  	[tilespmem:s26+$0xFFFFF980] =	vst v46  }
0x20a: {  	[tilespmem:s30+$0xFFFFFA00] =	vst v14  }
0x20b: {  	[tilespmem:s26+$0xFFFFFA00] =	vst v10  }
0x20c: {  	[tilespmem:s30+$0xFFFFFA80] =	vst v15  }
0x20d: {  	[tilespmem:s26+$0xFFFFFA80] =	vst v47  }
0x20e: {  	[tilespmem:s30+$0xFFFFFB00] =	vst v16  }
0x20f: {  	[tilespmem:s26+$0xFFFFFB00] =	vst v48  }
0x210: {  	[tilespmem:s30+$0xFFFFFB80] =	vst v17  }
0x211: {  	[tilespmem:s26+$0xFFFFFB80] =	vst v49  }
0x212: {  	[tilespmem:s30+$0xFFFFFC00] =	vst v18  }
0x213: {  	[tilespmem:s26+$0xFFFFFC00] =	vst v50  }
0x214: {  	[tilespmem:s30+$0xFFFFFC80] =	vst v19  }
0x215: {  	[tilespmem:s26+$0xFFFFFC80] =	vst v51  }
0x216: {  	[tilespmem:s30+$0xFFFFFD00] =	vst v21  }
0x217: {  	[tilespmem:s26+$0xFFFFFD00] =	vst v52  }
0x218: {  	[tilespmem:s30+$0xFFFFFD80] =	vst v22  }
0x219: {  	[tilespmem:s26+$0xFFFFFD80] =	vst v53  }
0x21a: {  	[tilespmem:s30+$0xFFFFFE00] =	vst v23  }
0x21b: {  	[tilespmem:s26+$0xFFFFFE00] =	vst v54  }
0x21c: {  	[tilespmem:s30+$0xFFFFFE80] =	vst v25  }
0x21d: {  	[tilespmem:s26+$0xFFFFFE80] =	vst v55  }
0x21e: {  	[tilespmem:s30+$0xFFFFFF00] =	vst v26  }
0x21f: {  	[tilespmem:s26+$0xFFFFFF00] =	vst v56  }
0x220: {  	[tilespmem:s30+$0xFFFFFF80] =	vst v27  }
0x221: {  	[tilespmem:s26+$0xFFFFFF80] =	vst v57  }
0x222: {  	[tilespmem:s30+$0x0] =	vst v29  }
0x223: {  	[tilespmem:s26+$0x0] =	vst v58  }
0x224: {  	[tilespmem:s30+$0x80] =	vst v30  }
0x225: {  	[tilespmem:s26+$0x80] =	vst v59  }
0x226: {  	[tilespmem:s30+$0x100] =	vst v31  }
0x227: {  	[tilespmem:s26+$0x100] =	vst v60  }
0x228: {  	[tilespmem:s30+$0x180] =	vst v33  }
0x229: {  	[tilespmem:s26+$0x180] =	vst v61  }
0x22a: {  	[tilespmem:s30+$0x200] =	vst v34  }
0x22b: {  	[tilespmem:s26+$0x200] =	vst v62  }
0x22c: {  	[tilespmem:s30+$0x280] =	vst v35  }
0x22d: {  	[tilespmem:s26+$0x280] =	vst v63  }
0x22e: {  	s13 =	sshll.u32 s14, $0x14;
	s16 =	simm.s32 $0x10;
	[tilespmem:s30+$0x300] =	vst v38  }
.LBB2_5:
0x22f: {  	[tilespmem:s26+$0x300] =	vst v42  }
0x230: {  	[tilespmem:s30+$0x380] =	vst v6  }
0x231: {  	[tilespmem:s26+$0x380] =	vst v41  }
0x232: {  	[tilespmem:s30+$0x400] =	vst v4  }
0x233: {  	[tilespmem:s26+$0x400] =	vst v40  }
0x234: {  	[tilespmem:s30+$0x480] =	vst v7  }
0x235: {  	[tilespmem:s26+$0x480] =	vst v39  }
0x236: {  	[tilespmem:s30+$0x500] =	vst v9  }
0x237: {  	[tilespmem:s26+$0x500] =	vst v37  }
0x238: {  	[tilespmem:s30+$0x580] =	vst v8  }
0x239: {  	[tilespmem:s26+$0x580] =	vst v36  }
0x23a: {  	[tilespmem:s30+$0x600] =	vst v5  }
0x23b: {  	[tilespmem:s26+$0x600] =	vst v32  }
0x23c: {  	[tilespmem:s30+$0x680] =	vst v3  }
0x23d: {  	[tilespmem:s26+$0x680] =	vst v28  }
0x23e: {  	[tilespmem:s30+$0x700] =	vst v2  }
0x23f: {  	[tilespmem:s26+$0x700] =	vst v24  }
0x240: {  	[tilespmem:s30+$0x780] =	vst v12  }
0x241: {  	s31 =	sadd.s32 $0x10, s31;
	[tilespmem:s26+$0x780] =	vst v20  }
0x242: {  	v1 =	vld [tilespmem:s31+$0x0]  }
0x243: {  	v3 =	vld [tilespmem:$0x1FFF0]  }
0x244: {  	s0 =	sadd.s32 $0x10, s0  }
0x245: {  	v0 =	vld [tilespmem:s0+$0x0]  }
0x246: {  	v2 =	vmov s16  }
0x247: {  	v2 =	vshll.u32 v2, $0x7;
	v1 =	vshll.u32 v1, $0x5  }
0x248: {  	v2 =	vor.u32 v3, v2;
	v1 =	vand.u32 $0x60, v1  }
0x249: {  	v1 =	vor.u32 v2, v1  }
0x24a: {  	v0 =	vshll.u32 v0, $0x5;
	v3 =	vor.u32 $0x1, v1  }
0x24b: {  	v0 =	vand.u32 $0x60, v0  }
0x24c: {  	v0 =	vor.u32 v2, v0  }
0x24d: {  	v4 =	vor.u32 $0x2, v1  }
0x24e: {  	v5 =	vor.u32 $0x3, v1  }
0x24f: {  	v35 =	vld.idx.msk [tilespmem:v3+s19+$0x0], $0xffff;
	v3 =	vor.u32 $0x6, v1  }
0x250: {  	v6 =	vor.u32 $0x4, v1;
	v38 =	vld.idx.msk [tilespmem:v1+s19+$0x0], $0xffff  }
0x251: {  	v7 =	vor.u32 $0x5, v1;
	v43 =	vld.idx.msk [tilespmem:v0+s10+$0x0], $0xffff  }
0x252: {  	v34 =	vld.idx.msk [tilespmem:v4+s19+$0x0], $0xffff;
	v4 =	vor.u32 $0x7, v1  }
0x253: {  	v28 =	vor.u32 $0x1E, v1;
	v33 =	vld.idx.msk [tilespmem:v5+s19+$0x0], $0xffff  }
0x254: {  	v29 =	vld.idx.msk [tilespmem:v3+s19+$0x0], $0xffff;
	v3 =	vor.u32 $0xB, v1  }
0x255: {  	v59 =	vor.u32 $0x4, v0;
	v31 =	vld.idx.msk [tilespmem:v6+s19+$0x0], $0xffff  }
0x256: {  	v60 =	vor.u32 $0x5, v0;
	v30 =	vld.idx.msk [tilespmem:v7+s19+$0x0], $0xffff  }
0x257: {  	v27 =	vld.idx.msk [tilespmem:v4+s19+$0x0], $0xffff;
	v4 =	vor.u32 $0xC, v1  }
0x258: {  	v61 =	vor.u32 $0x9, v0;
	v2 =	vld.idx.msk [tilespmem:v28+s19+$0x0], $0xffff  }
0x259: {  	v22 =	vld.idx.msk [tilespmem:v3+s19+$0x0], $0xffff;
	v3 =	vor.u32 $0x10, v1  }
0x25a: {  	v62 =	vor.u32 $0xA, v0;
	v47 =	vld.idx.msk [tilespmem:v59+s10+$0x0], $0xffff  }
0x25b: {  	v63 =	vor.u32 $0xE, v0;
	v48 =	vld.idx.msk [tilespmem:v60+s10+$0x0], $0xffff  }
0x25c: {  	v21 =	vld.idx.msk [tilespmem:v4+s19+$0x0], $0xffff;
	v4 =	vor.u32 $0x11, v1  }
0x25d: {  	v40 =	vor.u32 $0xF, v0;
	v52 =	vld.idx.msk [tilespmem:v61+s10+$0x0], $0xffff  }
0x25e: {  	v16 =	vld.idx.msk [tilespmem:v3+s19+$0x0], $0xffff;
	v3 =	vor.u32 $0x15, v1  }
0x25f: {  	v41 =	vor.u32 $0x13, v0;
	v53 =	vld.idx.msk [tilespmem:v62+s10+$0x0], $0xffff  }
0x260: {  	v42 =	vor.u32 $0x14, v0;
	v57 =	vld.idx.msk [tilespmem:v63+s10+$0x0], $0xffff  }
0x261: {  	v15 =	vld.idx.msk [tilespmem:v4+s19+$0x0], $0xffff;
	v4 =	vor.u32 $0x16, v1  }
0x262: {  	v32 =	vor.u32 $0x18, v0;
	v58 =	vld.idx.msk [tilespmem:v40+s10+$0x0], $0xffff  }
0x263: {  	v5 =	vor.u32 $0x8, v1;
	v3 =	vld.idx.msk [tilespmem:v3+s19+$0x0], $0xffff  }
0x264: {  	v6 =	vor.u32 $0x9, v1;
	v62 =	vld.idx.msk [tilespmem:v41+s10+$0x0], $0xffff  }
0x265: {  	v7 =	vor.u32 $0xA, v1;
	v63 =	vld.idx.msk [tilespmem:v42+s10+$0x0], $0xffff  }
0x266: {  	v8 =	vor.u32 $0x18, v1;
	v4 =	vld.idx.msk [tilespmem:v4+s19+$0x0], $0xffff  }
0x267: {  	v20 =	vor.u32 $0x1B, v1;
	v40 =	vld.idx.msk [tilespmem:v32+s10+$0x0], $0xffff  }
0x268: {  	v26 =	vld.idx.msk [tilespmem:v5+s19+$0x0], $0xffff;
	[tilespmem:$0x1FF60] =	vst v3;
	v3 =	vor.u32 $0x1A, v1  }
0x269: {  	v24 =	vor.u32 $0x1D, v1;
	v25 =	vld.idx.msk [tilespmem:v6+s19+$0x0], $0xffff  }
0x26a: {  	v28 =	vor.u32 $0x3, v0;
	v23 =	vld.idx.msk [tilespmem:v7+s19+$0x0], $0xffff  }
0x26b: {  	v5 =	vor.u32 $0xD, v1;
	[tilespmem:$0x1FF70] =	vst v4;
	v4 =	vld.idx.msk [tilespmem:v8+s19+$0x0], $0xffff  }
0x26c: {  	v6 =	vor.u32 $0xE, v1;
	v8 =	vld.idx.msk [tilespmem:v20+s19+$0x0], $0xffff  }
0x26d: {  	v20 =	vor.u32 $0x1, v0;
	v9 =	vld.idx.msk [tilespmem:v3+s19+$0x0], $0xffff  }
0x26e: {  	v3 =	vld.idx.msk [tilespmem:v24+s19+$0x0], $0xffff;
	v24 =	vor.u32 $0x2, v0  }
0x26f: {  	v7 =	vor.u32 $0xF, v1;
	v46 =	vld.idx.msk [tilespmem:v28+s10+$0x0], $0xffff  }
0x270: {  	v28 =	vor.u32 $0x8, v0;
	v19 =	vld.idx.msk [tilespmem:v5+s19+$0x0], $0xffff  }
0x271: {  	v5 =	vor.u32 $0x12, v1;
	v18 =	vld.idx.msk [tilespmem:v6+s19+$0x0], $0xffff  }
0x272: {  	v44 =	vld.idx.msk [tilespmem:v20+s10+$0x0], $0xffff;
	v20 =	vor.u32 $0x6, v0  }
0x273: {  	v45 =	vld.idx.msk [tilespmem:v24+s10+$0x0], $0xffff;
	v24 =	vor.u32 $0x7, v0  }
0x274: {  	v6 =	vor.u32 $0x13, v1;
	v17 =	vld.idx.msk [tilespmem:v7+s19+$0x0], $0xffff  }
0x275: {  	v51 =	vld.idx.msk [tilespmem:v28+s10+$0x0], $0xffff;
	v28 =	vor.u32 $0xD, v0  }
0x276: {  	v7 =	vor.u32 $0x14, v1;
	v14 =	vld.idx.msk [tilespmem:v5+s19+$0x0], $0xffff  }
0x277: {  	v49 =	vld.idx.msk [tilespmem:v20+s10+$0x0], $0xffff;
	v20 =	vor.u32 $0xB, v0  }
0x278: {  	v50 =	vld.idx.msk [tilespmem:v24+s10+$0x0], $0xffff;
	v24 =	vor.u32 $0xC, v0  }
0x279: {  	v36 =	vor.u32 $0x19, v0;
	v13 =	vld.idx.msk [tilespmem:v6+s19+$0x0], $0xffff  }
0x27a: {  	v56 =	vld.idx.msk [tilespmem:v28+s10+$0x0], $0xffff;
	v28 =	vor.u32 $0x12, v0  }
0x27b: {  	v5 =	vor.u32 $0x17, v1;
	v6 =	vld.idx.msk [tilespmem:v7+s19+$0x0], $0xffff  }
0x27c: {  	v54 =	vld.idx.msk [tilespmem:v20+s10+$0x0], $0xffff;
	v20 =	vor.u32 $0x10, v0  }
0x27d: {  	v55 =	vld.idx.msk [tilespmem:v24+s10+$0x0], $0xffff;
	v24 =	vor.u32 $0x11, v0  }
0x27e: {  	v39 =	vld.idx.msk [tilespmem:v36+s10+$0x0], $0xffff;
	v7 =	vor.u32 $0x19, v1  }
0x27f: {  	v61 =	vld.idx.msk [tilespmem:v28+s10+$0x0], $0xffff;
	v28 =	vor.u32 $0x17, v0  }
0x280: {  	[tilespmem:$0x1FF50] =	vst v6;
	v6 =	vld.idx.msk [tilespmem:v5+s19+$0x0], $0xffff;
	v5 =	vor.u32 $0x1C, v1;
	v1 =	vor.u32 $0x1F, v1  }
0x281: {  	v59 =	vld.idx.msk [tilespmem:v20+s10+$0x0], $0xffff;
	v20 =	vor.u32 $0x15, v0  }
0x282: {  	v60 =	vld.idx.msk [tilespmem:v24+s10+$0x0], $0xffff;
	v24 =	vor.u32 $0x16, v0  }
0x283: {  	v7 =	vld.idx.msk [tilespmem:v7+s19+$0x0], $0xffff  }
0x284: {  	v41 =	vld.idx.msk [tilespmem:v28+s10+$0x0], $0xffff;
	v28 =	vor.u32 $0x1C, v0  }
0x285: {  	v10 =	vor.u32 $0x1D, v0;
	v12 =	vld.idx.msk [tilespmem:v1+s19+$0x0], $0xffff  }
0x286: {  	v1 =	vld.idx.msk [tilespmem:v20+s10+$0x0], $0xffff;
	v20 =	vor.u32 $0x1A, v0  }
0x287: {  	v42 =	vld.idx.msk [tilespmem:v24+s10+$0x0], $0xffff;
	v24 =	vor.u32 $0x1B, v0  }
0x288: {  	v11 =	vor.u32 $0x1E, v0;
	v5 =	vld.idx.msk [tilespmem:v5+s19+$0x0], $0xffff  }
0x289: {  	v32 =	vld.idx.msk [tilespmem:v28+s10+$0x0], $0xffff;
	v0 =	vor.u32 $0x1F, v0  }
0x28a: {  	v28 =	vld.idx.msk [tilespmem:v10+s10+$0x0], $0xffff  }
0x28b: {  	v37 =	vld.idx.msk [tilespmem:v20+s10+$0x0], $0xffff  }
0x28c: {  	v36 =	vld.idx.msk [tilespmem:v24+s10+$0x0], $0xffff  }
0x28d: {  	s30 =	sadd.s32 $0x10, s30;
	v24 =	vld.idx.msk [tilespmem:v11+s10+$0x0], $0xffff  }
0x28e: {  	s26 =	sadd.s32 $0x10, s26;
	v20 =	vld.idx.msk [tilespmem:v0+s10+$0x0], $0xffff;
	[tilespmem:s30+$0xFFFFF800] =	vst v38  }
0x28f: {  	[tilespmem:s26+$0xFFFFF800] =	vst v43  }
0x290: {  	[tilespmem:s30+$0xFFFFF880] =	vst v35  }
0x291: {  	[tilespmem:s26+$0xFFFFF880] =	vst v44  }
0x292: {  	[tilespmem:s30+$0xFFFFF900] =	vst v34  }
0x293: {  	[tilespmem:s26+$0xFFFFF900] =	vst v45  }
0x294: {  	[tilespmem:s30+$0xFFFFF980] =	vst v33  }
0x295: {  	[tilespmem:s26+$0xFFFFF980] =	vst v46  }
0x296: {  	[tilespmem:s30+$0xFFFFFA00] =	vst v31  }
0x297: {  	[tilespmem:s26+$0xFFFFFA00] =	vst v47  }
0x298: {  	[tilespmem:s30+$0xFFFFFA80] =	vst v30  }
0x299: {  	[tilespmem:s26+$0xFFFFFA80] =	vst v48  }
0x29a: {  	[tilespmem:s30+$0xFFFFFB00] =	vst v29  }
0x29b: {  	[tilespmem:s26+$0xFFFFFB00] =	vst v49  }
0x29c: {  	[tilespmem:s30+$0xFFFFFB80] =	vst v27  }
0x29d: {  	[tilespmem:s26+$0xFFFFFB80] =	vst v50  }
0x29e: {  	[tilespmem:s30+$0xFFFFFC00] =	vst v26  }
0x29f: {  	[tilespmem:s26+$0xFFFFFC00] =	vst v51  }
0x2a0: {  	[tilespmem:s30+$0xFFFFFC80] =	vst v25  }
0x2a1: {  	[tilespmem:s26+$0xFFFFFC80] =	vst v52  }
0x2a2: {  	[tilespmem:s30+$0xFFFFFD00] =	vst v23  }
0x2a3: {  	[tilespmem:s26+$0xFFFFFD00] =	vst v53  }
0x2a4: {  	[tilespmem:s30+$0xFFFFFD80] =	vst v22  }
0x2a5: {  	[tilespmem:s26+$0xFFFFFD80] =	vst v54  }
0x2a6: {  	[tilespmem:s30+$0xFFFFFE00] =	vst v21  }
0x2a7: {  	[tilespmem:s26+$0xFFFFFE00] =	vst v55  }
0x2a8: {  	[tilespmem:s30+$0xFFFFFE80] =	vst v19  }
0x2a9: {  	[tilespmem:s26+$0xFFFFFE80] =	vst v56  }
0x2aa: {  	[tilespmem:s30+$0xFFFFFF00] =	vst v18  }
0x2ab: {  	[tilespmem:s26+$0xFFFFFF00] =	vst v57  }
0x2ac: {  	[tilespmem:s30+$0xFFFFFF80] =	vst v17  }
0x2ad: {  	[tilespmem:s26+$0xFFFFFF80] =	vst v58  }
0x2ae: {  	[tilespmem:s30+$0x0] =	vst v16  }
0x2af: {  	[tilespmem:s26+$0x0] =	vst v59  }
0x2b0: {  	[tilespmem:s30+$0x80] =	vst v15  }
0x2b1: {  	v0 =	vld [tilespmem:$0x1FF50];
	[tilespmem:s26+$0x80] =	vst v60  }
0x2b2: {  	[tilespmem:s30+$0x100] =	vst v14  }
0x2b3: {  	[tilespmem:s26+$0x100] =	vst v61  }
0x2b4: {  	[tilespmem:s30+$0x180] =	vst v13  }
0x2b5: {  	[tilespmem:s26+$0x180] =	vst v62  }
0x2b6: {  	[tilespmem:s30+$0x200] =	vst v0;
	v0 =	vld [tilespmem:$0x1FF60];
	_ =	sdelay $0x3  }
0x2b7: {  	[tilespmem:s26+$0x200] =	vst v63  }
0x2b8: {  	p0 =	sne.s32 s16, $0x70;
	[tilespmem:s30+$0x280] =	vst v0;
	v0 =	vld [tilespmem:$0x1FF70]  }
.Ltmp1:
0x2b9: {  	_ = 	snop;
	(pc) =	sbr.rel @p0 .LBB2_5-.Ltmp1, $3  }
0x2ba: {  	_ =	sdelay $0x1  }
0x2bb: {  	[tilespmem:s26+$0x280] =	vst v1  }
0x2bc: {  	s16 =	sadd.s32 $0x10, s16;
	[tilespmem:s30+$0x300] =	vst v0  }
0x2bd: {  	[tilespmem:s26+$0x300] =	vst v42  }
0x2be: {  	[tilespmem:s30+$0x380] =	vst v6  }
0x2bf: {  	[tilespmem:s26+$0x380] =	vst v41  }
0x2c0: {  	[tilespmem:s30+$0x400] =	vst v4  }
0x2c1: {  	[tilespmem:s26+$0x400] =	vst v40  }
0x2c2: {  	[tilespmem:s30+$0x480] =	vst v7  }
0x2c3: {  	[tilespmem:s26+$0x480] =	vst v39  }
0x2c4: {  	[tilespmem:s30+$0x500] =	vst v9  }
0x2c5: {  	[tilespmem:s26+$0x500] =	vst v37  }
0x2c6: {  	[tilespmem:s30+$0x580] =	vst v8  }
0x2c7: {  	[tilespmem:s26+$0x580] =	vst v36  }
0x2c8: {  	[tilespmem:s30+$0x600] =	vst v5  }
0x2c9: {  	[tilespmem:s26+$0x600] =	vst v32  }
0x2ca: {  	[tilespmem:s30+$0x680] =	vst v3  }
0x2cb: {  	[tilespmem:s26+$0x680] =	vst v28  }
0x2cc: {  	s0 =	rddreg [dreg:$0x9];
	[tilespmem:s30+$0x700] =	vst v2  }
0x2cd: {  	s0 =	sor.u32 s0, s13;
	[tilespmem:s26+$0x700] =	vst v24  }
0x2ce: {  	s0 =	sshrl.u32 s0, $0x3;
	[tilespmem:s30+$0x780] =	vst v12  }
0x2cf: {  	s16 =	sadd.s32 s1, s0;
	s0 =	sor.u32 $0x10000, s0;
	[tilespmem:s26+$0x780] =	vst v20;
	s26 =	simm.s32 $0x11600  }
0x2d0: {  	[hbm4b:s16+s24] =	stream.strided.scatter [tilespmem:s26], [sflag:$0x6], $0x1000, s18, s24, $0x38;
	[tilespmem:$0x14600] =	vst v63  }
0x2d1: {  	s0 =	sadd.s32 s1, s0;
	s26 =	simm.s32 $0x13600  }
0x2d2: {  	[hbm4b:s0+s24] =	stream.strided.scatter [tilespmem:s26], [sflag:$0x8], $0x1000, s18, s24, $0x38;
	[tilespmem:$0x14600] =	vst v63  }
0x2d3: {  	p0 =	seq.s32 s14, $0x31;
	s0 =	rddreg [dreg:$0x7]  }
0x2d4: {  	s0 =	sadd.s32 @!p0 s0, s15  }
0x2d5: {  	s0 =	sshrl.u32 @!p0 s0, $0x3  }
0x2d6: {  	s26 =	simm.s32 @!p0 $0x0;
	s16 =	sadd.s32 @!p0 s4, s0  }
0x2d7: {  	[tilespmem:s26], [sflag:$0x9] =	stream.linear.gather @!p0 [hbm4b:s16+s26], $0x80, $0x38;
	[tilespmem:$0x14600] =	vst v63  }
0x2d8: {  	s0 =	sadd.s32 @!p0 s5, s0;
	s16 =	simm.s32 @!p0 $0x200  }
0x2d9: {  	[tilespmem:s16], [sflag:$0xD] =	stream.linear.gather @!p0 [hbm4b:s0+s26], $0x80, $0x38;
	[tilespmem:$0x14600] =	vst v63  }
0x2da: {  	s16 =	simm.s32 $0xC  }
0x2db: {  	_ =	swait.ge [sflag:s16], $0x80  }
0x2dc: {  	[sflag:s16] =	ssyncset.done $0x0  }
0x2dd: {  	[sflag:s16] =	ssyncadd.s32 $0xFFFFFF80  }
0x2de: {  	_ =	swait.ge [sflag:s17], $0x80  }
0x2df: {  	[sflag:s17] =	ssyncset.done $0x0  }
0x2e0: {  	[sflag:s17] =	ssyncadd.s32 $0xFFFFFF80  }
0x2e1: {  	v0 =	vld [tilespmem:$0x180]  }
0x2e2: {  	v1 =	vld [tilespmem:$0x380]  }
0x2e3: {  	v2 =	vld [tilespmem:$0x190]  }
0x2e4: {  	v3 =	vld [tilespmem:$0x390]  }
0x2e5: {  	v4 =	vld [tilespmem:$0x1A0]  }
0x2e6: {  	v5 =	vld [tilespmem:$0x3A0];
	v0 =	vshrl.u32 v0, $0x2  }
0x2e7: {  	[tilespmem:$0x480] =	vst v0;
	v0 =	vshrl.u32 v1, $0x2;
	v1 =	vld [tilespmem:$0x1B0]  }
0x2e8: {  	[tilespmem:$0x580] =	vst v0;
	v0 =	vshrl.u32 v2, $0x2;
	v2 =	vld [tilespmem:$0x3B0]  }
0x2e9: {  	[tilespmem:$0x490] =	vst v0;
	v0 =	vshrl.u32 v3, $0x2;
	v3 =	vld [tilespmem:$0x1C0]  }
0x2ea: {  	[tilespmem:$0x590] =	vst v0;
	v0 =	vshrl.u32 v4, $0x2;
	v4 =	vld [tilespmem:$0x3C0]  }
0x2eb: {  	[tilespmem:$0x4A0] =	vst v0;
	v0 =	vshrl.u32 v5, $0x2;
	v5 =	vld [tilespmem:$0x1D0]  }
0x2ec: {  	[tilespmem:$0x5A0] =	vst v0;
	v0 =	vshrl.u32 v1, $0x2;
	v1 =	vld [tilespmem:$0x3D0]  }
0x2ed: {  	[tilespmem:$0x4B0] =	vst v0;
	v0 =	vshrl.u32 v2, $0x2;
	v2 =	vld [tilespmem:$0x1E0]  }
0x2ee: {  	[tilespmem:$0x5B0] =	vst v0;
	v0 =	vshrl.u32 v3, $0x2;
	v3 =	vld [tilespmem:$0x3E0]  }
0x2ef: {  	[tilespmem:$0x4C0] =	vst v0;
	v0 =	vshrl.u32 v4, $0x2;
	v4 =	vld [tilespmem:$0x1F0]  }
0x2f0: {  	[tilespmem:$0x5C0] =	vst v0;
	v0 =	vshrl.u32 v5, $0x2;
	v5 =	vld [tilespmem:$0x3F0]  }
0x2f1: {  	[tilespmem:$0x4D0] =	vst v0;
	v0 =	vshrl.u32 v1, $0x2  }
0x2f2: {  	[tilespmem:$0x5D0] =	vst v0;
	v0 =	vshrl.u32 v2, $0x2  }
0x2f3: {  	[tilespmem:$0x4E0] =	vst v0;
	v0 =	vshrl.u32 v3, $0x2  }
0x2f4: {  	[tilespmem:$0x5E0] =	vst v0;
	v0 =	vshrl.u32 v4, $0x2  }
0x2f5: {  	[tilespmem:$0x4F0] =	vst v0;
	v0 =	vshrl.u32 v5, $0x2  }
0x2f6: {  	s26 =	simm.s32 $0x480;
	[tilespmem:$0x5F0] =	vst v0  }
0x2f7: {  	[tilespmem:s19], [sflag:$0x2] =	stream.indirect.gather [hbm4b:s7+s20], $0x80, s26, s20, $0xb8;
	[tilespmem:$0x14600] =	vst v63  }
0x2f8: {  	s16 =	simm.s32 $0x580  }
0x2f9: {  	[tilespmem:s10], [sflag:$0x4] =	stream.indirect.gather [hbm4b:s8+s20], $0x80, s16, s20, $0xb8;
	[tilespmem:$0x14600] =	vst v63  }
0x2fa: {  	_ =	swait.ge [sflag:s11], $0x4000  }
0x2fb: {  	[sflag:s11] =	ssyncset.done $0x0  }
0x2fc: {  	[sflag:s11] =	ssyncadd.s32 $0xFFFFC000  }
0x2fd: {  	_ =	swait.ge [sflag:s12], $0x4000  }
0x2fe: {  	[sflag:s12] =	ssyncset.done $0x0  }
0x2ff: {  	[sflag:s12] =	ssyncadd.s32 $0xFFFFC000  }
0x300: {  	_ =	swait.ge [sflag:s2], $0x1000  }
0x301: {  	[sflag:s2] =	ssyncset.done $0x0  }
0x302: {  	[sflag:s2] =	ssyncadd.s32 $0xFFFFF000  }
0x303: {  	_ =	swait.ge [sflag:s9], $0x1000  }
0x304: {  	[sflag:s9] =	ssyncset.done $0x0  }
0x305: {  	s31 =	simm.s32 $0x100;
	[sflag:s9] =	ssyncadd.s32 $0xFFFFF000  }
0x306: {  	v0 =	vld [tilespmem:s31+$0x0]  }
0x307: {  	v2 =	vld [tilespmem:$0x1FFF0];
	_ =	sdelay $0x1  }
0x308: {  	s26 =	simm.s32 $0x0  }
0x309: {  	v1 =	vmov s26  }
0x30a: {  	s0 =	simm.s32 $0x300;
	v1 =	vshll.u32 v1, $0x7;
	v0 =	vshll.u32 v0, $0x5  }
0x30b: {  	v5 =	vld [tilespmem:s0+$0x0];
	v1 =	vor.u32 v2, v1;
	v0 =	vand.u32 $0x60, v0  }
0x30c: {  	v0 =	vor.u32 v1, v0  }
0x30d: {  	v3 =	vor.u32 $0x2, v0;
	_ =	sdelay $0x2  }
0x30e: {  	v5 =	vshll.u32 v5, $0x5  }
0x30f: {  	v5 =	vand.u32 $0x60, v5;
	v2 =	vor.u32 $0x1, v0  }
0x310: {  	v33 =	vor.u32 v1, v5;
	v3 =	vld.idx.msk [tilespmem:v3+s25+$0x0], $0xffff  }
0x311: {  	v4 =	vor.u32 $0x3, v0  }
0x312: {  	v6 =	vor.u32 $0x4, v0  }
0x313: {  	v7 =	vor.u32 $0x5, v0;
	v11 =	vld.idx.msk [tilespmem:v0+s25+$0x0], $0xffff  }
0x314: {  	v21 =	vor.u32 $0x1C, v0;
	v2 =	vld.idx.msk [tilespmem:v2+s25+$0x0], $0xffff  }
0x315: {  	v43 =	vld.idx.msk [tilespmem:v33+s28+$0x0], $0xffff;
	[tilespmem:$0x1FF40] =	vst v3;
	v3 =	vor.u32 $0x7, v0  }
0x316: {  	v61 =	vor.u32 $0x5, v33;
	v13 =	vld.idx.msk [tilespmem:v4+s25+$0x0], $0xffff  }
0x317: {  	v4 =	vor.u32 $0x8, v0;
	v14 =	vld.idx.msk [tilespmem:v6+s25+$0x0], $0xffff  }
0x318: {  	v38 =	vor.u32 $0x9, v33;
	v15 =	vld.idx.msk [tilespmem:v7+s25+$0x0], $0xffff  }
0x319: {  	v5 =	vld.idx.msk [tilespmem:v21+s25+$0x0], $0xffff;
	[tilespmem:$0x1FF30] =	vst v2;
	v2 =	vor.u32 $0x6, v0  }
0x31a: {  	v17 =	vld.idx.msk [tilespmem:v3+s25+$0x0], $0xffff;
	v3 =	vor.u32 $0xC, v0  }
0x31b: {  	v6 =	vor.u32 $0x9, v0;
	v47 =	vld.idx.msk [tilespmem:v61+s28+$0x0], $0xffff  }
0x31c: {  	v18 =	vld.idx.msk [tilespmem:v4+s25+$0x0], $0xffff;
	v4 =	vor.u32 $0xD, v0  }
0x31d: {  	v62 =	vor.u32 $0xA, v33;
	v51 =	vld.idx.msk [tilespmem:v38+s28+$0x0], $0xffff  }
0x31e: {  	v16 =	vld.idx.msk [tilespmem:v2+s25+$0x0], $0xffff;
	v2 =	vor.u32 $0xB, v0  }
0x31f: {  	v23 =	vld.idx.msk [tilespmem:v3+s25+$0x0], $0xffff;
	v3 =	vor.u32 $0x11, v0  }
0x320: {  	v19 =	vld.idx.msk [tilespmem:v6+s25+$0x0], $0xffff;
	v6 =	vor.u32 $0xE, v0  }
0x321: {  	v24 =	vld.idx.msk [tilespmem:v4+s25+$0x0], $0xffff;
	v4 =	vor.u32 $0x12, v0  }
0x322: {  	v63 =	vor.u32 $0xE, v33;
	v52 =	vld.idx.msk [tilespmem:v62+s28+$0x0], $0xffff  }
0x323: {  	v22 =	vld.idx.msk [tilespmem:v2+s25+$0x0], $0xffff;
	v2 =	vor.u32 $0x10, v0  }
0x324: {  	v30 =	vld.idx.msk [tilespmem:v3+s25+$0x0], $0xffff;
	v3 =	vor.u32 $0x16, v0  }
0x325: {  	v26 =	vld.idx.msk [tilespmem:v6+s25+$0x0], $0xffff;
	v6 =	vor.u32 $0x13, v0  }
0x326: {  	v31 =	vld.idx.msk [tilespmem:v4+s25+$0x0], $0xffff;
	v4 =	vor.u32 $0x17, v0  }
0x327: {  	v8 =	vor.u32 $0x18, v0;
	v56 =	vld.idx.msk [tilespmem:v63+s28+$0x0], $0xffff  }
0x328: {  	v28 =	vld.idx.msk [tilespmem:v2+s25+$0x0], $0xffff;
	v2 =	vor.u32 $0x15, v0  }
0x329: {  	v37 =	vld.idx.msk [tilespmem:v3+s25+$0x0], $0xffff;
	v3 =	vor.u32 $0x1B, v0  }
0x32a: {  	v25 =	vor.u32 $0x1D, v0;
	v32 =	vld.idx.msk [tilespmem:v6+s25+$0x0], $0xffff  }
0x32b: {  	v40 =	vor.u32 $0xF, v33;
	v6 =	vld.idx.msk [tilespmem:v4+s25+$0x0], $0xffff  }
0x32c: {  	v21 =	vor.u32 $0x1, v33;
	v4 =	vld.idx.msk [tilespmem:v8+s25+$0x0], $0xffff  }
0x32d: {  	v35 =	vld.idx.msk [tilespmem:v2+s25+$0x0], $0xffff;
	v2 =	vor.u32 $0x1A, v0  }
0x32e: {  	v29 =	vor.u32 $0x1E, v0;
	v8 =	vld.idx.msk [tilespmem:v3+s25+$0x0], $0xffff  }
0x32f: {  	v3 =	vld.idx.msk [tilespmem:v25+s25+$0x0], $0xffff;
	v25 =	vor.u32 $0x2, v33  }
0x330: {  	v7 =	vor.u32 $0xA, v0;
	v57 =	vld.idx.msk [tilespmem:v40+s28+$0x0], $0xffff  }
0x331: {  	v41 =	vor.u32 $0x13, v33;
	v44 =	vld.idx.msk [tilespmem:v21+s28+$0x0], $0xffff  }
0x332: {  	v21 =	vor.u32 $0x6, v33;
	v9 =	vld.idx.msk [tilespmem:v2+s25+$0x0], $0xffff  }
0x333: {  	v2 =	vld.idx.msk [tilespmem:v29+s25+$0x0], $0xffff;
	v29 =	vor.u32 $0x3, v33  }
0x334: {  	v45 =	vld.idx.msk [tilespmem:v25+s28+$0x0], $0xffff;
	v25 =	vor.u32 $0x7, v33  }
0x335: {  	v20 =	vld.idx.msk [tilespmem:v7+s25+$0x0], $0xffff;
	v7 =	vor.u32 $0xF, v0  }
0x336: {  	v42 =	vor.u32 $0x14, v33;
	v61 =	vld.idx.msk [tilespmem:v41+s28+$0x0], $0xffff  }
0x337: {  	v48 =	vld.idx.msk [tilespmem:v21+s28+$0x0], $0xffff;
	v21 =	vor.u32 $0xB, v33  }
0x338: {  	v46 =	vld.idx.msk [tilespmem:v29+s28+$0x0], $0xffff;
	v29 =	vor.u32 $0x8, v33  }
0x339: {  	v49 =	vld.idx.msk [tilespmem:v25+s28+$0x0], $0xffff;
	v25 =	vor.u32 $0xC, v33  }
0x33a: {  	v27 =	vld.idx.msk [tilespmem:v7+s25+$0x0], $0xffff;
	v7 =	vor.u32 $0x14, v0  }
0x33b: {  	v36 =	vor.u32 $0x19, v33;
	v62 =	vld.idx.msk [tilespmem:v42+s28+$0x0], $0xffff  }
0x33c: {  	v53 =	vld.idx.msk [tilespmem:v21+s28+$0x0], $0xffff;
	v21 =	vor.u32 $0x10, v33  }
0x33d: {  	v50 =	vld.idx.msk [tilespmem:v29+s28+$0x0], $0xffff;
	v29 =	vor.u32 $0xD, v33  }
0x33e: {  	v54 =	vld.idx.msk [tilespmem:v25+s28+$0x0], $0xffff;
	v25 =	vor.u32 $0x11, v33  }
0x33f: {  	v34 =	vld.idx.msk [tilespmem:v7+s25+$0x0], $0xffff;
	v7 =	vor.u32 $0x19, v0;
	v0 =	vor.u32 $0x1F, v0  }
0x340: {  	v38 =	vor.u32 $0x18, v33;
	v39 =	vld.idx.msk [tilespmem:v36+s28+$0x0], $0xffff  }
0x341: {  	v58 =	vld.idx.msk [tilespmem:v21+s28+$0x0], $0xffff;
	v21 =	vor.u32 $0x15, v33  }
0x342: {  	v55 =	vld.idx.msk [tilespmem:v29+s28+$0x0], $0xffff;
	v29 =	vor.u32 $0x12, v33  }
0x343: {  	v59 =	vld.idx.msk [tilespmem:v25+s28+$0x0], $0xffff;
	v25 =	vor.u32 $0x16, v33  }
0x344: {  	v12 =	vld.idx.msk [tilespmem:v0+s25+$0x0], $0xffff;
	v0 =	vor.u32 $0x4, v33  }
0x345: {  	v40 =	vld.idx.msk [tilespmem:v38+s28+$0x0], $0xffff  }
0x346: {  	v63 =	vld.idx.msk [tilespmem:v21+s28+$0x0], $0xffff;
	v21 =	vor.u32 $0x1A, v33  }
0x347: {  	v60 =	vld.idx.msk [tilespmem:v29+s28+$0x0], $0xffff;
	v29 =	vor.u32 $0x17, v33  }
0x348: {  	v42 =	vld.idx.msk [tilespmem:v25+s28+$0x0], $0xffff;
	v25 =	vor.u32 $0x1B, v33  }
0x349: {  	v10 =	vld.idx.msk [tilespmem:v0+s28+$0x0], $0xffff;
	v0 =	vor.u32 $0x1E, v33  }
0x34a: {  	v7 =	vld.idx.msk [tilespmem:v7+s25+$0x0], $0xffff  }
0x34b: {  	v38 =	vld.idx.msk [tilespmem:v21+s28+$0x0], $0xffff;
	v21 =	vor.u32 $0x1F, v33  }
0x34c: {  	v41 =	vld.idx.msk [tilespmem:v29+s28+$0x0], $0xffff;
	v29 =	vor.u32 $0x1C, v33  }
0x34d: {  	v1 =	vor.u32 $0x1D, v33;
	v36 =	vld.idx.msk [tilespmem:v25+s28+$0x0], $0xffff  }
0x34e: {  	v25 =	vld.idx.msk [tilespmem:v0+s28+$0x0], $0xffff  }
0x34f: {  	v0 =	vld [tilespmem:$0x1FF30]  }
0x350: {  	v21 =	vld.idx.msk [tilespmem:v21+s28+$0x0], $0xffff  }
0x351: {  	s26 =	simm.s32 $0x10E00;
	v33 =	vld.idx.msk [tilespmem:v29+s28+$0x0], $0xffff  }
0x352: {  	s30 =	simm.s32 $0x12E00;
	v29 =	vld.idx.msk [tilespmem:v1+s28+$0x0], $0xffff;
	[tilespmem:s26+$0xFFFFF800] =	vst v11  }
0x353: {  	[tilespmem:s30+$0xFFFFF800] =	vst v43  }
0x354: {  	[tilespmem:s26+$0xFFFFF880] =	vst v0;
	v0 =	vld [tilespmem:$0x1FF40];
	_ =	sdelay $0x3  }
0x355: {  	[tilespmem:s30+$0xFFFFF880] =	vst v44  }
0x356: {  	[tilespmem:s26+$0xFFFFF900] =	vst v0  }
0x357: {  	[tilespmem:s30+$0xFFFFF900] =	vst v45  }
0x358: {  	[tilespmem:s26+$0xFFFFF980] =	vst v13  }
0x359: {  	[tilespmem:s30+$0xFFFFF980] =	vst v46  }
0x35a: {  	[tilespmem:s26+$0xFFFFFA00] =	vst v14  }
0x35b: {  	[tilespmem:s30+$0xFFFFFA00] =	vst v10  }
0x35c: {  	[tilespmem:s26+$0xFFFFFA80] =	vst v15  }
0x35d: {  	[tilespmem:s30+$0xFFFFFA80] =	vst v47  }
0x35e: {  	[tilespmem:s26+$0xFFFFFB00] =	vst v16  }
0x35f: {  	[tilespmem:s30+$0xFFFFFB00] =	vst v48  }
0x360: {  	[tilespmem:s26+$0xFFFFFB80] =	vst v17  }
0x361: {  	[tilespmem:s30+$0xFFFFFB80] =	vst v49  }
0x362: {  	[tilespmem:s26+$0xFFFFFC00] =	vst v18  }
0x363: {  	[tilespmem:s30+$0xFFFFFC00] =	vst v50  }
0x364: {  	[tilespmem:s26+$0xFFFFFC80] =	vst v19  }
0x365: {  	[tilespmem:s30+$0xFFFFFC80] =	vst v51  }
0x366: {  	[tilespmem:s26+$0xFFFFFD00] =	vst v20  }
0x367: {  	[tilespmem:s30+$0xFFFFFD00] =	vst v52  }
0x368: {  	[tilespmem:s26+$0xFFFFFD80] =	vst v22  }
0x369: {  	[tilespmem:s30+$0xFFFFFD80] =	vst v53  }
0x36a: {  	[tilespmem:s26+$0xFFFFFE00] =	vst v23  }
0x36b: {  	[tilespmem:s30+$0xFFFFFE00] =	vst v54  }
0x36c: {  	[tilespmem:s26+$0xFFFFFE80] =	vst v24  }
0x36d: {  	[tilespmem:s30+$0xFFFFFE80] =	vst v55  }
0x36e: {  	[tilespmem:s26+$0xFFFFFF00] =	vst v26  }
0x36f: {  	[tilespmem:s30+$0xFFFFFF00] =	vst v56  }
0x370: {  	[tilespmem:s26+$0xFFFFFF80] =	vst v27  }
0x371: {  	[tilespmem:s30+$0xFFFFFF80] =	vst v57  }
0x372: {  	[tilespmem:s26+$0x0] =	vst v28  }
0x373: {  	[tilespmem:s30+$0x0] =	vst v58  }
0x374: {  	[tilespmem:s26+$0x80] =	vst v30  }
0x375: {  	[tilespmem:s30+$0x80] =	vst v59  }
0x376: {  	[tilespmem:s26+$0x100] =	vst v31  }
0x377: {  	[tilespmem:s30+$0x100] =	vst v60  }
0x378: {  	[tilespmem:s26+$0x180] =	vst v32  }
0x379: {  	[tilespmem:s30+$0x180] =	vst v61  }
0x37a: {  	[tilespmem:s26+$0x200] =	vst v34  }
0x37b: {  	[tilespmem:s30+$0x200] =	vst v62  }
0x37c: {  	[tilespmem:s26+$0x280] =	vst v35  }
0x37d: {  	[tilespmem:s30+$0x280] =	vst v63  }
0x37e: {  	s16 =	simm.s32 $0x10;
	[tilespmem:s26+$0x300] =	vst v37  }
.LBB2_7:
0x37f: {  	[tilespmem:s30+$0x300] =	vst v42  }
0x380: {  	[tilespmem:s26+$0x380] =	vst v6  }
0x381: {  	[tilespmem:s30+$0x380] =	vst v41  }
0x382: {  	[tilespmem:s26+$0x400] =	vst v4  }
0x383: {  	[tilespmem:s30+$0x400] =	vst v40  }
0x384: {  	[tilespmem:s26+$0x480] =	vst v7  }
0x385: {  	[tilespmem:s30+$0x480] =	vst v39  }
0x386: {  	[tilespmem:s26+$0x500] =	vst v9  }
0x387: {  	[tilespmem:s30+$0x500] =	vst v38  }
0x388: {  	[tilespmem:s26+$0x580] =	vst v8  }
0x389: {  	[tilespmem:s30+$0x580] =	vst v36  }
0x38a: {  	[tilespmem:s26+$0x600] =	vst v5  }
0x38b: {  	[tilespmem:s30+$0x600] =	vst v33  }
0x38c: {  	[tilespmem:s26+$0x680] =	vst v3  }
0x38d: {  	[tilespmem:s30+$0x680] =	vst v29  }
0x38e: {  	[tilespmem:s26+$0x700] =	vst v2  }
0x38f: {  	[tilespmem:s30+$0x700] =	vst v25  }
0x390: {  	[tilespmem:s26+$0x780] =	vst v12  }
0x391: {  	s31 =	sadd.s32 $0x10, s31;
	[tilespmem:s30+$0x780] =	vst v21  }
0x392: {  	v1 =	vld [tilespmem:s31+$0x0]  }
0x393: {  	v3 =	vld [tilespmem:$0x1FFF0]  }
0x394: {  	s0 =	sadd.s32 $0x10, s0  }
0x395: {  	v0 =	vld [tilespmem:s0+$0x0]  }
0x396: {  	v2 =	vmov s16  }
0x397: {  	v2 =	vshll.u32 v2, $0x7;
	v1 =	vshll.u32 v1, $0x5  }
0x398: {  	v2 =	vor.u32 v3, v2;
	v1 =	vand.u32 $0x60, v1  }
0x399: {  	v1 =	vor.u32 v2, v1  }
0x39a: {  	v0 =	vshll.u32 v0, $0x5;
	v3 =	vor.u32 $0x1, v1  }
0x39b: {  	v0 =	vand.u32 $0x60, v0  }
0x39c: {  	v0 =	vor.u32 v2, v0  }
0x39d: {  	v4 =	vor.u32 $0x2, v1  }
0x39e: {  	v5 =	vor.u32 $0x3, v1  }
0x39f: {  	v35 =	vld.idx.msk [tilespmem:v3+s25+$0x0], $0xffff;
	v3 =	vor.u32 $0x6, v1  }
0x3a0: {  	v6 =	vor.u32 $0x4, v1;
	v37 =	vld.idx.msk [tilespmem:v1+s25+$0x0], $0xffff  }
0x3a1: {  	v7 =	vor.u32 $0x5, v1;
	v43 =	vld.idx.msk [tilespmem:v0+s28+$0x0], $0xffff  }
0x3a2: {  	v34 =	vld.idx.msk [tilespmem:v4+s25+$0x0], $0xffff;
	v4 =	vor.u32 $0x7, v1  }
0x3a3: {  	v29 =	vor.u32 $0x1E, v1;
	v32 =	vld.idx.msk [tilespmem:v5+s25+$0x0], $0xffff  }
0x3a4: {  	v28 =	vld.idx.msk [tilespmem:v3+s25+$0x0], $0xffff;
	v3 =	vor.u32 $0xB, v1  }
0x3a5: {  	v59 =	vor.u32 $0x4, v0;
	v31 =	vld.idx.msk [tilespmem:v6+s25+$0x0], $0xffff  }
0x3a6: {  	v60 =	vor.u32 $0x5, v0;
	v30 =	vld.idx.msk [tilespmem:v7+s25+$0x0], $0xffff  }
0x3a7: {  	v27 =	vld.idx.msk [tilespmem:v4+s25+$0x0], $0xffff;
	v4 =	vor.u32 $0xC, v1  }
0x3a8: {  	v61 =	vor.u32 $0x9, v0;
	v2 =	vld.idx.msk [tilespmem:v29+s25+$0x0], $0xffff  }
0x3a9: {  	v22 =	vld.idx.msk [tilespmem:v3+s25+$0x0], $0xffff;
	v3 =	vor.u32 $0x10, v1  }
0x3aa: {  	v62 =	vor.u32 $0xA, v0;
	v47 =	vld.idx.msk [tilespmem:v59+s28+$0x0], $0xffff  }
0x3ab: {  	v63 =	vor.u32 $0xE, v0;
	v48 =	vld.idx.msk [tilespmem:v60+s28+$0x0], $0xffff  }
0x3ac: {  	v20 =	vld.idx.msk [tilespmem:v4+s25+$0x0], $0xffff;
	v4 =	vor.u32 $0x11, v1  }
0x3ad: {  	v40 =	vor.u32 $0xF, v0;
	v52 =	vld.idx.msk [tilespmem:v61+s28+$0x0], $0xffff  }
0x3ae: {  	v16 =	vld.idx.msk [tilespmem:v3+s25+$0x0], $0xffff;
	v3 =	vor.u32 $0x15, v1  }
0x3af: {  	v41 =	vor.u32 $0x13, v0;
	v53 =	vld.idx.msk [tilespmem:v62+s28+$0x0], $0xffff  }
0x3b0: {  	v42 =	vor.u32 $0x14, v0;
	v57 =	vld.idx.msk [tilespmem:v63+s28+$0x0], $0xffff  }
0x3b1: {  	v15 =	vld.idx.msk [tilespmem:v4+s25+$0x0], $0xffff;
	v4 =	vor.u32 $0x16, v1  }
0x3b2: {  	v33 =	vor.u32 $0x18, v0;
	v58 =	vld.idx.msk [tilespmem:v40+s28+$0x0], $0xffff  }
0x3b3: {  	v5 =	vor.u32 $0x8, v1;
	v3 =	vld.idx.msk [tilespmem:v3+s25+$0x0], $0xffff  }
0x3b4: {  	v6 =	vor.u32 $0x9, v1;
	v62 =	vld.idx.msk [tilespmem:v41+s28+$0x0], $0xffff  }
0x3b5: {  	v7 =	vor.u32 $0xA, v1;
	v63 =	vld.idx.msk [tilespmem:v42+s28+$0x0], $0xffff  }
0x3b6: {  	v8 =	vor.u32 $0x18, v1;
	v4 =	vld.idx.msk [tilespmem:v4+s25+$0x0], $0xffff  }
0x3b7: {  	v21 =	vor.u32 $0x1B, v1;
	v40 =	vld.idx.msk [tilespmem:v33+s28+$0x0], $0xffff  }
0x3b8: {  	v26 =	vld.idx.msk [tilespmem:v5+s25+$0x0], $0xffff;
	[tilespmem:$0x1FF10] =	vst v3;
	v3 =	vor.u32 $0x1A, v1  }
0x3b9: {  	v25 =	vor.u32 $0x1D, v1;
	v24 =	vld.idx.msk [tilespmem:v6+s25+$0x0], $0xffff  }
0x3ba: {  	v29 =	vor.u32 $0x3, v0;
	v23 =	vld.idx.msk [tilespmem:v7+s25+$0x0], $0xffff  }
0x3bb: {  	v5 =	vor.u32 $0xD, v1;
	[tilespmem:$0x1FF20] =	vst v4;
	v4 =	vld.idx.msk [tilespmem:v8+s25+$0x0], $0xffff  }
0x3bc: {  	v6 =	vor.u32 $0xE, v1;
	v8 =	vld.idx.msk [tilespmem:v21+s25+$0x0], $0xffff  }
0x3bd: {  	v21 =	vor.u32 $0x1, v0;
	v9 =	vld.idx.msk [tilespmem:v3+s25+$0x0], $0xffff  }
0x3be: {  	v3 =	vld.idx.msk [tilespmem:v25+s25+$0x0], $0xffff;
	v25 =	vor.u32 $0x2, v0  }
0x3bf: {  	v7 =	vor.u32 $0xF, v1;
	v46 =	vld.idx.msk [tilespmem:v29+s28+$0x0], $0xffff  }
0x3c0: {  	v29 =	vor.u32 $0x8, v0;
	v19 =	vld.idx.msk [tilespmem:v5+s25+$0x0], $0xffff  }
0x3c1: {  	v5 =	vor.u32 $0x12, v1;
	v18 =	vld.idx.msk [tilespmem:v6+s25+$0x0], $0xffff  }
0x3c2: {  	v44 =	vld.idx.msk [tilespmem:v21+s28+$0x0], $0xffff;
	v21 =	vor.u32 $0x6, v0  }
0x3c3: {  	v45 =	vld.idx.msk [tilespmem:v25+s28+$0x0], $0xffff;
	v25 =	vor.u32 $0x7, v0  }
0x3c4: {  	v6 =	vor.u32 $0x13, v1;
	v17 =	vld.idx.msk [tilespmem:v7+s25+$0x0], $0xffff  }
0x3c5: {  	v51 =	vld.idx.msk [tilespmem:v29+s28+$0x0], $0xffff;
	v29 =	vor.u32 $0xD, v0  }
0x3c6: {  	v7 =	vor.u32 $0x14, v1;
	v14 =	vld.idx.msk [tilespmem:v5+s25+$0x0], $0xffff  }
0x3c7: {  	v49 =	vld.idx.msk [tilespmem:v21+s28+$0x0], $0xffff;
	v21 =	vor.u32 $0xB, v0  }
0x3c8: {  	v50 =	vld.idx.msk [tilespmem:v25+s28+$0x0], $0xffff;
	v25 =	vor.u32 $0xC, v0  }
0x3c9: {  	v36 =	vor.u32 $0x19, v0;
	v13 =	vld.idx.msk [tilespmem:v6+s25+$0x0], $0xffff  }
0x3ca: {  	v56 =	vld.idx.msk [tilespmem:v29+s28+$0x0], $0xffff;
	v29 =	vor.u32 $0x12, v0  }
0x3cb: {  	v5 =	vor.u32 $0x17, v1;
	v6 =	vld.idx.msk [tilespmem:v7+s25+$0x0], $0xffff  }
0x3cc: {  	v54 =	vld.idx.msk [tilespmem:v21+s28+$0x0], $0xffff;
	v21 =	vor.u32 $0x10, v0  }
0x3cd: {  	v55 =	vld.idx.msk [tilespmem:v25+s28+$0x0], $0xffff;
	v25 =	vor.u32 $0x11, v0  }
0x3ce: {  	v39 =	vld.idx.msk [tilespmem:v36+s28+$0x0], $0xffff;
	v7 =	vor.u32 $0x19, v1  }
0x3cf: {  	v61 =	vld.idx.msk [tilespmem:v29+s28+$0x0], $0xffff;
	v29 =	vor.u32 $0x17, v0  }
0x3d0: {  	[tilespmem:$0x1FF00] =	vst v6;
	v6 =	vld.idx.msk [tilespmem:v5+s25+$0x0], $0xffff;
	v5 =	vor.u32 $0x1C, v1;
	v1 =	vor.u32 $0x1F, v1  }
0x3d1: {  	v59 =	vld.idx.msk [tilespmem:v21+s28+$0x0], $0xffff;
	v21 =	vor.u32 $0x15, v0  }
0x3d2: {  	v60 =	vld.idx.msk [tilespmem:v25+s28+$0x0], $0xffff;
	v25 =	vor.u32 $0x16, v0  }
0x3d3: {  	v7 =	vld.idx.msk [tilespmem:v7+s25+$0x0], $0xffff  }
0x3d4: {  	v41 =	vld.idx.msk [tilespmem:v29+s28+$0x0], $0xffff;
	v29 =	vor.u32 $0x1C, v0  }
0x3d5: {  	v10 =	vor.u32 $0x1D, v0;
	v12 =	vld.idx.msk [tilespmem:v1+s25+$0x0], $0xffff  }
0x3d6: {  	v1 =	vld.idx.msk [tilespmem:v21+s28+$0x0], $0xffff;
	v21 =	vor.u32 $0x1A, v0  }
0x3d7: {  	v42 =	vld.idx.msk [tilespmem:v25+s28+$0x0], $0xffff;
	v25 =	vor.u32 $0x1B, v0  }
0x3d8: {  	v11 =	vor.u32 $0x1E, v0;
	v5 =	vld.idx.msk [tilespmem:v5+s25+$0x0], $0xffff  }
0x3d9: {  	v33 =	vld.idx.msk [tilespmem:v29+s28+$0x0], $0xffff;
	v0 =	vor.u32 $0x1F, v0  }
0x3da: {  	v29 =	vld.idx.msk [tilespmem:v10+s28+$0x0], $0xffff  }
0x3db: {  	v38 =	vld.idx.msk [tilespmem:v21+s28+$0x0], $0xffff  }
0x3dc: {  	v36 =	vld.idx.msk [tilespmem:v25+s28+$0x0], $0xffff  }
0x3dd: {  	s26 =	sadd.s32 $0x10, s26;
	v25 =	vld.idx.msk [tilespmem:v11+s28+$0x0], $0xffff  }
0x3de: {  	s30 =	sadd.s32 $0x10, s30;
	v21 =	vld.idx.msk [tilespmem:v0+s28+$0x0], $0xffff;
	[tilespmem:s26+$0xFFFFF800] =	vst v37  }
0x3df: {  	[tilespmem:s30+$0xFFFFF800] =	vst v43  }
0x3e0: {  	[tilespmem:s26+$0xFFFFF880] =	vst v35  }
0x3e1: {  	[tilespmem:s30+$0xFFFFF880] =	vst v44  }
0x3e2: {  	[tilespmem:s26+$0xFFFFF900] =	vst v34  }
0x3e3: {  	[tilespmem:s30+$0xFFFFF900] =	vst v45  }
0x3e4: {  	[tilespmem:s26+$0xFFFFF980] =	vst v32  }
0x3e5: {  	[tilespmem:s30+$0xFFFFF980] =	vst v46  }
0x3e6: {  	[tilespmem:s26+$0xFFFFFA00] =	vst v31  }
0x3e7: {  	[tilespmem:s30+$0xFFFFFA00] =	vst v47  }
0x3e8: {  	[tilespmem:s26+$0xFFFFFA80] =	vst v30  }
0x3e9: {  	[tilespmem:s30+$0xFFFFFA80] =	vst v48  }
0x3ea: {  	[tilespmem:s26+$0xFFFFFB00] =	vst v28  }
0x3eb: {  	[tilespmem:s30+$0xFFFFFB00] =	vst v49  }
0x3ec: {  	[tilespmem:s26+$0xFFFFFB80] =	vst v27  }
0x3ed: {  	[tilespmem:s30+$0xFFFFFB80] =	vst v50  }
0x3ee: {  	[tilespmem:s26+$0xFFFFFC00] =	vst v26  }
0x3ef: {  	[tilespmem:s30+$0xFFFFFC00] =	vst v51  }
0x3f0: {  	[tilespmem:s26+$0xFFFFFC80] =	vst v24  }
0x3f1: {  	[tilespmem:s30+$0xFFFFFC80] =	vst v52  }
0x3f2: {  	[tilespmem:s26+$0xFFFFFD00] =	vst v23  }
0x3f3: {  	[tilespmem:s30+$0xFFFFFD00] =	vst v53  }
0x3f4: {  	[tilespmem:s26+$0xFFFFFD80] =	vst v22  }
0x3f5: {  	[tilespmem:s30+$0xFFFFFD80] =	vst v54  }
0x3f6: {  	[tilespmem:s26+$0xFFFFFE00] =	vst v20  }
0x3f7: {  	[tilespmem:s30+$0xFFFFFE00] =	vst v55  }
0x3f8: {  	[tilespmem:s26+$0xFFFFFE80] =	vst v19  }
0x3f9: {  	[tilespmem:s30+$0xFFFFFE80] =	vst v56  }
0x3fa: {  	[tilespmem:s26+$0xFFFFFF00] =	vst v18  }
0x3fb: {  	[tilespmem:s30+$0xFFFFFF00] =	vst v57  }
0x3fc: {  	[tilespmem:s26+$0xFFFFFF80] =	vst v17  }
0x3fd: {  	[tilespmem:s30+$0xFFFFFF80] =	vst v58  }
0x3fe: {  	[tilespmem:s26+$0x0] =	vst v16  }
0x3ff: {  	[tilespmem:s30+$0x0] =	vst v59  }
0x400: {  	[tilespmem:s26+$0x80] =	vst v15  }
0x401: {  	v0 =	vld [tilespmem:$0x1FF00];
	[tilespmem:s30+$0x80] =	vst v60  }
0x402: {  	[tilespmem:s26+$0x100] =	vst v14  }
0x403: {  	[tilespmem:s30+$0x100] =	vst v61  }
0x404: {  	[tilespmem:s26+$0x180] =	vst v13  }
0x405: {  	[tilespmem:s30+$0x180] =	vst v62  }
0x406: {  	[tilespmem:s26+$0x200] =	vst v0;
	v0 =	vld [tilespmem:$0x1FF10];
	_ =	sdelay $0x3  }
0x407: {  	[tilespmem:s30+$0x200] =	vst v63  }
0x408: {  	p1 =	sne.s32 s16, $0x70;
	[tilespmem:s26+$0x280] =	vst v0;
	v0 =	vld [tilespmem:$0x1FF20]  }
.Ltmp2:
0x409: {  	_ = 	snop;
	(pc) =	sbr.rel @p1 .LBB2_7-.Ltmp2, $3  }
0x40a: {  	_ =	sdelay $0x1  }
0x40b: {  	[tilespmem:s30+$0x280] =	vst v1  }
0x40c: {  	s16 =	sadd.s32 $0x10, s16;
	[tilespmem:s26+$0x300] =	vst v0  }
0x40d: {  	[tilespmem:s30+$0x300] =	vst v42  }
0x40e: {  	[tilespmem:s26+$0x380] =	vst v6  }
0x40f: {  	[tilespmem:s30+$0x380] =	vst v41  }
0x410: {  	[tilespmem:s26+$0x400] =	vst v4  }
0x411: {  	[tilespmem:s30+$0x400] =	vst v40  }
0x412: {  	[tilespmem:s26+$0x480] =	vst v7  }
0x413: {  	[tilespmem:s30+$0x480] =	vst v39  }
0x414: {  	[tilespmem:s26+$0x500] =	vst v9  }
0x415: {  	[tilespmem:s30+$0x500] =	vst v38  }
0x416: {  	[tilespmem:s26+$0x580] =	vst v8  }
0x417: {  	[tilespmem:s30+$0x580] =	vst v36  }
0x418: {  	[tilespmem:s26+$0x600] =	vst v5  }
0x419: {  	[tilespmem:s30+$0x600] =	vst v33  }
0x41a: {  	[tilespmem:s26+$0x680] =	vst v3  }
0x41b: {  	[tilespmem:s30+$0x680] =	vst v29  }
0x41c: {  	s0 =	rddreg [dreg:$0xa];
	[tilespmem:s26+$0x700] =	vst v2  }
0x41d: {  	s0 =	sor.u32 s0, s13;
	[tilespmem:s30+$0x700] =	vst v25  }
.Ltmp3:
0x41e: {  	s0 =	sshrl.u32 s0, $0x3;
	[tilespmem:s26+$0x780] =	vst v12;
	(pc) =	sbr.rel @p0 .LBB2_10-.Ltmp3, $4  }
0x41f: {  	s16 =	sadd.s32 s1, s0;
	s0 =	sor.u32 $0x10000, s0;
	[tilespmem:s30+$0x780] =	vst v21;
	s30 =	simm.s32 $0x10600  }
0x420: {  	[hbm4b:s16+s24] =	stream.strided.scatter [tilespmem:s30], [sflag:$0x5], $0x1000, s18, s24, $0x38;
	[tilespmem:$0x14600] =	vst v63  }
0x421: {  	s31 =	simm.s32 $0x12600;
	s0 =	sadd.s32 s1, s0  }
0x422: {  	[hbm4b:s0+s24] =	stream.strided.scatter [tilespmem:s31], [sflag:$0x7], $0x1000, s18, s24, $0x38;
	[tilespmem:$0x14600] =	vst v63  }
0x423: {  	s0 =	rddreg [dreg:$0x7]  }
0x424: {  	s0 =	sadd.s32 s0, s15  }
0x425: {  	s0 =	sshrl.u32 s0, $0x3  }
0x426: {  	s0 =	sor.u32 $0x10, s0  }
0x427: {  	s31 =	sadd.s32 s4, s0  }
0x428: {  	[tilespmem:s20], [sflag:$0xA] =	stream.linear.gather [hbm4b:s31+s3], $0x80, $0x38;
	[tilespmem:$0x14600] =	vst v63  }
0x429: {  	s16 =	simm.s32 $0x280;
	s26 =	simm.s32 $0x9;
	s0 =	sadd.s32 s5, s0  }
0x42a: {  	[tilespmem:s16], [sflag:$0xE] =	stream.linear.gather [hbm4b:s0+s3], $0x80, $0x38;
	[tilespmem:$0x14600] =	vst v63  }
0x42b: {  	_ =	swait.ge [sflag:s26], $0x80  }
0x42c: {  	[sflag:s26] =	ssyncset.done $0x0  }
0x42d: {  	s30 =	simm.s32 $0xD;
	[sflag:s26] =	ssyncadd.s32 $0xFFFFFF80  }
0x42e: {  	_ =	swait.ge [sflag:s30], $0x80  }
0x42f: {  	[sflag:s30] =	ssyncset.done $0x0  }
0x430: {  	[sflag:s30] =	ssyncadd.s32 $0xFFFFFF80  }
0x431: {  	v0 =	vld [tilespmem:$0x0]  }
0x432: {  	v1 =	vld [tilespmem:$0x200]  }
0x433: {  	v2 =	vld [tilespmem:$0x10]  }
0x434: {  	v3 =	vld [tilespmem:$0x210]  }
0x435: {  	v4 =	vld [tilespmem:$0x20]  }
0x436: {  	v5 =	vld [tilespmem:$0x220];
	v0 =	vshrl.u32 v0, $0x2  }
0x437: {  	v40 =	vld [tilespmem:$0x30];
	v39 =	vshrl.u32 v1, $0x2;
	[tilespmem:$0x400] =	vst v0  }
0x438: {  	v42 =	vld [tilespmem:$0x230];
	v41 =	vshrl.u32 v2, $0x2;
	[tilespmem:$0x500] =	vst v39  }
0x439: {  	v44 =	vld [tilespmem:$0x40];
	v43 =	vshrl.u32 v3, $0x2;
	[tilespmem:$0x410] =	vst v41  }
0x43a: {  	v46 =	vld [tilespmem:$0x240];
	v45 =	vshrl.u32 v4, $0x2;
	[tilespmem:$0x510] =	vst v43  }
0x43b: {  	v48 =	vld [tilespmem:$0x50];
	v47 =	vshrl.u32 v5, $0x2;
	[tilespmem:$0x420] =	vst v45  }
0x43c: {  	v50 =	vld [tilespmem:$0x250];
	v49 =	vshrl.u32 v40, $0x2;
	[tilespmem:$0x520] =	vst v47  }
0x43d: {  	v52 =	vld [tilespmem:$0x60];
	v51 =	vshrl.u32 v42, $0x2;
	[tilespmem:$0x430] =	vst v49  }
0x43e: {  	v54 =	vld [tilespmem:$0x260];
	v53 =	vshrl.u32 v44, $0x2;
	[tilespmem:$0x530] =	vst v51  }
0x43f: {  	v56 =	vld [tilespmem:$0x70];
	v55 =	vshrl.u32 v46, $0x2;
	[tilespmem:$0x440] =	vst v53  }
0x440: {  	v58 =	vld [tilespmem:$0x270];
	v57 =	vshrl.u32 v48, $0x2;
	[tilespmem:$0x540] =	vst v55  }
0x441: {  	v59 =	vshrl.u32 v50, $0x2;
	[tilespmem:$0x450] =	vst v57  }
0x442: {  	v60 =	vshrl.u32 v52, $0x2;
	[tilespmem:$0x550] =	vst v59  }
0x443: {  	v61 =	vshrl.u32 v54, $0x2;
	[tilespmem:$0x460] =	vst v60  }
0x444: {  	v62 =	vshrl.u32 v56, $0x2;
	[tilespmem:$0x560] =	vst v61  }
0x445: {  	v63 =	vshrl.u32 v58, $0x2;
	[tilespmem:$0x470] =	vst v62  }
0x446: {  	[tilespmem:$0x570] =	vst v63  }
0x447: {  	[tilespmem:s25], [sflag:$0x1] =	stream.indirect.gather [hbm4b:s7+s20], $0x80, s24, s20, $0xb8;
	[tilespmem:$0x14600] =	vst v63  }
0x448: {  	s31 =	simm.s32 $0x500  }
0x449: {  	[tilespmem:s28], [sflag:$0x3] =	stream.indirect.gather [hbm4b:s8+s20], $0x80, s31, s20, $0xb8;
	[tilespmem:$0x14600] =	vst v63  }
.LBB2_10:
0x44a: {  	_ =	swait.ge [sflag:s22], $0x4000  }
0x44b: {  	[sflag:s22] =	ssyncset.done $0x0  }
0x44c: {  	[sflag:s22] =	ssyncadd.s32 $0xFFFFC000  }
0x44d: {  	_ =	swait.ge [sflag:s23], $0x4000  }
0x44e: {  	[sflag:s23] =	ssyncset.done $0x0  }
0x44f: {  	[sflag:s23] =	ssyncadd.s32 $0xFFFFC000  }
0x450: {  	_ =	swait.ge [sflag:s21], $0x1000  }
0x451: {  	[sflag:s21] =	ssyncset.done $0x0  }
0x452: {  	[sflag:s21] =	ssyncadd.s32 $0xFFFFF000  }
0x453: {  	_ =	swait.ge [sflag:s29], $0x1000  }
0x454: {  	[sflag:s29] =	ssyncset.done $0x0  }
0x455: {  	s15 =	simm.s32 $0x180;
	[sflag:s29] =	ssyncadd.s32 $0xFFFFF000  }
0x456: {  	v0 =	vld [tilespmem:s15+$0x0]  }
0x457: {  	v2 =	vld [tilespmem:$0x1FFF0];
	_ =	sdelay $0x1  }
0x458: {  	s0 =	simm.s32 $0x0  }
0x459: {  	v1 =	vmov s0  }
0x45a: {  	s0 =	simm.s32 $0x380;
	v1 =	vshll.u32 v1, $0x7;
	v0 =	vshll.u32 v0, $0x5  }
0x45b: {  	v5 =	vld [tilespmem:s0+$0x0];
	v1 =	vor.u32 v2, v1;
	v0 =	vand.u32 $0x60, v0  }
0x45c: {  	v0 =	vor.u32 v1, v0  }
0x45d: {  	v3 =	vor.u32 $0x2, v0;
	_ =	sdelay $0x2  }
0x45e: {  	v5 =	vshll.u32 v5, $0x5  }
0x45f: {  	v5 =	vand.u32 $0x60, v5;
	v2 =	vor.u32 $0x1, v0  }
0x460: {  	v33 =	vor.u32 v1, v5;
	v3 =	vld.idx.msk [tilespmem:v3+s19+$0x0], $0xffff  }
0x461: {  	v4 =	vor.u32 $0x3, v0  }
0x462: {  	v6 =	vor.u32 $0x4, v0  }
0x463: {  	v7 =	vor.u32 $0x5, v0;
	v11 =	vld.idx.msk [tilespmem:v0+s19+$0x0], $0xffff  }
0x464: {  	v21 =	vor.u32 $0x1C, v0;
	v2 =	vld.idx.msk [tilespmem:v2+s19+$0x0], $0xffff  }
0x465: {  	v43 =	vld.idx.msk [tilespmem:v33+s10+$0x0], $0xffff;
	[tilespmem:$0x1FEF0] =	vst v3;
	v3 =	vor.u32 $0x7, v0  }
0x466: {  	v36 =	vor.u32 $0x5, v33;
	v13 =	vld.idx.msk [tilespmem:v4+s19+$0x0], $0xffff  }
0x467: {  	v4 =	vor.u32 $0x8, v0;
	v14 =	vld.idx.msk [tilespmem:v6+s19+$0x0], $0xffff  }
0x468: {  	v38 =	vor.u32 $0x9, v33;
	v15 =	vld.idx.msk [tilespmem:v7+s19+$0x0], $0xffff  }
0x469: {  	v5 =	vld.idx.msk [tilespmem:v21+s19+$0x0], $0xffff;
	[tilespmem:$0x1FEE0] =	vst v2;
	v2 =	vor.u32 $0x6, v0  }
0x46a: {  	v17 =	vld.idx.msk [tilespmem:v3+s19+$0x0], $0xffff;
	v3 =	vor.u32 $0xC, v0  }
0x46b: {  	v6 =	vor.u32 $0x9, v0;
	v47 =	vld.idx.msk [tilespmem:v36+s10+$0x0], $0xffff  }
0x46c: {  	v18 =	vld.idx.msk [tilespmem:v4+s19+$0x0], $0xffff;
	v4 =	vor.u32 $0xD, v0  }
0x46d: {  	v62 =	vor.u32 $0xA, v33;
	v51 =	vld.idx.msk [tilespmem:v38+s10+$0x0], $0xffff  }
0x46e: {  	v16 =	vld.idx.msk [tilespmem:v2+s19+$0x0], $0xffff;
	v2 =	vor.u32 $0xB, v0  }
0x46f: {  	v23 =	vld.idx.msk [tilespmem:v3+s19+$0x0], $0xffff;
	v3 =	vor.u32 $0x11, v0  }
0x470: {  	v19 =	vld.idx.msk [tilespmem:v6+s19+$0x0], $0xffff;
	v6 =	vor.u32 $0xE, v0  }
0x471: {  	v24 =	vld.idx.msk [tilespmem:v4+s19+$0x0], $0xffff;
	v4 =	vor.u32 $0x12, v0  }
0x472: {  	v63 =	vor.u32 $0xE, v33;
	v52 =	vld.idx.msk [tilespmem:v62+s10+$0x0], $0xffff  }
0x473: {  	v22 =	vld.idx.msk [tilespmem:v2+s19+$0x0], $0xffff;
	v2 =	vor.u32 $0x10, v0  }
0x474: {  	v30 =	vld.idx.msk [tilespmem:v3+s19+$0x0], $0xffff;
	v3 =	vor.u32 $0x16, v0  }
0x475: {  	v26 =	vld.idx.msk [tilespmem:v6+s19+$0x0], $0xffff;
	v6 =	vor.u32 $0x13, v0  }
0x476: {  	v31 =	vld.idx.msk [tilespmem:v4+s19+$0x0], $0xffff;
	v4 =	vor.u32 $0x17, v0  }
0x477: {  	v8 =	vor.u32 $0x18, v0;
	v56 =	vld.idx.msk [tilespmem:v63+s10+$0x0], $0xffff  }
0x478: {  	v28 =	vld.idx.msk [tilespmem:v2+s19+$0x0], $0xffff;
	v2 =	vor.u32 $0x15, v0  }
0x479: {  	v37 =	vld.idx.msk [tilespmem:v3+s19+$0x0], $0xffff;
	v3 =	vor.u32 $0x1B, v0  }
0x47a: {  	v25 =	vor.u32 $0x1D, v0;
	v32 =	vld.idx.msk [tilespmem:v6+s19+$0x0], $0xffff  }
0x47b: {  	v40 =	vor.u32 $0xF, v33;
	v6 =	vld.idx.msk [tilespmem:v4+s19+$0x0], $0xffff  }
0x47c: {  	v21 =	vor.u32 $0x1, v33;
	v4 =	vld.idx.msk [tilespmem:v8+s19+$0x0], $0xffff  }
0x47d: {  	v35 =	vld.idx.msk [tilespmem:v2+s19+$0x0], $0xffff;
	v2 =	vor.u32 $0x1A, v0  }
0x47e: {  	v29 =	vor.u32 $0x1E, v0;
	v8 =	vld.idx.msk [tilespmem:v3+s19+$0x0], $0xffff  }
0x47f: {  	v3 =	vld.idx.msk [tilespmem:v25+s19+$0x0], $0xffff;
	v25 =	vor.u32 $0x2, v33  }
0x480: {  	v7 =	vor.u32 $0xA, v0;
	v57 =	vld.idx.msk [tilespmem:v40+s10+$0x0], $0xffff  }
0x481: {  	v41 =	vor.u32 $0x13, v33;
	v44 =	vld.idx.msk [tilespmem:v21+s10+$0x0], $0xffff  }
0x482: {  	v21 =	vor.u32 $0x6, v33;
	v9 =	vld.idx.msk [tilespmem:v2+s19+$0x0], $0xffff  }
0x483: {  	v2 =	vld.idx.msk [tilespmem:v29+s19+$0x0], $0xffff;
	v29 =	vor.u32 $0x3, v33  }
0x484: {  	v45 =	vld.idx.msk [tilespmem:v25+s10+$0x0], $0xffff;
	v25 =	vor.u32 $0x7, v33  }
0x485: {  	v20 =	vld.idx.msk [tilespmem:v7+s19+$0x0], $0xffff;
	v7 =	vor.u32 $0xF, v0  }
0x486: {  	v42 =	vor.u32 $0x14, v33;
	v61 =	vld.idx.msk [tilespmem:v41+s10+$0x0], $0xffff  }
0x487: {  	v48 =	vld.idx.msk [tilespmem:v21+s10+$0x0], $0xffff;
	v21 =	vor.u32 $0xB, v33  }
0x488: {  	v46 =	vld.idx.msk [tilespmem:v29+s10+$0x0], $0xffff;
	v29 =	vor.u32 $0x8, v33  }
0x489: {  	v49 =	vld.idx.msk [tilespmem:v25+s10+$0x0], $0xffff;
	v25 =	vor.u32 $0xC, v33  }
0x48a: {  	v27 =	vld.idx.msk [tilespmem:v7+s19+$0x0], $0xffff;
	v7 =	vor.u32 $0x14, v0  }
0x48b: {  	v38 =	vor.u32 $0x18, v33;
	v62 =	vld.idx.msk [tilespmem:v42+s10+$0x0], $0xffff  }
0x48c: {  	v53 =	vld.idx.msk [tilespmem:v21+s10+$0x0], $0xffff;
	v21 =	vor.u32 $0x10, v33  }
0x48d: {  	v50 =	vld.idx.msk [tilespmem:v29+s10+$0x0], $0xffff;
	v29 =	vor.u32 $0xD, v33  }
0x48e: {  	v54 =	vld.idx.msk [tilespmem:v25+s10+$0x0], $0xffff;
	v25 =	vor.u32 $0x11, v33  }
0x48f: {  	v34 =	vld.idx.msk [tilespmem:v7+s19+$0x0], $0xffff;
	v7 =	vor.u32 $0x19, v0;
	v0 =	vor.u32 $0x1F, v0  }
0x490: {  	v36 =	vor.u32 $0x19, v33;
	v40 =	vld.idx.msk [tilespmem:v38+s10+$0x0], $0xffff  }
0x491: {  	v58 =	vld.idx.msk [tilespmem:v21+s10+$0x0], $0xffff;
	v21 =	vor.u32 $0x15, v33  }
0x492: {  	v55 =	vld.idx.msk [tilespmem:v29+s10+$0x0], $0xffff;
	v29 =	vor.u32 $0x12, v33  }
0x493: {  	v59 =	vld.idx.msk [tilespmem:v25+s10+$0x0], $0xffff;
	v25 =	vor.u32 $0x16, v33  }
0x494: {  	v12 =	vld.idx.msk [tilespmem:v0+s19+$0x0], $0xffff;
	v0 =	vor.u32 $0x4, v33  }
0x495: {  	v39 =	vld.idx.msk [tilespmem:v36+s10+$0x0], $0xffff  }
0x496: {  	v63 =	vld.idx.msk [tilespmem:v21+s10+$0x0], $0xffff;
	v21 =	vor.u32 $0x1A, v33  }
0x497: {  	v60 =	vld.idx.msk [tilespmem:v29+s10+$0x0], $0xffff;
	v29 =	vor.u32 $0x17, v33  }
0x498: {  	v42 =	vld.idx.msk [tilespmem:v25+s10+$0x0], $0xffff;
	v25 =	vor.u32 $0x1B, v33  }
0x499: {  	v10 =	vld.idx.msk [tilespmem:v0+s10+$0x0], $0xffff;
	v0 =	vor.u32 $0x1E, v33  }
0x49a: {  	v7 =	vld.idx.msk [tilespmem:v7+s19+$0x0], $0xffff  }
0x49b: {  	v38 =	vld.idx.msk [tilespmem:v21+s10+$0x0], $0xffff;
	v21 =	vor.u32 $0x1F, v33  }
0x49c: {  	v41 =	vld.idx.msk [tilespmem:v29+s10+$0x0], $0xffff;
	v29 =	vor.u32 $0x1C, v33  }
0x49d: {  	v1 =	vor.u32 $0x1D, v33;
	v36 =	vld.idx.msk [tilespmem:v25+s10+$0x0], $0xffff  }
0x49e: {  	v25 =	vld.idx.msk [tilespmem:v0+s10+$0x0], $0xffff  }
0x49f: {  	v0 =	vld [tilespmem:$0x1FEE0]  }
0x4a0: {  	v21 =	vld.idx.msk [tilespmem:v21+s10+$0x0], $0xffff  }
0x4a1: {  	s26 =	simm.s32 $0x11E00;
	v33 =	vld.idx.msk [tilespmem:v29+s10+$0x0], $0xffff  }
0x4a2: {  	s30 =	simm.s32 $0x13E00;
	v29 =	vld.idx.msk [tilespmem:v1+s10+$0x0], $0xffff;
	[tilespmem:s26+$0xFFFFF800] =	vst v11  }
0x4a3: {  	[tilespmem:s30+$0xFFFFF800] =	vst v43  }
0x4a4: {  	[tilespmem:s26+$0xFFFFF880] =	vst v0;
	v0 =	vld [tilespmem:$0x1FEF0];
	_ =	sdelay $0x3  }
0x4a5: {  	[tilespmem:s30+$0xFFFFF880] =	vst v44  }
0x4a6: {  	[tilespmem:s26+$0xFFFFF900] =	vst v0  }
0x4a7: {  	[tilespmem:s30+$0xFFFFF900] =	vst v45  }
0x4a8: {  	[tilespmem:s26+$0xFFFFF980] =	vst v13  }
0x4a9: {  	[tilespmem:s30+$0xFFFFF980] =	vst v46  }
0x4aa: {  	[tilespmem:s26+$0xFFFFFA00] =	vst v14  }
0x4ab: {  	[tilespmem:s30+$0xFFFFFA00] =	vst v10  }
0x4ac: {  	[tilespmem:s26+$0xFFFFFA80] =	vst v15  }
0x4ad: {  	[tilespmem:s30+$0xFFFFFA80] =	vst v47  }
0x4ae: {  	[tilespmem:s26+$0xFFFFFB00] =	vst v16  }
0x4af: {  	[tilespmem:s30+$0xFFFFFB00] =	vst v48  }
0x4b0: {  	[tilespmem:s26+$0xFFFFFB80] =	vst v17  }
0x4b1: {  	[tilespmem:s30+$0xFFFFFB80] =	vst v49  }
0x4b2: {  	[tilespmem:s26+$0xFFFFFC00] =	vst v18  }
0x4b3: {  	[tilespmem:s30+$0xFFFFFC00] =	vst v50  }
0x4b4: {  	[tilespmem:s26+$0xFFFFFC80] =	vst v19  }
0x4b5: {  	[tilespmem:s30+$0xFFFFFC80] =	vst v51  }
0x4b6: {  	[tilespmem:s26+$0xFFFFFD00] =	vst v20  }
0x4b7: {  	[tilespmem:s30+$0xFFFFFD00] =	vst v52  }
0x4b8: {  	[tilespmem:s26+$0xFFFFFD80] =	vst v22  }
0x4b9: {  	[tilespmem:s30+$0xFFFFFD80] =	vst v53  }
0x4ba: {  	[tilespmem:s26+$0xFFFFFE00] =	vst v23  }
0x4bb: {  	[tilespmem:s30+$0xFFFFFE00] =	vst v54  }
0x4bc: {  	[tilespmem:s26+$0xFFFFFE80] =	vst v24  }
0x4bd: {  	[tilespmem:s30+$0xFFFFFE80] =	vst v55  }
0x4be: {  	[tilespmem:s26+$0xFFFFFF00] =	vst v26  }
0x4bf: {  	[tilespmem:s30+$0xFFFFFF00] =	vst v56  }
0x4c0: {  	[tilespmem:s26+$0xFFFFFF80] =	vst v27  }
0x4c1: {  	[tilespmem:s30+$0xFFFFFF80] =	vst v57  }
0x4c2: {  	[tilespmem:s26+$0x0] =	vst v28  }
0x4c3: {  	[tilespmem:s30+$0x0] =	vst v58  }
0x4c4: {  	[tilespmem:s26+$0x80] =	vst v30  }
0x4c5: {  	[tilespmem:s30+$0x80] =	vst v59  }
0x4c6: {  	[tilespmem:s26+$0x100] =	vst v31  }
0x4c7: {  	[tilespmem:s30+$0x100] =	vst v60  }
0x4c8: {  	[tilespmem:s26+$0x180] =	vst v32  }
0x4c9: {  	[tilespmem:s30+$0x180] =	vst v61  }
0x4ca: {  	[tilespmem:s26+$0x200] =	vst v34  }
0x4cb: {  	[tilespmem:s30+$0x200] =	vst v62  }
0x4cc: {  	[tilespmem:s26+$0x280] =	vst v35  }
0x4cd: {  	[tilespmem:s30+$0x280] =	vst v63  }
0x4ce: {  	s16 =	simm.s32 $0x10;
	[tilespmem:s26+$0x300] =	vst v37  }
.LBB2_11:
0x4cf: {  	[tilespmem:s30+$0x300] =	vst v42  }
0x4d0: {  	[tilespmem:s26+$0x380] =	vst v6  }
0x4d1: {  	[tilespmem:s30+$0x380] =	vst v41  }
0x4d2: {  	[tilespmem:s26+$0x400] =	vst v4  }
0x4d3: {  	[tilespmem:s30+$0x400] =	vst v40  }
0x4d4: {  	[tilespmem:s26+$0x480] =	vst v7  }
0x4d5: {  	[tilespmem:s30+$0x480] =	vst v39  }
0x4d6: {  	[tilespmem:s26+$0x500] =	vst v9  }
0x4d7: {  	[tilespmem:s30+$0x500] =	vst v38  }
0x4d8: {  	[tilespmem:s26+$0x580] =	vst v8  }
0x4d9: {  	[tilespmem:s30+$0x580] =	vst v36  }
0x4da: {  	[tilespmem:s26+$0x600] =	vst v5  }
0x4db: {  	[tilespmem:s30+$0x600] =	vst v33  }
0x4dc: {  	[tilespmem:s26+$0x680] =	vst v3  }
0x4dd: {  	[tilespmem:s30+$0x680] =	vst v29  }
0x4de: {  	[tilespmem:s26+$0x700] =	vst v2  }
0x4df: {  	[tilespmem:s30+$0x700] =	vst v25  }
0x4e0: {  	[tilespmem:s26+$0x780] =	vst v12  }
0x4e1: {  	s15 =	sadd.s32 $0x10, s15;
	[tilespmem:s30+$0x780] =	vst v21  }
0x4e2: {  	v1 =	vld [tilespmem:s15+$0x0]  }
0x4e3: {  	v3 =	vld [tilespmem:$0x1FFF0]  }
0x4e4: {  	s0 =	sadd.s32 $0x10, s0  }
0x4e5: {  	v0 =	vld [tilespmem:s0+$0x0]  }
0x4e6: {  	v2 =	vmov s16  }
0x4e7: {  	v2 =	vshll.u32 v2, $0x7;
	v1 =	vshll.u32 v1, $0x5  }
0x4e8: {  	v2 =	vor.u32 v3, v2;
	v1 =	vand.u32 $0x60, v1  }
0x4e9: {  	v1 =	vor.u32 v2, v1  }
0x4ea: {  	v0 =	vshll.u32 v0, $0x5;
	v3 =	vor.u32 $0x1, v1  }
0x4eb: {  	v0 =	vand.u32 $0x60, v0  }
0x4ec: {  	v0 =	vor.u32 v2, v0  }
0x4ed: {  	v4 =	vor.u32 $0x2, v1  }
0x4ee: {  	v5 =	vor.u32 $0x3, v1  }
0x4ef: {  	v35 =	vld.idx.msk [tilespmem:v3+s19+$0x0], $0xffff;
	v3 =	vor.u32 $0x6, v1  }
0x4f0: {  	v6 =	vor.u32 $0x4, v1;
	v37 =	vld.idx.msk [tilespmem:v1+s19+$0x0], $0xffff  }
0x4f1: {  	v7 =	vor.u32 $0x5, v1;
	v43 =	vld.idx.msk [tilespmem:v0+s10+$0x0], $0xffff  }
0x4f2: {  	v34 =	vld.idx.msk [tilespmem:v4+s19+$0x0], $0xffff;
	v4 =	vor.u32 $0x7, v1  }
0x4f3: {  	v29 =	vor.u32 $0x1E, v1;
	v32 =	vld.idx.msk [tilespmem:v5+s19+$0x0], $0xffff  }
0x4f4: {  	v28 =	vld.idx.msk [tilespmem:v3+s19+$0x0], $0xffff;
	v3 =	vor.u32 $0xB, v1  }
0x4f5: {  	v59 =	vor.u32 $0x4, v0;
	v31 =	vld.idx.msk [tilespmem:v6+s19+$0x0], $0xffff  }
0x4f6: {  	v60 =	vor.u32 $0x5, v0;
	v30 =	vld.idx.msk [tilespmem:v7+s19+$0x0], $0xffff  }
0x4f7: {  	v27 =	vld.idx.msk [tilespmem:v4+s19+$0x0], $0xffff;
	v4 =	vor.u32 $0xC, v1  }
0x4f8: {  	v61 =	vor.u32 $0x9, v0;
	v2 =	vld.idx.msk [tilespmem:v29+s19+$0x0], $0xffff  }
0x4f9: {  	v22 =	vld.idx.msk [tilespmem:v3+s19+$0x0], $0xffff;
	v3 =	vor.u32 $0x10, v1  }
0x4fa: {  	v62 =	vor.u32 $0xA, v0;
	v47 =	vld.idx.msk [tilespmem:v59+s10+$0x0], $0xffff  }
0x4fb: {  	v63 =	vor.u32 $0xE, v0;
	v48 =	vld.idx.msk [tilespmem:v60+s10+$0x0], $0xffff  }
0x4fc: {  	v20 =	vld.idx.msk [tilespmem:v4+s19+$0x0], $0xffff;
	v4 =	vor.u32 $0x11, v1  }
0x4fd: {  	v40 =	vor.u32 $0xF, v0;
	v52 =	vld.idx.msk [tilespmem:v61+s10+$0x0], $0xffff  }
0x4fe: {  	v16 =	vld.idx.msk [tilespmem:v3+s19+$0x0], $0xffff;
	v3 =	vor.u32 $0x15, v1  }
0x4ff: {  	v41 =	vor.u32 $0x13, v0;
	v53 =	vld.idx.msk [tilespmem:v62+s10+$0x0], $0xffff  }
0x500: {  	v42 =	vor.u32 $0x14, v0;
	v57 =	vld.idx.msk [tilespmem:v63+s10+$0x0], $0xffff  }
0x501: {  	v15 =	vld.idx.msk [tilespmem:v4+s19+$0x0], $0xffff;
	v4 =	vor.u32 $0x16, v1  }
0x502: {  	v33 =	vor.u32 $0x18, v0;
	v58 =	vld.idx.msk [tilespmem:v40+s10+$0x0], $0xffff  }
0x503: {  	v5 =	vor.u32 $0x8, v1;
	v3 =	vld.idx.msk [tilespmem:v3+s19+$0x0], $0xffff  }
0x504: {  	v6 =	vor.u32 $0x9, v1;
	v62 =	vld.idx.msk [tilespmem:v41+s10+$0x0], $0xffff  }
0x505: {  	v7 =	vor.u32 $0xA, v1;
	v63 =	vld.idx.msk [tilespmem:v42+s10+$0x0], $0xffff  }
0x506: {  	v8 =	vor.u32 $0x18, v1;
	v4 =	vld.idx.msk [tilespmem:v4+s19+$0x0], $0xffff  }
0x507: {  	v21 =	vor.u32 $0x1B, v1;
	v40 =	vld.idx.msk [tilespmem:v33+s10+$0x0], $0xffff  }
0x508: {  	v26 =	vld.idx.msk [tilespmem:v5+s19+$0x0], $0xffff;
	[tilespmem:$0x1FEC0] =	vst v3;
	v3 =	vor.u32 $0x1A, v1  }
0x509: {  	v25 =	vor.u32 $0x1D, v1;
	v24 =	vld.idx.msk [tilespmem:v6+s19+$0x0], $0xffff  }
0x50a: {  	v29 =	vor.u32 $0x3, v0;
	v23 =	vld.idx.msk [tilespmem:v7+s19+$0x0], $0xffff  }
0x50b: {  	v5 =	vor.u32 $0xD, v1;
	[tilespmem:$0x1FED0] =	vst v4;
	v4 =	vld.idx.msk [tilespmem:v8+s19+$0x0], $0xffff  }
0x50c: {  	v6 =	vor.u32 $0xE, v1;
	v8 =	vld.idx.msk [tilespmem:v21+s19+$0x0], $0xffff  }
0x50d: {  	v21 =	vor.u32 $0x1, v0;
	v9 =	vld.idx.msk [tilespmem:v3+s19+$0x0], $0xffff  }
0x50e: {  	v3 =	vld.idx.msk [tilespmem:v25+s19+$0x0], $0xffff;
	v25 =	vor.u32 $0x2, v0  }
0x50f: {  	v7 =	vor.u32 $0xF, v1;
	v46 =	vld.idx.msk [tilespmem:v29+s10+$0x0], $0xffff  }
0x510: {  	v29 =	vor.u32 $0x8, v0;
	v19 =	vld.idx.msk [tilespmem:v5+s19+$0x0], $0xffff  }
0x511: {  	v5 =	vor.u32 $0x12, v1;
	v18 =	vld.idx.msk [tilespmem:v6+s19+$0x0], $0xffff  }
0x512: {  	v44 =	vld.idx.msk [tilespmem:v21+s10+$0x0], $0xffff;
	v21 =	vor.u32 $0x6, v0  }
0x513: {  	v45 =	vld.idx.msk [tilespmem:v25+s10+$0x0], $0xffff;
	v25 =	vor.u32 $0x7, v0  }
0x514: {  	v6 =	vor.u32 $0x13, v1;
	v17 =	vld.idx.msk [tilespmem:v7+s19+$0x0], $0xffff  }
0x515: {  	v51 =	vld.idx.msk [tilespmem:v29+s10+$0x0], $0xffff;
	v29 =	vor.u32 $0xD, v0  }
0x516: {  	v7 =	vor.u32 $0x14, v1;
	v14 =	vld.idx.msk [tilespmem:v5+s19+$0x0], $0xffff  }
0x517: {  	v49 =	vld.idx.msk [tilespmem:v21+s10+$0x0], $0xffff;
	v21 =	vor.u32 $0xB, v0  }
0x518: {  	v50 =	vld.idx.msk [tilespmem:v25+s10+$0x0], $0xffff;
	v25 =	vor.u32 $0xC, v0  }
0x519: {  	v36 =	vor.u32 $0x19, v0;
	v13 =	vld.idx.msk [tilespmem:v6+s19+$0x0], $0xffff  }
0x51a: {  	v56 =	vld.idx.msk [tilespmem:v29+s10+$0x0], $0xffff;
	v29 =	vor.u32 $0x12, v0  }
0x51b: {  	v5 =	vor.u32 $0x17, v1;
	v6 =	vld.idx.msk [tilespmem:v7+s19+$0x0], $0xffff  }
0x51c: {  	v54 =	vld.idx.msk [tilespmem:v21+s10+$0x0], $0xffff;
	v21 =	vor.u32 $0x10, v0  }
0x51d: {  	v55 =	vld.idx.msk [tilespmem:v25+s10+$0x0], $0xffff;
	v25 =	vor.u32 $0x11, v0  }
0x51e: {  	v39 =	vld.idx.msk [tilespmem:v36+s10+$0x0], $0xffff;
	v7 =	vor.u32 $0x19, v1  }
0x51f: {  	v61 =	vld.idx.msk [tilespmem:v29+s10+$0x0], $0xffff;
	v29 =	vor.u32 $0x17, v0  }
0x520: {  	[tilespmem:$0x1FEB0] =	vst v6;
	v6 =	vld.idx.msk [tilespmem:v5+s19+$0x0], $0xffff;
	v5 =	vor.u32 $0x1C, v1;
	v1 =	vor.u32 $0x1F, v1  }
0x521: {  	v59 =	vld.idx.msk [tilespmem:v21+s10+$0x0], $0xffff;
	v21 =	vor.u32 $0x15, v0  }
0x522: {  	v60 =	vld.idx.msk [tilespmem:v25+s10+$0x0], $0xffff;
	v25 =	vor.u32 $0x16, v0  }
0x523: {  	v7 =	vld.idx.msk [tilespmem:v7+s19+$0x0], $0xffff  }
0x524: {  	v41 =	vld.idx.msk [tilespmem:v29+s10+$0x0], $0xffff;
	v29 =	vor.u32 $0x1C, v0  }
0x525: {  	v10 =	vor.u32 $0x1D, v0;
	v12 =	vld.idx.msk [tilespmem:v1+s19+$0x0], $0xffff  }
0x526: {  	v1 =	vld.idx.msk [tilespmem:v21+s10+$0x0], $0xffff;
	v21 =	vor.u32 $0x1A, v0  }
0x527: {  	v42 =	vld.idx.msk [tilespmem:v25+s10+$0x0], $0xffff;
	v25 =	vor.u32 $0x1B, v0  }
0x528: {  	v11 =	vor.u32 $0x1E, v0;
	v5 =	vld.idx.msk [tilespmem:v5+s19+$0x0], $0xffff  }
0x529: {  	v33 =	vld.idx.msk [tilespmem:v29+s10+$0x0], $0xffff;
	v0 =	vor.u32 $0x1F, v0  }
0x52a: {  	v29 =	vld.idx.msk [tilespmem:v10+s10+$0x0], $0xffff  }
0x52b: {  	v38 =	vld.idx.msk [tilespmem:v21+s10+$0x0], $0xffff  }
0x52c: {  	v36 =	vld.idx.msk [tilespmem:v25+s10+$0x0], $0xffff  }
0x52d: {  	s26 =	sadd.s32 $0x10, s26;
	v25 =	vld.idx.msk [tilespmem:v11+s10+$0x0], $0xffff  }
0x52e: {  	s30 =	sadd.s32 $0x10, s30;
	v21 =	vld.idx.msk [tilespmem:v0+s10+$0x0], $0xffff;
	[tilespmem:s26+$0xFFFFF800] =	vst v37  }
0x52f: {  	[tilespmem:s30+$0xFFFFF800] =	vst v43  }
0x530: {  	[tilespmem:s26+$0xFFFFF880] =	vst v35  }
0x531: {  	[tilespmem:s30+$0xFFFFF880] =	vst v44  }
0x532: {  	[tilespmem:s26+$0xFFFFF900] =	vst v34  }
0x533: {  	[tilespmem:s30+$0xFFFFF900] =	vst v45  }
0x534: {  	[tilespmem:s26+$0xFFFFF980] =	vst v32  }
0x535: {  	[tilespmem:s30+$0xFFFFF980] =	vst v46  }
0x536: {  	[tilespmem:s26+$0xFFFFFA00] =	vst v31  }
0x537: {  	[tilespmem:s30+$0xFFFFFA00] =	vst v47  }
0x538: {  	[tilespmem:s26+$0xFFFFFA80] =	vst v30  }
0x539: {  	[tilespmem:s30+$0xFFFFFA80] =	vst v48  }
0x53a: {  	[tilespmem:s26+$0xFFFFFB00] =	vst v28  }
0x53b: {  	[tilespmem:s30+$0xFFFFFB00] =	vst v49  }
0x53c: {  	[tilespmem:s26+$0xFFFFFB80] =	vst v27  }
0x53d: {  	[tilespmem:s30+$0xFFFFFB80] =	vst v50  }
0x53e: {  	[tilespmem:s26+$0xFFFFFC00] =	vst v26  }
0x53f: {  	[tilespmem:s30+$0xFFFFFC00] =	vst v51  }
0x540: {  	[tilespmem:s26+$0xFFFFFC80] =	vst v24  }
0x541: {  	[tilespmem:s30+$0xFFFFFC80] =	vst v52  }
0x542: {  	[tilespmem:s26+$0xFFFFFD00] =	vst v23  }
0x543: {  	[tilespmem:s30+$0xFFFFFD00] =	vst v53  }
0x544: {  	[tilespmem:s26+$0xFFFFFD80] =	vst v22  }
0x545: {  	[tilespmem:s30+$0xFFFFFD80] =	vst v54  }
0x546: {  	[tilespmem:s26+$0xFFFFFE00] =	vst v20  }
0x547: {  	[tilespmem:s30+$0xFFFFFE00] =	vst v55  }
0x548: {  	[tilespmem:s26+$0xFFFFFE80] =	vst v19  }
0x549: {  	[tilespmem:s30+$0xFFFFFE80] =	vst v56  }
0x54a: {  	[tilespmem:s26+$0xFFFFFF00] =	vst v18  }
0x54b: {  	[tilespmem:s30+$0xFFFFFF00] =	vst v57  }
0x54c: {  	[tilespmem:s26+$0xFFFFFF80] =	vst v17  }
0x54d: {  	[tilespmem:s30+$0xFFFFFF80] =	vst v58  }
0x54e: {  	[tilespmem:s26+$0x0] =	vst v16  }
0x54f: {  	[tilespmem:s30+$0x0] =	vst v59  }
0x550: {  	[tilespmem:s26+$0x80] =	vst v15  }
0x551: {  	v0 =	vld [tilespmem:$0x1FEB0];
	[tilespmem:s30+$0x80] =	vst v60  }
0x552: {  	[tilespmem:s26+$0x100] =	vst v14  }
0x553: {  	[tilespmem:s30+$0x100] =	vst v61  }
0x554: {  	[tilespmem:s26+$0x180] =	vst v13  }
0x555: {  	[tilespmem:s30+$0x180] =	vst v62  }
0x556: {  	[tilespmem:s26+$0x200] =	vst v0;
	v0 =	vld [tilespmem:$0x1FEC0];
	_ =	sdelay $0x3  }
0x557: {  	[tilespmem:s30+$0x200] =	vst v63  }
0x558: {  	p0 =	sne.s32 s16, $0x70;
	[tilespmem:s26+$0x280] =	vst v0;
	v0 =	vld [tilespmem:$0x1FED0]  }
.Ltmp4:
0x559: {  	_ = 	snop;
	(pc) =	sbr.rel @p0 .LBB2_11-.Ltmp4, $3  }
0x55a: {  	_ =	sdelay $0x1  }
0x55b: {  	[tilespmem:s30+$0x280] =	vst v1  }
0x55c: {  	s16 =	sadd.s32 $0x10, s16;
	[tilespmem:s26+$0x300] =	vst v0  }
0x55d: {  	[tilespmem:s30+$0x300] =	vst v42  }
0x55e: {  	[tilespmem:s26+$0x380] =	vst v6  }
0x55f: {  	[tilespmem:s30+$0x380] =	vst v41  }
0x560: {  	[tilespmem:s26+$0x400] =	vst v4  }
0x561: {  	[tilespmem:s30+$0x400] =	vst v40  }
0x562: {  	[tilespmem:s26+$0x480] =	vst v7  }
0x563: {  	[tilespmem:s30+$0x480] =	vst v39  }
0x564: {  	[tilespmem:s26+$0x500] =	vst v9  }
0x565: {  	[tilespmem:s30+$0x500] =	vst v38  }
0x566: {  	[tilespmem:s26+$0x580] =	vst v8  }
0x567: {  	[tilespmem:s30+$0x580] =	vst v36  }
0x568: {  	[tilespmem:s26+$0x600] =	vst v5  }
0x569: {  	[tilespmem:s30+$0x600] =	vst v33  }
0x56a: {  	[tilespmem:s26+$0x680] =	vst v3  }
0x56b: {  	[tilespmem:s30+$0x680] =	vst v29  }
0x56c: {  	s0 =	rddreg [dreg:$0xb];
	s14 =	sadd.s32 $0x1, s14;
	[tilespmem:s26+$0x700] =	vst v2  }
0x56d: {  	s0 =	sor.u32 s0, s13;
	p0 =	sne.s32 s14, $0x32;
	[tilespmem:s30+$0x700] =	vst v25  }
.Ltmp5:
0x56e: {  	s0 =	sshrl.u32 s0, $0x3;
	[tilespmem:s26+$0x780] =	vst v12;
	(pc) =	sbr.rel @p0 .LBB2_2-.Ltmp5, $4  }
0x56f: {  	s15 =	simm.s32 $0x11600;
	[tilespmem:s30+$0x780] =	vst v21;
	s30 =	sadd.s32 s1, s0;
	s0 =	sor.u32 $0x10000, s0  }
0x570: {  	[hbm4b:s30+s24] =	stream.strided.scatter [tilespmem:s15], [sflag:$0x6], $0x1000, s18, s24, $0x38;
	[tilespmem:$0x14600] =	vst v63  }
0x571: {  	s31 =	simm.s32 $0x13600;
	s0 =	sadd.s32 s1, s0  }
0x572: {  	v10 =	vld [tilespmem:$0x1FFF0];
	[hbm4b:s0+s24] =	stream.strided.scatter [tilespmem:s31], [sflag:$0x8], $0x1000, s18, s24, $0x38  }
0x573: {  	_ =	swait.ge [sflag:s2], $0x1000  }
0x574: {  	[sflag:s2] =	ssyncset.done $0x0  }
0x575: {  	[sflag:s2] =	ssyncadd.s32 $0xFFFFF000  }
0x576: {  	_ =	swait.ge [sflag:s9], $0x1000  }
0x577: {  	[sflag:s9] =	ssyncset.done $0x0  }
0x578: {  	[sflag:s9] =	ssyncadd.s32 $0xFFFFF000  }
0x579: {  	_ =	swait.ge [sflag:s21], $0x1000  }
0x57a: {  	[sflag:s21] =	ssyncset.done $0x0  }
0x57b: {  	[sflag:s21] =	ssyncadd.s32 $0xFFFFF000  }
0x57c: {  	_ =	swait.ge [sflag:s29], $0x1000  }
0x57d: {  	s13 =	rddreg [dreg:$0xd]  }
0x57e: {  	s0 =	rddreg [dreg:$0xc];
	s13 =	sadd.s32 $0x1, s13  }
0x57f: {  	p0 =	sne.s32 s13, s0  }
.Ltmp6:
0x580: {  	_ = 	snop;
	(pc) =	sbr.rel @p0 .LBB2_1-.Ltmp6, $3  }
0x581: {  	_ =	sdelay $0x1  }
0x582: {  	[sflag:s29] =	ssyncset.done $0x0  }
0x583: {  	[sflag:s29] =	ssyncadd.s32 $0xFFFFF000  }
0x584: {  	_ =	sfence.sel $0x180000  }
0x585: {  	[bflag:$0x0] =	sbarrier.arrive $0xFFFF  }
0x586: {  	_ =	strace $0x90000047  }
0x587: {  	s0 =	stileid.u32;
	[bflag:$0x2] =	sbarrier.arrive $0xFFFF  }
0x588: {  	p0 =	sne.s32 s0, $0x0;
	s0 =	rddreg [dreg:$0x2]  }
0x589: {  	s0 =	sadd.s32 @!p0 $0x100000, s0  }
0x58a: {  	[sflag:s0] =	ssyncadd.tile.s32 @!p0 $0x1;
	_ =	shalt  }
.Lfunc_end2:
_tile_overlayer_lowered:
.L_overlay_start_2:
0x58b: {  	(tag) =	ssettag $0x2  }
0x58c: {  	s0 =	rddreg [dreg:$0x0];
	s2 =	stileid.u32  }
0x58d: {  	s1 =	rddreg [dreg:$0x1];
	p0 =	sne.s32 s2, $0x0  }
0x58e: {  	s3 =	rddreg [dreg:$0x2];
	[bflag:$0x3] =	sbarrier.arrive $0xFFFF;
	s2 =	simm.s32 @!p0 $0x1C11  }
0x58f: {  	[timem:s3], [sflag:s2] =	dma.local @!p0 [hbm:s0], s1  }
0x590: {  	s0 =	simm.s32 @!p0 $0x11  }
0x591: {  	_ =	swait.ge @!p0 [sflag:s0], s1  }
0x592: {  	s1 =	ssub.s32 @!p0 $0x0, s1;
	[sflag:s0] =	ssyncset.done @!p0 $0x0  }
0x593: {  	[sflag:s0] =	ssyncadd.s32 @!p0 s1  }
0x594: {  	[bflag:$0x3] =	sbarrier.arrive $0xFFFF  }
0x595: {  	_ =	shalt  }

</sc_bundles>
